<compile_context>
chip_gen: v7x
topology: tpu7x:2x2x1
jax: 0.10.2.dev20260603
libtpu: 0.0.44.dev20260713+nightly
codegen_flags: <defaults>
</compile_context>

<pallas_src>
import functools

import jax
import jax.numpy as jnp
from jax import lax
from jax.experimental import pallas as pl
from jax.experimental.pallas import tpu as pltpu
from jax.experimental.pallas import tpu_sc as plsc

NN = 10000
NP = 10240
EE = 320000
NC = 2
NS = 16
CH = 128
KROW = 8
TILE_E = 20480
EP = TILE_E * NS
ROWS_PER_TILE = NP // NS
NB = 8
LEAD = 4
CPT = TILE_E // CH

_mesh = plsc.VectorSubcoreMesh(core_axis_name="c", subcore_axis_name="s")
_sc_params = pltpu.CompilerParams(use_tc_tiling_on_sc=False)
if "needs_layout_passes" in pltpu.CompilerParams.__dataclass_fields__:
    import dataclasses as _dc
    _sc_params_nl = _dc.replace(_sc_params, needs_layout_passes=False)
else:
    _sc_params_nl = _sc_params


def _degree_kernel(idx3, zrow):

    @functools.partial(
        pl.kernel,
        mesh=_mesh,
        out_type=jax.ShapeDtypeStruct((NC, NS, NP), jnp.float32),
        compiler_params=_sc_params_nl,
        scratch_types=[
            pltpu.VMEM((CPT, CH), jnp.int32),
            pltpu.VMEM((NP,), jnp.float32),
        ],
    )
    def deg(idx_hbm, zrow_hbm, out_hbm, bidx, cnt):
        cid = lax.axis_index("c")
        sid = lax.axis_index("s")
        pltpu.sync_copy(idx_hbm.at[cid].at[pl.ds(sid * CPT, CPT)], bidx)
        pltpu.sync_copy(zrow_hbm, cnt)
        ones_v = jnp.full((16,), 1.0, jnp.float32)

        @pl.loop(0, CPT)
        def _(c):
            for k in range(CH // 16):
                iv = bidx[c, pl.ds(k * 16, 16)]
                plsc.addupdate_scatter(cnt, [iv], ones_v)

        pltpu.sync_copy(cnt, out_hbm.at[cid, sid])

    return deg(idx3, zrow)


def _ring_loop(table_sh, sidx, didx, rows, acc, gsem, ssem, cpt):
    for b in range(LEAD):
        pltpu.async_copy(table_sh.at[sidx.at[b]], rows.at[b], gsem[b])

    @pl.loop(0, cpt // NB)
    def _(i):
        c0 = i * NB
        for j in range(NB):
            c = c0 + j
            b4 = (j + LEAD) % NB

            @pl.when(c + LEAD < cpt)
            def _issue():
                @pl.when(c >= NB - LEAD)
                def _drain():
                    pltpu.make_async_copy(
                        rows.at[b4], acc.at[didx.at[0]], ssem[b4]).wait()

                pltpu.async_copy(
                    table_sh.at[sidx.at[c + LEAD]], rows.at[b4], gsem[b4])

            pltpu.make_async_copy(
                table_sh.at[sidx.at[0]], rows.at[j], gsem[j]).wait()
            pltpu.async_copy(
                rows.at[j], acc.at[didx.at[c]], ssem[j], add=True)

    for b in range(NB):
        pltpu.make_async_copy(
            rows.at[b], acc.at[didx.at[0]], ssem[b]).wait()


def _propagate(table2, idx3, zeros, F2):

    @functools.partial(
        pl.kernel,
        mesh=_mesh,
        out_type=jax.ShapeDtypeStruct((NC, NP, 128), jnp.float32),
        compiler_params=_sc_params,
        scratch_types=[
            pltpu.VMEM((CPT, CH), jnp.int32),
            pltpu.VMEM((CPT, CH), jnp.int32),
            pltpu.VMEM((NB, CH, F2), jnp.float32),
            pltpu.VMEM_SHARED((NP, F2), jnp.float32),
            pltpu.VMEM_SHARED((NP, F2), jnp.float32),
        ] + [pltpu.SemaphoreType.DMA] * (2 * NB),
    )
    def prop(table_hbm, idx_hbm, zeros_hbm, out_hbm,
             sidx, didx, rows, acc, table_sh, *sems):
        cid = lax.axis_index("c")
        sid = lax.axis_index("s")
        sl = pl.ds(sid * ROWS_PER_TILE, ROWS_PER_TILE)
        row0 = sid * CPT
        pltpu.sync_copy(idx_hbm.at[0].at[pl.ds(row0, CPT)], sidx)
        pltpu.sync_copy(idx_hbm.at[1].at[pl.ds(row0, CPT)], didx)
        pltpu.sync_copy(zeros_hbm.at[sl], acc.at[sl])
        pltpu.sync_copy(table_hbm.at[cid].at[sl, pl.ds(0, F2)], table_sh.at[sl])
        plsc.subcore_barrier()
        _ring_loop(table_sh, sidx, didx, rows, acc,
                   sems[:NB], sems[NB:], CPT)
        plsc.subcore_barrier()
        pltpu.sync_copy(acc.at[sl], out_hbm.at[cid].at[sl, pl.ds(0, F2)])

    return prop(table2, idx3, zeros)


CPT_E = EP // (CH * NC * NS)


def _propagate_edge(table1, idx3, zeros):

    @functools.partial(
        pl.kernel,
        mesh=_mesh,
        out_type=jax.ShapeDtypeStruct((NC, NP, 128), jnp.float32),
        compiler_params=_sc_params,
        scratch_types=[
            pltpu.VMEM((CPT_E, CH), jnp.int32),
            pltpu.VMEM((CPT_E, CH), jnp.int32),
            pltpu.VMEM((NB, CH, 32), jnp.float32),
            pltpu.VMEM_SHARED((NP, 32), jnp.float32),
            pltpu.VMEM_SHARED((NP, 32), jnp.float32),
        ] + [pltpu.SemaphoreType.DMA] * (2 * NB),
    )
    def prop(table_hbm, idx_hbm, zeros_hbm, out_hbm,
             sidx, didx, rows, acc, table_sh, *sems):
        cid = lax.axis_index("c")
        sid = lax.axis_index("s")
        wid = sid * NC + cid
        sl = pl.ds(sid * ROWS_PER_TILE, ROWS_PER_TILE)
        row0 = wid * CPT_E
        pltpu.sync_copy(idx_hbm.at[0].at[pl.ds(row0, CPT_E)], sidx)
        pltpu.sync_copy(idx_hbm.at[1].at[pl.ds(row0, CPT_E)], didx)
        pltpu.sync_copy(zeros_hbm.at[sl], acc.at[sl])
        pltpu.sync_copy(table_hbm.at[sl, pl.ds(0, 32)], table_sh.at[sl])
        plsc.subcore_barrier()
        _ring_loop(table_sh, sidx, didx, rows, acc,
                   sems[:NB], sems[NB:], CPT_E)
        plsc.subcore_barrier()
        pltpu.sync_copy(acc.at[sl], out_hbm.at[cid].at[sl, pl.ds(0, 32)])

    return prop(table1, idx3, zeros)


def _matmul_xw(feats, w_enc):
    def body(x_ref, w_ref, xw_ref):
        xw_ref[...] = jnp.dot(x_ref[...], w_ref[...],
                              preferred_element_type=jnp.float32)

    return pl.pallas_call(
        body,
        grid=(NR,),
        in_specs=[
            pl.BlockSpec((BR, 128), lambda i: (i, 0)),
            pl.BlockSpec((128, 64), lambda i: (0, 0)),
        ],
        out_specs=pl.BlockSpec((BR, 64), lambda i: (i, 0)),
        out_shape=jax.ShapeDtypeStruct((NP, 64), jnp.float32),
    )(feats, w_enc)


NR = 2
BR = NP // NR


def _stage_a(degs, xw):
    def body(degs_ref, xw_ref, oisq_ref, iisq_ref, y1_ref):
        ones16 = jnp.ones((NS, 1), jnp.float32)
        dn = (((0,), (0,)), ((), ()))
        dout = lax.dot_general(degs_ref[0], ones16, dn,
                               preferred_element_type=jnp.float32)
        din = lax.dot_general(degs_ref[1], ones16, dn,
                              preferred_element_type=jnp.float32)
        oisq = lax.rsqrt(jnp.maximum(dout, 1.0))
        iisq = lax.rsqrt(jnp.maximum(din, 1.0))
        oisq_ref[...] = oisq
        iisq_ref[...] = iisq
        y1 = xw_ref[...] * oisq
        y1_ref[0, :, 0:32] = y1[:, :32]
        y1_ref[1, :, 0:32] = y1[:, 32:]

    return pl.pallas_call(
        body,
        grid=(NR,),
        in_specs=[
            pl.BlockSpec((2, NS, BR), lambda i: (0, 0, i)),
            pl.BlockSpec((BR, 64), lambda i: (i, 0)),
        ],
        out_specs=(
            pl.BlockSpec((BR, 1), lambda i: (i, 0)),
            pl.BlockSpec((BR, 1), lambda i: (i, 0)),
            pl.BlockSpec((2, BR, 128), lambda i: (0, i, 0)),
        ),
        out_shape=(
            jax.ShapeDtypeStruct((NP, 1), jnp.float32),
            jax.ShapeDtypeStruct((NP, 1), jnp.float32),
            jax.ShapeDtypeStruct((2, NP, 128), jnp.float32),
        ),
    )(degs, xw)


def _stage_b(parts, iisq, oisq, b_enc, w_emb):
    def body(p_ref, ii_ref, oi_ref, b_ref, w_ref, y2_ref):
        agg = jnp.concatenate([p_ref[0, :, 0:32], p_ref[1, :, 0:32]], axis=1)
        h = jnp.maximum(agg * ii_ref[...] + b_ref[...], 0.0)
        y2 = jnp.dot(h * oi_ref[...], w_ref[...],
                     preferred_element_type=jnp.float32)
        y2_ref[:, 0:32] = y2

    return pl.pallas_call(
        body,
        grid=(NR,),
        in_specs=[
            pl.BlockSpec((2, BR, 128), lambda i: (0, i, 0)),
            pl.BlockSpec((BR, 1), lambda i: (i, 0)),
            pl.BlockSpec((BR, 1), lambda i: (i, 0)),
            pl.BlockSpec((1, 64), lambda i: (0, 0)),
            pl.BlockSpec((64, 32), lambda i: (0, 0)),
        ],
        out_specs=pl.BlockSpec((BR, 128), lambda i: (i, 0)),
        out_shape=jax.ShapeDtypeStruct((NP, 128), jnp.float32),
    )(parts, iisq, oisq, b_enc, w_emb)


def _stage_c(parts, iisq, oisq, b_emb):
    def body(p_ref, ii_ref, oi_ref, b_ref, z_ref, y3_ref):
        agg = p_ref[0, :, 0:32] + p_ref[1, :, 0:32]
        z = agg * ii_ref[...] + b_ref[...]
        z_ref[...] = z
        y3_ref[:, 0:32] = z * oi_ref[...]

    return pl.pallas_call(
        body,
        grid=(NR,),
        in_specs=[
            pl.BlockSpec((2, BR, 128), lambda i: (0, i, 0)),
            pl.BlockSpec((BR, 1), lambda i: (i, 0)),
            pl.BlockSpec((BR, 1), lambda i: (i, 0)),
            pl.BlockSpec((1, 32), lambda i: (0, 0)),
        ],
        out_specs=(
            pl.BlockSpec((BR, 32), lambda i: (i, 0)),
            pl.BlockSpec((BR, 128), lambda i: (i, 0)),
        ),
        out_shape=(
            jax.ShapeDtypeStruct((NP, 32), jnp.float32),
            jax.ShapeDtypeStruct((NP, 128), jnp.float32),
        ),
    )(parts, iisq, oisq, b_emb)


def _stage_d(parts, iisq, b_dec, w_dec):
    def body(p_ref, ii_ref, b_ref, w_ref, rec_ref):
        agg = (p_ref[0, :, 0:32] + p_ref[1, :, 0:32]) * ii_ref[...]
        rec_ref[...] = jnp.dot(agg, w_ref[...],
                               preferred_element_type=jnp.float32) + b_ref[...]

    return pl.pallas_call(
        body,
        grid=(NR,),
        in_specs=[
            pl.BlockSpec((2, BR, 128), lambda i: (0, i, 0)),
            pl.BlockSpec((BR, 1), lambda i: (i, 0)),
            pl.BlockSpec((1, 128), lambda i: (0, 0)),
            pl.BlockSpec((32, 128), lambda i: (0, 0)),
        ],
        out_specs=pl.BlockSpec((BR, 128), lambda i: (i, 0)),
        out_shape=jax.ShapeDtypeStruct((NP, 128), jnp.float32),
    )(parts, iisq, b_dec, w_dec)


def kernel(features, edge_index, W_enc, b_enc, W_emb, b_emb, W_dec, b_dec):
    idx3 = jnp.pad(edge_index.reshape(2, EE // CH, CH),
                   ((0, 0), (0, (EP - EE) // CH), (0, 0)),
                   constant_values=NN)

    feats = jnp.pad(features, ((0, NP - NN), (0, 0)))
    zrow = jnp.zeros((NP,), jnp.float32)
    zeros32 = jnp.zeros((NP, 32), jnp.float32)

    xw = _matmul_xw(feats, W_enc)
    degs = _degree_kernel(idx3, zrow)
    oisq, iisq, y1 = _stage_a(degs, xw)
    agg1 = _propagate(y1, idx3, zeros32, 32)
    y2 = _stage_b(agg1, iisq, oisq, b_enc.reshape(1, -1), W_emb)
    agg2 = _propagate_edge(y2, idx3, zeros32)
    z_full, y3 = _stage_c(agg2, iisq, oisq, b_emb.reshape(1, -1))
    agg3 = _propagate_edge(y3, idx3, zeros32)
    recon_full = _stage_d(agg3, iisq, b_dec.reshape(1, -1), W_dec)

    return (z_full[:NN], recon_full[:NN])

# --- scband reference (transcript-rebuilt; emitter-appended) ---
"""Pipeline reference for scband-graph-autoencoder-69097433858683 (READ-ONLY COPY).

The authoritative reference and input builder live on the scoring server;
editing this copy changes nothing except your own understanding.
"""

import jax, jax.numpy as jnp
import numpy as np

N = 10000
E = 320000
IN_FEATS = 128
HIDDEN = 64
EMBED = 32


def setup_inputs(seed: int = 0) -> dict:
    key = jax.random.key(seed)
    ks = jax.random.split(key, 8)
    features = jax.random.normal(ks[0], (N, IN_FEATS), dtype=jnp.float32)
    edge_index = jax.random.randint(ks[1], (2, E), 0, N, dtype=jnp.int32)
    W_enc = jax.random.normal(ks[2], (IN_FEATS, HIDDEN), dtype=jnp.float32) * (1.0 / np.sqrt(IN_FEATS))
    b_enc = jnp.zeros((HIDDEN,), dtype=jnp.float32)
    W_emb = jax.random.normal(ks[3], (HIDDEN, EMBED), dtype=jnp.float32) * (1.0 / np.sqrt(HIDDEN))
    b_emb = jnp.zeros((EMBED,), dtype=jnp.float32)
    W_dec = jax.random.normal(ks[4], (EMBED, IN_FEATS), dtype=jnp.float32) * (1.0 / np.sqrt(EMBED))
    b_dec = jnp.zeros((IN_FEATS,), dtype=jnp.float32)
    return {
        "features": features,
        "edge_index": edge_index,
        "W_enc": W_enc, "b_enc": b_enc,
        "W_emb": W_emb, "b_emb": b_emb,
        "W_dec": W_dec, "b_dec": b_dec,
    }


def reference(features, edge_index, W_enc, b_enc, W_emb, b_emb, W_dec, b_dec):
    # DGL GraphConv with norm='both', allow_zero_in_degree=True:
    #   h = D_in^{-1/2} * A^T * (D_out^{-1/2} * X) @ W + b
    # degrees clamped to min 1 (DGL behavior).
    src = edge_index[0]
    dst = edge_index[1]
    deg_out = jnp.clip(jnp.bincount(src, length=N).astype(jnp.float32), 1.0, None)
    deg_in = jnp.clip(jnp.bincount(dst, length=N).astype(jnp.float32), 1.0, None)
    out_isqrt = deg_out ** -0.5
    in_isqrt = deg_in ** -0.5

    def gcn(x, W, b):
        xs = x * out_isqrt[:, None]
        msg = xs[src]
        agg = jax.ops.segment_sum(msg, dst, num_segments=N)
        h = agg * in_isqrt[:, None]
        return h @ W + b

    h = jax.nn.relu(gcn(features, W_enc, b_enc))
    z = gcn(h, W_emb, b_emb)
    recon = gcn(z, W_dec, b_dec)
    return (z, recon)

if __name__ == "__main__":
    import jax
    _d = setup_inputs()
    print(jax.jit(kernel)(*tuple(_d.values())))

</pallas_src>

<mosaic_0001>
#map = affine_map<(d0, d1) -> (0, 0, 0)>
#map1 = affine_map<(d0, d1) -> (0)>
module attributes {stable_mosaic.version = 14 : i64} {
  func.func @deg(%arg0: i32, %arg1: i32, %arg2: memref<2x2560x128xi32, #tpu.memory_space<hbm>>, %arg3: memref<10240xf32, #tpu.memory_space<hbm>>, %arg4: memref<2x16x10240xf32, #tpu.memory_space<hbm>>, %arg5: memref<160x128xi32, #tpu.memory_space<vmem>>, %arg6: memref<10240xf32, #tpu.memory_space<vmem>>) attributes {dimension_semantics = [#tpu.dimension_semantics<core_parallel>, #tpu.dimension_semantics<subcore_parallel>], iteration_bounds = array<i64: 2, 16>, scalar_prefetch = 0 : i64, scratch_operands = 2 : i64, tpu.core_type = #tpu.core_type<sc_vector_subcore>, window_params = [{transform_indices = #map}, {transform_indices = #map1}, {transform_indices = #map}]} {
    %mul3A = arith.constant 160 : i32
    %mul3A_0 = arith.muli %arg1, %mul3A : i32
    "tpu.region"() ({
      %run_scoped3A = tpu.sem_alloc : memref<!tpu.dma_semaphore, #tpu.memory_space<semaphore_mem>>
      %dma_start3A = arith.constant 0 : i32
      %dma_start3A_6 = arith.constant 0 : i32
      %dma_start3A_7 = tpu.memref_slice %arg2[%arg0, %dma_start3A, %dma_start3A_6] : memref<2x2560x128xi32, #tpu.memory_space<hbm>> -> memref<1x2560x128xi32, #tpu.memory_space<hbm>>
      %dma_start3A_8 = tpu.memref_squeeze %dma_start3A_7 : memref<1x2560x128xi32, #tpu.memory_space<hbm>> -> memref<2560x128xi32, #tpu.memory_space<hbm>>
      %dma_start3A_9 = arith.constant 0 : i32
      %dma_start3A_10 = tpu.memref_slice %dma_start3A_8[%mul3A_0, %dma_start3A_9] : memref<2560x128xi32, #tpu.memory_space<hbm>> -> memref<160x128xi32, #tpu.memory_space<hbm>>
      %dma_start3A_11 = arith.constant 0 : i32
      %dma_start3A_12 = arith.constant 0 : i32
      %dma_start3A_13 = tpu.memref_slice %arg2[%arg0, %dma_start3A_11, %dma_start3A_12] : memref<2x2560x128xi32, #tpu.memory_space<hbm>> -> memref<1x2560x128xi32, #tpu.memory_space<hbm>>
      %dma_start3A_14 = tpu.memref_squeeze %dma_start3A_13 : memref<1x2560x128xi32, #tpu.memory_space<hbm>> -> memref<2560x128xi32, #tpu.memory_space<hbm>>
      %dma_start3A_15 = arith.constant 0 : i32
      %dma_start3A_16 = tpu.memref_slice %dma_start3A_14[%mul3A_0, %dma_start3A_15] : memref<2560x128xi32, #tpu.memory_space<hbm>> -> memref<160x128xi32, #tpu.memory_space<hbm>>
      tpu.enqueue_dma source(%dma_start3A_16 : memref<160x128xi32, #tpu.memory_space<hbm>>) target(%arg5 : memref<160x128xi32, #tpu.memory_space<vmem>>) target_semaphore(%run_scoped3A : memref<!tpu.dma_semaphore, #tpu.memory_space<semaphore_mem>>)
      %dma_wait3A = arith.constant 0 : i32
      %dma_wait3A_17 = arith.constant 0 : i32
      %dma_wait3A_18 = tpu.memref_slice %arg2[%arg0, %dma_wait3A, %dma_wait3A_17] : memref<2x2560x128xi32, #tpu.memory_space<hbm>> -> memref<1x2560x128xi32, #tpu.memory_space<hbm>>
      %dma_wait3A_19 = tpu.memref_squeeze %dma_wait3A_18 : memref<1x2560x128xi32, #tpu.memory_space<hbm>> -> memref<2560x128xi32, #tpu.memory_space<hbm>>
      %dma_wait3A_20 = arith.constant 0 : i32
      %dma_wait3A_21 = tpu.memref_slice %dma_wait3A_19[%mul3A_0, %dma_wait3A_20] : memref<2560x128xi32, #tpu.memory_space<hbm>> -> memref<160x128xi32, #tpu.memory_space<hbm>>
      %dma_wait3A_22 = arith.constant 0 : i32
      %dma_wait3A_23 = arith.constant 0 : i32
      %dma_wait3A_24 = tpu.memref_slice %arg2[%arg0, %dma_wait3A_22, %dma_wait3A_23] : memref<2x2560x128xi32, #tpu.memory_space<hbm>> -> memref<1x2560x128xi32, #tpu.memory_space<hbm>>
      %dma_wait3A_25 = tpu.memref_squeeze %dma_wait3A_24 : memref<1x2560x128xi32, #tpu.memory_space<hbm>> -> memref<2560x128xi32, #tpu.memory_space<hbm>>
      %dma_wait3A_26 = arith.constant 0 : i32
      %dma_wait3A_27 = tpu.memref_slice %dma_wait3A_25[%mul3A_0, %dma_wait3A_26] : memref<2560x128xi32, #tpu.memory_space<hbm>> -> memref<160x128xi32, #tpu.memory_space<hbm>>
      tpu.wait_dma2 semaphore(%run_scoped3A : memref<!tpu.dma_semaphore, #tpu.memory_space<semaphore_mem>>) src(%dma_wait3A_27 : memref<160x128xi32, #tpu.memory_space<hbm>>) dst(%arg5 : memref<160x128xi32, #tpu.memory_space<vmem>>)
      tpu.yield
    }) : () -> ()
    "tpu.region"() ({
      %run_scoped3A = tpu.sem_alloc : memref<!tpu.dma_semaphore, #tpu.memory_space<semaphore_mem>>
      tpu.enqueue_dma source(%arg3 : memref<10240xf32, #tpu.memory_space<hbm>>) target(%arg6 : memref<10240xf32, #tpu.memory_space<vmem>>) target_semaphore(%run_scoped3A : memref<!tpu.dma_semaphore, #tpu.memory_space<semaphore_mem>>)
      tpu.wait_dma2 semaphore(%run_scoped3A : memref<!tpu.dma_semaphore, #tpu.memory_space<semaphore_mem>>) src(%arg3 : memref<10240xf32, #tpu.memory_space<hbm>>) dst(%arg6 : memref<10240xf32, #tpu.memory_space<vmem>>)
      tpu.yield
    }) : () -> ()
    %broadcast_in_dim3A = arith.constant 1.000000e+00 : f32
    %broadcast_in_dim3A_1 = vector.broadcast %broadcast_in_dim3A : f32 to vector<16xf32>
    %scan3A = arith.constant 0 : i32
    %scan3A_2 = arith.constant 160 : i32
    %scan3A_3 = arith.addi %scan3A, %scan3A_2 : i32
    %scan3A_4 = arith.constant 1 : i32
    scf.for %scan3A_6 = %scan3A to %scan3A_3 step %scan3A_4  : i32 {
      %mul3A_7 = arith.constant 1 : i32
      %mul3A_8 = arith.muli %scan3A_6, %mul3A_7 : i32
      %add3A = arith.constant 0 : i32
      %add3A_9 = arith.addi %add3A, %mul3A_8 : i32
      %get3A = arith.index_cast %add3A_9 : i32 to index
      %get3A_10 = arith.constant 0 : index
      %get3A_11 = tpu.vector_load %arg5[%get3A, %get3A_10] {strides = array<i32>} : memref<160x128xi32, #tpu.memory_space<vmem>>, vector<16xi32>,
      tpu.vector_store_idx %arg6[%get3A_11], %broadcast_in_dim3A_1 {add = true} : memref<10240xf32, #tpu.memory_space<vmem>>[vector<16xi32>], vector<16xf32>,
      %get3A_12 = arith.index_cast %add3A_9 : i32 to index
      %get3A_13 = arith.constant 16 : index
      %get3A_14 = tpu.vector_load %arg5[%get3A_12, %get3A_13] {strides = array<i32>} : memref<160x128xi32, #tpu.memory_space<vmem>>, vector<16xi32>,
      tpu.vector_store_idx %arg6[%get3A_14], %broadcast_in_dim3A_1 {add = true} : memref<10240xf32, #tpu.memory_space<vmem>>[vector<16xi32>], vector<16xf32>,
      %get3A_15 = arith.index_cast %add3A_9 : i32 to index
      %get3A_16 = arith.constant 32 : index
      %get3A_17 = tpu.vector_load %arg5[%get3A_15, %get3A_16] {strides = array<i32>} : memref<160x128xi32, #tpu.memory_space<vmem>>, vector<16xi32>,
      tpu.vector_store_idx %arg6[%get3A_17], %broadcast_in_dim3A_1 {add = true} : memref<10240xf32, #tpu.memory_space<vmem>>[vector<16xi32>], vector<16xf32>,
      %get3A_18 = arith.index_cast %add3A_9 : i32 to index
      %get3A_19 = arith.constant 48 : index
      %get3A_20 = tpu.vector_load %arg5[%get3A_18, %get3A_19] {strides = array<i32>} : memref<160x128xi32, #tpu.memory_space<vmem>>, vector<16xi32>,
      tpu.vector_store_idx %arg6[%get3A_20], %broadcast_in_dim3A_1 {add = true} : memref<10240xf32, #tpu.memory_space<vmem>>[vector<16xi32>], vector<16xf32>,
      %get3A_21 = arith.index_cast %add3A_9 : i32 to index
      %get3A_22 = arith.constant 64 : index
      %get3A_23 = tpu.vector_load %arg5[%get3A_21, %get3A_22] {strides = array<i32>} : memref<160x128xi32, #tpu.memory_space<vmem>>, vector<16xi32>,
      tpu.vector_store_idx %arg6[%get3A_23], %broadcast_in_dim3A_1 {add = true} : memref<10240xf32, #tpu.memory_space<vmem>>[vector<16xi32>], vector<16xf32>,
      %get3A_24 = arith.index_cast %add3A_9 : i32 to index
      %get3A_25 = arith.constant 80 : index
      %get3A_26 = tpu.vector_load %arg5[%get3A_24, %get3A_25] {strides = array<i32>} : memref<160x128xi32, #tpu.memory_space<vmem>>, vector<16xi32>,
      tpu.vector_store_idx %arg6[%get3A_26], %broadcast_in_dim3A_1 {add = true} : memref<10240xf32, #tpu.memory_space<vmem>>[vector<16xi32>], vector<16xf32>,
      %get3A_27 = arith.index_cast %add3A_9 : i32 to index
      %get3A_28 = arith.constant 96 : index
      %get3A_29 = tpu.vector_load %arg5[%get3A_27, %get3A_28] {strides = array<i32>} : memref<160x128xi32, #tpu.memory_space<vmem>>, vector<16xi32>,
      tpu.vector_store_idx %arg6[%get3A_29], %broadcast_in_dim3A_1 {add = true} : memref<10240xf32, #tpu.memory_space<vmem>>[vector<16xi32>], vector<16xf32>,
      %get3A_30 = arith.index_cast %add3A_9 : i32 to index
      %get3A_31 = arith.constant 112 : index
      %get3A_32 = tpu.vector_load %arg5[%get3A_30, %get3A_31] {strides = array<i32>} : memref<160x128xi32, #tpu.memory_space<vmem>>, vector<16xi32>,
      tpu.vector_store_idx %arg6[%get3A_32], %broadcast_in_dim3A_1 {add = true} : memref<10240xf32, #tpu.memory_space<vmem>>[vector<16xi32>], vector<16xf32>,
    }
    %scan3A_5 = arith.constant 160 : i32
    "tpu.region"() ({
      %run_scoped3A = tpu.sem_alloc : memref<!tpu.dma_semaphore, #tpu.memory_space<semaphore_mem>>
      %dma_start3A = arith.constant 0 : i32
      %dma_start3A_6 = tpu.memref_slice %arg4[%arg0, %arg1, %dma_start3A] : memref<2x16x10240xf32, #tpu.memory_space<hbm>> -> memref<1x1x10240xf32, #tpu.memory_space<hbm>>
      %dma_start3A_7 = tpu.memref_squeeze %dma_start3A_6 : memref<1x1x10240xf32, #tpu.memory_space<hbm>> -> memref<10240xf32, #tpu.memory_space<hbm>>
      %dma_start3A_8 = arith.constant 0 : i32
      %dma_start3A_9 = tpu.memref_slice %arg4[%arg0, %arg1, %dma_start3A_8] : memref<2x16x10240xf32, #tpu.memory_space<hbm>> -> memref<1x1x10240xf32, #tpu.memory_space<hbm>>
      %dma_start3A_10 = tpu.memref_squeeze %dma_start3A_9 : memref<1x1x10240xf32, #tpu.memory_space<hbm>> -> memref<10240xf32, #tpu.memory_space<hbm>>
      tpu.enqueue_dma source(%arg6 : memref<10240xf32, #tpu.memory_space<vmem>>) target(%dma_start3A_10 : memref<10240xf32, #tpu.memory_space<hbm>>) target_semaphore(%run_scoped3A : memref<!tpu.dma_semaphore, #tpu.memory_space<semaphore_mem>>)
      %dma_wait3A = arith.constant 0 : i32
      %dma_wait3A_11 = tpu.memref_slice %arg4[%arg0, %arg1, %dma_wait3A] : memref<2x16x10240xf32, #tpu.memory_space<hbm>> -> memref<1x1x10240xf32, #tpu.memory_space<hbm>>
      %dma_wait3A_12 = tpu.memref_squeeze %dma_wait3A_11 : memref<1x1x10240xf32, #tpu.memory_space<hbm>> -> memref<10240xf32, #tpu.memory_space<hbm>>
      %dma_wait3A_13 = arith.constant 0 : i32
      %dma_wait3A_14 = tpu.memref_slice %arg4[%arg0, %arg1, %dma_wait3A_13] : memref<2x16x10240xf32, #tpu.memory_space<hbm>> -> memref<1x1x10240xf32, #tpu.memory_space<hbm>>
      %dma_wait3A_15 = tpu.memref_squeeze %dma_wait3A_14 : memref<1x1x10240xf32, #tpu.memory_space<hbm>> -> memref<10240xf32, #tpu.memory_space<hbm>>
      tpu.wait_dma2 semaphore(%run_scoped3A : memref<!tpu.dma_semaphore, #tpu.memory_space<semaphore_mem>>) src(%arg6 : memref<10240xf32, #tpu.memory_space<vmem>>) dst(%dma_wait3A_15 : memref<10240xf32, #tpu.memory_space<hbm>>)
      tpu.yield
    }) : () -> ()
    return
  }
}

#map = affine_map<(d0, d1) -> (0, 0)>
#map1 = affine_map<(d0, d1) -> (0, 0, 0)>
module attributes {stable_mosaic.version = 14 : i64} {
  func.func @prop(%arg0: i32, %arg1: i32, %arg2: memref<10240x128xf32, #tpu.memory_space<hbm>>, %arg3: memref<2x2560x128xi32, #tpu.memory_space<hbm>>, %arg4: memref<10240x32xf32, #tpu.memory_space<hbm>>, %arg5: memref<2x10240x128xf32, #tpu.memory_space<hbm>>, %arg6: memref<80x128xi32, #tpu.memory_space<vmem>>, %arg7: memref<80x128xi32, #tpu.memory_space<vmem>>, %arg8: memref<8x128x32xf32, #tpu.memory_space<vmem>>, %arg9: memref<10240x32xf32, #tpu.memory_space<vmem_shared>>, %arg10: memref<10240x32xf32, #tpu.memory_space<vmem_shared>>, %arg11: memref<!tpu.dma_semaphore, #tpu.memory_space<semaphore_mem>>, %arg12: memref<!tpu.dma_semaphore, #tpu.memory_space<semaphore_mem>>, %arg13: memref<!tpu.dma_semaphore, #tpu.memory_space<semaphore_mem>>, %arg14: memref<!tpu.dma_semaphore, #tpu.memory_space<semaphore_mem>>, %arg15: memref<!tpu.dma_semaphore, #tpu.memory_space<semaphore_mem>>, %arg16: memref<!tpu.dma_semaphore, #tpu.memory_space<semaphore_mem>>, %arg17: memref<!tpu.dma_semaphore, #tpu.memory_space<semaphore_mem>>, %arg18: memref<!tpu.dma_semaphore, #tpu.memory_space<semaphore_mem>>, %arg19: memref<!tpu.dma_semaphore, #tpu.memory_space<semaphore_mem>>, %arg20: memref<!tpu.dma_semaphore, #tpu.memory_space<semaphore_mem>>, %arg21: memref<!tpu.dma_semaphore, #tpu.memory_space<semaphore_mem>>, %arg22: memref<!tpu.dma_semaphore, #tpu.memory_space<semaphore_mem>>, %arg23: memref<!tpu.dma_semaphore, #tpu.memory_space<semaphore_mem>>, %arg24: memref<!tpu.dma_semaphore, #tpu.memory_space<semaphore_mem>>, %arg25: memref<!tpu.dma_semaphore, #tpu.memory_space<semaphore_mem>>, %arg26: memref<!tpu.dma_semaphore, #tpu.memory_space<semaphore_mem>>) attributes {dimension_semantics = [#tpu.dimension_semantics<core_parallel>, #tpu.dimension_semantics<subcore_parallel>], iteration_bounds = array<i64: 2, 16>, scalar_prefetch = 0 : i64, scratch_operands = 21 : i64, tpu.core_type = #tpu.core_type<sc_vector_subcore>, window_params = [{transform_indices = #map}, {transform_indices = #map1}, {transform_indices = #map}, {transform_indices = #map1}]} {
    %mul3A = arith.constant 2 : i32
    %mul3A_0 = arith.muli %arg1, %mul3A : i32
    %add3A = arith.addi %mul3A_0, %arg0 : i32
    %mul3A_1 = arith.constant 640 : i32
    %mul3A_2 = arith.muli %arg1, %mul3A_1 : i32
    %mul3A_3 = arith.constant 80 : i32
    %mul3A_4 = arith.muli %add3A, %mul3A_3 : i32
    %run_scoped3A = arith.constant 0 : i32
    "tpu.region"() ({
      %run_scoped3A_153 = tpu.sem_alloc : memref<!tpu.dma_semaphore, #tpu.memory_space<semaphore_mem>>
      %dma_start3A_154 = arith.constant 0 : i32
      %dma_start3A_155 = arith.constant 0 : i32
      %dma_start3A_156 = tpu.memref_slice %arg3[%run_scoped3A, %dma_start3A_154, %dma_start3A_155] : memref<2x2560x128xi32, #tpu.memory_space<hbm>> -> memref<1x2560x128xi32, #tpu.memory_space<hbm>>
      %dma_start3A_157 = tpu.memref_squeeze %dma_start3A_156 : memref<1x2560x128xi32, #tpu.memory_space<hbm>> -> memref<2560x128xi32, #tpu.memory_space<hbm>>
      %dma_start3A_158 = arith.constant 0 : i32
      %dma_start3A_159 = tpu.memref_slice %dma_start3A_157[%mul3A_4, %dma_start3A_158] : memref<2560x128xi32, #tpu.memory_space<hbm>> -> memref<80x128xi32, #tpu.memory_space<hbm>>
      %dma_start3A_160 = arith.constant 0 : i32
      %dma_start3A_161 = arith.constant 0 : i32
      %dma_start3A_162 = tpu.memref_slice %arg3[%run_scoped3A, %dma_start3A_160, %dma_start3A_161] : memref<2x2560x128xi32, #tpu.memory_space<hbm>> -> memref<1x2560x128xi32, #tpu.memory_space<hbm>>
      %dma_start3A_163 = tpu.memref_squeeze %dma_start3A_162 : memref<1x2560x128xi32, #tpu.memory_space<hbm>> -> memref<2560x128xi32, #tpu.memory_space<hbm>>
      %dma_start3A_164 = arith.constant 0 : i32
      %dma_start3A_165 = tpu.memref_slice %dma_start3A_163[%mul3A_4, %dma_start3A_164] : memref<2560x128xi32, #tpu.memory_space<hbm>> -> memref<80x128xi32, #tpu.memory_space<hbm>>
      tpu.enqueue_dma source(%dma_start3A_165 : memref<80x128xi32, #tpu.memory_space<hbm>>) target(%arg6 : memref<80x128xi32, #tpu.memory_space<vmem>>) target_semaphore(%run_scoped3A_153 : memref<!tpu.dma_semaphore, #tpu.memory_space<semaphore_mem>>)
      %dma_wait3A_166 = arith.constant 0 : i32
      %dma_wait3A_167 = arith.constant 0 : i32
      %dma_wait3A_168 = tpu.memref_slice %arg3[%run_scoped3A, %dma_wait3A_166, %dma_wait3A_167] : memref<2x2560x128xi32, #tpu.memory_space<hbm>> -> memref<1x2560x128xi32, #tpu.memory_space<hbm>>
      %dma_wait3A_169 = tpu.memref_squeeze %dma_wait3A_168 : memref<1x2560x128xi32, #tpu.memory_space<hbm>> -> memref<2560x128xi32, #tpu.memory_space<hbm>>
      %dma_wait3A_170 = arith.constant 0 : i32
      %dma_wait3A_171 = tpu.memref_slice %dma_wait3A_169[%mul3A_4, %dma_wait3A_170] : memref<2560x128xi32, #tpu.memory_space<hbm>> -> memref<80x128xi32, #tpu.memory_space<hbm>>
      %dma_wait3A_172 = arith.constant 0 : i32
      %dma_wait3A_173 = arith.constant 0 : i32
      %dma_wait3A_174 = tpu.memref_slice %arg3[%run_scoped3A, %dma_wait3A_172, %dma_wait3A_173] : memref<2x2560x128xi32, #tpu.memory_space<hbm>> -> memref<1x2560x128xi32, #tpu.memory_space<hbm>>
      %dma_wait3A_175 = tpu.memref_squeeze %dma_wait3A_174 : memref<1x2560x128xi32, #tpu.memory_space<hbm>> -> memref<2560x128xi32, #tpu.memory_space<hbm>>
      %dma_wait3A_176 = arith.constant 0 : i32
      %dma_wait3A_177 = tpu.memref_slice %dma_wait3A_175[%mul3A_4, %dma_wait3A_176] : memref<2560x128xi32, #tpu.memory_space<hbm>> -> memref<80x128xi32, #tpu.memory_space<hbm>>
      tpu.wait_dma2 semaphore(%run_scoped3A_153 : memref<!tpu.dma_semaphore, #tpu.memory_space<semaphore_mem>>) src(%dma_wait3A_177 : memref<80x128xi32, #tpu.memory_space<hbm>>) dst(%arg6 : memref<80x128xi32, #tpu.memory_space<vmem>>)
      tpu.yield
    }) : () -> ()
    %run_scoped3A_5 = arith.constant 1 : i32
    "tpu.region"() ({
      %run_scoped3A_153 = tpu.sem_alloc : memref<!tpu.dma_semaphore, #tpu.memory_space<semaphore_mem>>
      %dma_start3A_154 = arith.constant 0 : i32
      %dma_start3A_155 = arith.constant 0 : i32
      %dma_start3A_156 = tpu.memref_slice %arg3[%run_scoped3A_5, %dma_start3A_154, %dma_start3A_155] : memref<2x2560x128xi32, #tpu.memory_space<hbm>> -> memref<1x2560x128xi32, #tpu.memory_space<hbm>>
      %dma_start3A_157 = tpu.memref_squeeze %dma_start3A_156 : memref<1x2560x128xi32, #tpu.memory_space<hbm>> -> memref<2560x128xi32, #tpu.memory_space<hbm>>
      %dma_start3A_158 = arith.constant 0 : i32
      %dma_start3A_159 = tpu.memref_slice %dma_start3A_157[%mul3A_4, %dma_start3A_158] : memref<2560x128xi32, #tpu.memory_space<hbm>> -> memref<80x128xi32, #tpu.memory_space<hbm>>
      %dma_start3A_160 = arith.constant 0 : i32
      %dma_start3A_161 = arith.constant 0 : i32
      %dma_start3A_162 = tpu.memref_slice %arg3[%run_scoped3A_5, %dma_start3A_160, %dma_start3A_161] : memref<2x2560x128xi32, #tpu.memory_space<hbm>> -> memref<1x2560x128xi32, #tpu.memory_space<hbm>>
      %dma_start3A_163 = tpu.memref_squeeze %dma_start3A_162 : memref<1x2560x128xi32, #tpu.memory_space<hbm>> -> memref<2560x128xi32, #tpu.memory_space<hbm>>
      %dma_start3A_164 = arith.constant 0 : i32
      %dma_start3A_165 = tpu.memref_slice %dma_start3A_163[%mul3A_4, %dma_start3A_164] : memref<2560x128xi32, #tpu.memory_space<hbm>> -> memref<80x128xi32, #tpu.memory_space<hbm>>
      tpu.enqueue_dma source(%dma_start3A_165 : memref<80x128xi32, #tpu.memory_space<hbm>>) target(%arg7 : memref<80x128xi32, #tpu.memory_space<vmem>>) target_semaphore(%run_scoped3A_153 : memref<!tpu.dma_semaphore, #tpu.memory_space<semaphore_mem>>)
      %dma_wait3A_166 = arith.constant 0 : i32
      %dma_wait3A_167 = arith.constant 0 : i32
      %dma_wait3A_168 = tpu.memref_slice %arg3[%run_scoped3A_5, %dma_wait3A_166, %dma_wait3A_167] : memref<2x2560x128xi32, #tpu.memory_space<hbm>> -> memref<1x2560x128xi32, #tpu.memory_space<hbm>>
      %dma_wait3A_169 = tpu.memref_squeeze %dma_wait3A_168 : memref<1x2560x128xi32, #tpu.memory_space<hbm>> -> memref<2560x128xi32, #tpu.memory_space<hbm>>
      %dma_wait3A_170 = arith.constant 0 : i32
      %dma_wait3A_171 = tpu.memref_slice %dma_wait3A_169[%mul3A_4, %dma_wait3A_170] : memref<2560x128xi32, #tpu.memory_space<hbm>> -> memref<80x128xi32, #tpu.memory_space<hbm>>
      %dma_wait3A_172 = arith.constant 0 : i32
      %dma_wait3A_173 = arith.constant 0 : i32
      %dma_wait3A_174 = tpu.memref_slice %arg3[%run_scoped3A_5, %dma_wait3A_172, %dma_wait3A_173] : memref<2x2560x128xi32, #tpu.memory_space<hbm>> -> memref<1x2560x128xi32, #tpu.memory_space<hbm>>
      %dma_wait3A_175 = tpu.memref_squeeze %dma_wait3A_174 : memref<1x2560x128xi32, #tpu.memory_space<hbm>> -> memref<2560x128xi32, #tpu.memory_space<hbm>>
      %dma_wait3A_176 = arith.constant 0 : i32
      %dma_wait3A_177 = tpu.memref_slice %dma_wait3A_175[%mul3A_4, %dma_wait3A_176] : memref<2560x128xi32, #tpu.memory_space<hbm>> -> memref<80x128xi32, #tpu.memory_space<hbm>>
      tpu.wait_dma2 semaphore(%run_scoped3A_153 : memref<!tpu.dma_semaphore, #tpu.memory_space<semaphore_mem>>) src(%dma_wait3A_177 : memref<80x128xi32, #tpu.memory_space<hbm>>) dst(%arg7 : memref<80x128xi32, #tpu.memory_space<vmem>>)
      tpu.yield
    }) : () -> ()
    "tpu.region"() ({
      %run_scoped3A_153 = tpu.sem_alloc : memref<!tpu.dma_semaphore, #tpu.memory_space<semaphore_mem>>
      %dma_start3A_154 = arith.constant 0 : i32
      %dma_start3A_155 = tpu.memref_slice %arg9[%mul3A_2, %dma_start3A_154] : memref<10240x32xf32, #tpu.memory_space<vmem_shared>> -> memref<640x32xf32, #tpu.memory_space<vmem_shared>>
      %dma_start3A_156 = arith.constant 0 : i32
      %dma_start3A_157 = tpu.memref_slice %arg4[%mul3A_2, %dma_start3A_156] : memref<10240x32xf32, #tpu.memory_space<hbm>> -> memref<640x32xf32, #tpu.memory_space<hbm>>
      tpu.enqueue_dma source(%dma_start3A_157 : memref<640x32xf32, #tpu.memory_space<hbm>>) target(%dma_start3A_155 : memref<640x32xf32, #tpu.memory_space<vmem_shared>>) target_semaphore(%run_scoped3A_153 : memref<!tpu.dma_semaphore, #tpu.memory_space<semaphore_mem>>)
      %dma_wait3A_158 = arith.constant 0 : i32
      %dma_wait3A_159 = tpu.memref_slice %arg9[%mul3A_2, %dma_wait3A_158] : memref<10240x32xf32, #tpu.memory_space<vmem_shared>> -> memref<640x32xf32, #tpu.memory_space<vmem_shared>>
      %dma_wait3A_160 = arith.constant 0 : i32
      %dma_wait3A_161 = tpu.memref_slice %arg4[%mul3A_2, %dma_wait3A_160] : memref<10240x32xf32, #tpu.memory_space<hbm>> -> memref<640x32xf32, #tpu.memory_space<hbm>>
      tpu.wait_dma2 semaphore(%run_scoped3A_153 : memref<!tpu.dma_semaphore, #tpu.memory_space<semaphore_mem>>) src(%dma_wait3A_161 : memref<640x32xf32, #tpu.memory_space<hbm>>) dst(%dma_wait3A_159 : memref<640x32xf32, #tpu.memory_space<vmem_shared>>)
      tpu.yield
    }) : () -> ()
    "tpu.region"() ({
      %run_scoped3A_153 = tpu.sem_alloc : memref<!tpu.dma_semaphore, #tpu.memory_space<semaphore_mem>>
      %dma_start3A_154 = arith.constant 0 : i32
      %dma_start3A_155 = tpu.memref_slice %arg10[%mul3A_2, %dma_start3A_154] : memref<10240x32xf32, #tpu.memory_space<vmem_shared>> -> memref<640x32xf32, #tpu.memory_space<vmem_shared>>
      %dma_start3A_156 = arith.constant 0 : i32
      %dma_start3A_157 = tpu.memref_slice %arg2[%mul3A_2, %dma_start3A_156] : memref<10240x128xf32, #tpu.memory_space<hbm>> -> memref<640x32xf32, #tpu.memory_space<hbm>>
      tpu.enqueue_dma source(%dma_start3A_157 : memref<640x32xf32, #tpu.memory_space<hbm>>) target(%dma_start3A_155 : memref<640x32xf32, #tpu.memory_space<vmem_shared>>) target_semaphore(%run_scoped3A_153 : memref<!tpu.dma_semaphore, #tpu.memory_space<semaphore_mem>>)
      %dma_wait3A_158 = arith.constant 0 : i32
      %dma_wait3A_159 = tpu.memref_slice %arg10[%mul3A_2, %dma_wait3A_158] : memref<10240x32xf32, #tpu.memory_space<vmem_shared>> -> memref<640x32xf32, #tpu.memory_space<vmem_shared>>
      %dma_wait3A_160 = arith.constant 0 : i32
      %dma_wait3A_161 = tpu.memref_slice %arg2[%mul3A_2, %dma_wait3A_160] : memref<10240x128xf32, #tpu.memory_space<hbm>> -> memref<640x32xf32, #tpu.memory_space<hbm>>
      tpu.wait_dma2 semaphore(%run_scoped3A_153 : memref<!tpu.dma_semaphore, #tpu.memory_space<semaphore_mem>>) src(%dma_wait3A_161 : memref<640x32xf32, #tpu.memory_space<hbm>>) dst(%dma_wait3A_159 : memref<640x32xf32, #tpu.memory_space<vmem_shared>>)
      tpu.yield
    }) : () -> ()
    %barrier3A = arith.constant 0 : index
    tpu.barrier barrier_id(%barrier3A)
    %dma_start3A = arith.constant 0 : i32
    %dma_start3A_6 = arith.constant 0 : i32
    %dma_start3A_7 = arith.constant 0 : i32
    %dma_start3A_8 = arith.constant 0 : i32
    %dma_start3A_9 = tpu.memref_slice %arg8[%dma_start3A_6, %dma_start3A_7, %dma_start3A_8] : memref<8x128x32xf32, #tpu.memory_space<vmem>> -> memref<1x128x32xf32, #tpu.memory_space<vmem>>
    %dma_start3A_10 = tpu.memref_squeeze %dma_start3A_9 : memref<1x128x32xf32, #tpu.memory_space<vmem>> -> memref<128x32xf32, #tpu.memory_space<vmem>>
    %dma_start3A_11 = arith.constant 0 : i32
    %dma_start3A_12 = tpu.memref_slice %arg6[%dma_start3A, %dma_start3A_11] : memref<80x128xi32, #tpu.memory_space<vmem>> -> memref<1x128xi32, #tpu.memory_space<vmem>>
    %dma_start3A_13 = tpu.memref_squeeze %dma_start3A_12 : memref<1x128xi32, #tpu.memory_space<vmem>> -> memref<128xi32, #tpu.memory_space<vmem>>
    %dma_start3A_14 = arith.constant 0 : i32
    %dma_start3A_15 = arith.constant 0 : i32
    %dma_start3A_16 = tpu.memref_slice %arg10[%dma_start3A_14, %dma_start3A_15] : memref<10240x32xf32, #tpu.memory_space<vmem_shared>> -> memref<10240x32xf32, #tpu.memory_space<vmem_shared>>
    tpu.enqueue_indirect_dma source(%dma_start3A_16 : memref<10240x32xf32, #tpu.memory_space<vmem_shared>>) target(%dma_start3A_10 : memref<128x32xf32, #tpu.memory_space<vmem>>) offsets(%dma_start3A_13 : memref<128xi32, #tpu.memory_space<vmem>>) semaphore(%arg11 : memref<!tpu.dma_semaphore, #tpu.memory_space<semaphore_mem>>)
    %dma_start3A_17 = arith.constant 1 : i32
    %dma_start3A_18 = arith.constant 1 : i32
    %dma_start3A_19 = arith.constant 0 : i32
    %dma_start3A_20 = arith.constant 0 : i32
    %dma_start3A_21 = tpu.memref_slice %arg8[%dma_start3A_18, %dma_start3A_19, %dma_start3A_20] : memref<8x128x32xf32, #tpu.memory_space<vmem>> -> memref<1x128x32xf32, #tpu.memory_space<vmem>>
    %dma_start3A_22 = tpu.memref_squeeze %dma_start3A_21 : memref<1x128x32xf32, #tpu.memory_space<vmem>> -> memref<128x32xf32, #tpu.memory_space<vmem>>
    %dma_start3A_23 = arith.constant 0 : i32
    %dma_start3A_24 = tpu.memref_slice %arg6[%dma_start3A_17, %dma_start3A_23] : memref<80x128xi32, #tpu.memory_space<vmem>> -> memref<1x128xi32, #tpu.memory_space<vmem>>
    %dma_start3A_25 = tpu.memref_squeeze %dma_start3A_24 : memref<1x128xi32, #tpu.memory_space<vmem>> -> memref<128xi32, #tpu.memory_space<vmem>>
    %dma_start3A_26 = arith.constant 0 : i32
    %dma_start3A_27 = arith.constant 0 : i32
    %dma_start3A_28 = tpu.memref_slice %arg10[%dma_start3A_26, %dma_start3A_27] : memref<10240x32xf32, #tpu.memory_space<vmem_shared>> -> memref<10240x32xf32, #tpu.memory_space<vmem_shared>>
    tpu.enqueue_indirect_dma source(%dma_start3A_28 : memref<10240x32xf32, #tpu.memory_space<vmem_shared>>) target(%dma_start3A_22 : memref<128x32xf32, #tpu.memory_space<vmem>>) offsets(%dma_start3A_25 : memref<128xi32, #tpu.memory_space<vmem>>) semaphore(%arg12 : memref<!tpu.dma_semaphore, #tpu.memory_space<semaphore_mem>>)
    %dma_start3A_29 = arith.constant 2 : i32
    %dma_start3A_30 = arith.constant 2 : i32
    %dma_start3A_31 = arith.constant 0 : i32
    %dma_start3A_32 = arith.constant 0 : i32
    %dma_start3A_33 = tpu.memref_slice %arg8[%dma_start3A_30, %dma_start3A_31, %dma_start3A_32] : memref<8x128x32xf32, #tpu.memory_space<vmem>> -> memref<1x128x32xf32, #tpu.memory_space<vmem>>
    %dma_start3A_34 = tpu.memref_squeeze %dma_start3A_33 : memref<1x128x32xf32, #tpu.memory_space<vmem>> -> memref<128x32xf32, #tpu.memory_space<vmem>>
    %dma_start3A_35 = arith.constant 0 : i32
    %dma_start3A_36 = tpu.memref_slice %arg6[%dma_start3A_29, %dma_start3A_35] : memref<80x128xi32, #tpu.memory_space<vmem>> -> memref<1x128xi32, #tpu.memory_space<vmem>>
    %dma_start3A_37 = tpu.memref_squeeze %dma_start3A_36 : memref<1x128xi32, #tpu.memory_space<vmem>> -> memref<128xi32, #tpu.memory_space<vmem>>
    %dma_start3A_38 = arith.constant 0 : i32
    %dma_start3A_39 = arith.constant 0 : i32
    %dma_start3A_40 = tpu.memref_slice %arg10[%dma_start3A_38, %dma_start3A_39] : memref<10240x32xf32, #tpu.memory_space<vmem_shared>> -> memref<10240x32xf32, #tpu.memory_space<vmem_shared>>
    tpu.enqueue_indirect_dma source(%dma_start3A_40 : memref<10240x32xf32, #tpu.memory_space<vmem_shared>>) target(%dma_start3A_34 : memref<128x32xf32, #tpu.memory_space<vmem>>) offsets(%dma_start3A_37 : memref<128xi32, #tpu.memory_space<vmem>>) semaphore(%arg13 : memref<!tpu.dma_semaphore, #tpu.memory_space<semaphore_mem>>)
    %dma_start3A_41 = arith.constant 3 : i32
    %dma_start3A_42 = arith.constant 3 : i32
    %dma_start3A_43 = arith.constant 0 : i32
    %dma_start3A_44 = arith.constant 0 : i32
    %dma_start3A_45 = tpu.memref_slice %arg8[%dma_start3A_42, %dma_start3A_43, %dma_start3A_44] : memref<8x128x32xf32, #tpu.memory_space<vmem>> -> memref<1x128x32xf32, #tpu.memory_space<vmem>>
    %dma_start3A_46 = tpu.memref_squeeze %dma_start3A_45 : memref<1x128x32xf32, #tpu.memory_space<vmem>> -> memref<128x32xf32, #tpu.memory_space<vmem>>
    %dma_start3A_47 = arith.constant 0 : i32
    %dma_start3A_48 = tpu.memref_slice %arg6[%dma_start3A_41, %dma_start3A_47] : memref<80x128xi32, #tpu.memory_space<vmem>> -> memref<1x128xi32, #tpu.memory_space<vmem>>
    %dma_start3A_49 = tpu.memref_squeeze %dma_start3A_48 : memref<1x128xi32, #tpu.memory_space<vmem>> -> memref<128xi32, #tpu.memory_space<vmem>>
    %dma_start3A_50 = arith.constant 0 : i32
    %dma_start3A_51 = arith.constant 0 : i32
    %dma_start3A_52 = tpu.memref_slice %arg10[%dma_start3A_50, %dma_start3A_51] : memref<10240x32xf32, #tpu.memory_space<vmem_shared>> -> memref<10240x32xf32, #tpu.memory_space<vmem_shared>>
    tpu.enqueue_indirect_dma source(%dma_start3A_52 : memref<10240x32xf32, #tpu.memory_space<vmem_shared>>) target(%dma_start3A_46 : memref<128x32xf32, #tpu.memory_space<vmem>>) offsets(%dma_start3A_49 : memref<128xi32, #tpu.memory_space<vmem>>) semaphore(%arg14 : memref<!tpu.dma_semaphore, #tpu.memory_space<semaphore_mem>>)
    %scan3A = arith.constant 0 : i32
    %scan3A_53 = arith.constant 10 : i32
    %scan3A_54 = arith.addi %scan3A, %scan3A_53 : i32
    %scan3A_55 = arith.constant 1 : i32
    scf.for %scan3A_153 = %scan3A to %scan3A_54 step %scan3A_55  : i32 {
      %mul3A_154 = arith.constant 1 : i32
      %mul3A_155 = arith.muli %scan3A_153, %mul3A_154 : i32
      %add3A_156 = arith.constant 0 : i32
      %add3A_157 = arith.addi %add3A_156, %mul3A_155 : i32
      %mul3A_158 = arith.constant 8 : i32
      %mul3A_159 = arith.muli %add3A_157, %mul3A_158 : i32
      %add3A_160 = arith.constant 0 : i32
      %add3A_161 = arith.addi %mul3A_159, %add3A_160 : i32
      %add3A_162 = arith.constant 4 : i32
      %add3A_163 = arith.addi %add3A_161, %add3A_162 : i32
      %lt3A = arith.constant 80 : i32
      %lt3A_164 = arith.cmpi slt, %add3A_163, %lt3A : i32
      %convert_element_type3A = arith.extui %lt3A_164 : i1 to i32
      %cond3A = arith.constant 0 : i32
      %cond3A_165 = arith.cmpi ne, %convert_element_type3A, %cond3A : i32
      scf.if %cond3A_165 {
        %ge3A = arith.constant 4 : i32
        %ge3A_413 = arith.cmpi sge, %add3A_161, %ge3A : i32
        %convert_element_type3A_414 = arith.extui %ge3A_413 : i1 to i32
        %cond3A_415 = arith.constant 0 : i32
        %cond3A_416 = arith.cmpi ne, %convert_element_type3A_414, %cond3A_415 : i32
        scf.if %cond3A_416 {
          %dma_wait3A_430 = arith.constant 4 : i32
          %dma_wait3A_431 = arith.constant 0 : i32
          %dma_wait3A_432 = arith.constant 0 : i32
          %dma_wait3A_433 = arith.constant 0 : i32
          %dma_wait3A_434 = tpu.memref_slice %arg8[%dma_wait3A_430, %dma_wait3A_432, %dma_wait3A_433] : memref<8x128x32xf32, #tpu.memory_space<vmem>> -> memref<1x128x32xf32, #tpu.memory_space<vmem>>
          %dma_wait3A_435 = tpu.memref_squeeze %dma_wait3A_434 : memref<1x128x32xf32, #tpu.memory_space<vmem>> -> memref<128x32xf32, #tpu.memory_space<vmem>>
          %dma_wait3A_436 = arith.constant 0 : i32
          %dma_wait3A_437 = tpu.memref_slice %arg7[%dma_wait3A_431, %dma_wait3A_436] : memref<80x128xi32, #tpu.memory_space<vmem>> -> memref<1x128xi32, #tpu.memory_space<vmem>>
          %dma_wait3A_438 = tpu.memref_squeeze %dma_wait3A_437 : memref<1x128xi32, #tpu.memory_space<vmem>> -> memref<128xi32, #tpu.memory_space<vmem>>
          %dma_wait3A_439 = arith.constant 0 : i32
          %dma_wait3A_440 = arith.constant 0 : i32
          %dma_wait3A_441 = tpu.memref_slice %arg9[%dma_wait3A_439, %dma_wait3A_440] : memref<10240x32xf32, #tpu.memory_space<vmem_shared>> -> memref<10240x32xf32, #tpu.memory_space<vmem_shared>>
          tpu.wait_indirect_dma semaphore(%arg23 : memref<!tpu.dma_semaphore, #tpu.memory_space<semaphore_mem>>) src(%dma_wait3A_435 : memref<128x32xf32, #tpu.memory_space<vmem>>) dst(%dma_wait3A_441 : memref<10240x32xf32, #tpu.memory_space<vmem_shared>>)
        } else {
        }
        %add3A_417 = arith.constant 4 : i32
        %add3A_418 = arith.addi %add3A_161, %add3A_417 : i32
        %dma_start3A_419 = arith.constant 4 : i32
        %dma_start3A_420 = arith.constant 0 : i32
        %dma_start3A_421 = arith.constant 0 : i32
        %dma_start3A_422 = tpu.memref_slice %arg8[%dma_start3A_419, %dma_start3A_420, %dma_start3A_421] : memref<8x128x32xf32, #tpu.memory_space<vmem>> -> memref<1x128x32xf32, #tpu.memory_space<vmem>>
        %dma_start3A_423 = tpu.memref_squeeze %dma_start3A_422 : memref<1x128x32xf32, #tpu.memory_space<vmem>> -> memref<128x32xf32, #tpu.memory_space<vmem>>
        %dma_start3A_424 = arith.constant 0 : i32
        %dma_start3A_425 = tpu.memref_slice %arg6[%add3A_418, %dma_start3A_424] : memref<80x128xi32, #tpu.memory_space<vmem>> -> memref<1x128xi32, #tpu.memory_space<vmem>>
        %dma_start3A_426 = tpu.memref_squeeze %dma_start3A_425 : memref<1x128xi32, #tpu.memory_space<vmem>> -> memref<128xi32, #tpu.memory_space<vmem>>
        %dma_start3A_427 = arith.constant 0 : i32
        %dma_start3A_428 = arith.constant 0 : i32
        %dma_start3A_429 = tpu.memref_slice %arg10[%dma_start3A_427, %dma_start3A_428] : memref<10240x32xf32, #tpu.memory_space<vmem_shared>> -> memref<10240x32xf32, #tpu.memory_space<vmem_shared>>
        tpu.enqueue_indirect_dma source(%dma_start3A_429 : memref<10240x32xf32, #tpu.memory_space<vmem_shared>>) target(%dma_start3A_423 : memref<128x32xf32, #tpu.memory_space<vmem>>) offsets(%dma_start3A_426 : memref<128xi32, #tpu.memory_space<vmem>>) semaphore(%arg15 : memref<!tpu.dma_semaphore, #tpu.memory_space<semaphore_mem>>)
      } else {
      }
      %dma_wait3A_166 = arith.constant 0 : i32
      %dma_wait3A_167 = arith.constant 0 : i32
      %dma_wait3A_168 = arith.constant 0 : i32
      %dma_wait3A_169 = arith.constant 0 : i32
      %dma_wait3A_170 = tpu.memref_slice %arg8[%dma_wait3A_167, %dma_wait3A_168, %dma_wait3A_169] : memref<8x128x32xf32, #tpu.memory_space<vmem>> -> memref<1x128x32xf32, #tpu.memory_space<vmem>>
      %dma_wait3A_171 = tpu.memref_squeeze %dma_wait3A_170 : memref<1x128x32xf32, #tpu.memory_space<vmem>> -> memref<128x32xf32, #tpu.memory_space<vmem>>
      %dma_wait3A_172 = arith.constant 0 : i32
      %dma_wait3A_173 = tpu.memref_slice %arg6[%dma_wait3A_166, %dma_wait3A_172] : memref<80x128xi32, #tpu.memory_space<vmem>> -> memref<1x128xi32, #tpu.memory_space<vmem>>
      %dma_wait3A_174 = tpu.memref_squeeze %dma_wait3A_173 : memref<1x128xi32, #tpu.memory_space<vmem>> -> memref<128xi32, #tpu.memory_space<vmem>>
      %dma_wait3A_175 = arith.constant 0 : i32
      %dma_wait3A_176 = arith.constant 0 : i32
      %dma_wait3A_177 = tpu.memref_slice %arg10[%dma_wait3A_175, %dma_wait3A_176] : memref<10240x32xf32, #tpu.memory_space<vmem_shared>> -> memref<10240x32xf32, #tpu.memory_space<vmem_shared>>
      tpu.wait_indirect_dma semaphore(%arg11 : memref<!tpu.dma_semaphore, #tpu.memory_space<semaphore_mem>>) src(%dma_wait3A_177 : memref<10240x32xf32, #tpu.memory_space<vmem_shared>>) dst(%dma_wait3A_171 : memref<128x32xf32, #tpu.memory_space<vmem>>)
      %dma_start3A_178 = arith.constant 0 : i32
      %dma_start3A_179 = arith.constant 0 : i32
      %dma_start3A_180 = arith.constant 0 : i32
      %dma_start3A_181 = tpu.memref_slice %arg8[%dma_start3A_178, %dma_start3A_179, %dma_start3A_180] : memref<8x128x32xf32, #tpu.memory_space<vmem>> -> memref<1x128x32xf32, #tpu.memory_space<vmem>>
      %dma_start3A_182 = tpu.memref_squeeze %dma_start3A_181 : memref<1x128x32xf32, #tpu.memory_space<vmem>> -> memref<128x32xf32, #tpu.memory_space<vmem>>
      %dma_start3A_183 = arith.constant 0 : i32
      %dma_start3A_184 = tpu.memref_slice %arg7[%add3A_161, %dma_start3A_183] : memref<80x128xi32, #tpu.memory_space<vmem>> -> memref<1x128xi32, #tpu.memory_space<vmem>>
      %dma_start3A_185 = tpu.memref_squeeze %dma_start3A_184 : memref<1x128xi32, #tpu.memory_space<vmem>> -> memref<128xi32, #tpu.memory_space<vmem>>
      %dma_start3A_186 = arith.constant 0 : i32
      %dma_start3A_187 = arith.constant 0 : i32
      %dma_start3A_188 = tpu.memref_slice %arg9[%dma_start3A_186, %dma_start3A_187] : memref<10240x32xf32, #tpu.memory_space<vmem_shared>> -> memref<10240x32xf32, #tpu.memory_space<vmem_shared>>
      tpu.enqueue_indirect_dma source(%dma_start3A_182 : memref<128x32xf32, #tpu.memory_space<vmem>>) target(%dma_start3A_188 : memref<10240x32xf32, #tpu.memory_space<vmem_shared>>) offsets(%dma_start3A_185 : memref<128xi32, #tpu.memory_space<vmem>>) semaphore(%arg19 : memref<!tpu.dma_semaphore, #tpu.memory_space<semaphore_mem>>) {add = true}
      %add3A_189 = arith.constant 1 : i32
      %add3A_190 = arith.addi %mul3A_159, %add3A_189 : i32
      %add3A_191 = arith.constant 4 : i32
      %add3A_192 = arith.addi %add3A_190, %add3A_191 : i32
      %lt3A_193 = arith.constant 80 : i32
      %lt3A_194 = arith.cmpi slt, %add3A_192, %lt3A_193 : i32
      %convert_element_type3A_195 = arith.extui %lt3A_194 : i1 to i32
      %cond3A_196 = arith.constant 0 : i32
      %cond3A_197 = arith.cmpi ne, %convert_element_type3A_195, %cond3A_196 : i32
      scf.if %cond3A_197 {
        %ge3A = arith.constant 4 : i32
        %ge3A_413 = arith.cmpi sge, %add3A_190, %ge3A : i32
        %convert_element_type3A_414 = arith.extui %ge3A_413 : i1 to i32
        %cond3A_415 = arith.constant 0 : i32
        %cond3A_416 = arith.cmpi ne, %convert_element_type3A_414, %cond3A_415 : i32
        scf.if %cond3A_416 {
          %dma_wait3A_430 = arith.constant 5 : i32
          %dma_wait3A_431 = arith.constant 0 : i32
          %dma_wait3A_432 = arith.constant 0 : i32
          %dma_wait3A_433 = arith.constant 0 : i32
          %dma_wait3A_434 = tpu.memref_slice %arg8[%dma_wait3A_430, %dma_wait3A_432, %dma_wait3A_433] : memref<8x128x32xf32, #tpu.memory_space<vmem>> -> memref<1x128x32xf32, #tpu.memory_space<vmem>>
          %dma_wait3A_435 = tpu.memref_squeeze %dma_wait3A_434 : memref<1x128x32xf32, #tpu.memory_space<vmem>> -> memref<128x32xf32, #tpu.memory_space<vmem>>
          %dma_wait3A_436 = arith.constant 0 : i32
          %dma_wait3A_437 = tpu.memref_slice %arg7[%dma_wait3A_431, %dma_wait3A_436] : memref<80x128xi32, #tpu.memory_space<vmem>> -> memref<1x128xi32, #tpu.memory_space<vmem>>
          %dma_wait3A_438 = tpu.memref_squeeze %dma_wait3A_437 : memref<1x128xi32, #tpu.memory_space<vmem>> -> memref<128xi32, #tpu.memory_space<vmem>>
          %dma_wait3A_439 = arith.constant 0 : i32
          %dma_wait3A_440 = arith.constant 0 : i32
          %dma_wait3A_441 = tpu.memref_slice %arg9[%dma_wait3A_439, %dma_wait3A_440] : memref<10240x32xf32, #tpu.memory_space<vmem_shared>> -> memref<10240x32xf32, #tpu.memory_space<vmem_shared>>
          tpu.wait_indirect_dma semaphore(%arg24 : memref<!tpu.dma_semaphore, #tpu.memory_space<semaphore_mem>>) src(%dma_wait3A_435 : memref<128x32xf32, #tpu.memory_space<vmem>>) dst(%dma_wait3A_441 : memref<10240x32xf32, #tpu.memory_space<vmem_shared>>)
        } else {
        }
        %add3A_417 = arith.constant 4 : i32
        %add3A_418 = arith.addi %add3A_190, %add3A_417 : i32
        %dma_start3A_419 = arith.constant 5 : i32
        %dma_start3A_420 = arith.constant 0 : i32
        %dma_start3A_421 = arith.constant 0 : i32
        %dma_start3A_422 = tpu.memref_slice %arg8[%dma_start3A_419, %dma_start3A_420, %dma_start3A_421] : memref<8x128x32xf32, #tpu.memory_space<vmem>> -> memref<1x128x32xf32, #tpu.memory_space<vmem>>
        %dma_start3A_423 = tpu.memref_squeeze %dma_start3A_422 : memref<1x128x32xf32, #tpu.memory_space<vmem>> -> memref<128x32xf32, #tpu.memory_space<vmem>>
        %dma_start3A_424 = arith.constant 0 : i32
        %dma_start3A_425 = tpu.memref_slice %arg6[%add3A_418, %dma_start3A_424] : memref<80x128xi32, #tpu.memory_space<vmem>> -> memref<1x128xi32, #tpu.memory_space<vmem>>
        %dma_start3A_426 = tpu.memref_squeeze %dma_start3A_425 : memref<1x128xi32, #tpu.memory_space<vmem>> -> memref<128xi32, #tpu.memory_space<vmem>>
        %dma_start3A_427 = arith.constant 0 : i32
        %dma_start3A_428 = arith.constant 0 : i32
        %dma_start3A_429 = tpu.memref_slice %arg10[%dma_start3A_427, %dma_start3A_428] : memref<10240x32xf32, #tpu.memory_space<vmem_shared>> -> memref<10240x32xf32, #tpu.memory_space<vmem_shared>>
        tpu.enqueue_indirect_dma source(%dma_start3A_429 : memref<10240x32xf32, #tpu.memory_space<vmem_shared>>) target(%dma_start3A_423 : memref<128x32xf32, #tpu.memory_space<vmem>>) offsets(%dma_start3A_426 : memref<128xi32, #tpu.memory_space<vmem>>) semaphore(%arg16 : memref<!tpu.dma_semaphore, #tpu.memory_space<semaphore_mem>>)
      } else {
      }
      %dma_wait3A_198 = arith.constant 0 : i32
      %dma_wait3A_199 = arith.constant 1 : i32
      %dma_wait3A_200 = arith.constant 0 : i32
      %dma_wait3A_201 = arith.constant 0 : i32
      %dma_wait3A_202 = tpu.memref_slice %arg8[%dma_wait3A_199, %dma_wait3A_200, %dma_wait3A_201] : memref<8x128x32xf32, #tpu.memory_space<vmem>> -> memref<1x128x32xf32, #tpu.memory_space<vmem>>
      %dma_wait3A_203 = tpu.memref_squeeze %dma_wait3A_202 : memref<1x128x32xf32, #tpu.memory_space<vmem>> -> memref<128x32xf32, #tpu.memory_space<vmem>>
      %dma_wait3A_204 = arith.constant 0 : i32
      %dma_wait3A_205 = tpu.memref_slice %arg6[%dma_wait3A_198, %dma_wait3A_204] : memref<80x128xi32, #tpu.memory_space<vmem>> -> memref<1x128xi32, #tpu.memory_space<vmem>>
      %dma_wait3A_206 = tpu.memref_squeeze %dma_wait3A_205 : memref<1x128xi32, #tpu.memory_space<vmem>> -> memref<128xi32, #tpu.memory_space<vmem>>
      %dma_wait3A_207 = arith.constant 0 : i32
      %dma_wait3A_208 = arith.constant 0 : i32
      %dma_wait3A_209 = tpu.memref_slice %arg10[%dma_wait3A_207, %dma_wait3A_208] : memref<10240x32xf32, #tpu.memory_space<vmem_shared>> -> memref<10240x32xf32, #tpu.memory_space<vmem_shared>>
      tpu.wait_indirect_dma semaphore(%arg12 : memref<!tpu.dma_semaphore, #tpu.memory_space<semaphore_mem>>) src(%dma_wait3A_209 : memref<10240x32xf32, #tpu.memory_space<vmem_shared>>) dst(%dma_wait3A_203 : memref<128x32xf32, #tpu.memory_space<vmem>>)
      %dma_start3A_210 = arith.constant 1 : i32
      %dma_start3A_211 = arith.constant 0 : i32
      %dma_start3A_212 = arith.constant 0 : i32
      %dma_start3A_213 = tpu.memref_slice %arg8[%dma_start3A_210, %dma_start3A_211, %dma_start3A_212] : memref<8x128x32xf32, #tpu.memory_space<vmem>> -> memref<1x128x32xf32, #tpu.memory_space<vmem>>
      %dma_start3A_214 = tpu.memref_squeeze %dma_start3A_213 : memref<1x128x32xf32, #tpu.memory_space<vmem>> -> memref<128x32xf32, #tpu.memory_space<vmem>>
      %dma_start3A_215 = arith.constant 0 : i32
      %dma_start3A_216 = tpu.memref_slice %arg7[%add3A_190, %dma_start3A_215] : memref<80x128xi32, #tpu.memory_space<vmem>> -> memref<1x128xi32, #tpu.memory_space<vmem>>
      %dma_start3A_217 = tpu.memref_squeeze %dma_start3A_216 : memref<1x128xi32, #tpu.memory_space<vmem>> -> memref<128xi32, #tpu.memory_space<vmem>>
      %dma_start3A_218 = arith.constant 0 : i32
      %dma_start3A_219 = arith.constant 0 : i32
      %dma_start3A_220 = tpu.memref_slice %arg9[%dma_start3A_218, %dma_start3A_219] : memref<10240x32xf32, #tpu.memory_space<vmem_shared>> -> memref<10240x32xf32, #tpu.memory_space<vmem_shared>>
      tpu.enqueue_indirect_dma source(%dma_start3A_214 : memref<128x32xf32, #tpu.memory_space<vmem>>) target(%dma_start3A_220 : memref<10240x32xf32, #tpu.memory_space<vmem_shared>>) offsets(%dma_start3A_217 : memref<128xi32, #tpu.memory_space<vmem>>) semaphore(%arg20 : memref<!tpu.dma_semaphore, #tpu.memory_space<semaphore_mem>>) {add = true}
      %add3A_221 = arith.constant 2 : i32
      %add3A_222 = arith.addi %mul3A_159, %add3A_221 : i32
      %add3A_223 = arith.constant 4 : i32
      %add3A_224 = arith.addi %add3A_222, %add3A_223 : i32
      %lt3A_225 = arith.constant 80 : i32
      %lt3A_226 = arith.cmpi slt, %add3A_224, %lt3A_225 : i32
      %convert_element_type3A_227 = arith.extui %lt3A_226 : i1 to i32
      %cond3A_228 = arith.constant 0 : i32
      %cond3A_229 = arith.cmpi ne, %convert_element_type3A_227, %cond3A_228 : i32
      scf.if %cond3A_229 {
        %ge3A = arith.constant 4 : i32
        %ge3A_413 = arith.cmpi sge, %add3A_222, %ge3A : i32
        %convert_element_type3A_414 = arith.extui %ge3A_413 : i1 to i32
        %cond3A_415 = arith.constant 0 : i32
        %cond3A_416 = arith.cmpi ne, %convert_element_type3A_414, %cond3A_415 : i32
        scf.if %cond3A_416 {
          %dma_wait3A_430 = arith.constant 6 : i32
          %dma_wait3A_431 = arith.constant 0 : i32
          %dma_wait3A_432 = arith.constant 0 : i32
          %dma_wait3A_433 = arith.constant 0 : i32
          %dma_wait3A_434 = tpu.memref_slice %arg8[%dma_wait3A_430, %dma_wait3A_432, %dma_wait3A_433] : memref<8x128x32xf32, #tpu.memory_space<vmem>> -> memref<1x128x32xf32, #tpu.memory_space<vmem>>
          %dma_wait3A_435 = tpu.memref_squeeze %dma_wait3A_434 : memref<1x128x32xf32, #tpu.memory_space<vmem>> -> memref<128x32xf32, #tpu.memory_space<vmem>>
          %dma_wait3A_436 = arith.constant 0 : i32
          %dma_wait3A_437 = tpu.memref_slice %arg7[%dma_wait3A_431, %dma_wait3A_436] : memref<80x128xi32, #tpu.memory_space<vmem>> -> memref<1x128xi32, #tpu.memory_space<vmem>>
          %dma_wait3A_438 = tpu.memref_squeeze %dma_wait3A_437 : memref<1x128xi32, #tpu.memory_space<vmem>> -> memref<128xi32, #tpu.memory_space<vmem>>
          %dma_wait3A_439 = arith.constant 0 : i32
          %dma_wait3A_440 = arith.constant 0 : i32
          %dma_wait3A_441 = tpu.memref_slice %arg9[%dma_wait3A_439, %dma_wait3A_440] : memref<10240x32xf32, #tpu.memory_space<vmem_shared>> -> memref<10240x32xf32, #tpu.memory_space<vmem_shared>>
          tpu.wait_indirect_dma semaphore(%arg25 : memref<!tpu.dma_semaphore, #tpu.memory_space<semaphore_mem>>) src(%dma_wait3A_435 : memref<128x32xf32, #tpu.memory_space<vmem>>) dst(%dma_wait3A_441 : memref<10240x32xf32, #tpu.memory_space<vmem_shared>>)
        } else {
        }
        %add3A_417 = arith.constant 4 : i32
        %add3A_418 = arith.addi %add3A_222, %add3A_417 : i32
        %dma_start3A_419 = arith.constant 6 : i32
        %dma_start3A_420 = arith.constant 0 : i32
        %dma_start3A_421 = arith.constant 0 : i32
        %dma_start3A_422 = tpu.memref_slice %arg8[%dma_start3A_419, %dma_start3A_420, %dma_start3A_421] : memref<8x128x32xf32, #tpu.memory_space<vmem>> -> memref<1x128x32xf32, #tpu.memory_space<vmem>>
        %dma_start3A_423 = tpu.memref_squeeze %dma_start3A_422 : memref<1x128x32xf32, #tpu.memory_space<vmem>> -> memref<128x32xf32, #tpu.memory_space<vmem>>
        %dma_start3A_424 = arith.constant 0 : i32
        %dma_start3A_425 = tpu.memref_slice %arg6[%add3A_418, %dma_start3A_424] : memref<80x128xi32, #tpu.memory_space<vmem>> -> memref<1x128xi32, #tpu.memory_space<vmem>>
        %dma_start3A_426 = tpu.memref_squeeze %dma_start3A_425 : memref<1x128xi32, #tpu.memory_space<vmem>> -> memref<128xi32, #tpu.memory_space<vmem>>
        %dma_start3A_427 = arith.constant 0 : i32
        %dma_start3A_428 = arith.constant 0 : i32
        %dma_start3A_429 = tpu.memref_slice %arg10[%dma_start3A_427, %dma_start3A_428] : memref<10240x32xf32, #tpu.memory_space<vmem_shared>> -> memref<10240x32xf32, #tpu.memory_space<vmem_shared>>
        tpu.enqueue_indirect_dma source(%dma_start3A_429 : memref<10240x32xf32, #tpu.memory_space<vmem_shared>>) target(%dma_start3A_423 : memref<128x32xf32, #tpu.memory_space<vmem>>) offsets(%dma_start3A_426 : memref<128xi32, #tpu.memory_space<vmem>>) semaphore(%arg17 : memref<!tpu.dma_semaphore, #tpu.memory_space<semaphore_mem>>)
      } else {
      }
      %dma_wait3A_230 = arith.constant 0 : i32
      %dma_wait3A_231 = arith.constant 2 : i32
      %dma_wait3A_232 = arith.constant 0 : i32
      %dma_wait3A_233 = arith.constant 0 : i32
      %dma_wait3A_234 = tpu.memref_slice %arg8[%dma_wait3A_231, %dma_wait3A_232, %dma_wait3A_233] : memref<8x128x32xf32, #tpu.memory_space<vmem>> -> memref<1x128x32xf32, #tpu.memory_space<vmem>>
      %dma_wait3A_235 = tpu.memref_squeeze %dma_wait3A_234 : memref<1x128x32xf32, #tpu.memory_space<vmem>> -> memref<128x32xf32, #tpu.memory_space<vmem>>
      %dma_wait3A_236 = arith.constant 0 : i32
      %dma_wait3A_237 = tpu.memref_slice %arg6[%dma_wait3A_230, %dma_wait3A_236] : memref<80x128xi32, #tpu.memory_space<vmem>> -> memref<1x128xi32, #tpu.memory_space<vmem>>
      %dma_wait3A_238 = tpu.memref_squeeze %dma_wait3A_237 : memref<1x128xi32, #tpu.memory_space<vmem>> -> memref<128xi32, #tpu.memory_space<vmem>>
      %dma_wait3A_239 = arith.constant 0 : i32
      %dma_wait3A_240 = arith.constant 0 : i32
      %dma_wait3A_241 = tpu.memref_slice %arg10[%dma_wait3A_239, %dma_wait3A_240] : memref<10240x32xf32, #tpu.memory_space<vmem_shared>> -> memref<10240x32xf32, #tpu.memory_space<vmem_shared>>
      tpu.wait_indirect_dma semaphore(%arg13 : memref<!tpu.dma_semaphore, #tpu.memory_space<semaphore_mem>>) src(%dma_wait3A_241 : memref<10240x32xf32, #tpu.memory_space<vmem_shared>>) dst(%dma_wait3A_235 : memref<128x32xf32, #tpu.memory_space<vmem>>)
      %dma_start3A_242 = arith.constant 2 : i32
      %dma_start3A_243 = arith.constant 0 : i32
      %dma_start3A_244 = arith.constant 0 : i32
      %dma_start3A_245 = tpu.memref_slice %arg8[%dma_start3A_242, %dma_start3A_243, %dma_start3A_244] : memref<8x128x32xf32, #tpu.memory_space<vmem>> -> memref<1x128x32xf32, #tpu.memory_space<vmem>>
      %dma_start3A_246 = tpu.memref_squeeze %dma_start3A_245 : memref<1x128x32xf32, #tpu.memory_space<vmem>> -> memref<128x32xf32, #tpu.memory_space<vmem>>
      %dma_start3A_247 = arith.constant 0 : i32
      %dma_start3A_248 = tpu.memref_slice %arg7[%add3A_222, %dma_start3A_247] : memref<80x128xi32, #tpu.memory_space<vmem>> -> memref<1x128xi32, #tpu.memory_space<vmem>>
      %dma_start3A_249 = tpu.memref_squeeze %dma_start3A_248 : memref<1x128xi32, #tpu.memory_space<vmem>> -> memref<128xi32, #tpu.memory_space<vmem>>
      %dma_start3A_250 = arith.constant 0 : i32
      %dma_start3A_251 = arith.constant 0 : i32
      %dma_start3A_252 = tpu.memref_slice %arg9[%dma_start3A_250, %dma_start3A_251] : memref<10240x32xf32, #tpu.memory_space<vmem_shared>> -> memref<10240x32xf32, #tpu.memory_space<vmem_shared>>
      tpu.enqueue_indirect_dma source(%dma_start3A_246 : memref<128x32xf32, #tpu.memory_space<vmem>>) target(%dma_start3A_252 : memref<10240x32xf32, #tpu.memory_space<vmem_shared>>) offsets(%dma_start3A_249 : memref<128xi32, #tpu.memory_space<vmem>>) semaphore(%arg21 : memref<!tpu.dma_semaphore, #tpu.memory_space<semaphore_mem>>) {add = true}
      %add3A_253 = arith.constant 3 : i32
      %add3A_254 = arith.addi %mul3A_159, %add3A_253 : i32
      %add3A_255 = arith.constant 4 : i32
      %add3A_256 = arith.addi %add3A_254, %add3A_255 : i32
      %lt3A_257 = arith.constant 80 : i32
      %lt3A_258 = arith.cmpi slt, %add3A_256, %lt3A_257 : i32
      %convert_element_type3A_259 = arith.extui %lt3A_258 : i1 to i32
      %cond3A_260 = arith.constant 0 : i32
      %cond3A_261 = arith.cmpi ne, %convert_element_type3A_259, %cond3A_260 : i32
      scf.if %cond3A_261 {
        %ge3A = arith.constant 4 : i32
        %ge3A_413 = arith.cmpi sge, %add3A_254, %ge3A : i32
        %convert_element_type3A_414 = arith.extui %ge3A_413 : i1 to i32
        %cond3A_415 = arith.constant 0 : i32
        %cond3A_416 = arith.cmpi ne, %convert_element_type3A_414, %cond3A_415 : i32
        scf.if %cond3A_416 {
          %dma_wait3A_430 = arith.constant 7 : i32
          %dma_wait3A_431 = arith.constant 0 : i32
          %dma_wait3A_432 = arith.constant 0 : i32
          %dma_wait3A_433 = arith.constant 0 : i32
          %dma_wait3A_434 = tpu.memref_slice %arg8[%dma_wait3A_430, %dma_wait3A_432, %dma_wait3A_433] : memref<8x128x32xf32, #tpu.memory_space<vmem>> -> memref<1x128x32xf32, #tpu.memory_space<vmem>>
          %dma_wait3A_435 = tpu.memref_squeeze %dma_wait3A_434 : memref<1x128x32xf32, #tpu.memory_space<vmem>> -> memref<128x32xf32, #tpu.memory_space<vmem>>
          %dma_wait3A_436 = arith.constant 0 : i32
          %dma_wait3A_437 = tpu.memref_slice %arg7[%dma_wait3A_431, %dma_wait3A_436] : memref<80x128xi32, #tpu.memory_space<vmem>> -> memref<1x128xi32, #tpu.memory_space<vmem>>
          %dma_wait3A_438 = tpu.memref_squeeze %dma_wait3A_437 : memref<1x128xi32, #tpu.memory_space<vmem>> -> memref<128xi32, #tpu.memory_space<vmem>>
          %dma_wait3A_439 = arith.constant 0 : i32
          %dma_wait3A_440 = arith.constant 0 : i32
          %dma_wait3A_441 = tpu.memref_slice %arg9[%dma_wait3A_439, %dma_wait3A_440] : memref<10240x32xf32, #tpu.memory_space<vmem_shared>> -> memref<10240x32xf32, #tpu.memory_space<vmem_shared>>
          tpu.wait_indirect_dma semaphore(%arg26 : memref<!tpu.dma_semaphore, #tpu.memory_space<semaphore_mem>>) src(%dma_wait3A_435 : memref<128x32xf32, #tpu.memory_space<vmem>>) dst(%dma_wait3A_441 : memref<10240x32xf32, #tpu.memory_space<vmem_shared>>)
        } else {
        }
        %add3A_417 = arith.constant 4 : i32
        %add3A_418 = arith.addi %add3A_254, %add3A_417 : i32
        %dma_start3A_419 = arith.constant 7 : i32
        %dma_start3A_420 = arith.constant 0 : i32
        %dma_start3A_421 = arith.constant 0 : i32
        %dma_start3A_422 = tpu.memref_slice %arg8[%dma_start3A_419, %dma_start3A_420, %dma_start3A_421] : memref<8x128x32xf32, #tpu.memory_space<vmem>> -> memref<1x128x32xf32, #tpu.memory_space<vmem>>
        %dma_start3A_423 = tpu.memref_squeeze %dma_start3A_422 : memref<1x128x32xf32, #tpu.memory_space<vmem>> -> memref<128x32xf32, #tpu.memory_space<vmem>>
        %dma_start3A_424 = arith.constant 0 : i32
        %dma_start3A_425 = tpu.memref_slice %arg6[%add3A_418, %dma_start3A_424] : memref<80x128xi32, #tpu.memory_space<vmem>> -> memref<1x128xi32, #tpu.memory_space<vmem>>
        %dma_start3A_426 = tpu.memref_squeeze %dma_start3A_425 : memref<1x128xi32, #tpu.memory_space<vmem>> -> memref<128xi32, #tpu.memory_space<vmem>>
        %dma_start3A_427 = arith.constant 0 : i32
        %dma_start3A_428 = arith.constant 0 : i32
        %dma_start3A_429 = tpu.memref_slice %arg10[%dma_start3A_427, %dma_start3A_428] : memref<10240x32xf32, #tpu.memory_space<vmem_shared>> -> memref<10240x32xf32, #tpu.memory_space<vmem_shared>>
        tpu.enqueue_indirect_dma source(%dma_start3A_429 : memref<10240x32xf32, #tpu.memory_space<vmem_shared>>) target(%dma_start3A_423 : memref<128x32xf32, #tpu.memory_space<vmem>>) offsets(%dma_start3A_426 : memref<128xi32, #tpu.memory_space<vmem>>) semaphore(%arg18 : memref<!tpu.dma_semaphore, #tpu.memory_space<semaphore_mem>>)
      } else {
      }
      %dma_wait3A_262 = arith.constant 0 : i32
      %dma_wait3A_263 = arith.constant 3 : i32
      %dma_wait3A_264 = arith.constant 0 : i32
      %dma_wait3A_265 = arith.constant 0 : i32
      %dma_wait3A_266 = tpu.memref_slice %arg8[%dma_wait3A_263, %dma_wait3A_264, %dma_wait3A_265] : memref<8x128x32xf32, #tpu.memory_space<vmem>> -> memref<1x128x32xf32, #tpu.memory_space<vmem>>
      %dma_wait3A_267 = tpu.memref_squeeze %dma_wait3A_266 : memref<1x128x32xf32, #tpu.memory_space<vmem>> -> memref<128x32xf32, #tpu.memory_space<vmem>>
      %dma_wait3A_268 = arith.constant 0 : i32
      %dma_wait3A_269 = tpu.memref_slice %arg6[%dma_wait3A_262, %dma_wait3A_268] : memref<80x128xi32, #tpu.memory_space<vmem>> -> memref<1x128xi32, #tpu.memory_space<vmem>>
      %dma_wait3A_270 = tpu.memref_squeeze %dma_wait3A_269 : memref<1x128xi32, #tpu.memory_space<vmem>> -> memref<128xi32, #tpu.memory_space<vmem>>
      %dma_wait3A_271 = arith.constant 0 : i32
      %dma_wait3A_272 = arith.constant 0 : i32
      %dma_wait3A_273 = tpu.memref_slice %arg10[%dma_wait3A_271, %dma_wait3A_272] : memref<10240x32xf32, #tpu.memory_space<vmem_shared>> -> memref<10240x32xf32, #tpu.memory_space<vmem_shared>>
      tpu.wait_indirect_dma semaphore(%arg14 : memref<!tpu.dma_semaphore, #tpu.memory_space<semaphore_mem>>) src(%dma_wait3A_273 : memref<10240x32xf32, #tpu.memory_space<vmem_shared>>) dst(%dma_wait3A_267 : memref<128x32xf32, #tpu.memory_space<vmem>>)
      %dma_start3A_274 = arith.constant 3 : i32
      %dma_start3A_275 = arith.constant 0 : i32
      %dma_start3A_276 = arith.constant 0 : i32
      %dma_start3A_277 = tpu.memref_slice %arg8[%dma_start3A_274, %dma_start3A_275, %dma_start3A_276] : memref<8x128x32xf32, #tpu.memory_space<vmem>> -> memref<1x128x32xf32, #tpu.memory_space<vmem>>
      %dma_start3A_278 = tpu.memref_squeeze %dma_start3A_277 : memref<1x128x32xf32, #tpu.memory_space<vmem>> -> memref<128x32xf32, #tpu.memory_space<vmem>>
      %dma_start3A_279 = arith.constant 0 : i32
      %dma_start3A_280 = tpu.memref_slice %arg7[%add3A_254, %dma_start3A_279] : memref<80x128xi32, #tpu.memory_space<vmem>> -> memref<1x128xi32, #tpu.memory_space<vmem>>
      %dma_start3A_281 = tpu.memref_squeeze %dma_start3A_280 : memref<1x128xi32, #tpu.memory_space<vmem>> -> memref<128xi32, #tpu.memory_space<vmem>>
      %dma_start3A_282 = arith.constant 0 : i32
      %dma_start3A_283 = arith.constant 0 : i32
      %dma_start3A_284 = tpu.memref_slice %arg9[%dma_start3A_282, %dma_start3A_283] : memref<10240x32xf32, #tpu.memory_space<vmem_shared>> -> memref<10240x32xf32, #tpu.memory_space<vmem_shared>>
      tpu.enqueue_indirect_dma source(%dma_start3A_278 : memref<128x32xf32, #tpu.memory_space<vmem>>) target(%dma_start3A_284 : memref<10240x32xf32, #tpu.memory_space<vmem_shared>>) offsets(%dma_start3A_281 : memref<128xi32, #tpu.memory_space<vmem>>) semaphore(%arg22 : memref<!tpu.dma_semaphore, #tpu.memory_space<semaphore_mem>>) {add = true}
      %add3A_285 = arith.constant 4 : i32
      %add3A_286 = arith.addi %mul3A_159, %add3A_285 : i32
      %add3A_287 = arith.constant 4 : i32
      %add3A_288 = arith.addi %add3A_286, %add3A_287 : i32
      %lt3A_289 = arith.constant 80 : i32
      %lt3A_290 = arith.cmpi slt, %add3A_288, %lt3A_289 : i32
      %convert_element_type3A_291 = arith.extui %lt3A_290 : i1 to i32
      %cond3A_292 = arith.constant 0 : i32
      %cond3A_293 = arith.cmpi ne, %convert_element_type3A_291, %cond3A_292 : i32
      scf.if %cond3A_293 {
        %ge3A = arith.constant 4 : i32
        %ge3A_413 = arith.cmpi sge, %add3A_286, %ge3A : i32
        %convert_element_type3A_414 = arith.extui %ge3A_413 : i1 to i32
        %cond3A_415 = arith.constant 0 : i32
        %cond3A_416 = arith.cmpi ne, %convert_element_type3A_414, %cond3A_415 : i32
        scf.if %cond3A_416 {
          %dma_wait3A_430 = arith.constant 0 : i32
          %dma_wait3A_431 = arith.constant 0 : i32
          %dma_wait3A_432 = arith.constant 0 : i32
          %dma_wait3A_433 = arith.constant 0 : i32
          %dma_wait3A_434 = tpu.memref_slice %arg8[%dma_wait3A_430, %dma_wait3A_432, %dma_wait3A_433] : memref<8x128x32xf32, #tpu.memory_space<vmem>> -> memref<1x128x32xf32, #tpu.memory_space<vmem>>
          %dma_wait3A_435 = tpu.memref_squeeze %dma_wait3A_434 : memref<1x128x32xf32, #tpu.memory_space<vmem>> -> memref<128x32xf32, #tpu.memory_space<vmem>>
          %dma_wait3A_436 = arith.constant 0 : i32
          %dma_wait3A_437 = tpu.memref_slice %arg7[%dma_wait3A_431, %dma_wait3A_436] : memref<80x128xi32, #tpu.memory_space<vmem>> -> memref<1x128xi32, #tpu.memory_space<vmem>>
          %dma_wait3A_438 = tpu.memref_squeeze %dma_wait3A_437 : memref<1x128xi32, #tpu.memory_space<vmem>> -> memref<128xi32, #tpu.memory_space<vmem>>
          %dma_wait3A_439 = arith.constant 0 : i32
          %dma_wait3A_440 = arith.constant 0 : i32
          %dma_wait3A_441 = tpu.memref_slice %arg9[%dma_wait3A_439, %dma_wait3A_440] : memref<10240x32xf32, #tpu.memory_space<vmem_shared>> -> memref<10240x32xf32, #tpu.memory_space<vmem_shared>>
          tpu.wait_indirect_dma semaphore(%arg19 : memref<!tpu.dma_semaphore, #tpu.memory_space<semaphore_mem>>) src(%dma_wait3A_435 : memref<128x32xf32, #tpu.memory_space<vmem>>) dst(%dma_wait3A_441 : memref<10240x32xf32, #tpu.memory_space<vmem_shared>>)
        } else {
        }
        %add3A_417 = arith.constant 4 : i32
        %add3A_418 = arith.addi %add3A_286, %add3A_417 : i32
        %dma_start3A_419 = arith.constant 0 : i32
        %dma_start3A_420 = arith.constant 0 : i32
        %dma_start3A_421 = arith.constant 0 : i32
        %dma_start3A_422 = tpu.memref_slice %arg8[%dma_start3A_419, %dma_start3A_420, %dma_start3A_421] : memref<8x128x32xf32, #tpu.memory_space<vmem>> -> memref<1x128x32xf32, #tpu.memory_space<vmem>>
        %dma_start3A_423 = tpu.memref_squeeze %dma_start3A_422 : memref<1x128x32xf32, #tpu.memory_space<vmem>> -> memref<128x32xf32, #tpu.memory_space<vmem>>
        %dma_start3A_424 = arith.constant 0 : i32
        %dma_start3A_425 = tpu.memref_slice %arg6[%add3A_418, %dma_start3A_424] : memref<80x128xi32, #tpu.memory_space<vmem>> -> memref<1x128xi32, #tpu.memory_space<vmem>>
        %dma_start3A_426 = tpu.memref_squeeze %dma_start3A_425 : memref<1x128xi32, #tpu.memory_space<vmem>> -> memref<128xi32, #tpu.memory_space<vmem>>
        %dma_start3A_427 = arith.constant 0 : i32
        %dma_start3A_428 = arith.constant 0 : i32
        %dma_start3A_429 = tpu.memref_slice %arg10[%dma_start3A_427, %dma_start3A_428] : memref<10240x32xf32, #tpu.memory_space<vmem_shared>> -> memref<10240x32xf32, #tpu.memory_space<vmem_shared>>
        tpu.enqueue_indirect_dma source(%dma_start3A_429 : memref<10240x32xf32, #tpu.memory_space<vmem_shared>>) target(%dma_start3A_423 : memref<128x32xf32, #tpu.memory_space<vmem>>) offsets(%dma_start3A_426 : memref<128xi32, #tpu.memory_space<vmem>>) semaphore(%arg11 : memref<!tpu.dma_semaphore, #tpu.memory_space<semaphore_mem>>)
      } else {
      }
      %dma_wait3A_294 = arith.constant 0 : i32
      %dma_wait3A_295 = arith.constant 4 : i32
      %dma_wait3A_296 = arith.constant 0 : i32
      %dma_wait3A_297 = arith.constant 0 : i32
      %dma_wait3A_298 = tpu.memref_slice %arg8[%dma_wait3A_295, %dma_wait3A_296, %dma_wait3A_297] : memref<8x128x32xf32, #tpu.memory_space<vmem>> -> memref<1x128x32xf32, #tpu.memory_space<vmem>>
      %dma_wait3A_299 = tpu.memref_squeeze %dma_wait3A_298 : memref<1x128x32xf32, #tpu.memory_space<vmem>> -> memref<128x32xf32, #tpu.memory_space<vmem>>
      %dma_wait3A_300 = arith.constant 0 : i32
      %dma_wait3A_301 = tpu.memref_slice %arg6[%dma_wait3A_294, %dma_wait3A_300] : memref<80x128xi32, #tpu.memory_space<vmem>> -> memref<1x128xi32, #tpu.memory_space<vmem>>
      %dma_wait3A_302 = tpu.memref_squeeze %dma_wait3A_301 : memref<1x128xi32, #tpu.memory_space<vmem>> -> memref<128xi32, #tpu.memory_space<vmem>>
      %dma_wait3A_303 = arith.constant 0 : i32
      %dma_wait3A_304 = arith.constant 0 : i32
      %dma_wait3A_305 = tpu.memref_slice %arg10[%dma_wait3A_303, %dma_wait3A_304] : memref<10240x32xf32, #tpu.memory_space<vmem_shared>> -> memref<10240x32xf32, #tpu.memory_space<vmem_shared>>
      tpu.wait_indirect_dma semaphore(%arg15 : memref<!tpu.dma_semaphore, #tpu.memory_space<semaphore_mem>>) src(%dma_wait3A_305 : memref<10240x32xf32, #tpu.memory_space<vmem_shared>>) dst(%dma_wait3A_299 : memref<128x32xf32, #tpu.memory_space<vmem>>)
      %dma_start3A_306 = arith.constant 4 : i32
      %dma_start3A_307 = arith.constant 0 : i32
      %dma_start3A_308 = arith.constant 0 : i32
      %dma_start3A_309 = tpu.memref_slice %arg8[%dma_start3A_306, %dma_start3A_307, %dma_start3A_308] : memref<8x128x32xf32, #tpu.memory_space<vmem>> -> memref<1x128x32xf32, #tpu.memory_space<vmem>>
      %dma_start3A_310 = tpu.memref_squeeze %dma_start3A_309 : memref<1x128x32xf32, #tpu.memory_space<vmem>> -> memref<128x32xf32, #tpu.memory_space<vmem>>
      %dma_start3A_311 = arith.constant 0 : i32
      %dma_start3A_312 = tpu.memref_slice %arg7[%add3A_286, %dma_start3A_311] : memref<80x128xi32, #tpu.memory_space<vmem>> -> memref<1x128xi32, #tpu.memory_space<vmem>>
      %dma_start3A_313 = tpu.memref_squeeze %dma_start3A_312 : memref<1x128xi32, #tpu.memory_space<vmem>> -> memref<128xi32, #tpu.memory_space<vmem>>
      %dma_start3A_314 = arith.constant 0 : i32
      %dma_start3A_315 = arith.constant 0 : i32
      %dma_start3A_316 = tpu.memref_slice %arg9[%dma_start3A_314, %dma_start3A_315] : memref<10240x32xf32, #tpu.memory_space<vmem_shared>> -> memref<10240x32xf32, #tpu.memory_space<vmem_shared>>
      tpu.enqueue_indirect_dma source(%dma_start3A_310 : memref<128x32xf32, #tpu.memory_space<vmem>>) target(%dma_start3A_316 : memref<10240x32xf32, #tpu.memory_space<vmem_shared>>) offsets(%dma_start3A_313 : memref<128xi32, #tpu.memory_space<vmem>>) semaphore(%arg23 : memref<!tpu.dma_semaphore, #tpu.memory_space<semaphore_mem>>) {add = true}
      %add3A_317 = arith.constant 5 : i32
      %add3A_318 = arith.addi %mul3A_159, %add3A_317 : i32
      %add3A_319 = arith.constant 4 : i32
      %add3A_320 = arith.addi %add3A_318, %add3A_319 : i32
      %lt3A_321 = arith.constant 80 : i32
      %lt3A_322 = arith.cmpi slt, %add3A_320, %lt3A_321 : i32
      %convert_element_type3A_323 = arith.extui %lt3A_322 : i1 to i32
      %cond3A_324 = arith.constant 0 : i32
      %cond3A_325 = arith.cmpi ne, %convert_element_type3A_323, %cond3A_324 : i32
      scf.if %cond3A_325 {
        %ge3A = arith.constant 4 : i32
        %ge3A_413 = arith.cmpi sge, %add3A_318, %ge3A : i32
        %convert_element_type3A_414 = arith.extui %ge3A_413 : i1 to i32
        %cond3A_415 = arith.constant 0 : i32
        %cond3A_416 = arith.cmpi ne, %convert_element_type3A_414, %cond3A_415 : i32
        scf.if %cond3A_416 {
          %dma_wait3A_430 = arith.constant 1 : i32
          %dma_wait3A_431 = arith.constant 0 : i32
          %dma_wait3A_432 = arith.constant 0 : i32
          %dma_wait3A_433 = arith.constant 0 : i32
          %dma_wait3A_434 = tpu.memref_slice %arg8[%dma_wait3A_430, %dma_wait3A_432, %dma_wait3A_433] : memref<8x128x32xf32, #tpu.memory_space<vmem>> -> memref<1x128x32xf32, #tpu.memory_space<vmem>>
          %dma_wait3A_435 = tpu.memref_squeeze %dma_wait3A_434 : memref<1x128x32xf32, #tpu.memory_space<vmem>> -> memref<128x32xf32, #tpu.memory_space<vmem>>
          %dma_wait3A_436 = arith.constant 0 : i32
          %dma_wait3A_437 = tpu.memref_slice %arg7[%dma_wait3A_431, %dma_wait3A_436] : memref<80x128xi32, #tpu.memory_space<vmem>> -> memref<1x128xi32, #tpu.memory_space<vmem>>
          %dma_wait3A_438 = tpu.memref_squeeze %dma_wait3A_437 : memref<1x128xi32, #tpu.memory_space<vmem>> -> memref<128xi32, #tpu.memory_space<vmem>>
          %dma_wait3A_439 = arith.constant 0 : i32
          %dma_wait3A_440 = arith.constant 0 : i32
          %dma_wait3A_441 = tpu.memref_slice %arg9[%dma_wait3A_439, %dma_wait3A_440] : memref<10240x32xf32, #tpu.memory_space<vmem_shared>> -> memref<10240x32xf32, #tpu.memory_space<vmem_shared>>
          tpu.wait_indirect_dma semaphore(%arg20 : memref<!tpu.dma_semaphore, #tpu.memory_space<semaphore_mem>>) src(%dma_wait3A_435 : memref<128x32xf32, #tpu.memory_space<vmem>>) dst(%dma_wait3A_441 : memref<10240x32xf32, #tpu.memory_space<vmem_shared>>)
        } else {
        }
        %add3A_417 = arith.constant 4 : i32
        %add3A_418 = arith.addi %add3A_318, %add3A_417 : i32
        %dma_start3A_419 = arith.constant 1 : i32
        %dma_start3A_420 = arith.constant 0 : i32
        %dma_start3A_421 = arith.constant 0 : i32
        %dma_start3A_422 = tpu.memref_slice %arg8[%dma_start3A_419, %dma_start3A_420, %dma_start3A_421] : memref<8x128x32xf32, #tpu.memory_space<vmem>> -> memref<1x128x32xf32, #tpu.memory_space<vmem>>
        %dma_start3A_423 = tpu.memref_squeeze %dma_start3A_422 : memref<1x128x32xf32, #tpu.memory_space<vmem>> -> memref<128x32xf32, #tpu.memory_space<vmem>>
        %dma_start3A_424 = arith.constant 0 : i32
        %dma_start3A_425 = tpu.memref_slice %arg6[%add3A_418, %dma_start3A_424] : memref<80x128xi32, #tpu.memory_space<vmem>> -> memref<1x128xi32, #tpu.memory_space<vmem>>
        %dma_start3A_426 = tpu.memref_squeeze %dma_start3A_425 : memref<1x128xi32, #tpu.memory_space<vmem>> -> memref<128xi32, #tpu.memory_space<vmem>>
        %dma_start3A_427 = arith.constant 0 : i32
        %dma_start3A_428 = arith.constant 0 : i32
        %dma_start3A_429 = tpu.memref_slice %arg10[%dma_start3A_427, %dma_start3A_428] : memref<10240x32xf32, #tpu.memory_space<vmem_shared>> -> memref<10240x32xf32, #tpu.memory_space<vmem_shared>>
        tpu.enqueue_indirect_dma source(%dma_start3A_429 : memref<10240x32xf32, #tpu.memory_space<vmem_shared>>) target(%dma_start3A_423 : memref<128x32xf32, #tpu.memory_space<vmem>>) offsets(%dma_start3A_426 : memref<128xi32, #tpu.memory_space<vmem>>) semaphore(%arg12 : memref<!tpu.dma_semaphore, #tpu.memory_space<semaphore_mem>>)
      } else {
      }
      %dma_wait3A_326 = arith.constant 0 : i32
      %dma_wait3A_327 = arith.constant 5 : i32
      %dma_wait3A_328 = arith.constant 0 : i32
      %dma_wait3A_329 = arith.constant 0 : i32
      %dma_wait3A_330 = tpu.memref_slice %arg8[%dma_wait3A_327, %dma_wait3A_328, %dma_wait3A_329] : memref<8x128x32xf32, #tpu.memory_space<vmem>> -> memref<1x128x32xf32, #tpu.memory_space<vmem>>
      %dma_wait3A_331 = tpu.memref_squeeze %dma_wait3A_330 : memref<1x128x32xf32, #tpu.memory_space<vmem>> -> memref<128x32xf32, #tpu.memory_space<vmem>>
      %dma_wait3A_332 = arith.constant 0 : i32
      %dma_wait3A_333 = tpu.memref_slice %arg6[%dma_wait3A_326, %dma_wait3A_332] : memref<80x128xi32, #tpu.memory_space<vmem>> -> memref<1x128xi32, #tpu.memory_space<vmem>>
      %dma_wait3A_334 = tpu.memref_squeeze %dma_wait3A_333 : memref<1x128xi32, #tpu.memory_space<vmem>> -> memref<128xi32, #tpu.memory_space<vmem>>
      %dma_wait3A_335 = arith.constant 0 : i32
      %dma_wait3A_336 = arith.constant 0 : i32
      %dma_wait3A_337 = tpu.memref_slice %arg10[%dma_wait3A_335, %dma_wait3A_336] : memref<10240x32xf32, #tpu.memory_space<vmem_shared>> -> memref<10240x32xf32, #tpu.memory_space<vmem_shared>>
      tpu.wait_indirect_dma semaphore(%arg16 : memref<!tpu.dma_semaphore, #tpu.memory_space<semaphore_mem>>) src(%dma_wait3A_337 : memref<10240x32xf32, #tpu.memory_space<vmem_shared>>) dst(%dma_wait3A_331 : memref<128x32xf32, #tpu.memory_space<vmem>>)
      %dma_start3A_338 = arith.constant 5 : i32
      %dma_start3A_339 = arith.constant 0 : i32
      %dma_start3A_340 = arith.constant 0 : i32
      %dma_start3A_341 = tpu.memref_slice %arg8[%dma_start3A_338, %dma_start3A_339, %dma_start3A_340] : memref<8x128x32xf32, #tpu.memory_space<vmem>> -> memref<1x128x32xf32, #tpu.memory_space<vmem>>
      %dma_start3A_342 = tpu.memref_squeeze %dma_start3A_341 : memref<1x128x32xf32, #tpu.memory_space<vmem>> -> memref<128x32xf32, #tpu.memory_space<vmem>>
      %dma_start3A_343 = arith.constant 0 : i32
      %dma_start3A_344 = tpu.memref_slice %arg7[%add3A_318, %dma_start3A_343] : memref<80x128xi32, #tpu.memory_space<vmem>> -> memref<1x128xi32, #tpu.memory_space<vmem>>
      %dma_start3A_345 = tpu.memref_squeeze %dma_start3A_344 : memref<1x128xi32, #tpu.memory_space<vmem>> -> memref<128xi32, #tpu.memory_space<vmem>>
      %dma_start3A_346 = arith.constant 0 : i32
      %dma_start3A_347 = arith.constant 0 : i32
      %dma_start3A_348 = tpu.memref_slice %arg9[%dma_start3A_346, %dma_start3A_347] : memref<10240x32xf32, #tpu.memory_space<vmem_shared>> -> memref<10240x32xf32, #tpu.memory_space<vmem_shared>>
      tpu.enqueue_indirect_dma source(%dma_start3A_342 : memref<128x32xf32, #tpu.memory_space<vmem>>) target(%dma_start3A_348 : memref<10240x32xf32, #tpu.memory_space<vmem_shared>>) offsets(%dma_start3A_345 : memref<128xi32, #tpu.memory_space<vmem>>) semaphore(%arg24 : memref<!tpu.dma_semaphore, #tpu.memory_space<semaphore_mem>>) {add = true}
      %add3A_349 = arith.constant 6 : i32
      %add3A_350 = arith.addi %mul3A_159, %add3A_349 : i32
      %add3A_351 = arith.constant 4 : i32
      %add3A_352 = arith.addi %add3A_350, %add3A_351 : i32
      %lt3A_353 = arith.constant 80 : i32
      %lt3A_354 = arith.cmpi slt, %add3A_352, %lt3A_353 : i32
      %convert_element_type3A_355 = arith.extui %lt3A_354 : i1 to i32
      %cond3A_356 = arith.constant 0 : i32
      %cond3A_357 = arith.cmpi ne, %convert_element_type3A_355, %cond3A_356 : i32
      scf.if %cond3A_357 {
        %ge3A = arith.constant 4 : i32
        %ge3A_413 = arith.cmpi sge, %add3A_350, %ge3A : i32
        %convert_element_type3A_414 = arith.extui %ge3A_413 : i1 to i32
        %cond3A_415 = arith.constant 0 : i32
        %cond3A_416 = arith.cmpi ne, %convert_element_type3A_414, %cond3A_415 : i32
        scf.if %cond3A_416 {
          %dma_wait3A_430 = arith.constant 2 : i32
          %dma_wait3A_431 = arith.constant 0 : i32
          %dma_wait3A_432 = arith.constant 0 : i32
          %dma_wait3A_433 = arith.constant 0 : i32
          %dma_wait3A_434 = tpu.memref_slice %arg8[%dma_wait3A_430, %dma_wait3A_432, %dma_wait3A_433] : memref<8x128x32xf32, #tpu.memory_space<vmem>> -> memref<1x128x32xf32, #tpu.memory_space<vmem>>
          %dma_wait3A_435 = tpu.memref_squeeze %dma_wait3A_434 : memref<1x128x32xf32, #tpu.memory_space<vmem>> -> memref<128x32xf32, #tpu.memory_space<vmem>>
          %dma_wait3A_436 = arith.constant 0 : i32
          %dma_wait3A_437 = tpu.memref_slice %arg7[%dma_wait3A_431, %dma_wait3A_436] : memref<80x128xi32, #tpu.memory_space<vmem>> -> memref<1x128xi32, #tpu.memory_space<vmem>>
          %dma_wait3A_438 = tpu.memref_squeeze %dma_wait3A_437 : memref<1x128xi32, #tpu.memory_space<vmem>> -> memref<128xi32, #tpu.memory_space<vmem>>
          %dma_wait3A_439 = arith.constant 0 : i32
          %dma_wait3A_440 = arith.constant 0 : i32
          %dma_wait3A_441 = tpu.memref_slice %arg9[%dma_wait3A_439, %dma_wait3A_440] : memref<10240x32xf32, #tpu.memory_space<vmem_shared>> -> memref<10240x32xf32, #tpu.memory_space<vmem_shared>>
          tpu.wait_indirect_dma semaphore(%arg21 : memref<!tpu.dma_semaphore, #tpu.memory_space<semaphore_mem>>) src(%dma_wait3A_435 : memref<128x32xf32, #tpu.memory_space<vmem>>) dst(%dma_wait3A_441 : memref<10240x32xf32, #tpu.memory_space<vmem_shared>>)
        } else {
        }
        %add3A_417 = arith.constant 4 : i32
        %add3A_418 = arith.addi %add3A_350, %add3A_417 : i32
        %dma_start3A_419 = arith.constant 2 : i32
        %dma_start3A_420 = arith.constant 0 : i32
        %dma_start3A_421 = arith.constant 0 : i32
        %dma_start3A_422 = tpu.memref_slice %arg8[%dma_start3A_419, %dma_start3A_420, %dma_start3A_421] : memref<8x128x32xf32, #tpu.memory_space<vmem>> -> memref<1x128x32xf32, #tpu.memory_space<vmem>>
        %dma_start3A_423 = tpu.memref_squeeze %dma_start3A_422 : memref<1x128x32xf32, #tpu.memory_space<vmem>> -> memref<128x32xf32, #tpu.memory_space<vmem>>
        %dma_start3A_424 = arith.constant 0 : i32
        %dma_start3A_425 = tpu.memref_slice %arg6[%add3A_418, %dma_start3A_424] : memref<80x128xi32, #tpu.memory_space<vmem>> -> memref<1x128xi32, #tpu.memory_space<vmem>>
        %dma_start3A_426 = tpu.memref_squeeze %dma_start3A_425 : memref<1x128xi32, #tpu.memory_space<vmem>> -> memref<128xi32, #tpu.memory_space<vmem>>
        %dma_start3A_427 = arith.constant 0 : i32
        %dma_start3A_428 = arith.constant 0 : i32
        %dma_start3A_429 = tpu.memref_slice %arg10[%dma_start3A_427, %dma_start3A_428] : memref<10240x32xf32, #tpu.memory_space<vmem_shared>> -> memref<10240x32xf32, #tpu.memory_space<vmem_shared>>
        tpu.enqueue_indirect_dma source(%dma_start3A_429 : memref<10240x32xf32, #tpu.memory_space<vmem_shared>>) target(%dma_start3A_423 : memref<128x32xf32, #tpu.memory_space<vmem>>) offsets(%dma_start3A_426 : memref<128xi32, #tpu.memory_space<vmem>>) semaphore(%arg13 : memref<!tpu.dma_semaphore, #tpu.memory_space<semaphore_mem>>)
      } else {
      }
      %dma_wait3A_358 = arith.constant 0 : i32
      %dma_wait3A_359 = arith.constant 6 : i32
      %dma_wait3A_360 = arith.constant 0 : i32
      %dma_wait3A_361 = arith.constant 0 : i32
      %dma_wait3A_362 = tpu.memref_slice %arg8[%dma_wait3A_359, %dma_wait3A_360, %dma_wait3A_361] : memref<8x128x32xf32, #tpu.memory_space<vmem>> -> memref<1x128x32xf32, #tpu.memory_space<vmem>>
      %dma_wait3A_363 = tpu.memref_squeeze %dma_wait3A_362 : memref<1x128x32xf32, #tpu.memory_space<vmem>> -> memref<128x32xf32, #tpu.memory_space<vmem>>
      %dma_wait3A_364 = arith.constant 0 : i32
      %dma_wait3A_365 = tpu.memref_slice %arg6[%dma_wait3A_358, %dma_wait3A_364] : memref<80x128xi32, #tpu.memory_space<vmem>> -> memref<1x128xi32, #tpu.memory_space<vmem>>
      %dma_wait3A_366 = tpu.memref_squeeze %dma_wait3A_365 : memref<1x128xi32, #tpu.memory_space<vmem>> -> memref<128xi32, #tpu.memory_space<vmem>>
      %dma_wait3A_367 = arith.constant 0 : i32
      %dma_wait3A_368 = arith.constant 0 : i32
      %dma_wait3A_369 = tpu.memref_slice %arg10[%dma_wait3A_367, %dma_wait3A_368] : memref<10240x32xf32, #tpu.memory_space<vmem_shared>> -> memref<10240x32xf32, #tpu.memory_space<vmem_shared>>
      tpu.wait_indirect_dma semaphore(%arg17 : memref<!tpu.dma_semaphore, #tpu.memory_space<semaphore_mem>>) src(%dma_wait3A_369 : memref<10240x32xf32, #tpu.memory_space<vmem_shared>>) dst(%dma_wait3A_363 : memref<128x32xf32, #tpu.memory_space<vmem>>)
      %dma_start3A_370 = arith.constant 6 : i32
      %dma_start3A_371 = arith.constant 0 : i32
      %dma_start3A_372 = arith.constant 0 : i32
      %dma_start3A_373 = tpu.memref_slice %arg8[%dma_start3A_370, %dma_start3A_371, %dma_start3A_372] : memref<8x128x32xf32, #tpu.memory_space<vmem>> -> memref<1x128x32xf32, #tpu.memory_space<vmem>>
      %dma_start3A_374 = tpu.memref_squeeze %dma_start3A_373 : memref<1x128x32xf32, #tpu.memory_space<vmem>> -> memref<128x32xf32, #tpu.memory_space<vmem>>
      %dma_start3A_375 = arith.constant 0 : i32
      %dma_start3A_376 = tpu.memref_slice %arg7[%add3A_350, %dma_start3A_375] : memref<80x128xi32, #tpu.memory_space<vmem>> -> memref<1x128xi32, #tpu.memory_space<vmem>>
      %dma_start3A_377 = tpu.memref_squeeze %dma_start3A_376 : memref<1x128xi32, #tpu.memory_space<vmem>> -> memref<128xi32, #tpu.memory_space<vmem>>
      %dma_start3A_378 = arith.constant 0 : i32
      %dma_start3A_379 = arith.constant 0 : i32
      %dma_start3A_380 = tpu.memref_slice %arg9[%dma_start3A_378, %dma_start3A_379] : memref<10240x32xf32, #tpu.memory_space<vmem_shared>> -> memref<10240x32xf32, #tpu.memory_space<vmem_shared>>
      tpu.enqueue_indirect_dma source(%dma_start3A_374 : memref<128x32xf32, #tpu.memory_space<vmem>>) target(%dma_start3A_380 : memref<10240x32xf32, #tpu.memory_space<vmem_shared>>) offsets(%dma_start3A_377 : memref<128xi32, #tpu.memory_space<vmem>>) semaphore(%arg25 : memref<!tpu.dma_semaphore, #tpu.memory_space<semaphore_mem>>) {add = true}
      %add3A_381 = arith.constant 7 : i32
      %add3A_382 = arith.addi %mul3A_159, %add3A_381 : i32
      %add3A_383 = arith.constant 4 : i32
      %add3A_384 = arith.addi %add3A_382, %add3A_383 : i32
      %lt3A_385 = arith.constant 80 : i32
      %lt3A_386 = arith.cmpi slt, %add3A_384, %lt3A_385 : i32
      %convert_element_type3A_387 = arith.extui %lt3A_386 : i1 to i32
      %cond3A_388 = arith.constant 0 : i32
      %cond3A_389 = arith.cmpi ne, %convert_element_type3A_387, %cond3A_388 : i32
      scf.if %cond3A_389 {
        %ge3A = arith.constant 4 : i32
        %ge3A_413 = arith.cmpi sge, %add3A_382, %ge3A : i32
        %convert_element_type3A_414 = arith.extui %ge3A_413 : i1 to i32
        %cond3A_415 = arith.constant 0 : i32
        %cond3A_416 = arith.cmpi ne, %convert_element_type3A_414, %cond3A_415 : i32
        scf.if %cond3A_416 {
          %dma_wait3A_430 = arith.constant 3 : i32
          %dma_wait3A_431 = arith.constant 0 : i32
          %dma_wait3A_432 = arith.constant 0 : i32
          %dma_wait3A_433 = arith.constant 0 : i32
          %dma_wait3A_434 = tpu.memref_slice %arg8[%dma_wait3A_430, %dma_wait3A_432, %dma_wait3A_433] : memref<8x128x32xf32, #tpu.memory_space<vmem>> -> memref<1x128x32xf32, #tpu.memory_space<vmem>>
          %dma_wait3A_435 = tpu.memref_squeeze %dma_wait3A_434 : memref<1x128x32xf32, #tpu.memory_space<vmem>> -> memref<128x32xf32, #tpu.memory_space<vmem>>
          %dma_wait3A_436 = arith.constant 0 : i32
          %dma_wait3A_437 = tpu.memref_slice %arg7[%dma_wait3A_431, %dma_wait3A_436] : memref<80x128xi32, #tpu.memory_space<vmem>> -> memref<1x128xi32, #tpu.memory_space<vmem>>
          %dma_wait3A_438 = tpu.memref_squeeze %dma_wait3A_437 : memref<1x128xi32, #tpu.memory_space<vmem>> -> memref<128xi32, #tpu.memory_space<vmem>>
          %dma_wait3A_439 = arith.constant 0 : i32
          %dma_wait3A_440 = arith.constant 0 : i32
          %dma_wait3A_441 = tpu.memref_slice %arg9[%dma_wait3A_439, %dma_wait3A_440] : memref<10240x32xf32, #tpu.memory_space<vmem_shared>> -> memref<10240x32xf32, #tpu.memory_space<vmem_shared>>
          tpu.wait_indirect_dma semaphore(%arg22 : memref<!tpu.dma_semaphore, #tpu.memory_space<semaphore_mem>>) src(%dma_wait3A_435 : memref<128x32xf32, #tpu.memory_space<vmem>>) dst(%dma_wait3A_441 : memref<10240x32xf32, #tpu.memory_space<vmem_shared>>)
        } else {
        }
        %add3A_417 = arith.constant 4 : i32
        %add3A_418 = arith.addi %add3A_382, %add3A_417 : i32
        %dma_start3A_419 = arith.constant 3 : i32
        %dma_start3A_420 = arith.constant 0 : i32
        %dma_start3A_421 = arith.constant 0 : i32
        %dma_start3A_422 = tpu.memref_slice %arg8[%dma_start3A_419, %dma_start3A_420, %dma_start3A_421] : memref<8x128x32xf32, #tpu.memory_space<vmem>> -> memref<1x128x32xf32, #tpu.memory_space<vmem>>
        %dma_start3A_423 = tpu.memref_squeeze %dma_start3A_422 : memref<1x128x32xf32, #tpu.memory_space<vmem>> -> memref<128x32xf32, #tpu.memory_space<vmem>>
        %dma_start3A_424 = arith.constant 0 : i32
        %dma_start3A_425 = tpu.memref_slice %arg6[%add3A_418, %dma_start3A_424] : memref<80x128xi32, #tpu.memory_space<vmem>> -> memref<1x128xi32, #tpu.memory_space<vmem>>
        %dma_start3A_426 = tpu.memref_squeeze %dma_start3A_425 : memref<1x128xi32, #tpu.memory_space<vmem>> -> memref<128xi32, #tpu.memory_space<vmem>>
        %dma_start3A_427 = arith.constant 0 : i32
        %dma_start3A_428 = arith.constant 0 : i32
        %dma_start3A_429 = tpu.memref_slice %arg10[%dma_start3A_427, %dma_start3A_428] : memref<10240x32xf32, #tpu.memory_space<vmem_shared>> -> memref<10240x32xf32, #tpu.memory_space<vmem_shared>>
        tpu.enqueue_indirect_dma source(%dma_start3A_429 : memref<10240x32xf32, #tpu.memory_space<vmem_shared>>) target(%dma_start3A_423 : memref<128x32xf32, #tpu.memory_space<vmem>>) offsets(%dma_start3A_426 : memref<128xi32, #tpu.memory_space<vmem>>) semaphore(%arg14 : memref<!tpu.dma_semaphore, #tpu.memory_space<semaphore_mem>>)
      } else {
      }
      %dma_wait3A_390 = arith.constant 0 : i32
      %dma_wait3A_391 = arith.constant 7 : i32
      %dma_wait3A_392 = arith.constant 0 : i32
      %dma_wait3A_393 = arith.constant 0 : i32
      %dma_wait3A_394 = tpu.memref_slice %arg8[%dma_wait3A_391, %dma_wait3A_392, %dma_wait3A_393] : memref<8x128x32xf32, #tpu.memory_space<vmem>> -> memref<1x128x32xf32, #tpu.memory_space<vmem>>
      %dma_wait3A_395 = tpu.memref_squeeze %dma_wait3A_394 : memref<1x128x32xf32, #tpu.memory_space<vmem>> -> memref<128x32xf32, #tpu.memory_space<vmem>>
      %dma_wait3A_396 = arith.constant 0 : i32
      %dma_wait3A_397 = tpu.memref_slice %arg6[%dma_wait3A_390, %dma_wait3A_396] : memref<80x128xi32, #tpu.memory_space<vmem>> -> memref<1x128xi32, #tpu.memory_space<vmem>>
      %dma_wait3A_398 = tpu.memref_squeeze %dma_wait3A_397 : memref<1x128xi32, #tpu.memory_space<vmem>> -> memref<128xi32, #tpu.memory_space<vmem>>
      %dma_wait3A_399 = arith.constant 0 : i32
      %dma_wait3A_400 = arith.constant 0 : i32
      %dma_wait3A_401 = tpu.memref_slice %arg10[%dma_wait3A_399, %dma_wait3A_400] : memref<10240x32xf32, #tpu.memory_space<vmem_shared>> -> memref<10240x32xf32, #tpu.memory_space<vmem_shared>>
      tpu.wait_indirect_dma semaphore(%arg18 : memref<!tpu.dma_semaphore, #tpu.memory_space<semaphore_mem>>) src(%dma_wait3A_401 : memref<10240x32xf32, #tpu.memory_space<vmem_shared>>) dst(%dma_wait3A_395 : memref<128x32xf32, #tpu.memory_space<vmem>>)
      %dma_start3A_402 = arith.constant 7 : i32
      %dma_start3A_403 = arith.constant 0 : i32
      %dma_start3A_404 = arith.constant 0 : i32
      %dma_start3A_405 = tpu.memref_slice %arg8[%dma_start3A_402, %dma_start3A_403, %dma_start3A_404] : memref<8x128x32xf32, #tpu.memory_space<vmem>> -> memref<1x128x32xf32, #tpu.memory_space<vmem>>
      %dma_start3A_406 = tpu.memref_squeeze %dma_start3A_405 : memref<1x128x32xf32, #tpu.memory_space<vmem>> -> memref<128x32xf32, #tpu.memory_space<vmem>>
      %dma_start3A_407 = arith.constant 0 : i32
      %dma_start3A_408 = tpu.memref_slice %arg7[%add3A_382, %dma_start3A_407] : memref<80x128xi32, #tpu.memory_space<vmem>> -> memref<1x128xi32, #tpu.memory_space<vmem>>
      %dma_start3A_409 = tpu.memref_squeeze %dma_start3A_408 : memref<1x128xi32, #tpu.memory_space<vmem>> -> memref<128xi32, #tpu.memory_space<vmem>>
      %dma_start3A_410 = arith.constant 0 : i32
      %dma_start3A_411 = arith.constant 0 : i32
      %dma_start3A_412 = tpu.memref_slice %arg9[%dma_start3A_410, %dma_start3A_411] : memref<10240x32xf32, #tpu.memory_space<vmem_shared>> -> memref<10240x32xf32, #tpu.memory_space<vmem_shared>>
      tpu.enqueue_indirect_dma source(%dma_start3A_406 : memref<128x32xf32, #tpu.memory_space<vmem>>) target(%dma_start3A_412 : memref<10240x32xf32, #tpu.memory_space<vmem_shared>>) offsets(%dma_start3A_409 : memref<128xi32, #tpu.memory_space<vmem>>) semaphore(%arg26 : memref<!tpu.dma_semaphore, #tpu.memory_space<semaphore_mem>>) {add = true}
    }
    %scan3A_56 = arith.constant 10 : i32
    %dma_wait3A = arith.constant 0 : i32
    %dma_wait3A_57 = arith.constant 0 : i32
    %dma_wait3A_58 = arith.constant 0 : i32
    %dma_wait3A_59 = arith.constant 0 : i32
    %dma_wait3A_60 = tpu.memref_slice %arg8[%dma_wait3A, %dma_wait3A_58, %dma_wait3A_59] : memref<8x128x32xf32, #tpu.memory_space<vmem>> -> memref<1x128x32xf32, #tpu.memory_space<vmem>>
    %dma_wait3A_61 = tpu.memref_squeeze %dma_wait3A_60 : memref<1x128x32xf32, #tpu.memory_space<vmem>> -> memref<128x32xf32, #tpu.memory_space<vmem>>
    %dma_wait3A_62 = arith.constant 0 : i32
    %dma_wait3A_63 = tpu.memref_slice %arg7[%dma_wait3A_57, %dma_wait3A_62] : memref<80x128xi32, #tpu.memory_space<vmem>> -> memref<1x128xi32, #tpu.memory_space<vmem>>
    %dma_wait3A_64 = tpu.memref_squeeze %dma_wait3A_63 : memref<1x128xi32, #tpu.memory_space<vmem>> -> memref<128xi32, #tpu.memory_space<vmem>>
    %dma_wait3A_65 = arith.constant 0 : i32
    %dma_wait3A_66 = arith.constant 0 : i32
    %dma_wait3A_67 = tpu.memref_slice %arg9[%dma_wait3A_65, %dma_wait3A_66] : memref<10240x32xf32, #tpu.memory_space<vmem_shared>> -> memref<10240x32xf32, #tpu.memory_space<vmem_shared>>
    tpu.wait_indirect_dma semaphore(%arg19 : memref<!tpu.dma_semaphore, #tpu.memory_space<semaphore_mem>>) src(%dma_wait3A_61 : memref<128x32xf32, #tpu.memory_space<vmem>>) dst(%dma_wait3A_67 : memref<10240x32xf32, #tpu.memory_space<vmem_shared>>)
    %dma_wait3A_68 = arith.constant 1 : i32
    %dma_wait3A_69 = arith.constant 0 : i32
    %dma_wait3A_70 = arith.constant 0 : i32
    %dma_wait3A_71 = arith.constant 0 : i32
    %dma_wait3A_72 = tpu.memref_slice %arg8[%dma_wait3A_68, %dma_wait3A_70, %dma_wait3A_71] : memref<8x128x32xf32, #tpu.memory_space<vmem>> -> memref<1x128x32xf32, #tpu.memory_space<vmem>>
    %dma_wait3A_73 = tpu.memref_squeeze %dma_wait3A_72 : memref<1x128x32xf32, #tpu.memory_space<vmem>> -> memref<128x32xf32, #tpu.memory_space<vmem>>
    %dma_wait3A_74 = arith.constant 0 : i32
    %dma_wait3A_75 = tpu.memref_slice %arg7[%dma_wait3A_69, %dma_wait3A_74] : memref<80x128xi32, #tpu.memory_space<vmem>> -> memref<1x128xi32, #tpu.memory_space<vmem>>
    %dma_wait3A_76 = tpu.memref_squeeze %dma_wait3A_75 : memref<1x128xi32, #tpu.memory_space<vmem>> -> memref<128xi32, #tpu.memory_space<vmem>>
    %dma_wait3A_77 = arith.constant 0 : i32
    %dma_wait3A_78 = arith.constant 0 : i32
    %dma_wait3A_79 = tpu.memref_slice %arg9[%dma_wait3A_77, %dma_wait3A_78] : memref<10240x32xf32, #tpu.memory_space<vmem_shared>> -> memref<10240x32xf32, #tpu.memory_space<vmem_shared>>
    tpu.wait_indirect_dma semaphore(%arg20 : memref<!tpu.dma_semaphore, #tpu.memory_space<semaphore_mem>>) src(%dma_wait3A_73 : memref<128x32xf32, #tpu.memory_space<vmem>>) dst(%dma_wait3A_79 : memref<10240x32xf32, #tpu.memory_space<vmem_shared>>)
    %dma_wait3A_80 = arith.constant 2 : i32
    %dma_wait3A_81 = arith.constant 0 : i32
    %dma_wait3A_82 = arith.constant 0 : i32
    %dma_wait3A_83 = arith.constant 0 : i32
    %dma_wait3A_84 = tpu.memref_slice %arg8[%dma_wait3A_80, %dma_wait3A_82, %dma_wait3A_83] : memref<8x128x32xf32, #tpu.memory_space<vmem>> -> memref<1x128x32xf32, #tpu.memory_space<vmem>>
    %dma_wait3A_85 = tpu.memref_squeeze %dma_wait3A_84 : memref<1x128x32xf32, #tpu.memory_space<vmem>> -> memref<128x32xf32, #tpu.memory_space<vmem>>
    %dma_wait3A_86 = arith.constant 0 : i32
    %dma_wait3A_87 = tpu.memref_slice %arg7[%dma_wait3A_81, %dma_wait3A_86] : memref<80x128xi32, #tpu.memory_space<vmem>> -> memref<1x128xi32, #tpu.memory_space<vmem>>
    %dma_wait3A_88 = tpu.memref_squeeze %dma_wait3A_87 : memref<1x128xi32, #tpu.memory_space<vmem>> -> memref<128xi32, #tpu.memory_space<vmem>>
    %dma_wait3A_89 = arith.constant 0 : i32
    %dma_wait3A_90 = arith.constant 0 : i32
    %dma_wait3A_91 = tpu.memref_slice %arg9[%dma_wait3A_89, %dma_wait3A_90] : memref<10240x32xf32, #tpu.memory_space<vmem_shared>> -> memref<10240x32xf32, #tpu.memory_space<vmem_shared>>
    tpu.wait_indirect_dma semaphore(%arg21 : memref<!tpu.dma_semaphore, #tpu.memory_space<semaphore_mem>>) src(%dma_wait3A_85 : memref<128x32xf32, #tpu.memory_space<vmem>>) dst(%dma_wait3A_91 : memref<10240x32xf32, #tpu.memory_space<vmem_shared>>)
    %dma_wait3A_92 = arith.constant 3 : i32
    %dma_wait3A_93 = arith.constant 0 : i32
    %dma_wait3A_94 = arith.constant 0 : i32
    %dma_wait3A_95 = arith.constant 0 : i32
    %dma_wait3A_96 = tpu.memref_slice %arg8[%dma_wait3A_92, %dma_wait3A_94, %dma_wait3A_95] : memref<8x128x32xf32, #tpu.memory_space<vmem>> -> memref<1x128x32xf32, #tpu.memory_space<vmem>>
    %dma_wait3A_97 = tpu.memref_squeeze %dma_wait3A_96 : memref<1x128x32xf32, #tpu.memory_space<vmem>> -> memref<128x32xf32, #tpu.memory_space<vmem>>
    %dma_wait3A_98 = arith.constant 0 : i32
    %dma_wait3A_99 = tpu.memref_slice %arg7[%dma_wait3A_93, %dma_wait3A_98] : memref<80x128xi32, #tpu.memory_space<vmem>> -> memref<1x128xi32, #tpu.memory_space<vmem>>
    %dma_wait3A_100 = tpu.memref_squeeze %dma_wait3A_99 : memref<1x128xi32, #tpu.memory_space<vmem>> -> memref<128xi32, #tpu.memory_space<vmem>>
    %dma_wait3A_101 = arith.constant 0 : i32
    %dma_wait3A_102 = arith.constant 0 : i32
    %dma_wait3A_103 = tpu.memref_slice %arg9[%dma_wait3A_101, %dma_wait3A_102] : memref<10240x32xf32, #tpu.memory_space<vmem_shared>> -> memref<10240x32xf32, #tpu.memory_space<vmem_shared>>
    tpu.wait_indirect_dma semaphore(%arg22 : memref<!tpu.dma_semaphore, #tpu.memory_space<semaphore_mem>>) src(%dma_wait3A_97 : memref<128x32xf32, #tpu.memory_space<vmem>>) dst(%dma_wait3A_103 : memref<10240x32xf32, #tpu.memory_space<vmem_shared>>)
    %dma_wait3A_104 = arith.constant 4 : i32
    %dma_wait3A_105 = arith.constant 0 : i32
    %dma_wait3A_106 = arith.constant 0 : i32
    %dma_wait3A_107 = arith.constant 0 : i32
    %dma_wait3A_108 = tpu.memref_slice %arg8[%dma_wait3A_104, %dma_wait3A_106, %dma_wait3A_107] : memref<8x128x32xf32, #tpu.memory_space<vmem>> -> memref<1x128x32xf32, #tpu.memory_space<vmem>>
    %dma_wait3A_109 = tpu.memref_squeeze %dma_wait3A_108 : memref<1x128x32xf32, #tpu.memory_space<vmem>> -> memref<128x32xf32, #tpu.memory_space<vmem>>
    %dma_wait3A_110 = arith.constant 0 : i32
    %dma_wait3A_111 = tpu.memref_slice %arg7[%dma_wait3A_105, %dma_wait3A_110] : memref<80x128xi32, #tpu.memory_space<vmem>> -> memref<1x128xi32, #tpu.memory_space<vmem>>
    %dma_wait3A_112 = tpu.memref_squeeze %dma_wait3A_111 : memref<1x128xi32, #tpu.memory_space<vmem>> -> memref<128xi32, #tpu.memory_space<vmem>>
    %dma_wait3A_113 = arith.constant 0 : i32
    %dma_wait3A_114 = arith.constant 0 : i32
    %dma_wait3A_115 = tpu.memref_slice %arg9[%dma_wait3A_113, %dma_wait3A_114] : memref<10240x32xf32, #tpu.memory_space<vmem_shared>> -> memref<10240x32xf32, #tpu.memory_space<vmem_shared>>
    tpu.wait_indirect_dma semaphore(%arg23 : memref<!tpu.dma_semaphore, #tpu.memory_space<semaphore_mem>>) src(%dma_wait3A_109 : memref<128x32xf32, #tpu.memory_space<vmem>>) dst(%dma_wait3A_115 : memref<10240x32xf32, #tpu.memory_space<vmem_shared>>)
    %dma_wait3A_116 = arith.constant 5 : i32
    %dma_wait3A_117 = arith.constant 0 : i32
    %dma_wait3A_118 = arith.constant 0 : i32
    %dma_wait3A_119 = arith.constant 0 : i32
    %dma_wait3A_120 = tpu.memref_slice %arg8[%dma_wait3A_116, %dma_wait3A_118, %dma_wait3A_119] : memref<8x128x32xf32, #tpu.memory_space<vmem>> -> memref<1x128x32xf32, #tpu.memory_space<vmem>>
    %dma_wait3A_121 = tpu.memref_squeeze %dma_wait3A_120 : memref<1x128x32xf32, #tpu.memory_space<vmem>> -> memref<128x32xf32, #tpu.memory_space<vmem>>
    %dma_wait3A_122 = arith.constant 0 : i32
    %dma_wait3A_123 = tpu.memref_slice %arg7[%dma_wait3A_117, %dma_wait3A_122] : memref<80x128xi32, #tpu.memory_space<vmem>> -> memref<1x128xi32, #tpu.memory_space<vmem>>
    %dma_wait3A_124 = tpu.memref_squeeze %dma_wait3A_123 : memref<1x128xi32, #tpu.memory_space<vmem>> -> memref<128xi32, #tpu.memory_space<vmem>>
    %dma_wait3A_125 = arith.constant 0 : i32
    %dma_wait3A_126 = arith.constant 0 : i32
    %dma_wait3A_127 = tpu.memref_slice %arg9[%dma_wait3A_125, %dma_wait3A_126] : memref<10240x32xf32, #tpu.memory_space<vmem_shared>> -> memref<10240x32xf32, #tpu.memory_space<vmem_shared>>
    tpu.wait_indirect_dma semaphore(%arg24 : memref<!tpu.dma_semaphore, #tpu.memory_space<semaphore_mem>>) src(%dma_wait3A_121 : memref<128x32xf32, #tpu.memory_space<vmem>>) dst(%dma_wait3A_127 : memref<10240x32xf32, #tpu.memory_space<vmem_shared>>)
    %dma_wait3A_128 = arith.constant 6 : i32
    %dma_wait3A_129 = arith.constant 0 : i32
    %dma_wait3A_130 = arith.constant 0 : i32
    %dma_wait3A_131 = arith.constant 0 : i32
    %dma_wait3A_132 = tpu.memref_slice %arg8[%dma_wait3A_128, %dma_wait3A_130, %dma_wait3A_131] : memref<8x128x32xf32, #tpu.memory_space<vmem>> -> memref<1x128x32xf32, #tpu.memory_space<vmem>>
    %dma_wait3A_133 = tpu.memref_squeeze %dma_wait3A_132 : memref<1x128x32xf32, #tpu.memory_space<vmem>> -> memref<128x32xf32, #tpu.memory_space<vmem>>
    %dma_wait3A_134 = arith.constant 0 : i32
    %dma_wait3A_135 = tpu.memref_slice %arg7[%dma_wait3A_129, %dma_wait3A_134] : memref<80x128xi32, #tpu.memory_space<vmem>> -> memref<1x128xi32, #tpu.memory_space<vmem>>
    %dma_wait3A_136 = tpu.memref_squeeze %dma_wait3A_135 : memref<1x128xi32, #tpu.memory_space<vmem>> -> memref<128xi32, #tpu.memory_space<vmem>>
    %dma_wait3A_137 = arith.constant 0 : i32
    %dma_wait3A_138 = arith.constant 0 : i32
    %dma_wait3A_139 = tpu.memref_slice %arg9[%dma_wait3A_137, %dma_wait3A_138] : memref<10240x32xf32, #tpu.memory_space<vmem_shared>> -> memref<10240x32xf32, #tpu.memory_space<vmem_shared>>
    tpu.wait_indirect_dma semaphore(%arg25 : memref<!tpu.dma_semaphore, #tpu.memory_space<semaphore_mem>>) src(%dma_wait3A_133 : memref<128x32xf32, #tpu.memory_space<vmem>>) dst(%dma_wait3A_139 : memref<10240x32xf32, #tpu.memory_space<vmem_shared>>)
    %dma_wait3A_140 = arith.constant 7 : i32
    %dma_wait3A_141 = arith.constant 0 : i32
    %dma_wait3A_142 = arith.constant 0 : i32
    %dma_wait3A_143 = arith.constant 0 : i32
    %dma_wait3A_144 = tpu.memref_slice %arg8[%dma_wait3A_140, %dma_wait3A_142, %dma_wait3A_143] : memref<8x128x32xf32, #tpu.memory_space<vmem>> -> memref<1x128x32xf32, #tpu.memory_space<vmem>>
    %dma_wait3A_145 = tpu.memref_squeeze %dma_wait3A_144 : memref<1x128x32xf32, #tpu.memory_space<vmem>> -> memref<128x32xf32, #tpu.memory_space<vmem>>
    %dma_wait3A_146 = arith.constant 0 : i32
    %dma_wait3A_147 = tpu.memref_slice %arg7[%dma_wait3A_141, %dma_wait3A_146] : memref<80x128xi32, #tpu.memory_space<vmem>> -> memref<1x128xi32, #tpu.memory_space<vmem>>
    %dma_wait3A_148 = tpu.memref_squeeze %dma_wait3A_147 : memref<1x128xi32, #tpu.memory_space<vmem>> -> memref<128xi32, #tpu.memory_space<vmem>>
    %dma_wait3A_149 = arith.constant 0 : i32
    %dma_wait3A_150 = arith.constant 0 : i32
    %dma_wait3A_151 = tpu.memref_slice %arg9[%dma_wait3A_149, %dma_wait3A_150] : memref<10240x32xf32, #tpu.memory_space<vmem_shared>> -> memref<10240x32xf32, #tpu.memory_space<vmem_shared>>
    tpu.wait_indirect_dma semaphore(%arg26 : memref<!tpu.dma_semaphore, #tpu.memory_space<semaphore_mem>>) src(%dma_wait3A_145 : memref<128x32xf32, #tpu.memory_space<vmem>>) dst(%dma_wait3A_151 : memref<10240x32xf32, #tpu.memory_space<vmem_shared>>)
    %barrier3A_152 = arith.constant 0 : index
    tpu.barrier barrier_id(%barrier3A_152)
    "tpu.region"() ({
      %run_scoped3A_153 = tpu.sem_alloc : memref<!tpu.dma_semaphore, #tpu.memory_space<semaphore_mem>>
      %dma_start3A_154 = arith.constant 0 : i32
      %dma_start3A_155 = arith.constant 0 : i32
      %dma_start3A_156 = tpu.memref_slice %arg5[%arg0, %dma_start3A_154, %dma_start3A_155] : memref<2x10240x128xf32, #tpu.memory_space<hbm>> -> memref<1x10240x128xf32, #tpu.memory_space<hbm>>
      %dma_start3A_157 = tpu.memref_squeeze %dma_start3A_156 : memref<1x10240x128xf32, #tpu.memory_space<hbm>> -> memref<10240x128xf32, #tpu.memory_space<hbm>>
      %dma_start3A_158 = arith.constant 0 : i32
      %dma_start3A_159 = tpu.memref_slice %dma_start3A_157[%mul3A_2, %dma_start3A_158] : memref<10240x128xf32, #tpu.memory_space<hbm>> -> memref<640x32xf32, #tpu.memory_space<hbm>>
      %dma_start3A_160 = arith.constant 0 : i32
      %dma_start3A_161 = tpu.memref_slice %arg9[%mul3A_2, %dma_start3A_160] : memref<10240x32xf32, #tpu.memory_space<vmem_shared>> -> memref<640x32xf32, #tpu.memory_space<vmem_shared>>
      tpu.enqueue_dma source(%dma_start3A_161 : memref<640x32xf32, #tpu.memory_space<vmem_shared>>) target(%dma_start3A_159 : memref<640x32xf32, #tpu.memory_space<hbm>>) target_semaphore(%run_scoped3A_153 : memref<!tpu.dma_semaphore, #tpu.memory_space<semaphore_mem>>)
      %dma_wait3A_162 = arith.constant 0 : i32
      %dma_wait3A_163 = arith.constant 0 : i32
      %dma_wait3A_164 = tpu.memref_slice %arg5[%arg0, %dma_wait3A_162, %dma_wait3A_163] : memref<2x10240x128xf32, #tpu.memory_space<hbm>> -> memref<1x10240x128xf32, #tpu.memory_space<hbm>>
      %dma_wait3A_165 = tpu.memref_squeeze %dma_wait3A_164 : memref<1x10240x128xf32, #tpu.memory_space<hbm>> -> memref<10240x128xf32, #tpu.memory_space<hbm>>
      %dma_wait3A_166 = arith.constant 0 : i32
      %dma_wait3A_167 = tpu.memref_slice %dma_wait3A_165[%mul3A_2, %dma_wait3A_166] : memref<10240x128xf32, #tpu.memory_space<hbm>> -> memref<640x32xf32, #tpu.memory_space<hbm>>
      %dma_wait3A_168 = arith.constant 0 : i32
      %dma_wait3A_169 = tpu.memref_slice %arg9[%mul3A_2, %dma_wait3A_168] : memref<10240x32xf32, #tpu.memory_space<vmem_shared>> -> memref<640x32xf32, #tpu.memory_space<vmem_shared>>
      tpu.wait_dma2 semaphore(%run_scoped3A_153 : memref<!tpu.dma_semaphore, #tpu.memory_space<semaphore_mem>>) src(%dma_wait3A_169 : memref<640x32xf32, #tpu.memory_space<vmem_shared>>) dst(%dma_wait3A_167 : memref<640x32xf32, #tpu.memory_space<hbm>>)
      tpu.yield
    }) : () -> ()
    return
  }
}

#map = affine_map<(d0, d1) -> (0, 0, 0)>
#map1 = affine_map<(d0, d1) -> (0, 0)>
module attributes {stable_mosaic.version = 14 : i64} {
  func.func @prop(%arg0: i32, %arg1: i32, %arg2: memref<2x10240x128xf32, #tpu.memory_space<hbm>>, %arg3: memref<2x2560x128xi32, #tpu.memory_space<hbm>>, %arg4: memref<10240x32xf32, #tpu.memory_space<hbm>>, %arg5: memref<2x10240x128xf32, #tpu.memory_space<hbm>>, %arg6: memref<160x128xi32, #tpu.memory_space<vmem>>, %arg7: memref<160x128xi32, #tpu.memory_space<vmem>>, %arg8: memref<8x128x32xf32, #tpu.memory_space<vmem>>, %arg9: memref<10240x32xf32, #tpu.memory_space<vmem_shared>>, %arg10: memref<10240x32xf32, #tpu.memory_space<vmem_shared>>, %arg11: memref<!tpu.dma_semaphore, #tpu.memory_space<semaphore_mem>>, %arg12: memref<!tpu.dma_semaphore, #tpu.memory_space<semaphore_mem>>, %arg13: memref<!tpu.dma_semaphore, #tpu.memory_space<semaphore_mem>>, %arg14: memref<!tpu.dma_semaphore, #tpu.memory_space<semaphore_mem>>, %arg15: memref<!tpu.dma_semaphore, #tpu.memory_space<semaphore_mem>>, %arg16: memref<!tpu.dma_semaphore, #tpu.memory_space<semaphore_mem>>, %arg17: memref<!tpu.dma_semaphore, #tpu.memory_space<semaphore_mem>>, %arg18: memref<!tpu.dma_semaphore, #tpu.memory_space<semaphore_mem>>, %arg19: memref<!tpu.dma_semaphore, #tpu.memory_space<semaphore_mem>>, %arg20: memref<!tpu.dma_semaphore, #tpu.memory_space<semaphore_mem>>, %arg21: memref<!tpu.dma_semaphore, #tpu.memory_space<semaphore_mem>>, %arg22: memref<!tpu.dma_semaphore, #tpu.memory_space<semaphore_mem>>, %arg23: memref<!tpu.dma_semaphore, #tpu.memory_space<semaphore_mem>>, %arg24: memref<!tpu.dma_semaphore, #tpu.memory_space<semaphore_mem>>, %arg25: memref<!tpu.dma_semaphore, #tpu.memory_space<semaphore_mem>>, %arg26: memref<!tpu.dma_semaphore, #tpu.memory_space<semaphore_mem>>) attributes {dimension_semantics = [#tpu.dimension_semantics<core_parallel>, #tpu.dimension_semantics<subcore_parallel>], iteration_bounds = array<i64: 2, 16>, scalar_prefetch = 0 : i64, scratch_operands = 21 : i64, tpu.core_type = #tpu.core_type<sc_vector_subcore>, window_params = [{transform_indices = #map}, {transform_indices = #map}, {transform_indices = #map1}, {transform_indices = #map}]} {
    %mul3A = arith.constant 640 : i32
    %mul3A_0 = arith.muli %arg1, %mul3A : i32
    %mul3A_1 = arith.constant 160 : i32
    %mul3A_2 = arith.muli %arg1, %mul3A_1 : i32
    %run_scoped3A = arith.constant 0 : i32
    "tpu.region"() ({
      %run_scoped3A_151 = tpu.sem_alloc : memref<!tpu.dma_semaphore, #tpu.memory_space<semaphore_mem>>
      %dma_start3A_152 = arith.constant 0 : i32
      %dma_start3A_153 = arith.constant 0 : i32
      %dma_start3A_154 = tpu.memref_slice %arg3[%run_scoped3A, %dma_start3A_152, %dma_start3A_153] : memref<2x2560x128xi32, #tpu.memory_space<hbm>> -> memref<1x2560x128xi32, #tpu.memory_space<hbm>>
      %dma_start3A_155 = tpu.memref_squeeze %dma_start3A_154 : memref<1x2560x128xi32, #tpu.memory_space<hbm>> -> memref<2560x128xi32, #tpu.memory_space<hbm>>
      %dma_start3A_156 = arith.constant 0 : i32
      %dma_start3A_157 = tpu.memref_slice %dma_start3A_155[%mul3A_2, %dma_start3A_156] : memref<2560x128xi32, #tpu.memory_space<hbm>> -> memref<160x128xi32, #tpu.memory_space<hbm>>
      %dma_start3A_158 = arith.constant 0 : i32
      %dma_start3A_159 = arith.constant 0 : i32
      %dma_start3A_160 = tpu.memref_slice %arg3[%run_scoped3A, %dma_start3A_158, %dma_start3A_159] : memref<2x2560x128xi32, #tpu.memory_space<hbm>> -> memref<1x2560x128xi32, #tpu.memory_space<hbm>>
      %dma_start3A_161 = tpu.memref_squeeze %dma_start3A_160 : memref<1x2560x128xi32, #tpu.memory_space<hbm>> -> memref<2560x128xi32, #tpu.memory_space<hbm>>
      %dma_start3A_162 = arith.constant 0 : i32
      %dma_start3A_163 = tpu.memref_slice %dma_start3A_161[%mul3A_2, %dma_start3A_162] : memref<2560x128xi32, #tpu.memory_space<hbm>> -> memref<160x128xi32, #tpu.memory_space<hbm>>
      tpu.enqueue_dma source(%dma_start3A_163 : memref<160x128xi32, #tpu.memory_space<hbm>>) target(%arg6 : memref<160x128xi32, #tpu.memory_space<vmem>>) target_semaphore(%run_scoped3A_151 : memref<!tpu.dma_semaphore, #tpu.memory_space<semaphore_mem>>)
      %dma_wait3A_164 = arith.constant 0 : i32
      %dma_wait3A_165 = arith.constant 0 : i32
      %dma_wait3A_166 = tpu.memref_slice %arg3[%run_scoped3A, %dma_wait3A_164, %dma_wait3A_165] : memref<2x2560x128xi32, #tpu.memory_space<hbm>> -> memref<1x2560x128xi32, #tpu.memory_space<hbm>>
      %dma_wait3A_167 = tpu.memref_squeeze %dma_wait3A_166 : memref<1x2560x128xi32, #tpu.memory_space<hbm>> -> memref<2560x128xi32, #tpu.memory_space<hbm>>
      %dma_wait3A_168 = arith.constant 0 : i32
      %dma_wait3A_169 = tpu.memref_slice %dma_wait3A_167[%mul3A_2, %dma_wait3A_168] : memref<2560x128xi32, #tpu.memory_space<hbm>> -> memref<160x128xi32, #tpu.memory_space<hbm>>
      %dma_wait3A_170 = arith.constant 0 : i32
      %dma_wait3A_171 = arith.constant 0 : i32
      %dma_wait3A_172 = tpu.memref_slice %arg3[%run_scoped3A, %dma_wait3A_170, %dma_wait3A_171] : memref<2x2560x128xi32, #tpu.memory_space<hbm>> -> memref<1x2560x128xi32, #tpu.memory_space<hbm>>
      %dma_wait3A_173 = tpu.memref_squeeze %dma_wait3A_172 : memref<1x2560x128xi32, #tpu.memory_space<hbm>> -> memref<2560x128xi32, #tpu.memory_space<hbm>>
      %dma_wait3A_174 = arith.constant 0 : i32
      %dma_wait3A_175 = tpu.memref_slice %dma_wait3A_173[%mul3A_2, %dma_wait3A_174] : memref<2560x128xi32, #tpu.memory_space<hbm>> -> memref<160x128xi32, #tpu.memory_space<hbm>>
      tpu.wait_dma2 semaphore(%run_scoped3A_151 : memref<!tpu.dma_semaphore, #tpu.memory_space<semaphore_mem>>) src(%dma_wait3A_175 : memref<160x128xi32, #tpu.memory_space<hbm>>) dst(%arg6 : memref<160x128xi32, #tpu.memory_space<vmem>>)
      tpu.yield
    }) : () -> ()
    %run_scoped3A_3 = arith.constant 1 : i32
    "tpu.region"() ({
      %run_scoped3A_151 = tpu.sem_alloc : memref<!tpu.dma_semaphore, #tpu.memory_space<semaphore_mem>>
      %dma_start3A_152 = arith.constant 0 : i32
      %dma_start3A_153 = arith.constant 0 : i32
      %dma_start3A_154 = tpu.memref_slice %arg3[%run_scoped3A_3, %dma_start3A_152, %dma_start3A_153] : memref<2x2560x128xi32, #tpu.memory_space<hbm>> -> memref<1x2560x128xi32, #tpu.memory_space<hbm>>
      %dma_start3A_155 = tpu.memref_squeeze %dma_start3A_154 : memref<1x2560x128xi32, #tpu.memory_space<hbm>> -> memref<2560x128xi32, #tpu.memory_space<hbm>>
      %dma_start3A_156 = arith.constant 0 : i32
      %dma_start3A_157 = tpu.memref_slice %dma_start3A_155[%mul3A_2, %dma_start3A_156] : memref<2560x128xi32, #tpu.memory_space<hbm>> -> memref<160x128xi32, #tpu.memory_space<hbm>>
      %dma_start3A_158 = arith.constant 0 : i32
      %dma_start3A_159 = arith.constant 0 : i32
      %dma_start3A_160 = tpu.memref_slice %arg3[%run_scoped3A_3, %dma_start3A_158, %dma_start3A_159] : memref<2x2560x128xi32, #tpu.memory_space<hbm>> -> memref<1x2560x128xi32, #tpu.memory_space<hbm>>
      %dma_start3A_161 = tpu.memref_squeeze %dma_start3A_160 : memref<1x2560x128xi32, #tpu.memory_space<hbm>> -> memref<2560x128xi32, #tpu.memory_space<hbm>>
      %dma_start3A_162 = arith.constant 0 : i32
      %dma_start3A_163 = tpu.memref_slice %dma_start3A_161[%mul3A_2, %dma_start3A_162] : memref<2560x128xi32, #tpu.memory_space<hbm>> -> memref<160x128xi32, #tpu.memory_space<hbm>>
      tpu.enqueue_dma source(%dma_start3A_163 : memref<160x128xi32, #tpu.memory_space<hbm>>) target(%arg7 : memref<160x128xi32, #tpu.memory_space<vmem>>) target_semaphore(%run_scoped3A_151 : memref<!tpu.dma_semaphore, #tpu.memory_space<semaphore_mem>>)
      %dma_wait3A_164 = arith.constant 0 : i32
      %dma_wait3A_165 = arith.constant 0 : i32
      %dma_wait3A_166 = tpu.memref_slice %arg3[%run_scoped3A_3, %dma_wait3A_164, %dma_wait3A_165] : memref<2x2560x128xi32, #tpu.memory_space<hbm>> -> memref<1x2560x128xi32, #tpu.memory_space<hbm>>
      %dma_wait3A_167 = tpu.memref_squeeze %dma_wait3A_166 : memref<1x2560x128xi32, #tpu.memory_space<hbm>> -> memref<2560x128xi32, #tpu.memory_space<hbm>>
      %dma_wait3A_168 = arith.constant 0 : i32
      %dma_wait3A_169 = tpu.memref_slice %dma_wait3A_167[%mul3A_2, %dma_wait3A_168] : memref<2560x128xi32, #tpu.memory_space<hbm>> -> memref<160x128xi32, #tpu.memory_space<hbm>>
      %dma_wait3A_170 = arith.constant 0 : i32
      %dma_wait3A_171 = arith.constant 0 : i32
      %dma_wait3A_172 = tpu.memref_slice %arg3[%run_scoped3A_3, %dma_wait3A_170, %dma_wait3A_171] : memref<2x2560x128xi32, #tpu.memory_space<hbm>> -> memref<1x2560x128xi32, #tpu.memory_space<hbm>>
      %dma_wait3A_173 = tpu.memref_squeeze %dma_wait3A_172 : memref<1x2560x128xi32, #tpu.memory_space<hbm>> -> memref<2560x128xi32, #tpu.memory_space<hbm>>
      %dma_wait3A_174 = arith.constant 0 : i32
      %dma_wait3A_175 = tpu.memref_slice %dma_wait3A_173[%mul3A_2, %dma_wait3A_174] : memref<2560x128xi32, #tpu.memory_space<hbm>> -> memref<160x128xi32, #tpu.memory_space<hbm>>
      tpu.wait_dma2 semaphore(%run_scoped3A_151 : memref<!tpu.dma_semaphore, #tpu.memory_space<semaphore_mem>>) src(%dma_wait3A_175 : memref<160x128xi32, #tpu.memory_space<hbm>>) dst(%arg7 : memref<160x128xi32, #tpu.memory_space<vmem>>)
      tpu.yield
    }) : () -> ()
    "tpu.region"() ({
      %run_scoped3A_151 = tpu.sem_alloc : memref<!tpu.dma_semaphore, #tpu.memory_space<semaphore_mem>>
      %dma_start3A_152 = arith.constant 0 : i32
      %dma_start3A_153 = tpu.memref_slice %arg9[%mul3A_0, %dma_start3A_152] : memref<10240x32xf32, #tpu.memory_space<vmem_shared>> -> memref<640x32xf32, #tpu.memory_space<vmem_shared>>
      %dma_start3A_154 = arith.constant 0 : i32
      %dma_start3A_155 = tpu.memref_slice %arg4[%mul3A_0, %dma_start3A_154] : memref<10240x32xf32, #tpu.memory_space<hbm>> -> memref<640x32xf32, #tpu.memory_space<hbm>>
      tpu.enqueue_dma source(%dma_start3A_155 : memref<640x32xf32, #tpu.memory_space<hbm>>) target(%dma_start3A_153 : memref<640x32xf32, #tpu.memory_space<vmem_shared>>) target_semaphore(%run_scoped3A_151 : memref<!tpu.dma_semaphore, #tpu.memory_space<semaphore_mem>>)
      %dma_wait3A_156 = arith.constant 0 : i32
      %dma_wait3A_157 = tpu.memref_slice %arg9[%mul3A_0, %dma_wait3A_156] : memref<10240x32xf32, #tpu.memory_space<vmem_shared>> -> memref<640x32xf32, #tpu.memory_space<vmem_shared>>
      %dma_wait3A_158 = arith.constant 0 : i32
      %dma_wait3A_159 = tpu.memref_slice %arg4[%mul3A_0, %dma_wait3A_158] : memref<10240x32xf32, #tpu.memory_space<hbm>> -> memref<640x32xf32, #tpu.memory_space<hbm>>
      tpu.wait_dma2 semaphore(%run_scoped3A_151 : memref<!tpu.dma_semaphore, #tpu.memory_space<semaphore_mem>>) src(%dma_wait3A_159 : memref<640x32xf32, #tpu.memory_space<hbm>>) dst(%dma_wait3A_157 : memref<640x32xf32, #tpu.memory_space<vmem_shared>>)
      tpu.yield
    }) : () -> ()
    "tpu.region"() ({
      %run_scoped3A_151 = tpu.sem_alloc : memref<!tpu.dma_semaphore, #tpu.memory_space<semaphore_mem>>
      %dma_start3A_152 = arith.constant 0 : i32
      %dma_start3A_153 = tpu.memref_slice %arg10[%mul3A_0, %dma_start3A_152] : memref<10240x32xf32, #tpu.memory_space<vmem_shared>> -> memref<640x32xf32, #tpu.memory_space<vmem_shared>>
      %dma_start3A_154 = arith.constant 0 : i32
      %dma_start3A_155 = arith.constant 0 : i32
      %dma_start3A_156 = tpu.memref_slice %arg2[%arg0, %dma_start3A_154, %dma_start3A_155] : memref<2x10240x128xf32, #tpu.memory_space<hbm>> -> memref<1x10240x128xf32, #tpu.memory_space<hbm>>
      %dma_start3A_157 = tpu.memref_squeeze %dma_start3A_156 : memref<1x10240x128xf32, #tpu.memory_space<hbm>> -> memref<10240x128xf32, #tpu.memory_space<hbm>>
      %dma_start3A_158 = arith.constant 0 : i32
      %dma_start3A_159 = tpu.memref_slice %dma_start3A_157[%mul3A_0, %dma_start3A_158] : memref<10240x128xf32, #tpu.memory_space<hbm>> -> memref<640x32xf32, #tpu.memory_space<hbm>>
      tpu.enqueue_dma source(%dma_start3A_159 : memref<640x32xf32, #tpu.memory_space<hbm>>) target(%dma_start3A_153 : memref<640x32xf32, #tpu.memory_space<vmem_shared>>) target_semaphore(%run_scoped3A_151 : memref<!tpu.dma_semaphore, #tpu.memory_space<semaphore_mem>>)
      %dma_wait3A_160 = arith.constant 0 : i32
      %dma_wait3A_161 = tpu.memref_slice %arg10[%mul3A_0, %dma_wait3A_160] : memref<10240x32xf32, #tpu.memory_space<vmem_shared>> -> memref<640x32xf32, #tpu.memory_space<vmem_shared>>
      %dma_wait3A_162 = arith.constant 0 : i32
      %dma_wait3A_163 = arith.constant 0 : i32
      %dma_wait3A_164 = tpu.memref_slice %arg2[%arg0, %dma_wait3A_162, %dma_wait3A_163] : memref<2x10240x128xf32, #tpu.memory_space<hbm>> -> memref<1x10240x128xf32, #tpu.memory_space<hbm>>
      %dma_wait3A_165 = tpu.memref_squeeze %dma_wait3A_164 : memref<1x10240x128xf32, #tpu.memory_space<hbm>> -> memref<10240x128xf32, #tpu.memory_space<hbm>>
      %dma_wait3A_166 = arith.constant 0 : i32
      %dma_wait3A_167 = tpu.memref_slice %dma_wait3A_165[%mul3A_0, %dma_wait3A_166] : memref<10240x128xf32, #tpu.memory_space<hbm>> -> memref<640x32xf32, #tpu.memory_space<hbm>>
      tpu.wait_dma2 semaphore(%run_scoped3A_151 : memref<!tpu.dma_semaphore, #tpu.memory_space<semaphore_mem>>) src(%dma_wait3A_167 : memref<640x32xf32, #tpu.memory_space<hbm>>) dst(%dma_wait3A_161 : memref<640x32xf32, #tpu.memory_space<vmem_shared>>)
      tpu.yield
    }) : () -> ()
    %barrier3A = arith.constant 0 : index
    tpu.barrier barrier_id(%barrier3A)
    %dma_start3A = arith.constant 0 : i32
    %dma_start3A_4 = arith.constant 0 : i32
    %dma_start3A_5 = arith.constant 0 : i32
    %dma_start3A_6 = arith.constant 0 : i32
    %dma_start3A_7 = tpu.memref_slice %arg8[%dma_start3A_4, %dma_start3A_5, %dma_start3A_6] : memref<8x128x32xf32, #tpu.memory_space<vmem>> -> memref<1x128x32xf32, #tpu.memory_space<vmem>>
    %dma_start3A_8 = tpu.memref_squeeze %dma_start3A_7 : memref<1x128x32xf32, #tpu.memory_space<vmem>> -> memref<128x32xf32, #tpu.memory_space<vmem>>
    %dma_start3A_9 = arith.constant 0 : i32
    %dma_start3A_10 = tpu.memref_slice %arg6[%dma_start3A, %dma_start3A_9] : memref<160x128xi32, #tpu.memory_space<vmem>> -> memref<1x128xi32, #tpu.memory_space<vmem>>
    %dma_start3A_11 = tpu.memref_squeeze %dma_start3A_10 : memref<1x128xi32, #tpu.memory_space<vmem>> -> memref<128xi32, #tpu.memory_space<vmem>>
    %dma_start3A_12 = arith.constant 0 : i32
    %dma_start3A_13 = arith.constant 0 : i32
    %dma_start3A_14 = tpu.memref_slice %arg10[%dma_start3A_12, %dma_start3A_13] : memref<10240x32xf32, #tpu.memory_space<vmem_shared>> -> memref<10240x32xf32, #tpu.memory_space<vmem_shared>>
    tpu.enqueue_indirect_dma source(%dma_start3A_14 : memref<10240x32xf32, #tpu.memory_space<vmem_shared>>) target(%dma_start3A_8 : memref<128x32xf32, #tpu.memory_space<vmem>>) offsets(%dma_start3A_11 : memref<128xi32, #tpu.memory_space<vmem>>) semaphore(%arg11 : memref<!tpu.dma_semaphore, #tpu.memory_space<semaphore_mem>>)
    %dma_start3A_15 = arith.constant 1 : i32
    %dma_start3A_16 = arith.constant 1 : i32
    %dma_start3A_17 = arith.constant 0 : i32
    %dma_start3A_18 = arith.constant 0 : i32
    %dma_start3A_19 = tpu.memref_slice %arg8[%dma_start3A_16, %dma_start3A_17, %dma_start3A_18] : memref<8x128x32xf32, #tpu.memory_space<vmem>> -> memref<1x128x32xf32, #tpu.memory_space<vmem>>
    %dma_start3A_20 = tpu.memref_squeeze %dma_start3A_19 : memref<1x128x32xf32, #tpu.memory_space<vmem>> -> memref<128x32xf32, #tpu.memory_space<vmem>>
    %dma_start3A_21 = arith.constant 0 : i32
    %dma_start3A_22 = tpu.memref_slice %arg6[%dma_start3A_15, %dma_start3A_21] : memref<160x128xi32, #tpu.memory_space<vmem>> -> memref<1x128xi32, #tpu.memory_space<vmem>>
    %dma_start3A_23 = tpu.memref_squeeze %dma_start3A_22 : memref<1x128xi32, #tpu.memory_space<vmem>> -> memref<128xi32, #tpu.memory_space<vmem>>
    %dma_start3A_24 = arith.constant 0 : i32
    %dma_start3A_25 = arith.constant 0 : i32
    %dma_start3A_26 = tpu.memref_slice %arg10[%dma_start3A_24, %dma_start3A_25] : memref<10240x32xf32, #tpu.memory_space<vmem_shared>> -> memref<10240x32xf32, #tpu.memory_space<vmem_shared>>
    tpu.enqueue_indirect_dma source(%dma_start3A_26 : memref<10240x32xf32, #tpu.memory_space<vmem_shared>>) target(%dma_start3A_20 : memref<128x32xf32, #tpu.memory_space<vmem>>) offsets(%dma_start3A_23 : memref<128xi32, #tpu.memory_space<vmem>>) semaphore(%arg12 : memref<!tpu.dma_semaphore, #tpu.memory_space<semaphore_mem>>)
    %dma_start3A_27 = arith.constant 2 : i32
    %dma_start3A_28 = arith.constant 2 : i32
    %dma_start3A_29 = arith.constant 0 : i32
    %dma_start3A_30 = arith.constant 0 : i32
    %dma_start3A_31 = tpu.memref_slice %arg8[%dma_start3A_28, %dma_start3A_29, %dma_start3A_30] : memref<8x128x32xf32, #tpu.memory_space<vmem>> -> memref<1x128x32xf32, #tpu.memory_space<vmem>>
    %dma_start3A_32 = tpu.memref_squeeze %dma_start3A_31 : memref<1x128x32xf32, #tpu.memory_space<vmem>> -> memref<128x32xf32, #tpu.memory_space<vmem>>
    %dma_start3A_33 = arith.constant 0 : i32
    %dma_start3A_34 = tpu.memref_slice %arg6[%dma_start3A_27, %dma_start3A_33] : memref<160x128xi32, #tpu.memory_space<vmem>> -> memref<1x128xi32, #tpu.memory_space<vmem>>
    %dma_start3A_35 = tpu.memref_squeeze %dma_start3A_34 : memref<1x128xi32, #tpu.memory_space<vmem>> -> memref<128xi32, #tpu.memory_space<vmem>>
    %dma_start3A_36 = arith.constant 0 : i32
    %dma_start3A_37 = arith.constant 0 : i32
    %dma_start3A_38 = tpu.memref_slice %arg10[%dma_start3A_36, %dma_start3A_37] : memref<10240x32xf32, #tpu.memory_space<vmem_shared>> -> memref<10240x32xf32, #tpu.memory_space<vmem_shared>>
    tpu.enqueue_indirect_dma source(%dma_start3A_38 : memref<10240x32xf32, #tpu.memory_space<vmem_shared>>) target(%dma_start3A_32 : memref<128x32xf32, #tpu.memory_space<vmem>>) offsets(%dma_start3A_35 : memref<128xi32, #tpu.memory_space<vmem>>) semaphore(%arg13 : memref<!tpu.dma_semaphore, #tpu.memory_space<semaphore_mem>>)
    %dma_start3A_39 = arith.constant 3 : i32
    %dma_start3A_40 = arith.constant 3 : i32
    %dma_start3A_41 = arith.constant 0 : i32
    %dma_start3A_42 = arith.constant 0 : i32
    %dma_start3A_43 = tpu.memref_slice %arg8[%dma_start3A_40, %dma_start3A_41, %dma_start3A_42] : memref<8x128x32xf32, #tpu.memory_space<vmem>> -> memref<1x128x32xf32, #tpu.memory_space<vmem>>
    %dma_start3A_44 = tpu.memref_squeeze %dma_start3A_43 : memref<1x128x32xf32, #tpu.memory_space<vmem>> -> memref<128x32xf32, #tpu.memory_space<vmem>>
    %dma_start3A_45 = arith.constant 0 : i32
    %dma_start3A_46 = tpu.memref_slice %arg6[%dma_start3A_39, %dma_start3A_45] : memref<160x128xi32, #tpu.memory_space<vmem>> -> memref<1x128xi32, #tpu.memory_space<vmem>>
    %dma_start3A_47 = tpu.memref_squeeze %dma_start3A_46 : memref<1x128xi32, #tpu.memory_space<vmem>> -> memref<128xi32, #tpu.memory_space<vmem>>
    %dma_start3A_48 = arith.constant 0 : i32
    %dma_start3A_49 = arith.constant 0 : i32
    %dma_start3A_50 = tpu.memref_slice %arg10[%dma_start3A_48, %dma_start3A_49] : memref<10240x32xf32, #tpu.memory_space<vmem_shared>> -> memref<10240x32xf32, #tpu.memory_space<vmem_shared>>
    tpu.enqueue_indirect_dma source(%dma_start3A_50 : memref<10240x32xf32, #tpu.memory_space<vmem_shared>>) target(%dma_start3A_44 : memref<128x32xf32, #tpu.memory_space<vmem>>) offsets(%dma_start3A_47 : memref<128xi32, #tpu.memory_space<vmem>>) semaphore(%arg14 : memref<!tpu.dma_semaphore, #tpu.memory_space<semaphore_mem>>)
    %scan3A = arith.constant 0 : i32
    %scan3A_51 = arith.constant 20 : i32
    %scan3A_52 = arith.addi %scan3A, %scan3A_51 : i32
    %scan3A_53 = arith.constant 1 : i32
    scf.for %scan3A_151 = %scan3A to %scan3A_52 step %scan3A_53  : i32 {
      %mul3A_152 = arith.constant 1 : i32
      %mul3A_153 = arith.muli %scan3A_151, %mul3A_152 : i32
      %add3A = arith.constant 0 : i32
      %add3A_154 = arith.addi %add3A, %mul3A_153 : i32
      %mul3A_155 = arith.constant 8 : i32
      %mul3A_156 = arith.muli %add3A_154, %mul3A_155 : i32
      %add3A_157 = arith.constant 0 : i32
      %add3A_158 = arith.addi %mul3A_156, %add3A_157 : i32
      %add3A_159 = arith.constant 4 : i32
      %add3A_160 = arith.addi %add3A_158, %add3A_159 : i32
      %lt3A = arith.constant 160 : i32
      %lt3A_161 = arith.cmpi slt, %add3A_160, %lt3A : i32
      %convert_element_type3A = arith.extui %lt3A_161 : i1 to i32
      %cond3A = arith.constant 0 : i32
      %cond3A_162 = arith.cmpi ne, %convert_element_type3A, %cond3A : i32
      scf.if %cond3A_162 {
        %ge3A = arith.constant 4 : i32
        %ge3A_410 = arith.cmpi sge, %add3A_158, %ge3A : i32
        %convert_element_type3A_411 = arith.extui %ge3A_410 : i1 to i32
        %cond3A_412 = arith.constant 0 : i32
        %cond3A_413 = arith.cmpi ne, %convert_element_type3A_411, %cond3A_412 : i32
        scf.if %cond3A_413 {
          %dma_wait3A_427 = arith.constant 4 : i32
          %dma_wait3A_428 = arith.constant 0 : i32
          %dma_wait3A_429 = arith.constant 0 : i32
          %dma_wait3A_430 = arith.constant 0 : i32
          %dma_wait3A_431 = tpu.memref_slice %arg8[%dma_wait3A_427, %dma_wait3A_429, %dma_wait3A_430] : memref<8x128x32xf32, #tpu.memory_space<vmem>> -> memref<1x128x32xf32, #tpu.memory_space<vmem>>
          %dma_wait3A_432 = tpu.memref_squeeze %dma_wait3A_431 : memref<1x128x32xf32, #tpu.memory_space<vmem>> -> memref<128x32xf32, #tpu.memory_space<vmem>>
          %dma_wait3A_433 = arith.constant 0 : i32
          %dma_wait3A_434 = tpu.memref_slice %arg7[%dma_wait3A_428, %dma_wait3A_433] : memref<160x128xi32, #tpu.memory_space<vmem>> -> memref<1x128xi32, #tpu.memory_space<vmem>>
          %dma_wait3A_435 = tpu.memref_squeeze %dma_wait3A_434 : memref<1x128xi32, #tpu.memory_space<vmem>> -> memref<128xi32, #tpu.memory_space<vmem>>
          %dma_wait3A_436 = arith.constant 0 : i32
          %dma_wait3A_437 = arith.constant 0 : i32
          %dma_wait3A_438 = tpu.memref_slice %arg9[%dma_wait3A_436, %dma_wait3A_437] : memref<10240x32xf32, #tpu.memory_space<vmem_shared>> -> memref<10240x32xf32, #tpu.memory_space<vmem_shared>>
          tpu.wait_indirect_dma semaphore(%arg23 : memref<!tpu.dma_semaphore, #tpu.memory_space<semaphore_mem>>) src(%dma_wait3A_432 : memref<128x32xf32, #tpu.memory_space<vmem>>) dst(%dma_wait3A_438 : memref<10240x32xf32, #tpu.memory_space<vmem_shared>>)
        } else {
        }
        %add3A_414 = arith.constant 4 : i32
        %add3A_415 = arith.addi %add3A_158, %add3A_414 : i32
        %dma_start3A_416 = arith.constant 4 : i32
        %dma_start3A_417 = arith.constant 0 : i32
        %dma_start3A_418 = arith.constant 0 : i32
        %dma_start3A_419 = tpu.memref_slice %arg8[%dma_start3A_416, %dma_start3A_417, %dma_start3A_418] : memref<8x128x32xf32, #tpu.memory_space<vmem>> -> memref<1x128x32xf32, #tpu.memory_space<vmem>>
        %dma_start3A_420 = tpu.memref_squeeze %dma_start3A_419 : memref<1x128x32xf32, #tpu.memory_space<vmem>> -> memref<128x32xf32, #tpu.memory_space<vmem>>
        %dma_start3A_421 = arith.constant 0 : i32
        %dma_start3A_422 = tpu.memref_slice %arg6[%add3A_415, %dma_start3A_421] : memref<160x128xi32, #tpu.memory_space<vmem>> -> memref<1x128xi32, #tpu.memory_space<vmem>>
        %dma_start3A_423 = tpu.memref_squeeze %dma_start3A_422 : memref<1x128xi32, #tpu.memory_space<vmem>> -> memref<128xi32, #tpu.memory_space<vmem>>
        %dma_start3A_424 = arith.constant 0 : i32
        %dma_start3A_425 = arith.constant 0 : i32
        %dma_start3A_426 = tpu.memref_slice %arg10[%dma_start3A_424, %dma_start3A_425] : memref<10240x32xf32, #tpu.memory_space<vmem_shared>> -> memref<10240x32xf32, #tpu.memory_space<vmem_shared>>
        tpu.enqueue_indirect_dma source(%dma_start3A_426 : memref<10240x32xf32, #tpu.memory_space<vmem_shared>>) target(%dma_start3A_420 : memref<128x32xf32, #tpu.memory_space<vmem>>) offsets(%dma_start3A_423 : memref<128xi32, #tpu.memory_space<vmem>>) semaphore(%arg15 : memref<!tpu.dma_semaphore, #tpu.memory_space<semaphore_mem>>)
      } else {
      }
      %dma_wait3A_163 = arith.constant 0 : i32
      %dma_wait3A_164 = arith.constant 0 : i32
      %dma_wait3A_165 = arith.constant 0 : i32
      %dma_wait3A_166 = arith.constant 0 : i32
      %dma_wait3A_167 = tpu.memref_slice %arg8[%dma_wait3A_164, %dma_wait3A_165, %dma_wait3A_166] : memref<8x128x32xf32, #tpu.memory_space<vmem>> -> memref<1x128x32xf32, #tpu.memory_space<vmem>>
      %dma_wait3A_168 = tpu.memref_squeeze %dma_wait3A_167 : memref<1x128x32xf32, #tpu.memory_space<vmem>> -> memref<128x32xf32, #tpu.memory_space<vmem>>
      %dma_wait3A_169 = arith.constant 0 : i32
      %dma_wait3A_170 = tpu.memref_slice %arg6[%dma_wait3A_163, %dma_wait3A_169] : memref<160x128xi32, #tpu.memory_space<vmem>> -> memref<1x128xi32, #tpu.memory_space<vmem>>
      %dma_wait3A_171 = tpu.memref_squeeze %dma_wait3A_170 : memref<1x128xi32, #tpu.memory_space<vmem>> -> memref<128xi32, #tpu.memory_space<vmem>>
      %dma_wait3A_172 = arith.constant 0 : i32
      %dma_wait3A_173 = arith.constant 0 : i32
      %dma_wait3A_174 = tpu.memref_slice %arg10[%dma_wait3A_172, %dma_wait3A_173] : memref<10240x32xf32, #tpu.memory_space<vmem_shared>> -> memref<10240x32xf32, #tpu.memory_space<vmem_shared>>
      tpu.wait_indirect_dma semaphore(%arg11 : memref<!tpu.dma_semaphore, #tpu.memory_space<semaphore_mem>>) src(%dma_wait3A_174 : memref<10240x32xf32, #tpu.memory_space<vmem_shared>>) dst(%dma_wait3A_168 : memref<128x32xf32, #tpu.memory_space<vmem>>)
      %dma_start3A_175 = arith.constant 0 : i32
      %dma_start3A_176 = arith.constant 0 : i32
      %dma_start3A_177 = arith.constant 0 : i32
      %dma_start3A_178 = tpu.memref_slice %arg8[%dma_start3A_175, %dma_start3A_176, %dma_start3A_177] : memref<8x128x32xf32, #tpu.memory_space<vmem>> -> memref<1x128x32xf32, #tpu.memory_space<vmem>>
      %dma_start3A_179 = tpu.memref_squeeze %dma_start3A_178 : memref<1x128x32xf32, #tpu.memory_space<vmem>> -> memref<128x32xf32, #tpu.memory_space<vmem>>
      %dma_start3A_180 = arith.constant 0 : i32
      %dma_start3A_181 = tpu.memref_slice %arg7[%add3A_158, %dma_start3A_180] : memref<160x128xi32, #tpu.memory_space<vmem>> -> memref<1x128xi32, #tpu.memory_space<vmem>>
      %dma_start3A_182 = tpu.memref_squeeze %dma_start3A_181 : memref<1x128xi32, #tpu.memory_space<vmem>> -> memref<128xi32, #tpu.memory_space<vmem>>
      %dma_start3A_183 = arith.constant 0 : i32
      %dma_start3A_184 = arith.constant 0 : i32
      %dma_start3A_185 = tpu.memref_slice %arg9[%dma_start3A_183, %dma_start3A_184] : memref<10240x32xf32, #tpu.memory_space<vmem_shared>> -> memref<10240x32xf32, #tpu.memory_space<vmem_shared>>
      tpu.enqueue_indirect_dma source(%dma_start3A_179 : memref<128x32xf32, #tpu.memory_space<vmem>>) target(%dma_start3A_185 : memref<10240x32xf32, #tpu.memory_space<vmem_shared>>) offsets(%dma_start3A_182 : memref<128xi32, #tpu.memory_space<vmem>>) semaphore(%arg19 : memref<!tpu.dma_semaphore, #tpu.memory_space<semaphore_mem>>) {add = true}
      %add3A_186 = arith.constant 1 : i32
      %add3A_187 = arith.addi %mul3A_156, %add3A_186 : i32
      %add3A_188 = arith.constant 4 : i32
      %add3A_189 = arith.addi %add3A_187, %add3A_188 : i32
      %lt3A_190 = arith.constant 160 : i32
      %lt3A_191 = arith.cmpi slt, %add3A_189, %lt3A_190 : i32
      %convert_element_type3A_192 = arith.extui %lt3A_191 : i1 to i32
      %cond3A_193 = arith.constant 0 : i32
      %cond3A_194 = arith.cmpi ne, %convert_element_type3A_192, %cond3A_193 : i32
      scf.if %cond3A_194 {
        %ge3A = arith.constant 4 : i32
        %ge3A_410 = arith.cmpi sge, %add3A_187, %ge3A : i32
        %convert_element_type3A_411 = arith.extui %ge3A_410 : i1 to i32
        %cond3A_412 = arith.constant 0 : i32
        %cond3A_413 = arith.cmpi ne, %convert_element_type3A_411, %cond3A_412 : i32
        scf.if %cond3A_413 {
          %dma_wait3A_427 = arith.constant 5 : i32
          %dma_wait3A_428 = arith.constant 0 : i32
          %dma_wait3A_429 = arith.constant 0 : i32
          %dma_wait3A_430 = arith.constant 0 : i32
          %dma_wait3A_431 = tpu.memref_slice %arg8[%dma_wait3A_427, %dma_wait3A_429, %dma_wait3A_430] : memref<8x128x32xf32, #tpu.memory_space<vmem>> -> memref<1x128x32xf32, #tpu.memory_space<vmem>>
          %dma_wait3A_432 = tpu.memref_squeeze %dma_wait3A_431 : memref<1x128x32xf32, #tpu.memory_space<vmem>> -> memref<128x32xf32, #tpu.memory_space<vmem>>
          %dma_wait3A_433 = arith.constant 0 : i32
          %dma_wait3A_434 = tpu.memref_slice %arg7[%dma_wait3A_428, %dma_wait3A_433] : memref<160x128xi32, #tpu.memory_space<vmem>> -> memref<1x128xi32, #tpu.memory_space<vmem>>
          %dma_wait3A_435 = tpu.memref_squeeze %dma_wait3A_434 : memref<1x128xi32, #tpu.memory_space<vmem>> -> memref<128xi32, #tpu.memory_space<vmem>>
          %dma_wait3A_436 = arith.constant 0 : i32
          %dma_wait3A_437 = arith.constant 0 : i32
          %dma_wait3A_438 = tpu.memref_slice %arg9[%dma_wait3A_436, %dma_wait3A_437] : memref<10240x32xf32, #tpu.memory_space<vmem_shared>> -> memref<10240x32xf32, #tpu.memory_space<vmem_shared>>
          tpu.wait_indirect_dma semaphore(%arg24 : memref<!tpu.dma_semaphore, #tpu.memory_space<semaphore_mem>>) src(%dma_wait3A_432 : memref<128x32xf32, #tpu.memory_space<vmem>>) dst(%dma_wait3A_438 : memref<10240x32xf32, #tpu.memory_space<vmem_shared>>)
        } else {
        }
        %add3A_414 = arith.constant 4 : i32
        %add3A_415 = arith.addi %add3A_187, %add3A_414 : i32
        %dma_start3A_416 = arith.constant 5 : i32
        %dma_start3A_417 = arith.constant 0 : i32
        %dma_start3A_418 = arith.constant 0 : i32
        %dma_start3A_419 = tpu.memref_slice %arg8[%dma_start3A_416, %dma_start3A_417, %dma_start3A_418] : memref<8x128x32xf32, #tpu.memory_space<vmem>> -> memref<1x128x32xf32, #tpu.memory_space<vmem>>
        %dma_start3A_420 = tpu.memref_squeeze %dma_start3A_419 : memref<1x128x32xf32, #tpu.memory_space<vmem>> -> memref<128x32xf32, #tpu.memory_space<vmem>>
        %dma_start3A_421 = arith.constant 0 : i32
        %dma_start3A_422 = tpu.memref_slice %arg6[%add3A_415, %dma_start3A_421] : memref<160x128xi32, #tpu.memory_space<vmem>> -> memref<1x128xi32, #tpu.memory_space<vmem>>
        %dma_start3A_423 = tpu.memref_squeeze %dma_start3A_422 : memref<1x128xi32, #tpu.memory_space<vmem>> -> memref<128xi32, #tpu.memory_space<vmem>>
        %dma_start3A_424 = arith.constant 0 : i32
        %dma_start3A_425 = arith.constant 0 : i32
        %dma_start3A_426 = tpu.memref_slice %arg10[%dma_start3A_424, %dma_start3A_425] : memref<10240x32xf32, #tpu.memory_space<vmem_shared>> -> memref<10240x32xf32, #tpu.memory_space<vmem_shared>>
        tpu.enqueue_indirect_dma source(%dma_start3A_426 : memref<10240x32xf32, #tpu.memory_space<vmem_shared>>) target(%dma_start3A_420 : memref<128x32xf32, #tpu.memory_space<vmem>>) offsets(%dma_start3A_423 : memref<128xi32, #tpu.memory_space<vmem>>) semaphore(%arg16 : memref<!tpu.dma_semaphore, #tpu.memory_space<semaphore_mem>>)
      } else {
      }
      %dma_wait3A_195 = arith.constant 0 : i32
      %dma_wait3A_196 = arith.constant 1 : i32
      %dma_wait3A_197 = arith.constant 0 : i32
      %dma_wait3A_198 = arith.constant 0 : i32
      %dma_wait3A_199 = tpu.memref_slice %arg8[%dma_wait3A_196, %dma_wait3A_197, %dma_wait3A_198] : memref<8x128x32xf32, #tpu.memory_space<vmem>> -> memref<1x128x32xf32, #tpu.memory_space<vmem>>
      %dma_wait3A_200 = tpu.memref_squeeze %dma_wait3A_199 : memref<1x128x32xf32, #tpu.memory_space<vmem>> -> memref<128x32xf32, #tpu.memory_space<vmem>>
      %dma_wait3A_201 = arith.constant 0 : i32
      %dma_wait3A_202 = tpu.memref_slice %arg6[%dma_wait3A_195, %dma_wait3A_201] : memref<160x128xi32, #tpu.memory_space<vmem>> -> memref<1x128xi32, #tpu.memory_space<vmem>>
      %dma_wait3A_203 = tpu.memref_squeeze %dma_wait3A_202 : memref<1x128xi32, #tpu.memory_space<vmem>> -> memref<128xi32, #tpu.memory_space<vmem>>
      %dma_wait3A_204 = arith.constant 0 : i32
      %dma_wait3A_205 = arith.constant 0 : i32
      %dma_wait3A_206 = tpu.memref_slice %arg10[%dma_wait3A_204, %dma_wait3A_205] : memref<10240x32xf32, #tpu.memory_space<vmem_shared>> -> memref<10240x32xf32, #tpu.memory_space<vmem_shared>>
      tpu.wait_indirect_dma semaphore(%arg12 : memref<!tpu.dma_semaphore, #tpu.memory_space<semaphore_mem>>) src(%dma_wait3A_206 : memref<10240x32xf32, #tpu.memory_space<vmem_shared>>) dst(%dma_wait3A_200 : memref<128x32xf32, #tpu.memory_space<vmem>>)
      %dma_start3A_207 = arith.constant 1 : i32
      %dma_start3A_208 = arith.constant 0 : i32
      %dma_start3A_209 = arith.constant 0 : i32
      %dma_start3A_210 = tpu.memref_slice %arg8[%dma_start3A_207, %dma_start3A_208, %dma_start3A_209] : memref<8x128x32xf32, #tpu.memory_space<vmem>> -> memref<1x128x32xf32, #tpu.memory_space<vmem>>
      %dma_start3A_211 = tpu.memref_squeeze %dma_start3A_210 : memref<1x128x32xf32, #tpu.memory_space<vmem>> -> memref<128x32xf32, #tpu.memory_space<vmem>>
      %dma_start3A_212 = arith.constant 0 : i32
      %dma_start3A_213 = tpu.memref_slice %arg7[%add3A_187, %dma_start3A_212] : memref<160x128xi32, #tpu.memory_space<vmem>> -> memref<1x128xi32, #tpu.memory_space<vmem>>
      %dma_start3A_214 = tpu.memref_squeeze %dma_start3A_213 : memref<1x128xi32, #tpu.memory_space<vmem>> -> memref<128xi32, #tpu.memory_space<vmem>>
      %dma_start3A_215 = arith.constant 0 : i32
      %dma_start3A_216 = arith.constant 0 : i32
      %dma_start3A_217 = tpu.memref_slice %arg9[%dma_start3A_215, %dma_start3A_216] : memref<10240x32xf32, #tpu.memory_space<vmem_shared>> -> memref<10240x32xf32, #tpu.memory_space<vmem_shared>>
      tpu.enqueue_indirect_dma source(%dma_start3A_211 : memref<128x32xf32, #tpu.memory_space<vmem>>) target(%dma_start3A_217 : memref<10240x32xf32, #tpu.memory_space<vmem_shared>>) offsets(%dma_start3A_214 : memref<128xi32, #tpu.memory_space<vmem>>) semaphore(%arg20 : memref<!tpu.dma_semaphore, #tpu.memory_space<semaphore_mem>>) {add = true}
      %add3A_218 = arith.constant 2 : i32
      %add3A_219 = arith.addi %mul3A_156, %add3A_218 : i32
      %add3A_220 = arith.constant 4 : i32
      %add3A_221 = arith.addi %add3A_219, %add3A_220 : i32
      %lt3A_222 = arith.constant 160 : i32
      %lt3A_223 = arith.cmpi slt, %add3A_221, %lt3A_222 : i32
      %convert_element_type3A_224 = arith.extui %lt3A_223 : i1 to i32
      %cond3A_225 = arith.constant 0 : i32
      %cond3A_226 = arith.cmpi ne, %convert_element_type3A_224, %cond3A_225 : i32
      scf.if %cond3A_226 {
        %ge3A = arith.constant 4 : i32
        %ge3A_410 = arith.cmpi sge, %add3A_219, %ge3A : i32
        %convert_element_type3A_411 = arith.extui %ge3A_410 : i1 to i32
        %cond3A_412 = arith.constant 0 : i32
        %cond3A_413 = arith.cmpi ne, %convert_element_type3A_411, %cond3A_412 : i32
        scf.if %cond3A_413 {
          %dma_wait3A_427 = arith.constant 6 : i32
          %dma_wait3A_428 = arith.constant 0 : i32
          %dma_wait3A_429 = arith.constant 0 : i32
          %dma_wait3A_430 = arith.constant 0 : i32
          %dma_wait3A_431 = tpu.memref_slice %arg8[%dma_wait3A_427, %dma_wait3A_429, %dma_wait3A_430] : memref<8x128x32xf32, #tpu.memory_space<vmem>> -> memref<1x128x32xf32, #tpu.memory_space<vmem>>
          %dma_wait3A_432 = tpu.memref_squeeze %dma_wait3A_431 : memref<1x128x32xf32, #tpu.memory_space<vmem>> -> memref<128x32xf32, #tpu.memory_space<vmem>>
          %dma_wait3A_433 = arith.constant 0 : i32
          %dma_wait3A_434 = tpu.memref_slice %arg7[%dma_wait3A_428, %dma_wait3A_433] : memref<160x128xi32, #tpu.memory_space<vmem>> -> memref<1x128xi32, #tpu.memory_space<vmem>>
          %dma_wait3A_435 = tpu.memref_squeeze %dma_wait3A_434 : memref<1x128xi32, #tpu.memory_space<vmem>> -> memref<128xi32, #tpu.memory_space<vmem>>
          %dma_wait3A_436 = arith.constant 0 : i32
          %dma_wait3A_437 = arith.constant 0 : i32
          %dma_wait3A_438 = tpu.memref_slice %arg9[%dma_wait3A_436, %dma_wait3A_437] : memref<10240x32xf32, #tpu.memory_space<vmem_shared>> -> memref<10240x32xf32, #tpu.memory_space<vmem_shared>>
          tpu.wait_indirect_dma semaphore(%arg25 : memref<!tpu.dma_semaphore, #tpu.memory_space<semaphore_mem>>) src(%dma_wait3A_432 : memref<128x32xf32, #tpu.memory_space<vmem>>) dst(%dma_wait3A_438 : memref<10240x32xf32, #tpu.memory_space<vmem_shared>>)
        } else {
        }
        %add3A_414 = arith.constant 4 : i32
        %add3A_415 = arith.addi %add3A_219, %add3A_414 : i32
        %dma_start3A_416 = arith.constant 6 : i32
        %dma_start3A_417 = arith.constant 0 : i32
        %dma_start3A_418 = arith.constant 0 : i32
        %dma_start3A_419 = tpu.memref_slice %arg8[%dma_start3A_416, %dma_start3A_417, %dma_start3A_418] : memref<8x128x32xf32, #tpu.memory_space<vmem>> -> memref<1x128x32xf32, #tpu.memory_space<vmem>>
        %dma_start3A_420 = tpu.memref_squeeze %dma_start3A_419 : memref<1x128x32xf32, #tpu.memory_space<vmem>> -> memref<128x32xf32, #tpu.memory_space<vmem>>
        %dma_start3A_421 = arith.constant 0 : i32
        %dma_start3A_422 = tpu.memref_slice %arg6[%add3A_415, %dma_start3A_421] : memref<160x128xi32, #tpu.memory_space<vmem>> -> memref<1x128xi32, #tpu.memory_space<vmem>>
        %dma_start3A_423 = tpu.memref_squeeze %dma_start3A_422 : memref<1x128xi32, #tpu.memory_space<vmem>> -> memref<128xi32, #tpu.memory_space<vmem>>
        %dma_start3A_424 = arith.constant 0 : i32
        %dma_start3A_425 = arith.constant 0 : i32
        %dma_start3A_426 = tpu.memref_slice %arg10[%dma_start3A_424, %dma_start3A_425] : memref<10240x32xf32, #tpu.memory_space<vmem_shared>> -> memref<10240x32xf32, #tpu.memory_space<vmem_shared>>
        tpu.enqueue_indirect_dma source(%dma_start3A_426 : memref<10240x32xf32, #tpu.memory_space<vmem_shared>>) target(%dma_start3A_420 : memref<128x32xf32, #tpu.memory_space<vmem>>) offsets(%dma_start3A_423 : memref<128xi32, #tpu.memory_space<vmem>>) semaphore(%arg17 : memref<!tpu.dma_semaphore, #tpu.memory_space<semaphore_mem>>)
      } else {
      }
      %dma_wait3A_227 = arith.constant 0 : i32
      %dma_wait3A_228 = arith.constant 2 : i32
      %dma_wait3A_229 = arith.constant 0 : i32
      %dma_wait3A_230 = arith.constant 0 : i32
      %dma_wait3A_231 = tpu.memref_slice %arg8[%dma_wait3A_228, %dma_wait3A_229, %dma_wait3A_230] : memref<8x128x32xf32, #tpu.memory_space<vmem>> -> memref<1x128x32xf32, #tpu.memory_space<vmem>>
      %dma_wait3A_232 = tpu.memref_squeeze %dma_wait3A_231 : memref<1x128x32xf32, #tpu.memory_space<vmem>> -> memref<128x32xf32, #tpu.memory_space<vmem>>
      %dma_wait3A_233 = arith.constant 0 : i32
      %dma_wait3A_234 = tpu.memref_slice %arg6[%dma_wait3A_227, %dma_wait3A_233] : memref<160x128xi32, #tpu.memory_space<vmem>> -> memref<1x128xi32, #tpu.memory_space<vmem>>
      %dma_wait3A_235 = tpu.memref_squeeze %dma_wait3A_234 : memref<1x128xi32, #tpu.memory_space<vmem>> -> memref<128xi32, #tpu.memory_space<vmem>>
      %dma_wait3A_236 = arith.constant 0 : i32
      %dma_wait3A_237 = arith.constant 0 : i32
      %dma_wait3A_238 = tpu.memref_slice %arg10[%dma_wait3A_236, %dma_wait3A_237] : memref<10240x32xf32, #tpu.memory_space<vmem_shared>> -> memref<10240x32xf32, #tpu.memory_space<vmem_shared>>
      tpu.wait_indirect_dma semaphore(%arg13 : memref<!tpu.dma_semaphore, #tpu.memory_space<semaphore_mem>>) src(%dma_wait3A_238 : memref<10240x32xf32, #tpu.memory_space<vmem_shared>>) dst(%dma_wait3A_232 : memref<128x32xf32, #tpu.memory_space<vmem>>)
      %dma_start3A_239 = arith.constant 2 : i32
      %dma_start3A_240 = arith.constant 0 : i32
      %dma_start3A_241 = arith.constant 0 : i32
      %dma_start3A_242 = tpu.memref_slice %arg8[%dma_start3A_239, %dma_start3A_240, %dma_start3A_241] : memref<8x128x32xf32, #tpu.memory_space<vmem>> -> memref<1x128x32xf32, #tpu.memory_space<vmem>>
      %dma_start3A_243 = tpu.memref_squeeze %dma_start3A_242 : memref<1x128x32xf32, #tpu.memory_space<vmem>> -> memref<128x32xf32, #tpu.memory_space<vmem>>
      %dma_start3A_244 = arith.constant 0 : i32
      %dma_start3A_245 = tpu.memref_slice %arg7[%add3A_219, %dma_start3A_244] : memref<160x128xi32, #tpu.memory_space<vmem>> -> memref<1x128xi32, #tpu.memory_space<vmem>>
      %dma_start3A_246 = tpu.memref_squeeze %dma_start3A_245 : memref<1x128xi32, #tpu.memory_space<vmem>> -> memref<128xi32, #tpu.memory_space<vmem>>
      %dma_start3A_247 = arith.constant 0 : i32
      %dma_start3A_248 = arith.constant 0 : i32
      %dma_start3A_249 = tpu.memref_slice %arg9[%dma_start3A_247, %dma_start3A_248] : memref<10240x32xf32, #tpu.memory_space<vmem_shared>> -> memref<10240x32xf32, #tpu.memory_space<vmem_shared>>
      tpu.enqueue_indirect_dma source(%dma_start3A_243 : memref<128x32xf32, #tpu.memory_space<vmem>>) target(%dma_start3A_249 : memref<10240x32xf32, #tpu.memory_space<vmem_shared>>) offsets(%dma_start3A_246 : memref<128xi32, #tpu.memory_space<vmem>>) semaphore(%arg21 : memref<!tpu.dma_semaphore, #tpu.memory_space<semaphore_mem>>) {add = true}
      %add3A_250 = arith.constant 3 : i32
      %add3A_251 = arith.addi %mul3A_156, %add3A_250 : i32
      %add3A_252 = arith.constant 4 : i32
      %add3A_253 = arith.addi %add3A_251, %add3A_252 : i32
      %lt3A_254 = arith.constant 160 : i32
      %lt3A_255 = arith.cmpi slt, %add3A_253, %lt3A_254 : i32
      %convert_element_type3A_256 = arith.extui %lt3A_255 : i1 to i32
      %cond3A_257 = arith.constant 0 : i32
      %cond3A_258 = arith.cmpi ne, %convert_element_type3A_256, %cond3A_257 : i32
      scf.if %cond3A_258 {
        %ge3A = arith.constant 4 : i32
        %ge3A_410 = arith.cmpi sge, %add3A_251, %ge3A : i32
        %convert_element_type3A_411 = arith.extui %ge3A_410 : i1 to i32
        %cond3A_412 = arith.constant 0 : i32
        %cond3A_413 = arith.cmpi ne, %convert_element_type3A_411, %cond3A_412 : i32
        scf.if %cond3A_413 {
          %dma_wait3A_427 = arith.constant 7 : i32
          %dma_wait3A_428 = arith.constant 0 : i32
          %dma_wait3A_429 = arith.constant 0 : i32
          %dma_wait3A_430 = arith.constant 0 : i32
          %dma_wait3A_431 = tpu.memref_slice %arg8[%dma_wait3A_427, %dma_wait3A_429, %dma_wait3A_430] : memref<8x128x32xf32, #tpu.memory_space<vmem>> -> memref<1x128x32xf32, #tpu.memory_space<vmem>>
          %dma_wait3A_432 = tpu.memref_squeeze %dma_wait3A_431 : memref<1x128x32xf32, #tpu.memory_space<vmem>> -> memref<128x32xf32, #tpu.memory_space<vmem>>
          %dma_wait3A_433 = arith.constant 0 : i32
          %dma_wait3A_434 = tpu.memref_slice %arg7[%dma_wait3A_428, %dma_wait3A_433] : memref<160x128xi32, #tpu.memory_space<vmem>> -> memref<1x128xi32, #tpu.memory_space<vmem>>
          %dma_wait3A_435 = tpu.memref_squeeze %dma_wait3A_434 : memref<1x128xi32, #tpu.memory_space<vmem>> -> memref<128xi32, #tpu.memory_space<vmem>>
          %dma_wait3A_436 = arith.constant 0 : i32
          %dma_wait3A_437 = arith.constant 0 : i32
          %dma_wait3A_438 = tpu.memref_slice %arg9[%dma_wait3A_436, %dma_wait3A_437] : memref<10240x32xf32, #tpu.memory_space<vmem_shared>> -> memref<10240x32xf32, #tpu.memory_space<vmem_shared>>
          tpu.wait_indirect_dma semaphore(%arg26 : memref<!tpu.dma_semaphore, #tpu.memory_space<semaphore_mem>>) src(%dma_wait3A_432 : memref<128x32xf32, #tpu.memory_space<vmem>>) dst(%dma_wait3A_438 : memref<10240x32xf32, #tpu.memory_space<vmem_shared>>)
        } else {
        }
        %add3A_414 = arith.constant 4 : i32
        %add3A_415 = arith.addi %add3A_251, %add3A_414 : i32
        %dma_start3A_416 = arith.constant 7 : i32
        %dma_start3A_417 = arith.constant 0 : i32
        %dma_start3A_418 = arith.constant 0 : i32
        %dma_start3A_419 = tpu.memref_slice %arg8[%dma_start3A_416, %dma_start3A_417, %dma_start3A_418] : memref<8x128x32xf32, #tpu.memory_space<vmem>> -> memref<1x128x32xf32, #tpu.memory_space<vmem>>
        %dma_start3A_420 = tpu.memref_squeeze %dma_start3A_419 : memref<1x128x32xf32, #tpu.memory_space<vmem>> -> memref<128x32xf32, #tpu.memory_space<vmem>>
        %dma_start3A_421 = arith.constant 0 : i32
        %dma_start3A_422 = tpu.memref_slice %arg6[%add3A_415, %dma_start3A_421] : memref<160x128xi32, #tpu.memory_space<vmem>> -> memref<1x128xi32, #tpu.memory_space<vmem>>
        %dma_start3A_423 = tpu.memref_squeeze %dma_start3A_422 : memref<1x128xi32, #tpu.memory_space<vmem>> -> memref<128xi32, #tpu.memory_space<vmem>>
        %dma_start3A_424 = arith.constant 0 : i32
        %dma_start3A_425 = arith.constant 0 : i32
        %dma_start3A_426 = tpu.memref_slice %arg10[%dma_start3A_424, %dma_start3A_425] : memref<10240x32xf32, #tpu.memory_space<vmem_shared>> -> memref<10240x32xf32, #tpu.memory_space<vmem_shared>>
        tpu.enqueue_indirect_dma source(%dma_start3A_426 : memref<10240x32xf32, #tpu.memory_space<vmem_shared>>) target(%dma_start3A_420 : memref<128x32xf32, #tpu.memory_space<vmem>>) offsets(%dma_start3A_423 : memref<128xi32, #tpu.memory_space<vmem>>) semaphore(%arg18 : memref<!tpu.dma_semaphore, #tpu.memory_space<semaphore_mem>>)
      } else {
      }
      %dma_wait3A_259 = arith.constant 0 : i32
      %dma_wait3A_260 = arith.constant 3 : i32
      %dma_wait3A_261 = arith.constant 0 : i32
      %dma_wait3A_262 = arith.constant 0 : i32
      %dma_wait3A_263 = tpu.memref_slice %arg8[%dma_wait3A_260, %dma_wait3A_261, %dma_wait3A_262] : memref<8x128x32xf32, #tpu.memory_space<vmem>> -> memref<1x128x32xf32, #tpu.memory_space<vmem>>
      %dma_wait3A_264 = tpu.memref_squeeze %dma_wait3A_263 : memref<1x128x32xf32, #tpu.memory_space<vmem>> -> memref<128x32xf32, #tpu.memory_space<vmem>>
      %dma_wait3A_265 = arith.constant 0 : i32
      %dma_wait3A_266 = tpu.memref_slice %arg6[%dma_wait3A_259, %dma_wait3A_265] : memref<160x128xi32, #tpu.memory_space<vmem>> -> memref<1x128xi32, #tpu.memory_space<vmem>>
      %dma_wait3A_267 = tpu.memref_squeeze %dma_wait3A_266 : memref<1x128xi32, #tpu.memory_space<vmem>> -> memref<128xi32, #tpu.memory_space<vmem>>
      %dma_wait3A_268 = arith.constant 0 : i32
      %dma_wait3A_269 = arith.constant 0 : i32
      %dma_wait3A_270 = tpu.memref_slice %arg10[%dma_wait3A_268, %dma_wait3A_269] : memref<10240x32xf32, #tpu.memory_space<vmem_shared>> -> memref<10240x32xf32, #tpu.memory_space<vmem_shared>>
      tpu.wait_indirect_dma semaphore(%arg14 : memref<!tpu.dma_semaphore, #tpu.memory_space<semaphore_mem>>) src(%dma_wait3A_270 : memref<10240x32xf32, #tpu.memory_space<vmem_shared>>) dst(%dma_wait3A_264 : memref<128x32xf32, #tpu.memory_space<vmem>>)
      %dma_start3A_271 = arith.constant 3 : i32
      %dma_start3A_272 = arith.constant 0 : i32
      %dma_start3A_273 = arith.constant 0 : i32
      %dma_start3A_274 = tpu.memref_slice %arg8[%dma_start3A_271, %dma_start3A_272, %dma_start3A_273] : memref<8x128x32xf32, #tpu.memory_space<vmem>> -> memref<1x128x32xf32, #tpu.memory_space<vmem>>
      %dma_start3A_275 = tpu.memref_squeeze %dma_start3A_274 : memref<1x128x32xf32, #tpu.memory_space<vmem>> -> memref<128x32xf32, #tpu.memory_space<vmem>>
      %dma_start3A_276 = arith.constant 0 : i32
      %dma_start3A_277 = tpu.memref_slice %arg7[%add3A_251, %dma_start3A_276] : memref<160x128xi32, #tpu.memory_space<vmem>> -> memref<1x128xi32, #tpu.memory_space<vmem>>
      %dma_start3A_278 = tpu.memref_squeeze %dma_start3A_277 : memref<1x128xi32, #tpu.memory_space<vmem>> -> memref<128xi32, #tpu.memory_space<vmem>>
      %dma_start3A_279 = arith.constant 0 : i32
      %dma_start3A_280 = arith.constant 0 : i32
      %dma_start3A_281 = tpu.memref_slice %arg9[%dma_start3A_279, %dma_start3A_280] : memref<10240x32xf32, #tpu.memory_space<vmem_shared>> -> memref<10240x32xf32, #tpu.memory_space<vmem_shared>>
      tpu.enqueue_indirect_dma source(%dma_start3A_275 : memref<128x32xf32, #tpu.memory_space<vmem>>) target(%dma_start3A_281 : memref<10240x32xf32, #tpu.memory_space<vmem_shared>>) offsets(%dma_start3A_278 : memref<128xi32, #tpu.memory_space<vmem>>) semaphore(%arg22 : memref<!tpu.dma_semaphore, #tpu.memory_space<semaphore_mem>>) {add = true}
      %add3A_282 = arith.constant 4 : i32
      %add3A_283 = arith.addi %mul3A_156, %add3A_282 : i32
      %add3A_284 = arith.constant 4 : i32
      %add3A_285 = arith.addi %add3A_283, %add3A_284 : i32
      %lt3A_286 = arith.constant 160 : i32
      %lt3A_287 = arith.cmpi slt, %add3A_285, %lt3A_286 : i32
      %convert_element_type3A_288 = arith.extui %lt3A_287 : i1 to i32
      %cond3A_289 = arith.constant 0 : i32
      %cond3A_290 = arith.cmpi ne, %convert_element_type3A_288, %cond3A_289 : i32
      scf.if %cond3A_290 {
        %ge3A = arith.constant 4 : i32
        %ge3A_410 = arith.cmpi sge, %add3A_283, %ge3A : i32
        %convert_element_type3A_411 = arith.extui %ge3A_410 : i1 to i32
        %cond3A_412 = arith.constant 0 : i32
        %cond3A_413 = arith.cmpi ne, %convert_element_type3A_411, %cond3A_412 : i32
        scf.if %cond3A_413 {
          %dma_wait3A_427 = arith.constant 0 : i32
          %dma_wait3A_428 = arith.constant 0 : i32
          %dma_wait3A_429 = arith.constant 0 : i32
          %dma_wait3A_430 = arith.constant 0 : i32
          %dma_wait3A_431 = tpu.memref_slice %arg8[%dma_wait3A_427, %dma_wait3A_429, %dma_wait3A_430] : memref<8x128x32xf32, #tpu.memory_space<vmem>> -> memref<1x128x32xf32, #tpu.memory_space<vmem>>
          %dma_wait3A_432 = tpu.memref_squeeze %dma_wait3A_431 : memref<1x128x32xf32, #tpu.memory_space<vmem>> -> memref<128x32xf32, #tpu.memory_space<vmem>>
          %dma_wait3A_433 = arith.constant 0 : i32
          %dma_wait3A_434 = tpu.memref_slice %arg7[%dma_wait3A_428, %dma_wait3A_433] : memref<160x128xi32, #tpu.memory_space<vmem>> -> memref<1x128xi32, #tpu.memory_space<vmem>>
          %dma_wait3A_435 = tpu.memref_squeeze %dma_wait3A_434 : memref<1x128xi32, #tpu.memory_space<vmem>> -> memref<128xi32, #tpu.memory_space<vmem>>
          %dma_wait3A_436 = arith.constant 0 : i32
          %dma_wait3A_437 = arith.constant 0 : i32
          %dma_wait3A_438 = tpu.memref_slice %arg9[%dma_wait3A_436, %dma_wait3A_437] : memref<10240x32xf32, #tpu.memory_space<vmem_shared>> -> memref<10240x32xf32, #tpu.memory_space<vmem_shared>>
          tpu.wait_indirect_dma semaphore(%arg19 : memref<!tpu.dma_semaphore, #tpu.memory_space<semaphore_mem>>) src(%dma_wait3A_432 : memref<128x32xf32, #tpu.memory_space<vmem>>) dst(%dma_wait3A_438 : memref<10240x32xf32, #tpu.memory_space<vmem_shared>>)
        } else {
        }
        %add3A_414 = arith.constant 4 : i32
        %add3A_415 = arith.addi %add3A_283, %add3A_414 : i32
        %dma_start3A_416 = arith.constant 0 : i32
        %dma_start3A_417 = arith.constant 0 : i32
        %dma_start3A_418 = arith.constant 0 : i32
        %dma_start3A_419 = tpu.memref_slice %arg8[%dma_start3A_416, %dma_start3A_417, %dma_start3A_418] : memref<8x128x32xf32, #tpu.memory_space<vmem>> -> memref<1x128x32xf32, #tpu.memory_space<vmem>>
        %dma_start3A_420 = tpu.memref_squeeze %dma_start3A_419 : memref<1x128x32xf32, #tpu.memory_space<vmem>> -> memref<128x32xf32, #tpu.memory_space<vmem>>
        %dma_start3A_421 = arith.constant 0 : i32
        %dma_start3A_422 = tpu.memref_slice %arg6[%add3A_415, %dma_start3A_421] : memref<160x128xi32, #tpu.memory_space<vmem>> -> memref<1x128xi32, #tpu.memory_space<vmem>>
        %dma_start3A_423 = tpu.memref_squeeze %dma_start3A_422 : memref<1x128xi32, #tpu.memory_space<vmem>> -> memref<128xi32, #tpu.memory_space<vmem>>
        %dma_start3A_424 = arith.constant 0 : i32
        %dma_start3A_425 = arith.constant 0 : i32
        %dma_start3A_426 = tpu.memref_slice %arg10[%dma_start3A_424, %dma_start3A_425] : memref<10240x32xf32, #tpu.memory_space<vmem_shared>> -> memref<10240x32xf32, #tpu.memory_space<vmem_shared>>
        tpu.enqueue_indirect_dma source(%dma_start3A_426 : memref<10240x32xf32, #tpu.memory_space<vmem_shared>>) target(%dma_start3A_420 : memref<128x32xf32, #tpu.memory_space<vmem>>) offsets(%dma_start3A_423 : memref<128xi32, #tpu.memory_space<vmem>>) semaphore(%arg11 : memref<!tpu.dma_semaphore, #tpu.memory_space<semaphore_mem>>)
      } else {
      }
      %dma_wait3A_291 = arith.constant 0 : i32
      %dma_wait3A_292 = arith.constant 4 : i32
      %dma_wait3A_293 = arith.constant 0 : i32
      %dma_wait3A_294 = arith.constant 0 : i32
      %dma_wait3A_295 = tpu.memref_slice %arg8[%dma_wait3A_292, %dma_wait3A_293, %dma_wait3A_294] : memref<8x128x32xf32, #tpu.memory_space<vmem>> -> memref<1x128x32xf32, #tpu.memory_space<vmem>>
      %dma_wait3A_296 = tpu.memref_squeeze %dma_wait3A_295 : memref<1x128x32xf32, #tpu.memory_space<vmem>> -> memref<128x32xf32, #tpu.memory_space<vmem>>
      %dma_wait3A_297 = arith.constant 0 : i32
      %dma_wait3A_298 = tpu.memref_slice %arg6[%dma_wait3A_291, %dma_wait3A_297] : memref<160x128xi32, #tpu.memory_space<vmem>> -> memref<1x128xi32, #tpu.memory_space<vmem>>
      %dma_wait3A_299 = tpu.memref_squeeze %dma_wait3A_298 : memref<1x128xi32, #tpu.memory_space<vmem>> -> memref<128xi32, #tpu.memory_space<vmem>>
      %dma_wait3A_300 = arith.constant 0 : i32
      %dma_wait3A_301 = arith.constant 0 : i32
      %dma_wait3A_302 = tpu.memref_slice %arg10[%dma_wait3A_300, %dma_wait3A_301] : memref<10240x32xf32, #tpu.memory_space<vmem_shared>> -> memref<10240x32xf32, #tpu.memory_space<vmem_shared>>
      tpu.wait_indirect_dma semaphore(%arg15 : memref<!tpu.dma_semaphore, #tpu.memory_space<semaphore_mem>>) src(%dma_wait3A_302 : memref<10240x32xf32, #tpu.memory_space<vmem_shared>>) dst(%dma_wait3A_296 : memref<128x32xf32, #tpu.memory_space<vmem>>)
      %dma_start3A_303 = arith.constant 4 : i32
      %dma_start3A_304 = arith.constant 0 : i32
      %dma_start3A_305 = arith.constant 0 : i32
      %dma_start3A_306 = tpu.memref_slice %arg8[%dma_start3A_303, %dma_start3A_304, %dma_start3A_305] : memref<8x128x32xf32, #tpu.memory_space<vmem>> -> memref<1x128x32xf32, #tpu.memory_space<vmem>>
      %dma_start3A_307 = tpu.memref_squeeze %dma_start3A_306 : memref<1x128x32xf32, #tpu.memory_space<vmem>> -> memref<128x32xf32, #tpu.memory_space<vmem>>
      %dma_start3A_308 = arith.constant 0 : i32
      %dma_start3A_309 = tpu.memref_slice %arg7[%add3A_283, %dma_start3A_308] : memref<160x128xi32, #tpu.memory_space<vmem>> -> memref<1x128xi32, #tpu.memory_space<vmem>>
      %dma_start3A_310 = tpu.memref_squeeze %dma_start3A_309 : memref<1x128xi32, #tpu.memory_space<vmem>> -> memref<128xi32, #tpu.memory_space<vmem>>
      %dma_start3A_311 = arith.constant 0 : i32
      %dma_start3A_312 = arith.constant 0 : i32
      %dma_start3A_313 = tpu.memref_slice %arg9[%dma_start3A_311, %dma_start3A_312] : memref<10240x32xf32, #tpu.memory_space<vmem_shared>> -> memref<10240x32xf32, #tpu.memory_space<vmem_shared>>
      tpu.enqueue_indirect_dma source(%dma_start3A_307 : memref<128x32xf32, #tpu.memory_space<vmem>>) target(%dma_start3A_313 : memref<10240x32xf32, #tpu.memory_space<vmem_shared>>) offsets(%dma_start3A_310 : memref<128xi32, #tpu.memory_space<vmem>>) semaphore(%arg23 : memref<!tpu.dma_semaphore, #tpu.memory_space<semaphore_mem>>) {add = true}
      %add3A_314 = arith.constant 5 : i32
      %add3A_315 = arith.addi %mul3A_156, %add3A_314 : i32
      %add3A_316 = arith.constant 4 : i32
      %add3A_317 = arith.addi %add3A_315, %add3A_316 : i32
      %lt3A_318 = arith.constant 160 : i32
      %lt3A_319 = arith.cmpi slt, %add3A_317, %lt3A_318 : i32
      %convert_element_type3A_320 = arith.extui %lt3A_319 : i1 to i32
      %cond3A_321 = arith.constant 0 : i32
      %cond3A_322 = arith.cmpi ne, %convert_element_type3A_320, %cond3A_321 : i32
      scf.if %cond3A_322 {
        %ge3A = arith.constant 4 : i32
        %ge3A_410 = arith.cmpi sge, %add3A_315, %ge3A : i32
        %convert_element_type3A_411 = arith.extui %ge3A_410 : i1 to i32
        %cond3A_412 = arith.constant 0 : i32
        %cond3A_413 = arith.cmpi ne, %convert_element_type3A_411, %cond3A_412 : i32
        scf.if %cond3A_413 {
          %dma_wait3A_427 = arith.constant 1 : i32
          %dma_wait3A_428 = arith.constant 0 : i32
          %dma_wait3A_429 = arith.constant 0 : i32
          %dma_wait3A_430 = arith.constant 0 : i32
          %dma_wait3A_431 = tpu.memref_slice %arg8[%dma_wait3A_427, %dma_wait3A_429, %dma_wait3A_430] : memref<8x128x32xf32, #tpu.memory_space<vmem>> -> memref<1x128x32xf32, #tpu.memory_space<vmem>>
          %dma_wait3A_432 = tpu.memref_squeeze %dma_wait3A_431 : memref<1x128x32xf32, #tpu.memory_space<vmem>> -> memref<128x32xf32, #tpu.memory_space<vmem>>
          %dma_wait3A_433 = arith.constant 0 : i32
          %dma_wait3A_434 = tpu.memref_slice %arg7[%dma_wait3A_428, %dma_wait3A_433] : memref<160x128xi32, #tpu.memory_space<vmem>> -> memref<1x128xi32, #tpu.memory_space<vmem>>
          %dma_wait3A_435 = tpu.memref_squeeze %dma_wait3A_434 : memref<1x128xi32, #tpu.memory_space<vmem>> -> memref<128xi32, #tpu.memory_space<vmem>>
          %dma_wait3A_436 = arith.constant 0 : i32
          %dma_wait3A_437 = arith.constant 0 : i32
          %dma_wait3A_438 = tpu.memref_slice %arg9[%dma_wait3A_436, %dma_wait3A_437] : memref<10240x32xf32, #tpu.memory_space<vmem_shared>> -> memref<10240x32xf32, #tpu.memory_space<vmem_shared>>
          tpu.wait_indirect_dma semaphore(%arg20 : memref<!tpu.dma_semaphore, #tpu.memory_space<semaphore_mem>>) src(%dma_wait3A_432 : memref<128x32xf32, #tpu.memory_space<vmem>>) dst(%dma_wait3A_438 : memref<10240x32xf32, #tpu.memory_space<vmem_shared>>)
        } else {
        }
        %add3A_414 = arith.constant 4 : i32
        %add3A_415 = arith.addi %add3A_315, %add3A_414 : i32
        %dma_start3A_416 = arith.constant 1 : i32
        %dma_start3A_417 = arith.constant 0 : i32
        %dma_start3A_418 = arith.constant 0 : i32
        %dma_start3A_419 = tpu.memref_slice %arg8[%dma_start3A_416, %dma_start3A_417, %dma_start3A_418] : memref<8x128x32xf32, #tpu.memory_space<vmem>> -> memref<1x128x32xf32, #tpu.memory_space<vmem>>
        %dma_start3A_420 = tpu.memref_squeeze %dma_start3A_419 : memref<1x128x32xf32, #tpu.memory_space<vmem>> -> memref<128x32xf32, #tpu.memory_space<vmem>>
        %dma_start3A_421 = arith.constant 0 : i32
        %dma_start3A_422 = tpu.memref_slice %arg6[%add3A_415, %dma_start3A_421] : memref<160x128xi32, #tpu.memory_space<vmem>> -> memref<1x128xi32, #tpu.memory_space<vmem>>
        %dma_start3A_423 = tpu.memref_squeeze %dma_start3A_422 : memref<1x128xi32, #tpu.memory_space<vmem>> -> memref<128xi32, #tpu.memory_space<vmem>>
        %dma_start3A_424 = arith.constant 0 : i32
        %dma_start3A_425 = arith.constant 0 : i32
        %dma_start3A_426 = tpu.memref_slice %arg10[%dma_start3A_424, %dma_start3A_425] : memref<10240x32xf32, #tpu.memory_space<vmem_shared>> -> memref<10240x32xf32, #tpu.memory_space<vmem_shared>>
        tpu.enqueue_indirect_dma source(%dma_start3A_426 : memref<10240x32xf32, #tpu.memory_space<vmem_shared>>) target(%dma_start3A_420 : memref<128x32xf32, #tpu.memory_space<vmem>>) offsets(%dma_start3A_423 : memref<128xi32, #tpu.memory_space<vmem>>) semaphore(%arg12 : memref<!tpu.dma_semaphore, #tpu.memory_space<semaphore_mem>>)
      } else {
      }
      %dma_wait3A_323 = arith.constant 0 : i32
      %dma_wait3A_324 = arith.constant 5 : i32
      %dma_wait3A_325 = arith.constant 0 : i32
      %dma_wait3A_326 = arith.constant 0 : i32
      %dma_wait3A_327 = tpu.memref_slice %arg8[%dma_wait3A_324, %dma_wait3A_325, %dma_wait3A_326] : memref<8x128x32xf32, #tpu.memory_space<vmem>> -> memref<1x128x32xf32, #tpu.memory_space<vmem>>
      %dma_wait3A_328 = tpu.memref_squeeze %dma_wait3A_327 : memref<1x128x32xf32, #tpu.memory_space<vmem>> -> memref<128x32xf32, #tpu.memory_space<vmem>>
      %dma_wait3A_329 = arith.constant 0 : i32
      %dma_wait3A_330 = tpu.memref_slice %arg6[%dma_wait3A_323, %dma_wait3A_329] : memref<160x128xi32, #tpu.memory_space<vmem>> -> memref<1x128xi32, #tpu.memory_space<vmem>>
      %dma_wait3A_331 = tpu.memref_squeeze %dma_wait3A_330 : memref<1x128xi32, #tpu.memory_space<vmem>> -> memref<128xi32, #tpu.memory_space<vmem>>
      %dma_wait3A_332 = arith.constant 0 : i32
      %dma_wait3A_333 = arith.constant 0 : i32
      %dma_wait3A_334 = tpu.memref_slice %arg10[%dma_wait3A_332, %dma_wait3A_333] : memref<10240x32xf32, #tpu.memory_space<vmem_shared>> -> memref<10240x32xf32, #tpu.memory_space<vmem_shared>>
      tpu.wait_indirect_dma semaphore(%arg16 : memref<!tpu.dma_semaphore, #tpu.memory_space<semaphore_mem>>) src(%dma_wait3A_334 : memref<10240x32xf32, #tpu.memory_space<vmem_shared>>) dst(%dma_wait3A_328 : memref<128x32xf32, #tpu.memory_space<vmem>>)
      %dma_start3A_335 = arith.constant 5 : i32
      %dma_start3A_336 = arith.constant 0 : i32
      %dma_start3A_337 = arith.constant 0 : i32
      %dma_start3A_338 = tpu.memref_slice %arg8[%dma_start3A_335, %dma_start3A_336, %dma_start3A_337] : memref<8x128x32xf32, #tpu.memory_space<vmem>> -> memref<1x128x32xf32, #tpu.memory_space<vmem>>
      %dma_start3A_339 = tpu.memref_squeeze %dma_start3A_338 : memref<1x128x32xf32, #tpu.memory_space<vmem>> -> memref<128x32xf32, #tpu.memory_space<vmem>>
      %dma_start3A_340 = arith.constant 0 : i32
      %dma_start3A_341 = tpu.memref_slice %arg7[%add3A_315, %dma_start3A_340] : memref<160x128xi32, #tpu.memory_space<vmem>> -> memref<1x128xi32, #tpu.memory_space<vmem>>
      %dma_start3A_342 = tpu.memref_squeeze %dma_start3A_341 : memref<1x128xi32, #tpu.memory_space<vmem>> -> memref<128xi32, #tpu.memory_space<vmem>>
      %dma_start3A_343 = arith.constant 0 : i32
      %dma_start3A_344 = arith.constant 0 : i32
      %dma_start3A_345 = tpu.memref_slice %arg9[%dma_start3A_343, %dma_start3A_344] : memref<10240x32xf32, #tpu.memory_space<vmem_shared>> -> memref<10240x32xf32, #tpu.memory_space<vmem_shared>>
      tpu.enqueue_indirect_dma source(%dma_start3A_339 : memref<128x32xf32, #tpu.memory_space<vmem>>) target(%dma_start3A_345 : memref<10240x32xf32, #tpu.memory_space<vmem_shared>>) offsets(%dma_start3A_342 : memref<128xi32, #tpu.memory_space<vmem>>) semaphore(%arg24 : memref<!tpu.dma_semaphore, #tpu.memory_space<semaphore_mem>>) {add = true}
      %add3A_346 = arith.constant 6 : i32
      %add3A_347 = arith.addi %mul3A_156, %add3A_346 : i32
      %add3A_348 = arith.constant 4 : i32
      %add3A_349 = arith.addi %add3A_347, %add3A_348 : i32
      %lt3A_350 = arith.constant 160 : i32
      %lt3A_351 = arith.cmpi slt, %add3A_349, %lt3A_350 : i32
      %convert_element_type3A_352 = arith.extui %lt3A_351 : i1 to i32
      %cond3A_353 = arith.constant 0 : i32
      %cond3A_354 = arith.cmpi ne, %convert_element_type3A_352, %cond3A_353 : i32
      scf.if %cond3A_354 {
        %ge3A = arith.constant 4 : i32
        %ge3A_410 = arith.cmpi sge, %add3A_347, %ge3A : i32
        %convert_element_type3A_411 = arith.extui %ge3A_410 : i1 to i32
        %cond3A_412 = arith.constant 0 : i32
        %cond3A_413 = arith.cmpi ne, %convert_element_type3A_411, %cond3A_412 : i32
        scf.if %cond3A_413 {
          %dma_wait3A_427 = arith.constant 2 : i32
          %dma_wait3A_428 = arith.constant 0 : i32
          %dma_wait3A_429 = arith.constant 0 : i32
          %dma_wait3A_430 = arith.constant 0 : i32
          %dma_wait3A_431 = tpu.memref_slice %arg8[%dma_wait3A_427, %dma_wait3A_429, %dma_wait3A_430] : memref<8x128x32xf32, #tpu.memory_space<vmem>> -> memref<1x128x32xf32, #tpu.memory_space<vmem>>
          %dma_wait3A_432 = tpu.memref_squeeze %dma_wait3A_431 : memref<1x128x32xf32, #tpu.memory_space<vmem>> -> memref<128x32xf32, #tpu.memory_space<vmem>>
          %dma_wait3A_433 = arith.constant 0 : i32
          %dma_wait3A_434 = tpu.memref_slice %arg7[%dma_wait3A_428, %dma_wait3A_433] : memref<160x128xi32, #tpu.memory_space<vmem>> -> memref<1x128xi32, #tpu.memory_space<vmem>>
          %dma_wait3A_435 = tpu.memref_squeeze %dma_wait3A_434 : memref<1x128xi32, #tpu.memory_space<vmem>> -> memref<128xi32, #tpu.memory_space<vmem>>
          %dma_wait3A_436 = arith.constant 0 : i32
          %dma_wait3A_437 = arith.constant 0 : i32
          %dma_wait3A_438 = tpu.memref_slice %arg9[%dma_wait3A_436, %dma_wait3A_437] : memref<10240x32xf32, #tpu.memory_space<vmem_shared>> -> memref<10240x32xf32, #tpu.memory_space<vmem_shared>>
          tpu.wait_indirect_dma semaphore(%arg21 : memref<!tpu.dma_semaphore, #tpu.memory_space<semaphore_mem>>) src(%dma_wait3A_432 : memref<128x32xf32, #tpu.memory_space<vmem>>) dst(%dma_wait3A_438 : memref<10240x32xf32, #tpu.memory_space<vmem_shared>>)
        } else {
        }
        %add3A_414 = arith.constant 4 : i32
        %add3A_415 = arith.addi %add3A_347, %add3A_414 : i32
        %dma_start3A_416 = arith.constant 2 : i32
        %dma_start3A_417 = arith.constant 0 : i32
        %dma_start3A_418 = arith.constant 0 : i32
        %dma_start3A_419 = tpu.memref_slice %arg8[%dma_start3A_416, %dma_start3A_417, %dma_start3A_418] : memref<8x128x32xf32, #tpu.memory_space<vmem>> -> memref<1x128x32xf32, #tpu.memory_space<vmem>>
        %dma_start3A_420 = tpu.memref_squeeze %dma_start3A_419 : memref<1x128x32xf32, #tpu.memory_space<vmem>> -> memref<128x32xf32, #tpu.memory_space<vmem>>
        %dma_start3A_421 = arith.constant 0 : i32
        %dma_start3A_422 = tpu.memref_slice %arg6[%add3A_415, %dma_start3A_421] : memref<160x128xi32, #tpu.memory_space<vmem>> -> memref<1x128xi32, #tpu.memory_space<vmem>>
        %dma_start3A_423 = tpu.memref_squeeze %dma_start3A_422 : memref<1x128xi32, #tpu.memory_space<vmem>> -> memref<128xi32, #tpu.memory_space<vmem>>
        %dma_start3A_424 = arith.constant 0 : i32
        %dma_start3A_425 = arith.constant 0 : i32
        %dma_start3A_426 = tpu.memref_slice %arg10[%dma_start3A_424, %dma_start3A_425] : memref<10240x32xf32, #tpu.memory_space<vmem_shared>> -> memref<10240x32xf32, #tpu.memory_space<vmem_shared>>
        tpu.enqueue_indirect_dma source(%dma_start3A_426 : memref<10240x32xf32, #tpu.memory_space<vmem_shared>>) target(%dma_start3A_420 : memref<128x32xf32, #tpu.memory_space<vmem>>) offsets(%dma_start3A_423 : memref<128xi32, #tpu.memory_space<vmem>>) semaphore(%arg13 : memref<!tpu.dma_semaphore, #tpu.memory_space<semaphore_mem>>)
      } else {
      }
      %dma_wait3A_355 = arith.constant 0 : i32
      %dma_wait3A_356 = arith.constant 6 : i32
      %dma_wait3A_357 = arith.constant 0 : i32
      %dma_wait3A_358 = arith.constant 0 : i32
      %dma_wait3A_359 = tpu.memref_slice %arg8[%dma_wait3A_356, %dma_wait3A_357, %dma_wait3A_358] : memref<8x128x32xf32, #tpu.memory_space<vmem>> -> memref<1x128x32xf32, #tpu.memory_space<vmem>>
      %dma_wait3A_360 = tpu.memref_squeeze %dma_wait3A_359 : memref<1x128x32xf32, #tpu.memory_space<vmem>> -> memref<128x32xf32, #tpu.memory_space<vmem>>
      %dma_wait3A_361 = arith.constant 0 : i32
      %dma_wait3A_362 = tpu.memref_slice %arg6[%dma_wait3A_355, %dma_wait3A_361] : memref<160x128xi32, #tpu.memory_space<vmem>> -> memref<1x128xi32, #tpu.memory_space<vmem>>
      %dma_wait3A_363 = tpu.memref_squeeze %dma_wait3A_362 : memref<1x128xi32, #tpu.memory_space<vmem>> -> memref<128xi32, #tpu.memory_space<vmem>>
      %dma_wait3A_364 = arith.constant 0 : i32
      %dma_wait3A_365 = arith.constant 0 : i32
      %dma_wait3A_366 = tpu.memref_slice %arg10[%dma_wait3A_364, %dma_wait3A_365] : memref<10240x32xf32, #tpu.memory_space<vmem_shared>> -> memref<10240x32xf32, #tpu.memory_space<vmem_shared>>
      tpu.wait_indirect_dma semaphore(%arg17 : memref<!tpu.dma_semaphore, #tpu.memory_space<semaphore_mem>>) src(%dma_wait3A_366 : memref<10240x32xf32, #tpu.memory_space<vmem_shared>>) dst(%dma_wait3A_360 : memref<128x32xf32, #tpu.memory_space<vmem>>)
      %dma_start3A_367 = arith.constant 6 : i32
      %dma_start3A_368 = arith.constant 0 : i32
      %dma_start3A_369 = arith.constant 0 : i32
      %dma_start3A_370 = tpu.memref_slice %arg8[%dma_start3A_367, %dma_start3A_368, %dma_start3A_369] : memref<8x128x32xf32, #tpu.memory_space<vmem>> -> memref<1x128x32xf32, #tpu.memory_space<vmem>>
      %dma_start3A_371 = tpu.memref_squeeze %dma_start3A_370 : memref<1x128x32xf32, #tpu.memory_space<vmem>> -> memref<128x32xf32, #tpu.memory_space<vmem>>
      %dma_start3A_372 = arith.constant 0 : i32
      %dma_start3A_373 = tpu.memref_slice %arg7[%add3A_347, %dma_start3A_372] : memref<160x128xi32, #tpu.memory_space<vmem>> -> memref<1x128xi32, #tpu.memory_space<vmem>>
      %dma_start3A_374 = tpu.memref_squeeze %dma_start3A_373 : memref<1x128xi32, #tpu.memory_space<vmem>> -> memref<128xi32, #tpu.memory_space<vmem>>
      %dma_start3A_375 = arith.constant 0 : i32
      %dma_start3A_376 = arith.constant 0 : i32
      %dma_start3A_377 = tpu.memref_slice %arg9[%dma_start3A_375, %dma_start3A_376] : memref<10240x32xf32, #tpu.memory_space<vmem_shared>> -> memref<10240x32xf32, #tpu.memory_space<vmem_shared>>
      tpu.enqueue_indirect_dma source(%dma_start3A_371 : memref<128x32xf32, #tpu.memory_space<vmem>>) target(%dma_start3A_377 : memref<10240x32xf32, #tpu.memory_space<vmem_shared>>) offsets(%dma_start3A_374 : memref<128xi32, #tpu.memory_space<vmem>>) semaphore(%arg25 : memref<!tpu.dma_semaphore, #tpu.memory_space<semaphore_mem>>) {add = true}
      %add3A_378 = arith.constant 7 : i32
      %add3A_379 = arith.addi %mul3A_156, %add3A_378 : i32
      %add3A_380 = arith.constant 4 : i32
      %add3A_381 = arith.addi %add3A_379, %add3A_380 : i32
      %lt3A_382 = arith.constant 160 : i32
      %lt3A_383 = arith.cmpi slt, %add3A_381, %lt3A_382 : i32
      %convert_element_type3A_384 = arith.extui %lt3A_383 : i1 to i32
      %cond3A_385 = arith.constant 0 : i32
      %cond3A_386 = arith.cmpi ne, %convert_element_type3A_384, %cond3A_385 : i32
      scf.if %cond3A_386 {
        %ge3A = arith.constant 4 : i32
        %ge3A_410 = arith.cmpi sge, %add3A_379, %ge3A : i32
        %convert_element_type3A_411 = arith.extui %ge3A_410 : i1 to i32
        %cond3A_412 = arith.constant 0 : i32
        %cond3A_413 = arith.cmpi ne, %convert_element_type3A_411, %cond3A_412 : i32
        scf.if %cond3A_413 {
          %dma_wait3A_427 = arith.constant 3 : i32
          %dma_wait3A_428 = arith.constant 0 : i32
          %dma_wait3A_429 = arith.constant 0 : i32
          %dma_wait3A_430 = arith.constant 0 : i32
          %dma_wait3A_431 = tpu.memref_slice %arg8[%dma_wait3A_427, %dma_wait3A_429, %dma_wait3A_430] : memref<8x128x32xf32, #tpu.memory_space<vmem>> -> memref<1x128x32xf32, #tpu.memory_space<vmem>>
          %dma_wait3A_432 = tpu.memref_squeeze %dma_wait3A_431 : memref<1x128x32xf32, #tpu.memory_space<vmem>> -> memref<128x32xf32, #tpu.memory_space<vmem>>
          %dma_wait3A_433 = arith.constant 0 : i32
          %dma_wait3A_434 = tpu.memref_slice %arg7[%dma_wait3A_428, %dma_wait3A_433] : memref<160x128xi32, #tpu.memory_space<vmem>> -> memref<1x128xi32, #tpu.memory_space<vmem>>
          %dma_wait3A_435 = tpu.memref_squeeze %dma_wait3A_434 : memref<1x128xi32, #tpu.memory_space<vmem>> -> memref<128xi32, #tpu.memory_space<vmem>>
          %dma_wait3A_436 = arith.constant 0 : i32
          %dma_wait3A_437 = arith.constant 0 : i32
          %dma_wait3A_438 = tpu.memref_slice %arg9[%dma_wait3A_436, %dma_wait3A_437] : memref<10240x32xf32, #tpu.memory_space<vmem_shared>> -> memref<10240x32xf32, #tpu.memory_space<vmem_shared>>
          tpu.wait_indirect_dma semaphore(%arg22 : memref<!tpu.dma_semaphore, #tpu.memory_space<semaphore_mem>>) src(%dma_wait3A_432 : memref<128x32xf32, #tpu.memory_space<vmem>>) dst(%dma_wait3A_438 : memref<10240x32xf32, #tpu.memory_space<vmem_shared>>)
        } else {
        }
        %add3A_414 = arith.constant 4 : i32
        %add3A_415 = arith.addi %add3A_379, %add3A_414 : i32
        %dma_start3A_416 = arith.constant 3 : i32
        %dma_start3A_417 = arith.constant 0 : i32
        %dma_start3A_418 = arith.constant 0 : i32
        %dma_start3A_419 = tpu.memref_slice %arg8[%dma_start3A_416, %dma_start3A_417, %dma_start3A_418] : memref<8x128x32xf32, #tpu.memory_space<vmem>> -> memref<1x128x32xf32, #tpu.memory_space<vmem>>
        %dma_start3A_420 = tpu.memref_squeeze %dma_start3A_419 : memref<1x128x32xf32, #tpu.memory_space<vmem>> -> memref<128x32xf32, #tpu.memory_space<vmem>>
        %dma_start3A_421 = arith.constant 0 : i32
        %dma_start3A_422 = tpu.memref_slice %arg6[%add3A_415, %dma_start3A_421] : memref<160x128xi32, #tpu.memory_space<vmem>> -> memref<1x128xi32, #tpu.memory_space<vmem>>
        %dma_start3A_423 = tpu.memref_squeeze %dma_start3A_422 : memref<1x128xi32, #tpu.memory_space<vmem>> -> memref<128xi32, #tpu.memory_space<vmem>>
        %dma_start3A_424 = arith.constant 0 : i32
        %dma_start3A_425 = arith.constant 0 : i32
        %dma_start3A_426 = tpu.memref_slice %arg10[%dma_start3A_424, %dma_start3A_425] : memref<10240x32xf32, #tpu.memory_space<vmem_shared>> -> memref<10240x32xf32, #tpu.memory_space<vmem_shared>>
        tpu.enqueue_indirect_dma source(%dma_start3A_426 : memref<10240x32xf32, #tpu.memory_space<vmem_shared>>) target(%dma_start3A_420 : memref<128x32xf32, #tpu.memory_space<vmem>>) offsets(%dma_start3A_423 : memref<128xi32, #tpu.memory_space<vmem>>) semaphore(%arg14 : memref<!tpu.dma_semaphore, #tpu.memory_space<semaphore_mem>>)
      } else {
      }
      %dma_wait3A_387 = arith.constant 0 : i32
      %dma_wait3A_388 = arith.constant 7 : i32
      %dma_wait3A_389 = arith.constant 0 : i32
      %dma_wait3A_390 = arith.constant 0 : i32
      %dma_wait3A_391 = tpu.memref_slice %arg8[%dma_wait3A_388, %dma_wait3A_389, %dma_wait3A_390] : memref<8x128x32xf32, #tpu.memory_space<vmem>> -> memref<1x128x32xf32, #tpu.memory_space<vmem>>
      %dma_wait3A_392 = tpu.memref_squeeze %dma_wait3A_391 : memref<1x128x32xf32, #tpu.memory_space<vmem>> -> memref<128x32xf32, #tpu.memory_space<vmem>>
      %dma_wait3A_393 = arith.constant 0 : i32
      %dma_wait3A_394 = tpu.memref_slice %arg6[%dma_wait3A_387, %dma_wait3A_393] : memref<160x128xi32, #tpu.memory_space<vmem>> -> memref<1x128xi32, #tpu.memory_space<vmem>>
      %dma_wait3A_395 = tpu.memref_squeeze %dma_wait3A_394 : memref<1x128xi32, #tpu.memory_space<vmem>> -> memref<128xi32, #tpu.memory_space<vmem>>
      %dma_wait3A_396 = arith.constant 0 : i32
      %dma_wait3A_397 = arith.constant 0 : i32
      %dma_wait3A_398 = tpu.memref_slice %arg10[%dma_wait3A_396, %dma_wait3A_397] : memref<10240x32xf32, #tpu.memory_space<vmem_shared>> -> memref<10240x32xf32, #tpu.memory_space<vmem_shared>>
      tpu.wait_indirect_dma semaphore(%arg18 : memref<!tpu.dma_semaphore, #tpu.memory_space<semaphore_mem>>) src(%dma_wait3A_398 : memref<10240x32xf32, #tpu.memory_space<vmem_shared>>) dst(%dma_wait3A_392 : memref<128x32xf32, #tpu.memory_space<vmem>>)
      %dma_start3A_399 = arith.constant 7 : i32
      %dma_start3A_400 = arith.constant 0 : i32
      %dma_start3A_401 = arith.constant 0 : i32
      %dma_start3A_402 = tpu.memref_slice %arg8[%dma_start3A_399, %dma_start3A_400, %dma_start3A_401] : memref<8x128x32xf32, #tpu.memory_space<vmem>> -> memref<1x128x32xf32, #tpu.memory_space<vmem>>
      %dma_start3A_403 = tpu.memref_squeeze %dma_start3A_402 : memref<1x128x32xf32, #tpu.memory_space<vmem>> -> memref<128x32xf32, #tpu.memory_space<vmem>>
      %dma_start3A_404 = arith.constant 0 : i32
      %dma_start3A_405 = tpu.memref_slice %arg7[%add3A_379, %dma_start3A_404] : memref<160x128xi32, #tpu.memory_space<vmem>> -> memref<1x128xi32, #tpu.memory_space<vmem>>
      %dma_start3A_406 = tpu.memref_squeeze %dma_start3A_405 : memref<1x128xi32, #tpu.memory_space<vmem>> -> memref<128xi32, #tpu.memory_space<vmem>>
      %dma_start3A_407 = arith.constant 0 : i32
      %dma_start3A_408 = arith.constant 0 : i32
      %dma_start3A_409 = tpu.memref_slice %arg9[%dma_start3A_407, %dma_start3A_408] : memref<10240x32xf32, #tpu.memory_space<vmem_shared>> -> memref<10240x32xf32, #tpu.memory_space<vmem_shared>>
      tpu.enqueue_indirect_dma source(%dma_start3A_403 : memref<128x32xf32, #tpu.memory_space<vmem>>) target(%dma_start3A_409 : memref<10240x32xf32, #tpu.memory_space<vmem_shared>>) offsets(%dma_start3A_406 : memref<128xi32, #tpu.memory_space<vmem>>) semaphore(%arg26 : memref<!tpu.dma_semaphore, #tpu.memory_space<semaphore_mem>>) {add = true}
    }
    %scan3A_54 = arith.constant 20 : i32
    %dma_wait3A = arith.constant 0 : i32
    %dma_wait3A_55 = arith.constant 0 : i32
    %dma_wait3A_56 = arith.constant 0 : i32
    %dma_wait3A_57 = arith.constant 0 : i32
    %dma_wait3A_58 = tpu.memref_slice %arg8[%dma_wait3A, %dma_wait3A_56, %dma_wait3A_57] : memref<8x128x32xf32, #tpu.memory_space<vmem>> -> memref<1x128x32xf32, #tpu.memory_space<vmem>>
    %dma_wait3A_59 = tpu.memref_squeeze %dma_wait3A_58 : memref<1x128x32xf32, #tpu.memory_space<vmem>> -> memref<128x32xf32, #tpu.memory_space<vmem>>
    %dma_wait3A_60 = arith.constant 0 : i32
    %dma_wait3A_61 = tpu.memref_slice %arg7[%dma_wait3A_55, %dma_wait3A_60] : memref<160x128xi32, #tpu.memory_space<vmem>> -> memref<1x128xi32, #tpu.memory_space<vmem>>
    %dma_wait3A_62 = tpu.memref_squeeze %dma_wait3A_61 : memref<1x128xi32, #tpu.memory_space<vmem>> -> memref<128xi32, #tpu.memory_space<vmem>>
    %dma_wait3A_63 = arith.constant 0 : i32
    %dma_wait3A_64 = arith.constant 0 : i32
    %dma_wait3A_65 = tpu.memref_slice %arg9[%dma_wait3A_63, %dma_wait3A_64] : memref<10240x32xf32, #tpu.memory_space<vmem_shared>> -> memref<10240x32xf32, #tpu.memory_space<vmem_shared>>
    tpu.wait_indirect_dma semaphore(%arg19 : memref<!tpu.dma_semaphore, #tpu.memory_space<semaphore_mem>>) src(%dma_wait3A_59 : memref<128x32xf32, #tpu.memory_space<vmem>>) dst(%dma_wait3A_65 : memref<10240x32xf32, #tpu.memory_space<vmem_shared>>)
    %dma_wait3A_66 = arith.constant 1 : i32
    %dma_wait3A_67 = arith.constant 0 : i32
    %dma_wait3A_68 = arith.constant 0 : i32
    %dma_wait3A_69 = arith.constant 0 : i32
    %dma_wait3A_70 = tpu.memref_slice %arg8[%dma_wait3A_66, %dma_wait3A_68, %dma_wait3A_69] : memref<8x128x32xf32, #tpu.memory_space<vmem>> -> memref<1x128x32xf32, #tpu.memory_space<vmem>>
    %dma_wait3A_71 = tpu.memref_squeeze %dma_wait3A_70 : memref<1x128x32xf32, #tpu.memory_space<vmem>> -> memref<128x32xf32, #tpu.memory_space<vmem>>
    %dma_wait3A_72 = arith.constant 0 : i32
    %dma_wait3A_73 = tpu.memref_slice %arg7[%dma_wait3A_67, %dma_wait3A_72] : memref<160x128xi32, #tpu.memory_space<vmem>> -> memref<1x128xi32, #tpu.memory_space<vmem>>
    %dma_wait3A_74 = tpu.memref_squeeze %dma_wait3A_73 : memref<1x128xi32, #tpu.memory_space<vmem>> -> memref<128xi32, #tpu.memory_space<vmem>>
    %dma_wait3A_75 = arith.constant 0 : i32
    %dma_wait3A_76 = arith.constant 0 : i32
    %dma_wait3A_77 = tpu.memref_slice %arg9[%dma_wait3A_75, %dma_wait3A_76] : memref<10240x32xf32, #tpu.memory_space<vmem_shared>> -> memref<10240x32xf32, #tpu.memory_space<vmem_shared>>
    tpu.wait_indirect_dma semaphore(%arg20 : memref<!tpu.dma_semaphore, #tpu.memory_space<semaphore_mem>>) src(%dma_wait3A_71 : memref<128x32xf32, #tpu.memory_space<vmem>>) dst(%dma_wait3A_77 : memref<10240x32xf32, #tpu.memory_space<vmem_shared>>)
    %dma_wait3A_78 = arith.constant 2 : i32
    %dma_wait3A_79 = arith.constant 0 : i32
    %dma_wait3A_80 = arith.constant 0 : i32
    %dma_wait3A_81 = arith.constant 0 : i32
    %dma_wait3A_82 = tpu.memref_slice %arg8[%dma_wait3A_78, %dma_wait3A_80, %dma_wait3A_81] : memref<8x128x32xf32, #tpu.memory_space<vmem>> -> memref<1x128x32xf32, #tpu.memory_space<vmem>>
    %dma_wait3A_83 = tpu.memref_squeeze %dma_wait3A_82 : memref<1x128x32xf32, #tpu.memory_space<vmem>> -> memref<128x32xf32, #tpu.memory_space<vmem>>
    %dma_wait3A_84 = arith.constant 0 : i32
    %dma_wait3A_85 = tpu.memref_slice %arg7[%dma_wait3A_79, %dma_wait3A_84] : memref<160x128xi32, #tpu.memory_space<vmem>> -> memref<1x128xi32, #tpu.memory_space<vmem>>
    %dma_wait3A_86 = tpu.memref_squeeze %dma_wait3A_85 : memref<1x128xi32, #tpu.memory_space<vmem>> -> memref<128xi32, #tpu.memory_space<vmem>>
    %dma_wait3A_87 = arith.constant 0 : i32
    %dma_wait3A_88 = arith.constant 0 : i32
    %dma_wait3A_89 = tpu.memref_slice %arg9[%dma_wait3A_87, %dma_wait3A_88] : memref<10240x32xf32, #tpu.memory_space<vmem_shared>> -> memref<10240x32xf32, #tpu.memory_space<vmem_shared>>
    tpu.wait_indirect_dma semaphore(%arg21 : memref<!tpu.dma_semaphore, #tpu.memory_space<semaphore_mem>>) src(%dma_wait3A_83 : memref<128x32xf32, #tpu.memory_space<vmem>>) dst(%dma_wait3A_89 : memref<10240x32xf32, #tpu.memory_space<vmem_shared>>)
    %dma_wait3A_90 = arith.constant 3 : i32
    %dma_wait3A_91 = arith.constant 0 : i32
    %dma_wait3A_92 = arith.constant 0 : i32
    %dma_wait3A_93 = arith.constant 0 : i32
    %dma_wait3A_94 = tpu.memref_slice %arg8[%dma_wait3A_90, %dma_wait3A_92, %dma_wait3A_93] : memref<8x128x32xf32, #tpu.memory_space<vmem>> -> memref<1x128x32xf32, #tpu.memory_space<vmem>>
    %dma_wait3A_95 = tpu.memref_squeeze %dma_wait3A_94 : memref<1x128x32xf32, #tpu.memory_space<vmem>> -> memref<128x32xf32, #tpu.memory_space<vmem>>
    %dma_wait3A_96 = arith.constant 0 : i32
    %dma_wait3A_97 = tpu.memref_slice %arg7[%dma_wait3A_91, %dma_wait3A_96] : memref<160x128xi32, #tpu.memory_space<vmem>> -> memref<1x128xi32, #tpu.memory_space<vmem>>
    %dma_wait3A_98 = tpu.memref_squeeze %dma_wait3A_97 : memref<1x128xi32, #tpu.memory_space<vmem>> -> memref<128xi32, #tpu.memory_space<vmem>>
    %dma_wait3A_99 = arith.constant 0 : i32
    %dma_wait3A_100 = arith.constant 0 : i32
    %dma_wait3A_101 = tpu.memref_slice %arg9[%dma_wait3A_99, %dma_wait3A_100] : memref<10240x32xf32, #tpu.memory_space<vmem_shared>> -> memref<10240x32xf32, #tpu.memory_space<vmem_shared>>
    tpu.wait_indirect_dma semaphore(%arg22 : memref<!tpu.dma_semaphore, #tpu.memory_space<semaphore_mem>>) src(%dma_wait3A_95 : memref<128x32xf32, #tpu.memory_space<vmem>>) dst(%dma_wait3A_101 : memref<10240x32xf32, #tpu.memory_space<vmem_shared>>)
    %dma_wait3A_102 = arith.constant 4 : i32
    %dma_wait3A_103 = arith.constant 0 : i32
    %dma_wait3A_104 = arith.constant 0 : i32
    %dma_wait3A_105 = arith.constant 0 : i32
    %dma_wait3A_106 = tpu.memref_slice %arg8[%dma_wait3A_102, %dma_wait3A_104, %dma_wait3A_105] : memref<8x128x32xf32, #tpu.memory_space<vmem>> -> memref<1x128x32xf32, #tpu.memory_space<vmem>>
    %dma_wait3A_107 = tpu.memref_squeeze %dma_wait3A_106 : memref<1x128x32xf32, #tpu.memory_space<vmem>> -> memref<128x32xf32, #tpu.memory_space<vmem>>
    %dma_wait3A_108 = arith.constant 0 : i32
    %dma_wait3A_109 = tpu.memref_slice %arg7[%dma_wait3A_103, %dma_wait3A_108] : memref<160x128xi32, #tpu.memory_space<vmem>> -> memref<1x128xi32, #tpu.memory_space<vmem>>
    %dma_wait3A_110 = tpu.memref_squeeze %dma_wait3A_109 : memref<1x128xi32, #tpu.memory_space<vmem>> -> memref<128xi32, #tpu.memory_space<vmem>>
    %dma_wait3A_111 = arith.constant 0 : i32
    %dma_wait3A_112 = arith.constant 0 : i32
    %dma_wait3A_113 = tpu.memref_slice %arg9[%dma_wait3A_111, %dma_wait3A_112] : memref<10240x32xf32, #tpu.memory_space<vmem_shared>> -> memref<10240x32xf32, #tpu.memory_space<vmem_shared>>
    tpu.wait_indirect_dma semaphore(%arg23 : memref<!tpu.dma_semaphore, #tpu.memory_space<semaphore_mem>>) src(%dma_wait3A_107 : memref<128x32xf32, #tpu.memory_space<vmem>>) dst(%dma_wait3A_113 : memref<10240x32xf32, #tpu.memory_space<vmem_shared>>)
    %dma_wait3A_114 = arith.constant 5 : i32
    %dma_wait3A_115 = arith.constant 0 : i32
    %dma_wait3A_116 = arith.constant 0 : i32
    %dma_wait3A_117 = arith.constant 0 : i32
    %dma_wait3A_118 = tpu.memref_slice %arg8[%dma_wait3A_114, %dma_wait3A_116, %dma_wait3A_117] : memref<8x128x32xf32, #tpu.memory_space<vmem>> -> memref<1x128x32xf32, #tpu.memory_space<vmem>>
    %dma_wait3A_119 = tpu.memref_squeeze %dma_wait3A_118 : memref<1x128x32xf32, #tpu.memory_space<vmem>> -> memref<128x32xf32, #tpu.memory_space<vmem>>
    %dma_wait3A_120 = arith.constant 0 : i32
    %dma_wait3A_121 = tpu.memref_slice %arg7[%dma_wait3A_115, %dma_wait3A_120] : memref<160x128xi32, #tpu.memory_space<vmem>> -> memref<1x128xi32, #tpu.memory_space<vmem>>
    %dma_wait3A_122 = tpu.memref_squeeze %dma_wait3A_121 : memref<1x128xi32, #tpu.memory_space<vmem>> -> memref<128xi32, #tpu.memory_space<vmem>>
    %dma_wait3A_123 = arith.constant 0 : i32
    %dma_wait3A_124 = arith.constant 0 : i32
    %dma_wait3A_125 = tpu.memref_slice %arg9[%dma_wait3A_123, %dma_wait3A_124] : memref<10240x32xf32, #tpu.memory_space<vmem_shared>> -> memref<10240x32xf32, #tpu.memory_space<vmem_shared>>
    tpu.wait_indirect_dma semaphore(%arg24 : memref<!tpu.dma_semaphore, #tpu.memory_space<semaphore_mem>>) src(%dma_wait3A_119 : memref<128x32xf32, #tpu.memory_space<vmem>>) dst(%dma_wait3A_125 : memref<10240x32xf32, #tpu.memory_space<vmem_shared>>)
    %dma_wait3A_126 = arith.constant 6 : i32
    %dma_wait3A_127 = arith.constant 0 : i32
    %dma_wait3A_128 = arith.constant 0 : i32
    %dma_wait3A_129 = arith.constant 0 : i32
    %dma_wait3A_130 = tpu.memref_slice %arg8[%dma_wait3A_126, %dma_wait3A_128, %dma_wait3A_129] : memref<8x128x32xf32, #tpu.memory_space<vmem>> -> memref<1x128x32xf32, #tpu.memory_space<vmem>>
    %dma_wait3A_131 = tpu.memref_squeeze %dma_wait3A_130 : memref<1x128x32xf32, #tpu.memory_space<vmem>> -> memref<128x32xf32, #tpu.memory_space<vmem>>
    %dma_wait3A_132 = arith.constant 0 : i32
    %dma_wait3A_133 = tpu.memref_slice %arg7[%dma_wait3A_127, %dma_wait3A_132] : memref<160x128xi32, #tpu.memory_space<vmem>> -> memref<1x128xi32, #tpu.memory_space<vmem>>
    %dma_wait3A_134 = tpu.memref_squeeze %dma_wait3A_133 : memref<1x128xi32, #tpu.memory_space<vmem>> -> memref<128xi32, #tpu.memory_space<vmem>>
    %dma_wait3A_135 = arith.constant 0 : i32
    %dma_wait3A_136 = arith.constant 0 : i32
    %dma_wait3A_137 = tpu.memref_slice %arg9[%dma_wait3A_135, %dma_wait3A_136] : memref<10240x32xf32, #tpu.memory_space<vmem_shared>> -> memref<10240x32xf32, #tpu.memory_space<vmem_shared>>
    tpu.wait_indirect_dma semaphore(%arg25 : memref<!tpu.dma_semaphore, #tpu.memory_space<semaphore_mem>>) src(%dma_wait3A_131 : memref<128x32xf32, #tpu.memory_space<vmem>>) dst(%dma_wait3A_137 : memref<10240x32xf32, #tpu.memory_space<vmem_shared>>)
    %dma_wait3A_138 = arith.constant 7 : i32
    %dma_wait3A_139 = arith.constant 0 : i32
    %dma_wait3A_140 = arith.constant 0 : i32
    %dma_wait3A_141 = arith.constant 0 : i32
    %dma_wait3A_142 = tpu.memref_slice %arg8[%dma_wait3A_138, %dma_wait3A_140, %dma_wait3A_141] : memref<8x128x32xf32, #tpu.memory_space<vmem>> -> memref<1x128x32xf32, #tpu.memory_space<vmem>>
    %dma_wait3A_143 = tpu.memref_squeeze %dma_wait3A_142 : memref<1x128x32xf32, #tpu.memory_space<vmem>> -> memref<128x32xf32, #tpu.memory_space<vmem>>
    %dma_wait3A_144 = arith.constant 0 : i32
    %dma_wait3A_145 = tpu.memref_slice %arg7[%dma_wait3A_139, %dma_wait3A_144] : memref<160x128xi32, #tpu.memory_space<vmem>> -> memref<1x128xi32, #tpu.memory_space<vmem>>
    %dma_wait3A_146 = tpu.memref_squeeze %dma_wait3A_145 : memref<1x128xi32, #tpu.memory_space<vmem>> -> memref<128xi32, #tpu.memory_space<vmem>>
    %dma_wait3A_147 = arith.constant 0 : i32
    %dma_wait3A_148 = arith.constant 0 : i32
    %dma_wait3A_149 = tpu.memref_slice %arg9[%dma_wait3A_147, %dma_wait3A_148] : memref<10240x32xf32, #tpu.memory_space<vmem_shared>> -> memref<10240x32xf32, #tpu.memory_space<vmem_shared>>
    tpu.wait_indirect_dma semaphore(%arg26 : memref<!tpu.dma_semaphore, #tpu.memory_space<semaphore_mem>>) src(%dma_wait3A_143 : memref<128x32xf32, #tpu.memory_space<vmem>>) dst(%dma_wait3A_149 : memref<10240x32xf32, #tpu.memory_space<vmem_shared>>)
    %barrier3A_150 = arith.constant 0 : index
    tpu.barrier barrier_id(%barrier3A_150)
    "tpu.region"() ({
      %run_scoped3A_151 = tpu.sem_alloc : memref<!tpu.dma_semaphore, #tpu.memory_space<semaphore_mem>>
      %dma_start3A_152 = arith.constant 0 : i32
      %dma_start3A_153 = arith.constant 0 : i32
      %dma_start3A_154 = tpu.memref_slice %arg5[%arg0, %dma_start3A_152, %dma_start3A_153] : memref<2x10240x128xf32, #tpu.memory_space<hbm>> -> memref<1x10240x128xf32, #tpu.memory_space<hbm>>
      %dma_start3A_155 = tpu.memref_squeeze %dma_start3A_154 : memref<1x10240x128xf32, #tpu.memory_space<hbm>> -> memref<10240x128xf32, #tpu.memory_space<hbm>>
      %dma_start3A_156 = arith.constant 0 : i32
      %dma_start3A_157 = tpu.memref_slice %dma_start3A_155[%mul3A_0, %dma_start3A_156] : memref<10240x128xf32, #tpu.memory_space<hbm>> -> memref<640x32xf32, #tpu.memory_space<hbm>>
      %dma_start3A_158 = arith.constant 0 : i32
      %dma_start3A_159 = tpu.memref_slice %arg9[%mul3A_0, %dma_start3A_158] : memref<10240x32xf32, #tpu.memory_space<vmem_shared>> -> memref<640x32xf32, #tpu.memory_space<vmem_shared>>
      tpu.enqueue_dma source(%dma_start3A_159 : memref<640x32xf32, #tpu.memory_space<vmem_shared>>) target(%dma_start3A_157 : memref<640x32xf32, #tpu.memory_space<hbm>>) target_semaphore(%run_scoped3A_151 : memref<!tpu.dma_semaphore, #tpu.memory_space<semaphore_mem>>)
      %dma_wait3A_160 = arith.constant 0 : i32
      %dma_wait3A_161 = arith.constant 0 : i32
      %dma_wait3A_162 = tpu.memref_slice %arg5[%arg0, %dma_wait3A_160, %dma_wait3A_161] : memref<2x10240x128xf32, #tpu.memory_space<hbm>> -> memref<1x10240x128xf32, #tpu.memory_space<hbm>>
      %dma_wait3A_163 = tpu.memref_squeeze %dma_wait3A_162 : memref<1x10240x128xf32, #tpu.memory_space<hbm>> -> memref<10240x128xf32, #tpu.memory_space<hbm>>
      %dma_wait3A_164 = arith.constant 0 : i32
      %dma_wait3A_165 = tpu.memref_slice %dma_wait3A_163[%mul3A_0, %dma_wait3A_164] : memref<10240x128xf32, #tpu.memory_space<hbm>> -> memref<640x32xf32, #tpu.memory_space<hbm>>
      %dma_wait3A_166 = arith.constant 0 : i32
      %dma_wait3A_167 = tpu.memref_slice %arg9[%mul3A_0, %dma_wait3A_166] : memref<10240x32xf32, #tpu.memory_space<vmem_shared>> -> memref<640x32xf32, #tpu.memory_space<vmem_shared>>
      tpu.wait_dma2 semaphore(%run_scoped3A_151 : memref<!tpu.dma_semaphore, #tpu.memory_space<semaphore_mem>>) src(%dma_wait3A_167 : memref<640x32xf32, #tpu.memory_space<vmem_shared>>) dst(%dma_wait3A_165 : memref<640x32xf32, #tpu.memory_space<hbm>>)
      tpu.yield
    }) : () -> ()
    return
  }
}

#map = affine_map<(d0, d1) -> (0, 0)>
#map1 = affine_map<(d0, d1) -> (0, 0, 0)>
module attributes {stable_mosaic.version = 14 : i64} {
  func.func @prop(%arg0: i32, %arg1: i32, %arg2: memref<10240x128xf32, #tpu.memory_space<hbm>>, %arg3: memref<2x2560x128xi32, #tpu.memory_space<hbm>>, %arg4: memref<10240x32xf32, #tpu.memory_space<hbm>>, %arg5: memref<2x10240x128xf32, #tpu.memory_space<hbm>>, %arg6: memref<80x128xi32, #tpu.memory_space<vmem>>, %arg7: memref<80x128xi32, #tpu.memory_space<vmem>>, %arg8: memref<8x128x32xf32, #tpu.memory_space<vmem>>, %arg9: memref<10240x32xf32, #tpu.memory_space<vmem_shared>>, %arg10: memref<10240x32xf32, #tpu.memory_space<vmem_shared>>, %arg11: memref<!tpu.dma_semaphore, #tpu.memory_space<semaphore_mem>>, %arg12: memref<!tpu.dma_semaphore, #tpu.memory_space<semaphore_mem>>, %arg13: memref<!tpu.dma_semaphore, #tpu.memory_space<semaphore_mem>>, %arg14: memref<!tpu.dma_semaphore, #tpu.memory_space<semaphore_mem>>, %arg15: memref<!tpu.dma_semaphore, #tpu.memory_space<semaphore_mem>>, %arg16: memref<!tpu.dma_semaphore, #tpu.memory_space<semaphore_mem>>, %arg17: memref<!tpu.dma_semaphore, #tpu.memory_space<semaphore_mem>>, %arg18: memref<!tpu.dma_semaphore, #tpu.memory_space<semaphore_mem>>, %arg19: memref<!tpu.dma_semaphore, #tpu.memory_space<semaphore_mem>>, %arg20: memref<!tpu.dma_semaphore, #tpu.memory_space<semaphore_mem>>, %arg21: memref<!tpu.dma_semaphore, #tpu.memory_space<semaphore_mem>>, %arg22: memref<!tpu.dma_semaphore, #tpu.memory_space<semaphore_mem>>, %arg23: memref<!tpu.dma_semaphore, #tpu.memory_space<semaphore_mem>>, %arg24: memref<!tpu.dma_semaphore, #tpu.memory_space<semaphore_mem>>, %arg25: memref<!tpu.dma_semaphore, #tpu.memory_space<semaphore_mem>>, %arg26: memref<!tpu.dma_semaphore, #tpu.memory_space<semaphore_mem>>) attributes {dimension_semantics = [#tpu.dimension_semantics<core_parallel>, #tpu.dimension_semantics<subcore_parallel>], iteration_bounds = array<i64: 2, 16>, scalar_prefetch = 0 : i64, scratch_operands = 21 : i64, tpu.core_type = #tpu.core_type<sc_vector_subcore>, window_params = [{transform_indices = #map}, {transform_indices = #map1}, {transform_indices = #map}, {transform_indices = #map1}]} {
    %mul3A = arith.constant 2 : i32
    %mul3A_0 = arith.muli %arg1, %mul3A : i32
    %add3A = arith.addi %mul3A_0, %arg0 : i32
    %mul3A_1 = arith.constant 640 : i32
    %mul3A_2 = arith.muli %arg1, %mul3A_1 : i32
    %mul3A_3 = arith.constant 80 : i32
    %mul3A_4 = arith.muli %add3A, %mul3A_3 : i32
    %run_scoped3A = arith.constant 0 : i32
    "tpu.region"() ({
      %run_scoped3A_153 = tpu.sem_alloc : memref<!tpu.dma_semaphore, #tpu.memory_space<semaphore_mem>>
      %dma_start3A_154 = arith.constant 0 : i32
      %dma_start3A_155 = arith.constant 0 : i32
      %dma_start3A_156 = tpu.memref_slice %arg3[%run_scoped3A, %dma_start3A_154, %dma_start3A_155] : memref<2x2560x128xi32, #tpu.memory_space<hbm>> -> memref<1x2560x128xi32, #tpu.memory_space<hbm>>
      %dma_start3A_157 = tpu.memref_squeeze %dma_start3A_156 : memref<1x2560x128xi32, #tpu.memory_space<hbm>> -> memref<2560x128xi32, #tpu.memory_space<hbm>>
      %dma_start3A_158 = arith.constant 0 : i32
      %dma_start3A_159 = tpu.memref_slice %dma_start3A_157[%mul3A_4, %dma_start3A_158] : memref<2560x128xi32, #tpu.memory_space<hbm>> -> memref<80x128xi32, #tpu.memory_space<hbm>>
      %dma_start3A_160 = arith.constant 0 : i32
      %dma_start3A_161 = arith.constant 0 : i32
      %dma_start3A_162 = tpu.memref_slice %arg3[%run_scoped3A, %dma_start3A_160, %dma_start3A_161] : memref<2x2560x128xi32, #tpu.memory_space<hbm>> -> memref<1x2560x128xi32, #tpu.memory_space<hbm>>
      %dma_start3A_163 = tpu.memref_squeeze %dma_start3A_162 : memref<1x2560x128xi32, #tpu.memory_space<hbm>> -> memref<2560x128xi32, #tpu.memory_space<hbm>>
      %dma_start3A_164 = arith.constant 0 : i32
      %dma_start3A_165 = tpu.memref_slice %dma_start3A_163[%mul3A_4, %dma_start3A_164] : memref<2560x128xi32, #tpu.memory_space<hbm>> -> memref<80x128xi32, #tpu.memory_space<hbm>>
      tpu.enqueue_dma source(%dma_start3A_165 : memref<80x128xi32, #tpu.memory_space<hbm>>) target(%arg6 : memref<80x128xi32, #tpu.memory_space<vmem>>) target_semaphore(%run_scoped3A_153 : memref<!tpu.dma_semaphore, #tpu.memory_space<semaphore_mem>>)
      %dma_wait3A_166 = arith.constant 0 : i32
      %dma_wait3A_167 = arith.constant 0 : i32
      %dma_wait3A_168 = tpu.memref_slice %arg3[%run_scoped3A, %dma_wait3A_166, %dma_wait3A_167] : memref<2x2560x128xi32, #tpu.memory_space<hbm>> -> memref<1x2560x128xi32, #tpu.memory_space<hbm>>
      %dma_wait3A_169 = tpu.memref_squeeze %dma_wait3A_168 : memref<1x2560x128xi32, #tpu.memory_space<hbm>> -> memref<2560x128xi32, #tpu.memory_space<hbm>>
      %dma_wait3A_170 = arith.constant 0 : i32
      %dma_wait3A_171 = tpu.memref_slice %dma_wait3A_169[%mul3A_4, %dma_wait3A_170] : memref<2560x128xi32, #tpu.memory_space<hbm>> -> memref<80x128xi32, #tpu.memory_space<hbm>>
      %dma_wait3A_172 = arith.constant 0 : i32
      %dma_wait3A_173 = arith.constant 0 : i32
      %dma_wait3A_174 = tpu.memref_slice %arg3[%run_scoped3A, %dma_wait3A_172, %dma_wait3A_173] : memref<2x2560x128xi32, #tpu.memory_space<hbm>> -> memref<1x2560x128xi32, #tpu.memory_space<hbm>>
      %dma_wait3A_175 = tpu.memref_squeeze %dma_wait3A_174 : memref<1x2560x128xi32, #tpu.memory_space<hbm>> -> memref<2560x128xi32, #tpu.memory_space<hbm>>
      %dma_wait3A_176 = arith.constant 0 : i32
      %dma_wait3A_177 = tpu.memref_slice %dma_wait3A_175[%mul3A_4, %dma_wait3A_176] : memref<2560x128xi32, #tpu.memory_space<hbm>> -> memref<80x128xi32, #tpu.memory_space<hbm>>
      tpu.wait_dma2 semaphore(%run_scoped3A_153 : memref<!tpu.dma_semaphore, #tpu.memory_space<semaphore_mem>>) src(%dma_wait3A_177 : memref<80x128xi32, #tpu.memory_space<hbm>>) dst(%arg6 : memref<80x128xi32, #tpu.memory_space<vmem>>)
      tpu.yield
    }) : () -> ()
    %run_scoped3A_5 = arith.constant 1 : i32
    "tpu.region"() ({
      %run_scoped3A_153 = tpu.sem_alloc : memref<!tpu.dma_semaphore, #tpu.memory_space<semaphore_mem>>
      %dma_start3A_154 = arith.constant 0 : i32
      %dma_start3A_155 = arith.constant 0 : i32
      %dma_start3A_156 = tpu.memref_slice %arg3[%run_scoped3A_5, %dma_start3A_154, %dma_start3A_155] : memref<2x2560x128xi32, #tpu.memory_space<hbm>> -> memref<1x2560x128xi32, #tpu.memory_space<hbm>>
      %dma_start3A_157 = tpu.memref_squeeze %dma_start3A_156 : memref<1x2560x128xi32, #tpu.memory_space<hbm>> -> memref<2560x128xi32, #tpu.memory_space<hbm>>
      %dma_start3A_158 = arith.constant 0 : i32
      %dma_start3A_159 = tpu.memref_slice %dma_start3A_157[%mul3A_4, %dma_start3A_158] : memref<2560x128xi32, #tpu.memory_space<hbm>> -> memref<80x128xi32, #tpu.memory_space<hbm>>
      %dma_start3A_160 = arith.constant 0 : i32
      %dma_start3A_161 = arith.constant 0 : i32
      %dma_start3A_162 = tpu.memref_slice %arg3[%run_scoped3A_5, %dma_start3A_160, %dma_start3A_161] : memref<2x2560x128xi32, #tpu.memory_space<hbm>> -> memref<1x2560x128xi32, #tpu.memory_space<hbm>>
      %dma_start3A_163 = tpu.memref_squeeze %dma_start3A_162 : memref<1x2560x128xi32, #tpu.memory_space<hbm>> -> memref<2560x128xi32, #tpu.memory_space<hbm>>
      %dma_start3A_164 = arith.constant 0 : i32
      %dma_start3A_165 = tpu.memref_slice %dma_start3A_163[%mul3A_4, %dma_start3A_164] : memref<2560x128xi32, #tpu.memory_space<hbm>> -> memref<80x128xi32, #tpu.memory_space<hbm>>
      tpu.enqueue_dma source(%dma_start3A_165 : memref<80x128xi32, #tpu.memory_space<hbm>>) target(%arg7 : memref<80x128xi32, #tpu.memory_space<vmem>>) target_semaphore(%run_scoped3A_153 : memref<!tpu.dma_semaphore, #tpu.memory_space<semaphore_mem>>)
      %dma_wait3A_166 = arith.constant 0 : i32
      %dma_wait3A_167 = arith.constant 0 : i32
      %dma_wait3A_168 = tpu.memref_slice %arg3[%run_scoped3A_5, %dma_wait3A_166, %dma_wait3A_167] : memref<2x2560x128xi32, #tpu.memory_space<hbm>> -> memref<1x2560x128xi32, #tpu.memory_space<hbm>>
      %dma_wait3A_169 = tpu.memref_squeeze %dma_wait3A_168 : memref<1x2560x128xi32, #tpu.memory_space<hbm>> -> memref<2560x128xi32, #tpu.memory_space<hbm>>
      %dma_wait3A_170 = arith.constant 0 : i32
      %dma_wait3A_171 = tpu.memref_slice %dma_wait3A_169[%mul3A_4, %dma_wait3A_170] : memref<2560x128xi32, #tpu.memory_space<hbm>> -> memref<80x128xi32, #tpu.memory_space<hbm>>
      %dma_wait3A_172 = arith.constant 0 : i32
      %dma_wait3A_173 = arith.constant 0 : i32
      %dma_wait3A_174 = tpu.memref_slice %arg3[%run_scoped3A_5, %dma_wait3A_172, %dma_wait3A_173] : memref<2x2560x128xi32, #tpu.memory_space<hbm>> -> memref<1x2560x128xi32, #tpu.memory_space<hbm>>
      %dma_wait3A_175 = tpu.memref_squeeze %dma_wait3A_174 : memref<1x2560x128xi32, #tpu.memory_space<hbm>> -> memref<2560x128xi32, #tpu.memory_space<hbm>>
      %dma_wait3A_176 = arith.constant 0 : i32
      %dma_wait3A_177 = tpu.memref_slice %dma_wait3A_175[%mul3A_4, %dma_wait3A_176] : memref<2560x128xi32, #tpu.memory_space<hbm>> -> memref<80x128xi32, #tpu.memory_space<hbm>>
      tpu.wait_dma2 semaphore(%run_scoped3A_153 : memref<!tpu.dma_semaphore, #tpu.memory_space<semaphore_mem>>) src(%dma_wait3A_177 : memref<80x128xi32, #tpu.memory_space<hbm>>) dst(%arg7 : memref<80x128xi32, #tpu.memory_space<vmem>>)
      tpu.yield
    }) : () -> ()
    "tpu.region"() ({
      %run_scoped3A_153 = tpu.sem_alloc : memref<!tpu.dma_semaphore, #tpu.memory_space<semaphore_mem>>
      %dma_start3A_154 = arith.constant 0 : i32
      %dma_start3A_155 = tpu.memref_slice %arg9[%mul3A_2, %dma_start3A_154] : memref<10240x32xf32, #tpu.memory_space<vmem_shared>> -> memref<640x32xf32, #tpu.memory_space<vmem_shared>>
      %dma_start3A_156 = arith.constant 0 : i32
      %dma_start3A_157 = tpu.memref_slice %arg4[%mul3A_2, %dma_start3A_156] : memref<10240x32xf32, #tpu.memory_space<hbm>> -> memref<640x32xf32, #tpu.memory_space<hbm>>
      tpu.enqueue_dma source(%dma_start3A_157 : memref<640x32xf32, #tpu.memory_space<hbm>>) target(%dma_start3A_155 : memref<640x32xf32, #tpu.memory_space<vmem_shared>>) target_semaphore(%run_scoped3A_153 : memref<!tpu.dma_semaphore, #tpu.memory_space<semaphore_mem>>)
      %dma_wait3A_158 = arith.constant 0 : i32
      %dma_wait3A_159 = tpu.memref_slice %arg9[%mul3A_2, %dma_wait3A_158] : memref<10240x32xf32, #tpu.memory_space<vmem_shared>> -> memref<640x32xf32, #tpu.memory_space<vmem_shared>>
      %dma_wait3A_160 = arith.constant 0 : i32
      %dma_wait3A_161 = tpu.memref_slice %arg4[%mul3A_2, %dma_wait3A_160] : memref<10240x32xf32, #tpu.memory_space<hbm>> -> memref<640x32xf32, #tpu.memory_space<hbm>>
      tpu.wait_dma2 semaphore(%run_scoped3A_153 : memref<!tpu.dma_semaphore, #tpu.memory_space<semaphore_mem>>) src(%dma_wait3A_161 : memref<640x32xf32, #tpu.memory_space<hbm>>) dst(%dma_wait3A_159 : memref<640x32xf32, #tpu.memory_space<vmem_shared>>)
      tpu.yield
    }) : () -> ()
    "tpu.region"() ({
      %run_scoped3A_153 = tpu.sem_alloc : memref<!tpu.dma_semaphore, #tpu.memory_space<semaphore_mem>>
      %dma_start3A_154 = arith.constant 0 : i32
      %dma_start3A_155 = tpu.memref_slice %arg10[%mul3A_2, %dma_start3A_154] : memref<10240x32xf32, #tpu.memory_space<vmem_shared>> -> memref<640x32xf32, #tpu.memory_space<vmem_shared>>
      %dma_start3A_156 = arith.constant 0 : i32
      %dma_start3A_157 = tpu.memref_slice %arg2[%mul3A_2, %dma_start3A_156] : memref<10240x128xf32, #tpu.memory_space<hbm>> -> memref<640x32xf32, #tpu.memory_space<hbm>>
      tpu.enqueue_dma source(%dma_start3A_157 : memref<640x32xf32, #tpu.memory_space<hbm>>) target(%dma_start3A_155 : memref<640x32xf32, #tpu.memory_space<vmem_shared>>) target_semaphore(%run_scoped3A_153 : memref<!tpu.dma_semaphore, #tpu.memory_space<semaphore_mem>>)
      %dma_wait3A_158 = arith.constant 0 : i32
      %dma_wait3A_159 = tpu.memref_slice %arg10[%mul3A_2, %dma_wait3A_158] : memref<10240x32xf32, #tpu.memory_space<vmem_shared>> -> memref<640x32xf32, #tpu.memory_space<vmem_shared>>
      %dma_wait3A_160 = arith.constant 0 : i32
      %dma_wait3A_161 = tpu.memref_slice %arg2[%mul3A_2, %dma_wait3A_160] : memref<10240x128xf32, #tpu.memory_space<hbm>> -> memref<640x32xf32, #tpu.memory_space<hbm>>
      tpu.wait_dma2 semaphore(%run_scoped3A_153 : memref<!tpu.dma_semaphore, #tpu.memory_space<semaphore_mem>>) src(%dma_wait3A_161 : memref<640x32xf32, #tpu.memory_space<hbm>>) dst(%dma_wait3A_159 : memref<640x32xf32, #tpu.memory_space<vmem_shared>>)
      tpu.yield
    }) : () -> ()
    %barrier3A = arith.constant 0 : index
    tpu.barrier barrier_id(%barrier3A)
    %dma_start3A = arith.constant 0 : i32
    %dma_start3A_6 = arith.constant 0 : i32
    %dma_start3A_7 = arith.constant 0 : i32
    %dma_start3A_8 = arith.constant 0 : i32
    %dma_start3A_9 = tpu.memref_slice %arg8[%dma_start3A_6, %dma_start3A_7, %dma_start3A_8] : memref<8x128x32xf32, #tpu.memory_space<vmem>> -> memref<1x128x32xf32, #tpu.memory_space<vmem>>
    %dma_start3A_10 = tpu.memref_squeeze %dma_start3A_9 : memref<1x128x32xf32, #tpu.memory_space<vmem>> -> memref<128x32xf32, #tpu.memory_space<vmem>>
    %dma_start3A_11 = arith.constant 0 : i32
    %dma_start3A_12 = tpu.memref_slice %arg6[%dma_start3A, %dma_start3A_11] : memref<80x128xi32, #tpu.memory_space<vmem>> -> memref<1x128xi32, #tpu.memory_space<vmem>>
    %dma_start3A_13 = tpu.memref_squeeze %dma_start3A_12 : memref<1x128xi32, #tpu.memory_space<vmem>> -> memref<128xi32, #tpu.memory_space<vmem>>
    %dma_start3A_14 = arith.constant 0 : i32
    %dma_start3A_15 = arith.constant 0 : i32
    %dma_start3A_16 = tpu.memref_slice %arg10[%dma_start3A_14, %dma_start3A_15] : memref<10240x32xf32, #tpu.memory_space<vmem_shared>> -> memref<10240x32xf32, #tpu.memory_space<vmem_shared>>
    tpu.enqueue_indirect_dma source(%dma_start3A_16 : memref<10240x32xf32, #tpu.memory_space<vmem_shared>>) target(%dma_start3A_10 : memref<128x32xf32, #tpu.memory_space<vmem>>) offsets(%dma_start3A_13 : memref<128xi32, #tpu.memory_space<vmem>>) semaphore(%arg11 : memref<!tpu.dma_semaphore, #tpu.memory_space<semaphore_mem>>)
    %dma_start3A_17 = arith.constant 1 : i32
    %dma_start3A_18 = arith.constant 1 : i32
    %dma_start3A_19 = arith.constant 0 : i32
    %dma_start3A_20 = arith.constant 0 : i32
    %dma_start3A_21 = tpu.memref_slice %arg8[%dma_start3A_18, %dma_start3A_19, %dma_start3A_20] : memref<8x128x32xf32, #tpu.memory_space<vmem>> -> memref<1x128x32xf32, #tpu.memory_space<vmem>>
    %dma_start3A_22 = tpu.memref_squeeze %dma_start3A_21 : memref<1x128x32xf32, #tpu.memory_space<vmem>> -> memref<128x32xf32, #tpu.memory_space<vmem>>
    %dma_start3A_23 = arith.constant 0 : i32
    %dma_start3A_24 = tpu.memref_slice %arg6[%dma_start3A_17, %dma_start3A_23] : memref<80x128xi32, #tpu.memory_space<vmem>> -> memref<1x128xi32, #tpu.memory_space<vmem>>
    %dma_start3A_25 = tpu.memref_squeeze %dma_start3A_24 : memref<1x128xi32, #tpu.memory_space<vmem>> -> memref<128xi32, #tpu.memory_space<vmem>>
    %dma_start3A_26 = arith.constant 0 : i32
    %dma_start3A_27 = arith.constant 0 : i32
    %dma_start3A_28 = tpu.memref_slice %arg10[%dma_start3A_26, %dma_start3A_27] : memref<10240x32xf32, #tpu.memory_space<vmem_shared>> -> memref<10240x32xf32, #tpu.memory_space<vmem_shared>>
    tpu.enqueue_indirect_dma source(%dma_start3A_28 : memref<10240x32xf32, #tpu.memory_space<vmem_shared>>) target(%dma_start3A_22 : memref<128x32xf32, #tpu.memory_space<vmem>>) offsets(%dma_start3A_25 : memref<128xi32, #tpu.memory_space<vmem>>) semaphore(%arg12 : memref<!tpu.dma_semaphore, #tpu.memory_space<semaphore_mem>>)
    %dma_start3A_29 = arith.constant 2 : i32
    %dma_start3A_30 = arith.constant 2 : i32
    %dma_start3A_31 = arith.constant 0 : i32
    %dma_start3A_32 = arith.constant 0 : i32
    %dma_start3A_33 = tpu.memref_slice %arg8[%dma_start3A_30, %dma_start3A_31, %dma_start3A_32] : memref<8x128x32xf32, #tpu.memory_space<vmem>> -> memref<1x128x32xf32, #tpu.memory_space<vmem>>
    %dma_start3A_34 = tpu.memref_squeeze %dma_start3A_33 : memref<1x128x32xf32, #tpu.memory_space<vmem>> -> memref<128x32xf32, #tpu.memory_space<vmem>>
    %dma_start3A_35 = arith.constant 0 : i32
    %dma_start3A_36 = tpu.memref_slice %arg6[%dma_start3A_29, %dma_start3A_35] : memref<80x128xi32, #tpu.memory_space<vmem>> -> memref<1x128xi32, #tpu.memory_space<vmem>>
    %dma_start3A_37 = tpu.memref_squeeze %dma_start3A_36 : memref<1x128xi32, #tpu.memory_space<vmem>> -> memref<128xi32, #tpu.memory_space<vmem>>
    %dma_start3A_38 = arith.constant 0 : i32
    %dma_start3A_39 = arith.constant 0 : i32
    %dma_start3A_40 = tpu.memref_slice %arg10[%dma_start3A_38, %dma_start3A_39] : memref<10240x32xf32, #tpu.memory_space<vmem_shared>> -> memref<10240x32xf32, #tpu.memory_space<vmem_shared>>
    tpu.enqueue_indirect_dma source(%dma_start3A_40 : memref<10240x32xf32, #tpu.memory_space<vmem_shared>>) target(%dma_start3A_34 : memref<128x32xf32, #tpu.memory_space<vmem>>) offsets(%dma_start3A_37 : memref<128xi32, #tpu.memory_space<vmem>>) semaphore(%arg13 : memref<!tpu.dma_semaphore, #tpu.memory_space<semaphore_mem>>)
    %dma_start3A_41 = arith.constant 3 : i32
    %dma_start3A_42 = arith.constant 3 : i32
    %dma_start3A_43 = arith.constant 0 : i32
    %dma_start3A_44 = arith.constant 0 : i32
    %dma_start3A_45 = tpu.memref_slice %arg8[%dma_start3A_42, %dma_start3A_43, %dma_start3A_44] : memref<8x128x32xf32, #tpu.memory_space<vmem>> -> memref<1x128x32xf32, #tpu.memory_space<vmem>>
    %dma_start3A_46 = tpu.memref_squeeze %dma_start3A_45 : memref<1x128x32xf32, #tpu.memory_space<vmem>> -> memref<128x32xf32, #tpu.memory_space<vmem>>
    %dma_start3A_47 = arith.constant 0 : i32
    %dma_start3A_48 = tpu.memref_slice %arg6[%dma_start3A_41, %dma_start3A_47] : memref<80x128xi32, #tpu.memory_space<vmem>> -> memref<1x128xi32, #tpu.memory_space<vmem>>
    %dma_start3A_49 = tpu.memref_squeeze %dma_start3A_48 : memref<1x128xi32, #tpu.memory_space<vmem>> -> memref<128xi32, #tpu.memory_space<vmem>>
    %dma_start3A_50 = arith.constant 0 : i32
    %dma_start3A_51 = arith.constant 0 : i32
    %dma_start3A_52 = tpu.memref_slice %arg10[%dma_start3A_50, %dma_start3A_51] : memref<10240x32xf32, #tpu.memory_space<vmem_shared>> -> memref<10240x32xf32, #tpu.memory_space<vmem_shared>>
    tpu.enqueue_indirect_dma source(%dma_start3A_52 : memref<10240x32xf32, #tpu.memory_space<vmem_shared>>) target(%dma_start3A_46 : memref<128x32xf32, #tpu.memory_space<vmem>>) offsets(%dma_start3A_49 : memref<128xi32, #tpu.memory_space<vmem>>) semaphore(%arg14 : memref<!tpu.dma_semaphore, #tpu.memory_space<semaphore_mem>>)
    %scan3A = arith.constant 0 : i32
    %scan3A_53 = arith.constant 10 : i32
    %scan3A_54 = arith.addi %scan3A, %scan3A_53 : i32
    %scan3A_55 = arith.constant 1 : i32
    scf.for %scan3A_153 = %scan3A to %scan3A_54 step %scan3A_55  : i32 {
      %mul3A_154 = arith.constant 1 : i32
      %mul3A_155 = arith.muli %scan3A_153, %mul3A_154 : i32
      %add3A_156 = arith.constant 0 : i32
      %add3A_157 = arith.addi %add3A_156, %mul3A_155 : i32
      %mul3A_158 = arith.constant 8 : i32
      %mul3A_159 = arith.muli %add3A_157, %mul3A_158 : i32
      %add3A_160 = arith.constant 0 : i32
      %add3A_161 = arith.addi %mul3A_159, %add3A_160 : i32
      %add3A_162 = arith.constant 4 : i32
      %add3A_163 = arith.addi %add3A_161, %add3A_162 : i32
      %lt3A = arith.constant 80 : i32
      %lt3A_164 = arith.cmpi slt, %add3A_163, %lt3A : i32
      %convert_element_type3A = arith.extui %lt3A_164 : i1 to i32
      %cond3A = arith.constant 0 : i32
      %cond3A_165 = arith.cmpi ne, %convert_element_type3A, %cond3A : i32
      scf.if %cond3A_165 {
        %ge3A = arith.constant 4 : i32
        %ge3A_413 = arith.cmpi sge, %add3A_161, %ge3A : i32
        %convert_element_type3A_414 = arith.extui %ge3A_413 : i1 to i32
        %cond3A_415 = arith.constant 0 : i32
        %cond3A_416 = arith.cmpi ne, %convert_element_type3A_414, %cond3A_415 : i32
        scf.if %cond3A_416 {
          %dma_wait3A_430 = arith.constant 4 : i32
          %dma_wait3A_431 = arith.constant 0 : i32
          %dma_wait3A_432 = arith.constant 0 : i32
          %dma_wait3A_433 = arith.constant 0 : i32
          %dma_wait3A_434 = tpu.memref_slice %arg8[%dma_wait3A_430, %dma_wait3A_432, %dma_wait3A_433] : memref<8x128x32xf32, #tpu.memory_space<vmem>> -> memref<1x128x32xf32, #tpu.memory_space<vmem>>
          %dma_wait3A_435 = tpu.memref_squeeze %dma_wait3A_434 : memref<1x128x32xf32, #tpu.memory_space<vmem>> -> memref<128x32xf32, #tpu.memory_space<vmem>>
          %dma_wait3A_436 = arith.constant 0 : i32
          %dma_wait3A_437 = tpu.memref_slice %arg7[%dma_wait3A_431, %dma_wait3A_436] : memref<80x128xi32, #tpu.memory_space<vmem>> -> memref<1x128xi32, #tpu.memory_space<vmem>>
          %dma_wait3A_438 = tpu.memref_squeeze %dma_wait3A_437 : memref<1x128xi32, #tpu.memory_space<vmem>> -> memref<128xi32, #tpu.memory_space<vmem>>
          %dma_wait3A_439 = arith.constant 0 : i32
          %dma_wait3A_440 = arith.constant 0 : i32
          %dma_wait3A_441 = tpu.memref_slice %arg9[%dma_wait3A_439, %dma_wait3A_440] : memref<10240x32xf32, #tpu.memory_space<vmem_shared>> -> memref<10240x32xf32, #tpu.memory_space<vmem_shared>>
          tpu.wait_indirect_dma semaphore(%arg23 : memref<!tpu.dma_semaphore, #tpu.memory_space<semaphore_mem>>) src(%dma_wait3A_435 : memref<128x32xf32, #tpu.memory_space<vmem>>) dst(%dma_wait3A_441 : memref<10240x32xf32, #tpu.memory_space<vmem_shared>>)
        } else {
        }
        %add3A_417 = arith.constant 4 : i32
        %add3A_418 = arith.addi %add3A_161, %add3A_417 : i32
        %dma_start3A_419 = arith.constant 4 : i32
        %dma_start3A_420 = arith.constant 0 : i32
        %dma_start3A_421 = arith.constant 0 : i32
        %dma_start3A_422 = tpu.memref_slice %arg8[%dma_start3A_419, %dma_start3A_420, %dma_start3A_421] : memref<8x128x32xf32, #tpu.memory_space<vmem>> -> memref<1x128x32xf32, #tpu.memory_space<vmem>>
        %dma_start3A_423 = tpu.memref_squeeze %dma_start3A_422 : memref<1x128x32xf32, #tpu.memory_space<vmem>> -> memref<128x32xf32, #tpu.memory_space<vmem>>
        %dma_start3A_424 = arith.constant 0 : i32
        %dma_start3A_425 = tpu.memref_slice %arg6[%add3A_418, %dma_start3A_424] : memref<80x128xi32, #tpu.memory_space<vmem>> -> memref<1x128xi32, #tpu.memory_space<vmem>>
        %dma_start3A_426 = tpu.memref_squeeze %dma_start3A_425 : memref<1x128xi32, #tpu.memory_space<vmem>> -> memref<128xi32, #tpu.memory_space<vmem>>
        %dma_start3A_427 = arith.constant 0 : i32
        %dma_start3A_428 = arith.constant 0 : i32
        %dma_start3A_429 = tpu.memref_slice %arg10[%dma_start3A_427, %dma_start3A_428] : memref<10240x32xf32, #tpu.memory_space<vmem_shared>> -> memref<10240x32xf32, #tpu.memory_space<vmem_shared>>
        tpu.enqueue_indirect_dma source(%dma_start3A_429 : memref<10240x32xf32, #tpu.memory_space<vmem_shared>>) target(%dma_start3A_423 : memref<128x32xf32, #tpu.memory_space<vmem>>) offsets(%dma_start3A_426 : memref<128xi32, #tpu.memory_space<vmem>>) semaphore(%arg15 : memref<!tpu.dma_semaphore, #tpu.memory_space<semaphore_mem>>)
      } else {
      }
      %dma_wait3A_166 = arith.constant 0 : i32
      %dma_wait3A_167 = arith.constant 0 : i32
      %dma_wait3A_168 = arith.constant 0 : i32
      %dma_wait3A_169 = arith.constant 0 : i32
      %dma_wait3A_170 = tpu.memref_slice %arg8[%dma_wait3A_167, %dma_wait3A_168, %dma_wait3A_169] : memref<8x128x32xf32, #tpu.memory_space<vmem>> -> memref<1x128x32xf32, #tpu.memory_space<vmem>>
      %dma_wait3A_171 = tpu.memref_squeeze %dma_wait3A_170 : memref<1x128x32xf32, #tpu.memory_space<vmem>> -> memref<128x32xf32, #tpu.memory_space<vmem>>
      %dma_wait3A_172 = arith.constant 0 : i32
      %dma_wait3A_173 = tpu.memref_slice %arg6[%dma_wait3A_166, %dma_wait3A_172] : memref<80x128xi32, #tpu.memory_space<vmem>> -> memref<1x128xi32, #tpu.memory_space<vmem>>
      %dma_wait3A_174 = tpu.memref_squeeze %dma_wait3A_173 : memref<1x128xi32, #tpu.memory_space<vmem>> -> memref<128xi32, #tpu.memory_space<vmem>>
      %dma_wait3A_175 = arith.constant 0 : i32
      %dma_wait3A_176 = arith.constant 0 : i32
      %dma_wait3A_177 = tpu.memref_slice %arg10[%dma_wait3A_175, %dma_wait3A_176] : memref<10240x32xf32, #tpu.memory_space<vmem_shared>> -> memref<10240x32xf32, #tpu.memory_space<vmem_shared>>
      tpu.wait_indirect_dma semaphore(%arg11 : memref<!tpu.dma_semaphore, #tpu.memory_space<semaphore_mem>>) src(%dma_wait3A_177 : memref<10240x32xf32, #tpu.memory_space<vmem_shared>>) dst(%dma_wait3A_171 : memref<128x32xf32, #tpu.memory_space<vmem>>)
      %dma_start3A_178 = arith.constant 0 : i32
      %dma_start3A_179 = arith.constant 0 : i32
      %dma_start3A_180 = arith.constant 0 : i32
      %dma_start3A_181 = tpu.memref_slice %arg8[%dma_start3A_178, %dma_start3A_179, %dma_start3A_180] : memref<8x128x32xf32, #tpu.memory_space<vmem>> -> memref<1x128x32xf32, #tpu.memory_space<vmem>>
      %dma_start3A_182 = tpu.memref_squeeze %dma_start3A_181 : memref<1x128x32xf32, #tpu.memory_space<vmem>> -> memref<128x32xf32, #tpu.memory_space<vmem>>
      %dma_start3A_183 = arith.constant 0 : i32
      %dma_start3A_184 = tpu.memref_slice %arg7[%add3A_161, %dma_start3A_183] : memref<80x128xi32, #tpu.memory_space<vmem>> -> memref<1x128xi32, #tpu.memory_space<vmem>>
      %dma_start3A_185 = tpu.memref_squeeze %dma_start3A_184 : memref<1x128xi32, #tpu.memory_space<vmem>> -> memref<128xi32, #tpu.memory_space<vmem>>
      %dma_start3A_186 = arith.constant 0 : i32
      %dma_start3A_187 = arith.constant 0 : i32
      %dma_start3A_188 = tpu.memref_slice %arg9[%dma_start3A_186, %dma_start3A_187] : memref<10240x32xf32, #tpu.memory_space<vmem_shared>> -> memref<10240x32xf32, #tpu.memory_space<vmem_shared>>
      tpu.enqueue_indirect_dma source(%dma_start3A_182 : memref<128x32xf32, #tpu.memory_space<vmem>>) target(%dma_start3A_188 : memref<10240x32xf32, #tpu.memory_space<vmem_shared>>) offsets(%dma_start3A_185 : memref<128xi32, #tpu.memory_space<vmem>>) semaphore(%arg19 : memref<!tpu.dma_semaphore, #tpu.memory_space<semaphore_mem>>) {add = true}
      %add3A_189 = arith.constant 1 : i32
      %add3A_190 = arith.addi %mul3A_159, %add3A_189 : i32
      %add3A_191 = arith.constant 4 : i32
      %add3A_192 = arith.addi %add3A_190, %add3A_191 : i32
      %lt3A_193 = arith.constant 80 : i32
      %lt3A_194 = arith.cmpi slt, %add3A_192, %lt3A_193 : i32
      %convert_element_type3A_195 = arith.extui %lt3A_194 : i1 to i32
      %cond3A_196 = arith.constant 0 : i32
      %cond3A_197 = arith.cmpi ne, %convert_element_type3A_195, %cond3A_196 : i32
      scf.if %cond3A_197 {
        %ge3A = arith.constant 4 : i32
        %ge3A_413 = arith.cmpi sge, %add3A_190, %ge3A : i32
        %convert_element_type3A_414 = arith.extui %ge3A_413 : i1 to i32
        %cond3A_415 = arith.constant 0 : i32
        %cond3A_416 = arith.cmpi ne, %convert_element_type3A_414, %cond3A_415 : i32
        scf.if %cond3A_416 {
          %dma_wait3A_430 = arith.constant 5 : i32
          %dma_wait3A_431 = arith.constant 0 : i32
          %dma_wait3A_432 = arith.constant 0 : i32
          %dma_wait3A_433 = arith.constant 0 : i32
          %dma_wait3A_434 = tpu.memref_slice %arg8[%dma_wait3A_430, %dma_wait3A_432, %dma_wait3A_433] : memref<8x128x32xf32, #tpu.memory_space<vmem>> -> memref<1x128x32xf32, #tpu.memory_space<vmem>>
          %dma_wait3A_435 = tpu.memref_squeeze %dma_wait3A_434 : memref<1x128x32xf32, #tpu.memory_space<vmem>> -> memref<128x32xf32, #tpu.memory_space<vmem>>
          %dma_wait3A_436 = arith.constant 0 : i32
          %dma_wait3A_437 = tpu.memref_slice %arg7[%dma_wait3A_431, %dma_wait3A_436] : memref<80x128xi32, #tpu.memory_space<vmem>> -> memref<1x128xi32, #tpu.memory_space<vmem>>
          %dma_wait3A_438 = tpu.memref_squeeze %dma_wait3A_437 : memref<1x128xi32, #tpu.memory_space<vmem>> -> memref<128xi32, #tpu.memory_space<vmem>>
          %dma_wait3A_439 = arith.constant 0 : i32
          %dma_wait3A_440 = arith.constant 0 : i32
          %dma_wait3A_441 = tpu.memref_slice %arg9[%dma_wait3A_439, %dma_wait3A_440] : memref<10240x32xf32, #tpu.memory_space<vmem_shared>> -> memref<10240x32xf32, #tpu.memory_space<vmem_shared>>
          tpu.wait_indirect_dma semaphore(%arg24 : memref<!tpu.dma_semaphore, #tpu.memory_space<semaphore_mem>>) src(%dma_wait3A_435 : memref<128x32xf32, #tpu.memory_space<vmem>>) dst(%dma_wait3A_441 : memref<10240x32xf32, #tpu.memory_space<vmem_shared>>)
        } else {
        }
        %add3A_417 = arith.constant 4 : i32
        %add3A_418 = arith.addi %add3A_190, %add3A_417 : i32
        %dma_start3A_419 = arith.constant 5 : i32
        %dma_start3A_420 = arith.constant 0 : i32
        %dma_start3A_421 = arith.constant 0 : i32
        %dma_start3A_422 = tpu.memref_slice %arg8[%dma_start3A_419, %dma_start3A_420, %dma_start3A_421] : memref<8x128x32xf32, #tpu.memory_space<vmem>> -> memref<1x128x32xf32, #tpu.memory_space<vmem>>
        %dma_start3A_423 = tpu.memref_squeeze %dma_start3A_422 : memref<1x128x32xf32, #tpu.memory_space<vmem>> -> memref<128x32xf32, #tpu.memory_space<vmem>>
        %dma_start3A_424 = arith.constant 0 : i32
        %dma_start3A_425 = tpu.memref_slice %arg6[%add3A_418, %dma_start3A_424] : memref<80x128xi32, #tpu.memory_space<vmem>> -> memref<1x128xi32, #tpu.memory_space<vmem>>
        %dma_start3A_426 = tpu.memref_squeeze %dma_start3A_425 : memref<1x128xi32, #tpu.memory_space<vmem>> -> memref<128xi32, #tpu.memory_space<vmem>>
        %dma_start3A_427 = arith.constant 0 : i32
        %dma_start3A_428 = arith.constant 0 : i32
        %dma_start3A_429 = tpu.memref_slice %arg10[%dma_start3A_427, %dma_start3A_428] : memref<10240x32xf32, #tpu.memory_space<vmem_shared>> -> memref<10240x32xf32, #tpu.memory_space<vmem_shared>>
        tpu.enqueue_indirect_dma source(%dma_start3A_429 : memref<10240x32xf32, #tpu.memory_space<vmem_shared>>) target(%dma_start3A_423 : memref<128x32xf32, #tpu.memory_space<vmem>>) offsets(%dma_start3A_426 : memref<128xi32, #tpu.memory_space<vmem>>) semaphore(%arg16 : memref<!tpu.dma_semaphore, #tpu.memory_space<semaphore_mem>>)
      } else {
      }
      %dma_wait3A_198 = arith.constant 0 : i32
      %dma_wait3A_199 = arith.constant 1 : i32
      %dma_wait3A_200 = arith.constant 0 : i32
      %dma_wait3A_201 = arith.constant 0 : i32
      %dma_wait3A_202 = tpu.memref_slice %arg8[%dma_wait3A_199, %dma_wait3A_200, %dma_wait3A_201] : memref<8x128x32xf32, #tpu.memory_space<vmem>> -> memref<1x128x32xf32, #tpu.memory_space<vmem>>
      %dma_wait3A_203 = tpu.memref_squeeze %dma_wait3A_202 : memref<1x128x32xf32, #tpu.memory_space<vmem>> -> memref<128x32xf32, #tpu.memory_space<vmem>>
      %dma_wait3A_204 = arith.constant 0 : i32
      %dma_wait3A_205 = tpu.memref_slice %arg6[%dma_wait3A_198, %dma_wait3A_204] : memref<80x128xi32, #tpu.memory_space<vmem>> -> memref<1x128xi32, #tpu.memory_space<vmem>>
      %dma_wait3A_206 = tpu.memref_squeeze %dma_wait3A_205 : memref<1x128xi32, #tpu.memory_space<vmem>> -> memref<128xi32, #tpu.memory_space<vmem>>
      %dma_wait3A_207 = arith.constant 0 : i32
      %dma_wait3A_208 = arith.constant 0 : i32
      %dma_wait3A_209 = tpu.memref_slice %arg10[%dma_wait3A_207, %dma_wait3A_208] : memref<10240x32xf32, #tpu.memory_space<vmem_shared>> -> memref<10240x32xf32, #tpu.memory_space<vmem_shared>>
      tpu.wait_indirect_dma semaphore(%arg12 : memref<!tpu.dma_semaphore, #tpu.memory_space<semaphore_mem>>) src(%dma_wait3A_209 : memref<10240x32xf32, #tpu.memory_space<vmem_shared>>) dst(%dma_wait3A_203 : memref<128x32xf32, #tpu.memory_space<vmem>>)
      %dma_start3A_210 = arith.constant 1 : i32
      %dma_start3A_211 = arith.constant 0 : i32
      %dma_start3A_212 = arith.constant 0 : i32
      %dma_start3A_213 = tpu.memref_slice %arg8[%dma_start3A_210, %dma_start3A_211, %dma_start3A_212] : memref<8x128x32xf32, #tpu.memory_space<vmem>> -> memref<1x128x32xf32, #tpu.memory_space<vmem>>
      %dma_start3A_214 = tpu.memref_squeeze %dma_start3A_213 : memref<1x128x32xf32, #tpu.memory_space<vmem>> -> memref<128x32xf32, #tpu.memory_space<vmem>>
      %dma_start3A_215 = arith.constant 0 : i32
      %dma_start3A_216 = tpu.memref_slice %arg7[%add3A_190, %dma_start3A_215] : memref<80x128xi32, #tpu.memory_space<vmem>> -> memref<1x128xi32, #tpu.memory_space<vmem>>
      %dma_start3A_217 = tpu.memref_squeeze %dma_start3A_216 : memref<1x128xi32, #tpu.memory_space<vmem>> -> memref<128xi32, #tpu.memory_space<vmem>>
      %dma_start3A_218 = arith.constant 0 : i32
      %dma_start3A_219 = arith.constant 0 : i32
      %dma_start3A_220 = tpu.memref_slice %arg9[%dma_start3A_218, %dma_start3A_219] : memref<10240x32xf32, #tpu.memory_space<vmem_shared>> -> memref<10240x32xf32, #tpu.memory_space<vmem_shared>>
      tpu.enqueue_indirect_dma source(%dma_start3A_214 : memref<128x32xf32, #tpu.memory_space<vmem>>) target(%dma_start3A_220 : memref<10240x32xf32, #tpu.memory_space<vmem_shared>>) offsets(%dma_start3A_217 : memref<128xi32, #tpu.memory_space<vmem>>) semaphore(%arg20 : memref<!tpu.dma_semaphore, #tpu.memory_space<semaphore_mem>>) {add = true}
      %add3A_221 = arith.constant 2 : i32
      %add3A_222 = arith.addi %mul3A_159, %add3A_221 : i32
      %add3A_223 = arith.constant 4 : i32
      %add3A_224 = arith.addi %add3A_222, %add3A_223 : i32
      %lt3A_225 = arith.constant 80 : i32
      %lt3A_226 = arith.cmpi slt, %add3A_224, %lt3A_225 : i32
      %convert_element_type3A_227 = arith.extui %lt3A_226 : i1 to i32
      %cond3A_228 = arith.constant 0 : i32
      %cond3A_229 = arith.cmpi ne, %convert_element_type3A_227, %cond3A_228 : i32
      scf.if %cond3A_229 {
        %ge3A = arith.constant 4 : i32
        %ge3A_413 = arith.cmpi sge, %add3A_222, %ge3A : i32
        %convert_element_type3A_414 = arith.extui %ge3A_413 : i1 to i32
        %cond3A_415 = arith.constant 0 : i32
        %cond3A_416 = arith.cmpi ne, %convert_element_type3A_414, %cond3A_415 : i32
        scf.if %cond3A_416 {
          %dma_wait3A_430 = arith.constant 6 : i32
          %dma_wait3A_431 = arith.constant 0 : i32
          %dma_wait3A_432 = arith.constant 0 : i32
          %dma_wait3A_433 = arith.constant 0 : i32
          %dma_wait3A_434 = tpu.memref_slice %arg8[%dma_wait3A_430, %dma_wait3A_432, %dma_wait3A_433] : memref<8x128x32xf32, #tpu.memory_space<vmem>> -> memref<1x128x32xf32, #tpu.memory_space<vmem>>
          %dma_wait3A_435 = tpu.memref_squeeze %dma_wait3A_434 : memref<1x128x32xf32, #tpu.memory_space<vmem>> -> memref<128x32xf32, #tpu.memory_space<vmem>>
          %dma_wait3A_436 = arith.constant 0 : i32
          %dma_wait3A_437 = tpu.memref_slice %arg7[%dma_wait3A_431, %dma_wait3A_436] : memref<80x128xi32, #tpu.memory_space<vmem>> -> memref<1x128xi32, #tpu.memory_space<vmem>>
          %dma_wait3A_438 = tpu.memref_squeeze %dma_wait3A_437 : memref<1x128xi32, #tpu.memory_space<vmem>> -> memref<128xi32, #tpu.memory_space<vmem>>
          %dma_wait3A_439 = arith.constant 0 : i32
          %dma_wait3A_440 = arith.constant 0 : i32
          %dma_wait3A_441 = tpu.memref_slice %arg9[%dma_wait3A_439, %dma_wait3A_440] : memref<10240x32xf32, #tpu.memory_space<vmem_shared>> -> memref<10240x32xf32, #tpu.memory_space<vmem_shared>>
          tpu.wait_indirect_dma semaphore(%arg25 : memref<!tpu.dma_semaphore, #tpu.memory_space<semaphore_mem>>) src(%dma_wait3A_435 : memref<128x32xf32, #tpu.memory_space<vmem>>) dst(%dma_wait3A_441 : memref<10240x32xf32, #tpu.memory_space<vmem_shared>>)
        } else {
        }
        %add3A_417 = arith.constant 4 : i32
        %add3A_418 = arith.addi %add3A_222, %add3A_417 : i32
        %dma_start3A_419 = arith.constant 6 : i32
        %dma_start3A_420 = arith.constant 0 : i32
        %dma_start3A_421 = arith.constant 0 : i32
        %dma_start3A_422 = tpu.memref_slice %arg8[%dma_start3A_419, %dma_start3A_420, %dma_start3A_421] : memref<8x128x32xf32, #tpu.memory_space<vmem>> -> memref<1x128x32xf32, #tpu.memory_space<vmem>>
        %dma_start3A_423 = tpu.memref_squeeze %dma_start3A_422 : memref<1x128x32xf32, #tpu.memory_space<vmem>> -> memref<128x32xf32, #tpu.memory_space<vmem>>
        %dma_start3A_424 = arith.constant 0 : i32
        %dma_start3A_425 = tpu.memref_slice %arg6[%add3A_418, %dma_start3A_424] : memref<80x128xi32, #tpu.memory_space<vmem>> -> memref<1x128xi32, #tpu.memory_space<vmem>>
        %dma_start3A_426 = tpu.memref_squeeze %dma_start3A_425 : memref<1x128xi32, #tpu.memory_space<vmem>> -> memref<128xi32, #tpu.memory_space<vmem>>
        %dma_start3A_427 = arith.constant 0 : i32
        %dma_start3A_428 = arith.constant 0 : i32
        %dma_start3A_429 = tpu.memref_slice %arg10[%dma_start3A_427, %dma_start3A_428] : memref<10240x32xf32, #tpu.memory_space<vmem_shared>> -> memref<10240x32xf32, #tpu.memory_space<vmem_shared>>
        tpu.enqueue_indirect_dma source(%dma_start3A_429 : memref<10240x32xf32, #tpu.memory_space<vmem_shared>>) target(%dma_start3A_423 : memref<128x32xf32, #tpu.memory_space<vmem>>) offsets(%dma_start3A_426 : memref<128xi32, #tpu.memory_space<vmem>>) semaphore(%arg17 : memref<!tpu.dma_semaphore, #tpu.memory_space<semaphore_mem>>)
      } else {
      }
      %dma_wait3A_230 = arith.constant 0 : i32
      %dma_wait3A_231 = arith.constant 2 : i32
      %dma_wait3A_232 = arith.constant 0 : i32
      %dma_wait3A_233 = arith.constant 0 : i32
      %dma_wait3A_234 = tpu.memref_slice %arg8[%dma_wait3A_231, %dma_wait3A_232, %dma_wait3A_233] : memref<8x128x32xf32, #tpu.memory_space<vmem>> -> memref<1x128x32xf32, #tpu.memory_space<vmem>>
      %dma_wait3A_235 = tpu.memref_squeeze %dma_wait3A_234 : memref<1x128x32xf32, #tpu.memory_space<vmem>> -> memref<128x32xf32, #tpu.memory_space<vmem>>
      %dma_wait3A_236 = arith.constant 0 : i32
      %dma_wait3A_237 = tpu.memref_slice %arg6[%dma_wait3A_230, %dma_wait3A_236] : memref<80x128xi32, #tpu.memory_space<vmem>> -> memref<1x128xi32, #tpu.memory_space<vmem>>
      %dma_wait3A_238 = tpu.memref_squeeze %dma_wait3A_237 : memref<1x128xi32, #tpu.memory_space<vmem>> -> memref<128xi32, #tpu.memory_space<vmem>>
      %dma_wait3A_239 = arith.constant 0 : i32
      %dma_wait3A_240 = arith.constant 0 : i32
      %dma_wait3A_241 = tpu.memref_slice %arg10[%dma_wait3A_239, %dma_wait3A_240] : memref<10240x32xf32, #tpu.memory_space<vmem_shared>> -> memref<10240x32xf32, #tpu.memory_space<vmem_shared>>
      tpu.wait_indirect_dma semaphore(%arg13 : memref<!tpu.dma_semaphore, #tpu.memory_space<semaphore_mem>>) src(%dma_wait3A_241 : memref<10240x32xf32, #tpu.memory_space<vmem_shared>>) dst(%dma_wait3A_235 : memref<128x32xf32, #tpu.memory_space<vmem>>)
      %dma_start3A_242 = arith.constant 2 : i32
      %dma_start3A_243 = arith.constant 0 : i32
      %dma_start3A_244 = arith.constant 0 : i32
      %dma_start3A_245 = tpu.memref_slice %arg8[%dma_start3A_242, %dma_start3A_243, %dma_start3A_244] : memref<8x128x32xf32, #tpu.memory_space<vmem>> -> memref<1x128x32xf32, #tpu.memory_space<vmem>>
      %dma_start3A_246 = tpu.memref_squeeze %dma_start3A_245 : memref<1x128x32xf32, #tpu.memory_space<vmem>> -> memref<128x32xf32, #tpu.memory_space<vmem>>
      %dma_start3A_247 = arith.constant 0 : i32
      %dma_start3A_248 = tpu.memref_slice %arg7[%add3A_222, %dma_start3A_247] : memref<80x128xi32, #tpu.memory_space<vmem>> -> memref<1x128xi32, #tpu.memory_space<vmem>>
      %dma_start3A_249 = tpu.memref_squeeze %dma_start3A_248 : memref<1x128xi32, #tpu.memory_space<vmem>> -> memref<128xi32, #tpu.memory_space<vmem>>
      %dma_start3A_250 = arith.constant 0 : i32
      %dma_start3A_251 = arith.constant 0 : i32
      %dma_start3A_252 = tpu.memref_slice %arg9[%dma_start3A_250, %dma_start3A_251] : memref<10240x32xf32, #tpu.memory_space<vmem_shared>> -> memref<10240x32xf32, #tpu.memory_space<vmem_shared>>
      tpu.enqueue_indirect_dma source(%dma_start3A_246 : memref<128x32xf32, #tpu.memory_space<vmem>>) target(%dma_start3A_252 : memref<10240x32xf32, #tpu.memory_space<vmem_shared>>) offsets(%dma_start3A_249 : memref<128xi32, #tpu.memory_space<vmem>>) semaphore(%arg21 : memref<!tpu.dma_semaphore, #tpu.memory_space<semaphore_mem>>) {add = true}
      %add3A_253 = arith.constant 3 : i32
      %add3A_254 = arith.addi %mul3A_159, %add3A_253 : i32
      %add3A_255 = arith.constant 4 : i32
      %add3A_256 = arith.addi %add3A_254, %add3A_255 : i32
      %lt3A_257 = arith.constant 80 : i32
      %lt3A_258 = arith.cmpi slt, %add3A_256, %lt3A_257 : i32
      %convert_element_type3A_259 = arith.extui %lt3A_258 : i1 to i32
      %cond3A_260 = arith.constant 0 : i32
      %cond3A_261 = arith.cmpi ne, %convert_element_type3A_259, %cond3A_260 : i32
      scf.if %cond3A_261 {
        %ge3A = arith.constant 4 : i32
        %ge3A_413 = arith.cmpi sge, %add3A_254, %ge3A : i32
        %convert_element_type3A_414 = arith.extui %ge3A_413 : i1 to i32
        %cond3A_415 = arith.constant 0 : i32
        %cond3A_416 = arith.cmpi ne, %convert_element_type3A_414, %cond3A_415 : i32
        scf.if %cond3A_416 {
          %dma_wait3A_430 = arith.constant 7 : i32
          %dma_wait3A_431 = arith.constant 0 : i32
          %dma_wait3A_432 = arith.constant 0 : i32
          %dma_wait3A_433 = arith.constant 0 : i32
          %dma_wait3A_434 = tpu.memref_slice %arg8[%dma_wait3A_430, %dma_wait3A_432, %dma_wait3A_433] : memref<8x128x32xf32, #tpu.memory_space<vmem>> -> memref<1x128x32xf32, #tpu.memory_space<vmem>>
          %dma_wait3A_435 = tpu.memref_squeeze %dma_wait3A_434 : memref<1x128x32xf32, #tpu.memory_space<vmem>> -> memref<128x32xf32, #tpu.memory_space<vmem>>
          %dma_wait3A_436 = arith.constant 0 : i32
          %dma_wait3A_437 = tpu.memref_slice %arg7[%dma_wait3A_431, %dma_wait3A_436] : memref<80x128xi32, #tpu.memory_space<vmem>> -> memref<1x128xi32, #tpu.memory_space<vmem>>
          %dma_wait3A_438 = tpu.memref_squeeze %dma_wait3A_437 : memref<1x128xi32, #tpu.memory_space<vmem>> -> memref<128xi32, #tpu.memory_space<vmem>>
          %dma_wait3A_439 = arith.constant 0 : i32
          %dma_wait3A_440 = arith.constant 0 : i32
          %dma_wait3A_441 = tpu.memref_slice %arg9[%dma_wait3A_439, %dma_wait3A_440] : memref<10240x32xf32, #tpu.memory_space<vmem_shared>> -> memref<10240x32xf32, #tpu.memory_space<vmem_shared>>
          tpu.wait_indirect_dma semaphore(%arg26 : memref<!tpu.dma_semaphore, #tpu.memory_space<semaphore_mem>>) src(%dma_wait3A_435 : memref<128x32xf32, #tpu.memory_space<vmem>>) dst(%dma_wait3A_441 : memref<10240x32xf32, #tpu.memory_space<vmem_shared>>)
        } else {
        }
        %add3A_417 = arith.constant 4 : i32
        %add3A_418 = arith.addi %add3A_254, %add3A_417 : i32
        %dma_start3A_419 = arith.constant 7 : i32
        %dma_start3A_420 = arith.constant 0 : i32
        %dma_start3A_421 = arith.constant 0 : i32
        %dma_start3A_422 = tpu.memref_slice %arg8[%dma_start3A_419, %dma_start3A_420, %dma_start3A_421] : memref<8x128x32xf32, #tpu.memory_space<vmem>> -> memref<1x128x32xf32, #tpu.memory_space<vmem>>
        %dma_start3A_423 = tpu.memref_squeeze %dma_start3A_422 : memref<1x128x32xf32, #tpu.memory_space<vmem>> -> memref<128x32xf32, #tpu.memory_space<vmem>>
        %dma_start3A_424 = arith.constant 0 : i32
        %dma_start3A_425 = tpu.memref_slice %arg6[%add3A_418, %dma_start3A_424] : memref<80x128xi32, #tpu.memory_space<vmem>> -> memref<1x128xi32, #tpu.memory_space<vmem>>
        %dma_start3A_426 = tpu.memref_squeeze %dma_start3A_425 : memref<1x128xi32, #tpu.memory_space<vmem>> -> memref<128xi32, #tpu.memory_space<vmem>>
        %dma_start3A_427 = arith.constant 0 : i32
        %dma_start3A_428 = arith.constant 0 : i32
        %dma_start3A_429 = tpu.memref_slice %arg10[%dma_start3A_427, %dma_start3A_428] : memref<10240x32xf32, #tpu.memory_space<vmem_shared>> -> memref<10240x32xf32, #tpu.memory_space<vmem_shared>>
        tpu.enqueue_indirect_dma source(%dma_start3A_429 : memref<10240x32xf32, #tpu.memory_space<vmem_shared>>) target(%dma_start3A_423 : memref<128x32xf32, #tpu.memory_space<vmem>>) offsets(%dma_start3A_426 : memref<128xi32, #tpu.memory_space<vmem>>) semaphore(%arg18 : memref<!tpu.dma_semaphore, #tpu.memory_space<semaphore_mem>>)
      } else {
      }
      %dma_wait3A_262 = arith.constant 0 : i32
      %dma_wait3A_263 = arith.constant 3 : i32
      %dma_wait3A_264 = arith.constant 0 : i32
      %dma_wait3A_265 = arith.constant 0 : i32
      %dma_wait3A_266 = tpu.memref_slice %arg8[%dma_wait3A_263, %dma_wait3A_264, %dma_wait3A_265] : memref<8x128x32xf32, #tpu.memory_space<vmem>> -> memref<1x128x32xf32, #tpu.memory_space<vmem>>
      %dma_wait3A_267 = tpu.memref_squeeze %dma_wait3A_266 : memref<1x128x32xf32, #tpu.memory_space<vmem>> -> memref<128x32xf32, #tpu.memory_space<vmem>>
      %dma_wait3A_268 = arith.constant 0 : i32
      %dma_wait3A_269 = tpu.memref_slice %arg6[%dma_wait3A_262, %dma_wait3A_268] : memref<80x128xi32, #tpu.memory_space<vmem>> -> memref<1x128xi32, #tpu.memory_space<vmem>>
      %dma_wait3A_270 = tpu.memref_squeeze %dma_wait3A_269 : memref<1x128xi32, #tpu.memory_space<vmem>> -> memref<128xi32, #tpu.memory_space<vmem>>
      %dma_wait3A_271 = arith.constant 0 : i32
      %dma_wait3A_272 = arith.constant 0 : i32
      %dma_wait3A_273 = tpu.memref_slice %arg10[%dma_wait3A_271, %dma_wait3A_272] : memref<10240x32xf32, #tpu.memory_space<vmem_shared>> -> memref<10240x32xf32, #tpu.memory_space<vmem_shared>>
      tpu.wait_indirect_dma semaphore(%arg14 : memref<!tpu.dma_semaphore, #tpu.memory_space<semaphore_mem>>) src(%dma_wait3A_273 : memref<10240x32xf32, #tpu.memory_space<vmem_shared>>) dst(%dma_wait3A_267 : memref<128x32xf32, #tpu.memory_space<vmem>>)
      %dma_start3A_274 = arith.constant 3 : i32
      %dma_start3A_275 = arith.constant 0 : i32
      %dma_start3A_276 = arith.constant 0 : i32
      %dma_start3A_277 = tpu.memref_slice %arg8[%dma_start3A_274, %dma_start3A_275, %dma_start3A_276] : memref<8x128x32xf32, #tpu.memory_space<vmem>> -> memref<1x128x32xf32, #tpu.memory_space<vmem>>
      %dma_start3A_278 = tpu.memref_squeeze %dma_start3A_277 : memref<1x128x32xf32, #tpu.memory_space<vmem>> -> memref<128x32xf32, #tpu.memory_space<vmem>>
      %dma_start3A_279 = arith.constant 0 : i32
      %dma_start3A_280 = tpu.memref_slice %arg7[%add3A_254, %dma_start3A_279] : memref<80x128xi32, #tpu.memory_space<vmem>> -> memref<1x128xi32, #tpu.memory_space<vmem>>
      %dma_start3A_281 = tpu.memref_squeeze %dma_start3A_280 : memref<1x128xi32, #tpu.memory_space<vmem>> -> memref<128xi32, #tpu.memory_space<vmem>>
      %dma_start3A_282 = arith.constant 0 : i32
      %dma_start3A_283 = arith.constant 0 : i32
      %dma_start3A_284 = tpu.memref_slice %arg9[%dma_start3A_282, %dma_start3A_283] : memref<10240x32xf32, #tpu.memory_space<vmem_shared>> -> memref<10240x32xf32, #tpu.memory_space<vmem_shared>>
      tpu.enqueue_indirect_dma source(%dma_start3A_278 : memref<128x32xf32, #tpu.memory_space<vmem>>) target(%dma_start3A_284 : memref<10240x32xf32, #tpu.memory_space<vmem_shared>>) offsets(%dma_start3A_281 : memref<128xi32, #tpu.memory_space<vmem>>) semaphore(%arg22 : memref<!tpu.dma_semaphore, #tpu.memory_space<semaphore_mem>>) {add = true}
      %add3A_285 = arith.constant 4 : i32
      %add3A_286 = arith.addi %mul3A_159, %add3A_285 : i32
      %add3A_287 = arith.constant 4 : i32
      %add3A_288 = arith.addi %add3A_286, %add3A_287 : i32
      %lt3A_289 = arith.constant 80 : i32
      %lt3A_290 = arith.cmpi slt, %add3A_288, %lt3A_289 : i32
      %convert_element_type3A_291 = arith.extui %lt3A_290 : i1 to i32
      %cond3A_292 = arith.constant 0 : i32
      %cond3A_293 = arith.cmpi ne, %convert_element_type3A_291, %cond3A_292 : i32
      scf.if %cond3A_293 {
        %ge3A = arith.constant 4 : i32
        %ge3A_413 = arith.cmpi sge, %add3A_286, %ge3A : i32
        %convert_element_type3A_414 = arith.extui %ge3A_413 : i1 to i32
        %cond3A_415 = arith.constant 0 : i32
        %cond3A_416 = arith.cmpi ne, %convert_element_type3A_414, %cond3A_415 : i32
        scf.if %cond3A_416 {
          %dma_wait3A_430 = arith.constant 0 : i32
          %dma_wait3A_431 = arith.constant 0 : i32
          %dma_wait3A_432 = arith.constant 0 : i32
          %dma_wait3A_433 = arith.constant 0 : i32
          %dma_wait3A_434 = tpu.memref_slice %arg8[%dma_wait3A_430, %dma_wait3A_432, %dma_wait3A_433] : memref<8x128x32xf32, #tpu.memory_space<vmem>> -> memref<1x128x32xf32, #tpu.memory_space<vmem>>
          %dma_wait3A_435 = tpu.memref_squeeze %dma_wait3A_434 : memref<1x128x32xf32, #tpu.memory_space<vmem>> -> memref<128x32xf32, #tpu.memory_space<vmem>>
          %dma_wait3A_436 = arith.constant 0 : i32
          %dma_wait3A_437 = tpu.memref_slice %arg7[%dma_wait3A_431, %dma_wait3A_436] : memref<80x128xi32, #tpu.memory_space<vmem>> -> memref<1x128xi32, #tpu.memory_space<vmem>>
          %dma_wait3A_438 = tpu.memref_squeeze %dma_wait3A_437 : memref<1x128xi32, #tpu.memory_space<vmem>> -> memref<128xi32, #tpu.memory_space<vmem>>
          %dma_wait3A_439 = arith.constant 0 : i32
          %dma_wait3A_440 = arith.constant 0 : i32
          %dma_wait3A_441 = tpu.memref_slice %arg9[%dma_wait3A_439, %dma_wait3A_440] : memref<10240x32xf32, #tpu.memory_space<vmem_shared>> -> memref<10240x32xf32, #tpu.memory_space<vmem_shared>>
          tpu.wait_indirect_dma semaphore(%arg19 : memref<!tpu.dma_semaphore, #tpu.memory_space<semaphore_mem>>) src(%dma_wait3A_435 : memref<128x32xf32, #tpu.memory_space<vmem>>) dst(%dma_wait3A_441 : memref<10240x32xf32, #tpu.memory_space<vmem_shared>>)
        } else {
        }
        %add3A_417 = arith.constant 4 : i32
        %add3A_418 = arith.addi %add3A_286, %add3A_417 : i32
        %dma_start3A_419 = arith.constant 0 : i32
        %dma_start3A_420 = arith.constant 0 : i32
        %dma_start3A_421 = arith.constant 0 : i32
        %dma_start3A_422 = tpu.memref_slice %arg8[%dma_start3A_419, %dma_start3A_420, %dma_start3A_421] : memref<8x128x32xf32, #tpu.memory_space<vmem>> -> memref<1x128x32xf32, #tpu.memory_space<vmem>>
        %dma_start3A_423 = tpu.memref_squeeze %dma_start3A_422 : memref<1x128x32xf32, #tpu.memory_space<vmem>> -> memref<128x32xf32, #tpu.memory_space<vmem>>
        %dma_start3A_424 = arith.constant 0 : i32
        %dma_start3A_425 = tpu.memref_slice %arg6[%add3A_418, %dma_start3A_424] : memref<80x128xi32, #tpu.memory_space<vmem>> -> memref<1x128xi32, #tpu.memory_space<vmem>>
        %dma_start3A_426 = tpu.memref_squeeze %dma_start3A_425 : memref<1x128xi32, #tpu.memory_space<vmem>> -> memref<128xi32, #tpu.memory_space<vmem>>
        %dma_start3A_427 = arith.constant 0 : i32
        %dma_start3A_428 = arith.constant 0 : i32
        %dma_start3A_429 = tpu.memref_slice %arg10[%dma_start3A_427, %dma_start3A_428] : memref<10240x32xf32, #tpu.memory_space<vmem_shared>> -> memref<10240x32xf32, #tpu.memory_space<vmem_shared>>
        tpu.enqueue_indirect_dma source(%dma_start3A_429 : memref<10240x32xf32, #tpu.memory_space<vmem_shared>>) target(%dma_start3A_423 : memref<128x32xf32, #tpu.memory_space<vmem>>) offsets(%dma_start3A_426 : memref<128xi32, #tpu.memory_space<vmem>>) semaphore(%arg11 : memref<!tpu.dma_semaphore, #tpu.memory_space<semaphore_mem>>)
      } else {
      }
      %dma_wait3A_294 = arith.constant 0 : i32
      %dma_wait3A_295 = arith.constant 4 : i32
      %dma_wait3A_296 = arith.constant 0 : i32
      %dma_wait3A_297 = arith.constant 0 : i32
      %dma_wait3A_298 = tpu.memref_slice %arg8[%dma_wait3A_295, %dma_wait3A_296, %dma_wait3A_297] : memref<8x128x32xf32, #tpu.memory_space<vmem>> -> memref<1x128x32xf32, #tpu.memory_space<vmem>>
      %dma_wait3A_299 = tpu.memref_squeeze %dma_wait3A_298 : memref<1x128x32xf32, #tpu.memory_space<vmem>> -> memref<128x32xf32, #tpu.memory_space<vmem>>
      %dma_wait3A_300 = arith.constant 0 : i32
      %dma_wait3A_301 = tpu.memref_slice %arg6[%dma_wait3A_294, %dma_wait3A_300] : memref<80x128xi32, #tpu.memory_space<vmem>> -> memref<1x128xi32, #tpu.memory_space<vmem>>
      %dma_wait3A_302 = tpu.memref_squeeze %dma_wait3A_301 : memref<1x128xi32, #tpu.memory_space<vmem>> -> memref<128xi32, #tpu.memory_space<vmem>>
      %dma_wait3A_303 = arith.constant 0 : i32
      %dma_wait3A_304 = arith.constant 0 : i32
      %dma_wait3A_305 = tpu.memref_slice %arg10[%dma_wait3A_303, %dma_wait3A_304] : memref<10240x32xf32, #tpu.memory_space<vmem_shared>> -> memref<10240x32xf32, #tpu.memory_space<vmem_shared>>
      tpu.wait_indirect_dma semaphore(%arg15 : memref<!tpu.dma_semaphore, #tpu.memory_space<semaphore_mem>>) src(%dma_wait3A_305 : memref<10240x32xf32, #tpu.memory_space<vmem_shared>>) dst(%dma_wait3A_299 : memref<128x32xf32, #tpu.memory_space<vmem>>)
      %dma_start3A_306 = arith.constant 4 : i32
      %dma_start3A_307 = arith.constant 0 : i32
      %dma_start3A_308 = arith.constant 0 : i32
      %dma_start3A_309 = tpu.memref_slice %arg8[%dma_start3A_306, %dma_start3A_307, %dma_start3A_308] : memref<8x128x32xf32, #tpu.memory_space<vmem>> -> memref<1x128x32xf32, #tpu.memory_space<vmem>>
      %dma_start3A_310 = tpu.memref_squeeze %dma_start3A_309 : memref<1x128x32xf32, #tpu.memory_space<vmem>> -> memref<128x32xf32, #tpu.memory_space<vmem>>
      %dma_start3A_311 = arith.constant 0 : i32
      %dma_start3A_312 = tpu.memref_slice %arg7[%add3A_286, %dma_start3A_311] : memref<80x128xi32, #tpu.memory_space<vmem>> -> memref<1x128xi32, #tpu.memory_space<vmem>>
      %dma_start3A_313 = tpu.memref_squeeze %dma_start3A_312 : memref<1x128xi32, #tpu.memory_space<vmem>> -> memref<128xi32, #tpu.memory_space<vmem>>
      %dma_start3A_314 = arith.constant 0 : i32
      %dma_start3A_315 = arith.constant 0 : i32
      %dma_start3A_316 = tpu.memref_slice %arg9[%dma_start3A_314, %dma_start3A_315] : memref<10240x32xf32, #tpu.memory_space<vmem_shared>> -> memref<10240x32xf32, #tpu.memory_space<vmem_shared>>
      tpu.enqueue_indirect_dma source(%dma_start3A_310 : memref<128x32xf32, #tpu.memory_space<vmem>>) target(%dma_start3A_316 : memref<10240x32xf32, #tpu.memory_space<vmem_shared>>) offsets(%dma_start3A_313 : memref<128xi32, #tpu.memory_space<vmem>>) semaphore(%arg23 : memref<!tpu.dma_semaphore, #tpu.memory_space<semaphore_mem>>) {add = true}
      %add3A_317 = arith.constant 5 : i32
      %add3A_318 = arith.addi %mul3A_159, %add3A_317 : i32
      %add3A_319 = arith.constant 4 : i32
      %add3A_320 = arith.addi %add3A_318, %add3A_319 : i32
      %lt3A_321 = arith.constant 80 : i32
      %lt3A_322 = arith.cmpi slt, %add3A_320, %lt3A_321 : i32
      %convert_element_type3A_323 = arith.extui %lt3A_322 : i1 to i32
      %cond3A_324 = arith.constant 0 : i32
      %cond3A_325 = arith.cmpi ne, %convert_element_type3A_323, %cond3A_324 : i32
      scf.if %cond3A_325 {
        %ge3A = arith.constant 4 : i32
        %ge3A_413 = arith.cmpi sge, %add3A_318, %ge3A : i32
        %convert_element_type3A_414 = arith.extui %ge3A_413 : i1 to i32
        %cond3A_415 = arith.constant 0 : i32
        %cond3A_416 = arith.cmpi ne, %convert_element_type3A_414, %cond3A_415 : i32
        scf.if %cond3A_416 {
          %dma_wait3A_430 = arith.constant 1 : i32
          %dma_wait3A_431 = arith.constant 0 : i32
          %dma_wait3A_432 = arith.constant 0 : i32
          %dma_wait3A_433 = arith.constant 0 : i32
          %dma_wait3A_434 = tpu.memref_slice %arg8[%dma_wait3A_430, %dma_wait3A_432, %dma_wait3A_433] : memref<8x128x32xf32, #tpu.memory_space<vmem>> -> memref<1x128x32xf32, #tpu.memory_space<vmem>>
          %dma_wait3A_435 = tpu.memref_squeeze %dma_wait3A_434 : memref<1x128x32xf32, #tpu.memory_space<vmem>> -> memref<128x32xf32, #tpu.memory_space<vmem>>
          %dma_wait3A_436 = arith.constant 0 : i32
          %dma_wait3A_437 = tpu.memref_slice %arg7[%dma_wait3A_431, %dma_wait3A_436] : memref<80x128xi32, #tpu.memory_space<vmem>> -> memref<1x128xi32, #tpu.memory_space<vmem>>
          %dma_wait3A_438 = tpu.memref_squeeze %dma_wait3A_437 : memref<1x128xi32, #tpu.memory_space<vmem>> -> memref<128xi32, #tpu.memory_space<vmem>>
          %dma_wait3A_439 = arith.constant 0 : i32
          %dma_wait3A_440 = arith.constant 0 : i32
          %dma_wait3A_441 = tpu.memref_slice %arg9[%dma_wait3A_439, %dma_wait3A_440] : memref<10240x32xf32, #tpu.memory_space<vmem_shared>> -> memref<10240x32xf32, #tpu.memory_space<vmem_shared>>
          tpu.wait_indirect_dma semaphore(%arg20 : memref<!tpu.dma_semaphore, #tpu.memory_space<semaphore_mem>>) src(%dma_wait3A_435 : memref<128x32xf32, #tpu.memory_space<vmem>>) dst(%dma_wait3A_441 : memref<10240x32xf32, #tpu.memory_space<vmem_shared>>)
        } else {
        }
        %add3A_417 = arith.constant 4 : i32
        %add3A_418 = arith.addi %add3A_318, %add3A_417 : i32
        %dma_start3A_419 = arith.constant 1 : i32
        %dma_start3A_420 = arith.constant 0 : i32
        %dma_start3A_421 = arith.constant 0 : i32
        %dma_start3A_422 = tpu.memref_slice %arg8[%dma_start3A_419, %dma_start3A_420, %dma_start3A_421] : memref<8x128x32xf32, #tpu.memory_space<vmem>> -> memref<1x128x32xf32, #tpu.memory_space<vmem>>
        %dma_start3A_423 = tpu.memref_squeeze %dma_start3A_422 : memref<1x128x32xf32, #tpu.memory_space<vmem>> -> memref<128x32xf32, #tpu.memory_space<vmem>>
        %dma_start3A_424 = arith.constant 0 : i32
        %dma_start3A_425 = tpu.memref_slice %arg6[%add3A_418, %dma_start3A_424] : memref<80x128xi32, #tpu.memory_space<vmem>> -> memref<1x128xi32, #tpu.memory_space<vmem>>
        %dma_start3A_426 = tpu.memref_squeeze %dma_start3A_425 : memref<1x128xi32, #tpu.memory_space<vmem>> -> memref<128xi32, #tpu.memory_space<vmem>>
        %dma_start3A_427 = arith.constant 0 : i32
        %dma_start3A_428 = arith.constant 0 : i32
        %dma_start3A_429 = tpu.memref_slice %arg10[%dma_start3A_427, %dma_start3A_428] : memref<10240x32xf32, #tpu.memory_space<vmem_shared>> -> memref<10240x32xf32, #tpu.memory_space<vmem_shared>>
        tpu.enqueue_indirect_dma source(%dma_start3A_429 : memref<10240x32xf32, #tpu.memory_space<vmem_shared>>) target(%dma_start3A_423 : memref<128x32xf32, #tpu.memory_space<vmem>>) offsets(%dma_start3A_426 : memref<128xi32, #tpu.memory_space<vmem>>) semaphore(%arg12 : memref<!tpu.dma_semaphore, #tpu.memory_space<semaphore_mem>>)
      } else {
      }
      %dma_wait3A_326 = arith.constant 0 : i32
      %dma_wait3A_327 = arith.constant 5 : i32
      %dma_wait3A_328 = arith.constant 0 : i32
      %dma_wait3A_329 = arith.constant 0 : i32
      %dma_wait3A_330 = tpu.memref_slice %arg8[%dma_wait3A_327, %dma_wait3A_328, %dma_wait3A_329] : memref<8x128x32xf32, #tpu.memory_space<vmem>> -> memref<1x128x32xf32, #tpu.memory_space<vmem>>
      %dma_wait3A_331 = tpu.memref_squeeze %dma_wait3A_330 : memref<1x128x32xf32, #tpu.memory_space<vmem>> -> memref<128x32xf32, #tpu.memory_space<vmem>>
      %dma_wait3A_332 = arith.constant 0 : i32
      %dma_wait3A_333 = tpu.memref_slice %arg6[%dma_wait3A_326, %dma_wait3A_332] : memref<80x128xi32, #tpu.memory_space<vmem>> -> memref<1x128xi32, #tpu.memory_space<vmem>>
      %dma_wait3A_334 = tpu.memref_squeeze %dma_wait3A_333 : memref<1x128xi32, #tpu.memory_space<vmem>> -> memref<128xi32, #tpu.memory_space<vmem>>
      %dma_wait3A_335 = arith.constant 0 : i32
      %dma_wait3A_336 = arith.constant 0 : i32
      %dma_wait3A_337 = tpu.memref_slice %arg10[%dma_wait3A_335, %dma_wait3A_336] : memref<10240x32xf32, #tpu.memory_space<vmem_shared>> -> memref<10240x32xf32, #tpu.memory_space<vmem_shared>>
      tpu.wait_indirect_dma semaphore(%arg16 : memref<!tpu.dma_semaphore, #tpu.memory_space<semaphore_mem>>) src(%dma_wait3A_337 : memref<10240x32xf32, #tpu.memory_space<vmem_shared>>) dst(%dma_wait3A_331 : memref<128x32xf32, #tpu.memory_space<vmem>>)
      %dma_start3A_338 = arith.constant 5 : i32
      %dma_start3A_339 = arith.constant 0 : i32
      %dma_start3A_340 = arith.constant 0 : i32
      %dma_start3A_341 = tpu.memref_slice %arg8[%dma_start3A_338, %dma_start3A_339, %dma_start3A_340] : memref<8x128x32xf32, #tpu.memory_space<vmem>> -> memref<1x128x32xf32, #tpu.memory_space<vmem>>
      %dma_start3A_342 = tpu.memref_squeeze %dma_start3A_341 : memref<1x128x32xf32, #tpu.memory_space<vmem>> -> memref<128x32xf32, #tpu.memory_space<vmem>>
      %dma_start3A_343 = arith.constant 0 : i32
      %dma_start3A_344 = tpu.memref_slice %arg7[%add3A_318, %dma_start3A_343] : memref<80x128xi32, #tpu.memory_space<vmem>> -> memref<1x128xi32, #tpu.memory_space<vmem>>
      %dma_start3A_345 = tpu.memref_squeeze %dma_start3A_344 : memref<1x128xi32, #tpu.memory_space<vmem>> -> memref<128xi32, #tpu.memory_space<vmem>>
      %dma_start3A_346 = arith.constant 0 : i32
      %dma_start3A_347 = arith.constant 0 : i32
      %dma_start3A_348 = tpu.memref_slice %arg9[%dma_start3A_346, %dma_start3A_347] : memref<10240x32xf32, #tpu.memory_space<vmem_shared>> -> memref<10240x32xf32, #tpu.memory_space<vmem_shared>>
      tpu.enqueue_indirect_dma source(%dma_start3A_342 : memref<128x32xf32, #tpu.memory_space<vmem>>) target(%dma_start3A_348 : memref<10240x32xf32, #tpu.memory_space<vmem_shared>>) offsets(%dma_start3A_345 : memref<128xi32, #tpu.memory_space<vmem>>) semaphore(%arg24 : memref<!tpu.dma_semaphore, #tpu.memory_space<semaphore_mem>>) {add = true}
      %add3A_349 = arith.constant 6 : i32
      %add3A_350 = arith.addi %mul3A_159, %add3A_349 : i32
      %add3A_351 = arith.constant 4 : i32
      %add3A_352 = arith.addi %add3A_350, %add3A_351 : i32
      %lt3A_353 = arith.constant 80 : i32
      %lt3A_354 = arith.cmpi slt, %add3A_352, %lt3A_353 : i32
      %convert_element_type3A_355 = arith.extui %lt3A_354 : i1 to i32
      %cond3A_356 = arith.constant 0 : i32
      %cond3A_357 = arith.cmpi ne, %convert_element_type3A_355, %cond3A_356 : i32
      scf.if %cond3A_357 {
        %ge3A = arith.constant 4 : i32
        %ge3A_413 = arith.cmpi sge, %add3A_350, %ge3A : i32
        %convert_element_type3A_414 = arith.extui %ge3A_413 : i1 to i32
        %cond3A_415 = arith.constant 0 : i32
        %cond3A_416 = arith.cmpi ne, %convert_element_type3A_414, %cond3A_415 : i32
        scf.if %cond3A_416 {
          %dma_wait3A_430 = arith.constant 2 : i32
          %dma_wait3A_431 = arith.constant 0 : i32
          %dma_wait3A_432 = arith.constant 0 : i32
          %dma_wait3A_433 = arith.constant 0 : i32
          %dma_wait3A_434 = tpu.memref_slice %arg8[%dma_wait3A_430, %dma_wait3A_432, %dma_wait3A_433] : memref<8x128x32xf32, #tpu.memory_space<vmem>> -> memref<1x128x32xf32, #tpu.memory_space<vmem>>
          %dma_wait3A_435 = tpu.memref_squeeze %dma_wait3A_434 : memref<1x128x32xf32, #tpu.memory_space<vmem>> -> memref<128x32xf32, #tpu.memory_space<vmem>>
          %dma_wait3A_436 = arith.constant 0 : i32
          %dma_wait3A_437 = tpu.memref_slice %arg7[%dma_wait3A_431, %dma_wait3A_436] : memref<80x128xi32, #tpu.memory_space<vmem>> -> memref<1x128xi32, #tpu.memory_space<vmem>>
          %dma_wait3A_438 = tpu.memref_squeeze %dma_wait3A_437 : memref<1x128xi32, #tpu.memory_space<vmem>> -> memref<128xi32, #tpu.memory_space<vmem>>
          %dma_wait3A_439 = arith.constant 0 : i32
          %dma_wait3A_440 = arith.constant 0 : i32
          %dma_wait3A_441 = tpu.memref_slice %arg9[%dma_wait3A_439, %dma_wait3A_440] : memref<10240x32xf32, #tpu.memory_space<vmem_shared>> -> memref<10240x32xf32, #tpu.memory_space<vmem_shared>>
          tpu.wait_indirect_dma semaphore(%arg21 : memref<!tpu.dma_semaphore, #tpu.memory_space<semaphore_mem>>) src(%dma_wait3A_435 : memref<128x32xf32, #tpu.memory_space<vmem>>) dst(%dma_wait3A_441 : memref<10240x32xf32, #tpu.memory_space<vmem_shared>>)
        } else {
        }
        %add3A_417 = arith.constant 4 : i32
        %add3A_418 = arith.addi %add3A_350, %add3A_417 : i32
        %dma_start3A_419 = arith.constant 2 : i32
        %dma_start3A_420 = arith.constant 0 : i32
        %dma_start3A_421 = arith.constant 0 : i32
        %dma_start3A_422 = tpu.memref_slice %arg8[%dma_start3A_419, %dma_start3A_420, %dma_start3A_421] : memref<8x128x32xf32, #tpu.memory_space<vmem>> -> memref<1x128x32xf32, #tpu.memory_space<vmem>>
        %dma_start3A_423 = tpu.memref_squeeze %dma_start3A_422 : memref<1x128x32xf32, #tpu.memory_space<vmem>> -> memref<128x32xf32, #tpu.memory_space<vmem>>
        %dma_start3A_424 = arith.constant 0 : i32
        %dma_start3A_425 = tpu.memref_slice %arg6[%add3A_418, %dma_start3A_424] : memref<80x128xi32, #tpu.memory_space<vmem>> -> memref<1x128xi32, #tpu.memory_space<vmem>>
        %dma_start3A_426 = tpu.memref_squeeze %dma_start3A_425 : memref<1x128xi32, #tpu.memory_space<vmem>> -> memref<128xi32, #tpu.memory_space<vmem>>
        %dma_start3A_427 = arith.constant 0 : i32
        %dma_start3A_428 = arith.constant 0 : i32
        %dma_start3A_429 = tpu.memref_slice %arg10[%dma_start3A_427, %dma_start3A_428] : memref<10240x32xf32, #tpu.memory_space<vmem_shared>> -> memref<10240x32xf32, #tpu.memory_space<vmem_shared>>
        tpu.enqueue_indirect_dma source(%dma_start3A_429 : memref<10240x32xf32, #tpu.memory_space<vmem_shared>>) target(%dma_start3A_423 : memref<128x32xf32, #tpu.memory_space<vmem>>) offsets(%dma_start3A_426 : memref<128xi32, #tpu.memory_space<vmem>>) semaphore(%arg13 : memref<!tpu.dma_semaphore, #tpu.memory_space<semaphore_mem>>)
      } else {
      }
      %dma_wait3A_358 = arith.constant 0 : i32
      %dma_wait3A_359 = arith.constant 6 : i32
      %dma_wait3A_360 = arith.constant 0 : i32
      %dma_wait3A_361 = arith.constant 0 : i32
      %dma_wait3A_362 = tpu.memref_slice %arg8[%dma_wait3A_359, %dma_wait3A_360, %dma_wait3A_361] : memref<8x128x32xf32, #tpu.memory_space<vmem>> -> memref<1x128x32xf32, #tpu.memory_space<vmem>>
      %dma_wait3A_363 = tpu.memref_squeeze %dma_wait3A_362 : memref<1x128x32xf32, #tpu.memory_space<vmem>> -> memref<128x32xf32, #tpu.memory_space<vmem>>
      %dma_wait3A_364 = arith.constant 0 : i32
      %dma_wait3A_365 = tpu.memref_slice %arg6[%dma_wait3A_358, %dma_wait3A_364] : memref<80x128xi32, #tpu.memory_space<vmem>> -> memref<1x128xi32, #tpu.memory_space<vmem>>
      %dma_wait3A_366 = tpu.memref_squeeze %dma_wait3A_365 : memref<1x128xi32, #tpu.memory_space<vmem>> -> memref<128xi32, #tpu.memory_space<vmem>>
      %dma_wait3A_367 = arith.constant 0 : i32
      %dma_wait3A_368 = arith.constant 0 : i32
      %dma_wait3A_369 = tpu.memref_slice %arg10[%dma_wait3A_367, %dma_wait3A_368] : memref<10240x32xf32, #tpu.memory_space<vmem_shared>> -> memref<10240x32xf32, #tpu.memory_space<vmem_shared>>
      tpu.wait_indirect_dma semaphore(%arg17 : memref<!tpu.dma_semaphore, #tpu.memory_space<semaphore_mem>>) src(%dma_wait3A_369 : memref<10240x32xf32, #tpu.memory_space<vmem_shared>>) dst(%dma_wait3A_363 : memref<128x32xf32, #tpu.memory_space<vmem>>)
      %dma_start3A_370 = arith.constant 6 : i32
      %dma_start3A_371 = arith.constant 0 : i32
      %dma_start3A_372 = arith.constant 0 : i32
      %dma_start3A_373 = tpu.memref_slice %arg8[%dma_start3A_370, %dma_start3A_371, %dma_start3A_372] : memref<8x128x32xf32, #tpu.memory_space<vmem>> -> memref<1x128x32xf32, #tpu.memory_space<vmem>>
      %dma_start3A_374 = tpu.memref_squeeze %dma_start3A_373 : memref<1x128x32xf32, #tpu.memory_space<vmem>> -> memref<128x32xf32, #tpu.memory_space<vmem>>
      %dma_start3A_375 = arith.constant 0 : i32
      %dma_start3A_376 = tpu.memref_slice %arg7[%add3A_350, %dma_start3A_375] : memref<80x128xi32, #tpu.memory_space<vmem>> -> memref<1x128xi32, #tpu.memory_space<vmem>>
      %dma_start3A_377 = tpu.memref_squeeze %dma_start3A_376 : memref<1x128xi32, #tpu.memory_space<vmem>> -> memref<128xi32, #tpu.memory_space<vmem>>
      %dma_start3A_378 = arith.constant 0 : i32
      %dma_start3A_379 = arith.constant 0 : i32
      %dma_start3A_380 = tpu.memref_slice %arg9[%dma_start3A_378, %dma_start3A_379] : memref<10240x32xf32, #tpu.memory_space<vmem_shared>> -> memref<10240x32xf32, #tpu.memory_space<vmem_shared>>
      tpu.enqueue_indirect_dma source(%dma_start3A_374 : memref<128x32xf32, #tpu.memory_space<vmem>>) target(%dma_start3A_380 : memref<10240x32xf32, #tpu.memory_space<vmem_shared>>) offsets(%dma_start3A_377 : memref<128xi32, #tpu.memory_space<vmem>>) semaphore(%arg25 : memref<!tpu.dma_semaphore, #tpu.memory_space<semaphore_mem>>) {add = true}
      %add3A_381 = arith.constant 7 : i32
      %add3A_382 = arith.addi %mul3A_159, %add3A_381 : i32
      %add3A_383 = arith.constant 4 : i32
      %add3A_384 = arith.addi %add3A_382, %add3A_383 : i32
      %lt3A_385 = arith.constant 80 : i32
      %lt3A_386 = arith.cmpi slt, %add3A_384, %lt3A_385 : i32
      %convert_element_type3A_387 = arith.extui %lt3A_386 : i1 to i32
      %cond3A_388 = arith.constant 0 : i32
      %cond3A_389 = arith.cmpi ne, %convert_element_type3A_387, %cond3A_388 : i32
      scf.if %cond3A_389 {
        %ge3A = arith.constant 4 : i32
        %ge3A_413 = arith.cmpi sge, %add3A_382, %ge3A : i32
        %convert_element_type3A_414 = arith.extui %ge3A_413 : i1 to i32
        %cond3A_415 = arith.constant 0 : i32
        %cond3A_416 = arith.cmpi ne, %convert_element_type3A_414, %cond3A_415 : i32
        scf.if %cond3A_416 {
          %dma_wait3A_430 = arith.constant 3 : i32
          %dma_wait3A_431 = arith.constant 0 : i32
          %dma_wait3A_432 = arith.constant 0 : i32
          %dma_wait3A_433 = arith.constant 0 : i32
          %dma_wait3A_434 = tpu.memref_slice %arg8[%dma_wait3A_430, %dma_wait3A_432, %dma_wait3A_433] : memref<8x128x32xf32, #tpu.memory_space<vmem>> -> memref<1x128x32xf32, #tpu.memory_space<vmem>>
          %dma_wait3A_435 = tpu.memref_squeeze %dma_wait3A_434 : memref<1x128x32xf32, #tpu.memory_space<vmem>> -> memref<128x32xf32, #tpu.memory_space<vmem>>
          %dma_wait3A_436 = arith.constant 0 : i32
          %dma_wait3A_437 = tpu.memref_slice %arg7[%dma_wait3A_431, %dma_wait3A_436] : memref<80x128xi32, #tpu.memory_space<vmem>> -> memref<1x128xi32, #tpu.memory_space<vmem>>
          %dma_wait3A_438 = tpu.memref_squeeze %dma_wait3A_437 : memref<1x128xi32, #tpu.memory_space<vmem>> -> memref<128xi32, #tpu.memory_space<vmem>>
          %dma_wait3A_439 = arith.constant 0 : i32
          %dma_wait3A_440 = arith.constant 0 : i32
          %dma_wait3A_441 = tpu.memref_slice %arg9[%dma_wait3A_439, %dma_wait3A_440] : memref<10240x32xf32, #tpu.memory_space<vmem_shared>> -> memref<10240x32xf32, #tpu.memory_space<vmem_shared>>
          tpu.wait_indirect_dma semaphore(%arg22 : memref<!tpu.dma_semaphore, #tpu.memory_space<semaphore_mem>>) src(%dma_wait3A_435 : memref<128x32xf32, #tpu.memory_space<vmem>>) dst(%dma_wait3A_441 : memref<10240x32xf32, #tpu.memory_space<vmem_shared>>)
        } else {
        }
        %add3A_417 = arith.constant 4 : i32
        %add3A_418 = arith.addi %add3A_382, %add3A_417 : i32
        %dma_start3A_419 = arith.constant 3 : i32
        %dma_start3A_420 = arith.constant 0 : i32
        %dma_start3A_421 = arith.constant 0 : i32
        %dma_start3A_422 = tpu.memref_slice %arg8[%dma_start3A_419, %dma_start3A_420, %dma_start3A_421] : memref<8x128x32xf32, #tpu.memory_space<vmem>> -> memref<1x128x32xf32, #tpu.memory_space<vmem>>
        %dma_start3A_423 = tpu.memref_squeeze %dma_start3A_422 : memref<1x128x32xf32, #tpu.memory_space<vmem>> -> memref<128x32xf32, #tpu.memory_space<vmem>>
        %dma_start3A_424 = arith.constant 0 : i32
        %dma_start3A_425 = tpu.memref_slice %arg6[%add3A_418, %dma_start3A_424] : memref<80x128xi32, #tpu.memory_space<vmem>> -> memref<1x128xi32, #tpu.memory_space<vmem>>
        %dma_start3A_426 = tpu.memref_squeeze %dma_start3A_425 : memref<1x128xi32, #tpu.memory_space<vmem>> -> memref<128xi32, #tpu.memory_space<vmem>>
        %dma_start3A_427 = arith.constant 0 : i32
        %dma_start3A_428 = arith.constant 0 : i32
        %dma_start3A_429 = tpu.memref_slice %arg10[%dma_start3A_427, %dma_start3A_428] : memref<10240x32xf32, #tpu.memory_space<vmem_shared>> -> memref<10240x32xf32, #tpu.memory_space<vmem_shared>>
        tpu.enqueue_indirect_dma source(%dma_start3A_429 : memref<10240x32xf32, #tpu.memory_space<vmem_shared>>) target(%dma_start3A_423 : memref<128x32xf32, #tpu.memory_space<vmem>>) offsets(%dma_start3A_426 : memref<128xi32, #tpu.memory_space<vmem>>) semaphore(%arg14 : memref<!tpu.dma_semaphore, #tpu.memory_space<semaphore_mem>>)
      } else {
      }
      %dma_wait3A_390 = arith.constant 0 : i32
      %dma_wait3A_391 = arith.constant 7 : i32
      %dma_wait3A_392 = arith.constant 0 : i32
      %dma_wait3A_393 = arith.constant 0 : i32
      %dma_wait3A_394 = tpu.memref_slice %arg8[%dma_wait3A_391, %dma_wait3A_392, %dma_wait3A_393] : memref<8x128x32xf32, #tpu.memory_space<vmem>> -> memref<1x128x32xf32, #tpu.memory_space<vmem>>
      %dma_wait3A_395 = tpu.memref_squeeze %dma_wait3A_394 : memref<1x128x32xf32, #tpu.memory_space<vmem>> -> memref<128x32xf32, #tpu.memory_space<vmem>>
      %dma_wait3A_396 = arith.constant 0 : i32
      %dma_wait3A_397 = tpu.memref_slice %arg6[%dma_wait3A_390, %dma_wait3A_396] : memref<80x128xi32, #tpu.memory_space<vmem>> -> memref<1x128xi32, #tpu.memory_space<vmem>>
      %dma_wait3A_398 = tpu.memref_squeeze %dma_wait3A_397 : memref<1x128xi32, #tpu.memory_space<vmem>> -> memref<128xi32, #tpu.memory_space<vmem>>
      %dma_wait3A_399 = arith.constant 0 : i32
      %dma_wait3A_400 = arith.constant 0 : i32
      %dma_wait3A_401 = tpu.memref_slice %arg10[%dma_wait3A_399, %dma_wait3A_400] : memref<10240x32xf32, #tpu.memory_space<vmem_shared>> -> memref<10240x32xf32, #tpu.memory_space<vmem_shared>>
      tpu.wait_indirect_dma semaphore(%arg18 : memref<!tpu.dma_semaphore, #tpu.memory_space<semaphore_mem>>) src(%dma_wait3A_401 : memref<10240x32xf32, #tpu.memory_space<vmem_shared>>) dst(%dma_wait3A_395 : memref<128x32xf32, #tpu.memory_space<vmem>>)
      %dma_start3A_402 = arith.constant 7 : i32
      %dma_start3A_403 = arith.constant 0 : i32
      %dma_start3A_404 = arith.constant 0 : i32
      %dma_start3A_405 = tpu.memref_slice %arg8[%dma_start3A_402, %dma_start3A_403, %dma_start3A_404] : memref<8x128x32xf32, #tpu.memory_space<vmem>> -> memref<1x128x32xf32, #tpu.memory_space<vmem>>
      %dma_start3A_406 = tpu.memref_squeeze %dma_start3A_405 : memref<1x128x32xf32, #tpu.memory_space<vmem>> -> memref<128x32xf32, #tpu.memory_space<vmem>>
      %dma_start3A_407 = arith.constant 0 : i32
      %dma_start3A_408 = tpu.memref_slice %arg7[%add3A_382, %dma_start3A_407] : memref<80x128xi32, #tpu.memory_space<vmem>> -> memref<1x128xi32, #tpu.memory_space<vmem>>
      %dma_start3A_409 = tpu.memref_squeeze %dma_start3A_408 : memref<1x128xi32, #tpu.memory_space<vmem>> -> memref<128xi32, #tpu.memory_space<vmem>>
      %dma_start3A_410 = arith.constant 0 : i32
      %dma_start3A_411 = arith.constant 0 : i32
      %dma_start3A_412 = tpu.memref_slice %arg9[%dma_start3A_410, %dma_start3A_411] : memref<10240x32xf32, #tpu.memory_space<vmem_shared>> -> memref<10240x32xf32, #tpu.memory_space<vmem_shared>>
      tpu.enqueue_indirect_dma source(%dma_start3A_406 : memref<128x32xf32, #tpu.memory_space<vmem>>) target(%dma_start3A_412 : memref<10240x32xf32, #tpu.memory_space<vmem_shared>>) offsets(%dma_start3A_409 : memref<128xi32, #tpu.memory_space<vmem>>) semaphore(%arg26 : memref<!tpu.dma_semaphore, #tpu.memory_space<semaphore_mem>>) {add = true}
    }
    %scan3A_56 = arith.constant 10 : i32
    %dma_wait3A = arith.constant 0 : i32
    %dma_wait3A_57 = arith.constant 0 : i32
    %dma_wait3A_58 = arith.constant 0 : i32
    %dma_wait3A_59 = arith.constant 0 : i32
    %dma_wait3A_60 = tpu.memref_slice %arg8[%dma_wait3A, %dma_wait3A_58, %dma_wait3A_59] : memref<8x128x32xf32, #tpu.memory_space<vmem>> -> memref<1x128x32xf32, #tpu.memory_space<vmem>>
    %dma_wait3A_61 = tpu.memref_squeeze %dma_wait3A_60 : memref<1x128x32xf32, #tpu.memory_space<vmem>> -> memref<128x32xf32, #tpu.memory_space<vmem>>
    %dma_wait3A_62 = arith.constant 0 : i32
    %dma_wait3A_63 = tpu.memref_slice %arg7[%dma_wait3A_57, %dma_wait3A_62] : memref<80x128xi32, #tpu.memory_space<vmem>> -> memref<1x128xi32, #tpu.memory_space<vmem>>
    %dma_wait3A_64 = tpu.memref_squeeze %dma_wait3A_63 : memref<1x128xi32, #tpu.memory_space<vmem>> -> memref<128xi32, #tpu.memory_space<vmem>>
    %dma_wait3A_65 = arith.constant 0 : i32
    %dma_wait3A_66 = arith.constant 0 : i32
    %dma_wait3A_67 = tpu.memref_slice %arg9[%dma_wait3A_65, %dma_wait3A_66] : memref<10240x32xf32, #tpu.memory_space<vmem_shared>> -> memref<10240x32xf32, #tpu.memory_space<vmem_shared>>
    tpu.wait_indirect_dma semaphore(%arg19 : memref<!tpu.dma_semaphore, #tpu.memory_space<semaphore_mem>>) src(%dma_wait3A_61 : memref<128x32xf32, #tpu.memory_space<vmem>>) dst(%dma_wait3A_67 : memref<10240x32xf32, #tpu.memory_space<vmem_shared>>)
    %dma_wait3A_68 = arith.constant 1 : i32
    %dma_wait3A_69 = arith.constant 0 : i32
    %dma_wait3A_70 = arith.constant 0 : i32
    %dma_wait3A_71 = arith.constant 0 : i32
    %dma_wait3A_72 = tpu.memref_slice %arg8[%dma_wait3A_68, %dma_wait3A_70, %dma_wait3A_71] : memref<8x128x32xf32, #tpu.memory_space<vmem>> -> memref<1x128x32xf32, #tpu.memory_space<vmem>>
    %dma_wait3A_73 = tpu.memref_squeeze %dma_wait3A_72 : memref<1x128x32xf32, #tpu.memory_space<vmem>> -> memref<128x32xf32, #tpu.memory_space<vmem>>
    %dma_wait3A_74 = arith.constant 0 : i32
    %dma_wait3A_75 = tpu.memref_slice %arg7[%dma_wait3A_69, %dma_wait3A_74] : memref<80x128xi32, #tpu.memory_space<vmem>> -> memref<1x128xi32, #tpu.memory_space<vmem>>
    %dma_wait3A_76 = tpu.memref_squeeze %dma_wait3A_75 : memref<1x128xi32, #tpu.memory_space<vmem>> -> memref<128xi32, #tpu.memory_space<vmem>>
    %dma_wait3A_77 = arith.constant 0 : i32
    %dma_wait3A_78 = arith.constant 0 : i32
    %dma_wait3A_79 = tpu.memref_slice %arg9[%dma_wait3A_77, %dma_wait3A_78] : memref<10240x32xf32, #tpu.memory_space<vmem_shared>> -> memref<10240x32xf32, #tpu.memory_space<vmem_shared>>
    tpu.wait_indirect_dma semaphore(%arg20 : memref<!tpu.dma_semaphore, #tpu.memory_space<semaphore_mem>>) src(%dma_wait3A_73 : memref<128x32xf32, #tpu.memory_space<vmem>>) dst(%dma_wait3A_79 : memref<10240x32xf32, #tpu.memory_space<vmem_shared>>)
    %dma_wait3A_80 = arith.constant 2 : i32
    %dma_wait3A_81 = arith.constant 0 : i32
    %dma_wait3A_82 = arith.constant 0 : i32
    %dma_wait3A_83 = arith.constant 0 : i32
    %dma_wait3A_84 = tpu.memref_slice %arg8[%dma_wait3A_80, %dma_wait3A_82, %dma_wait3A_83] : memref<8x128x32xf32, #tpu.memory_space<vmem>> -> memref<1x128x32xf32, #tpu.memory_space<vmem>>
    %dma_wait3A_85 = tpu.memref_squeeze %dma_wait3A_84 : memref<1x128x32xf32, #tpu.memory_space<vmem>> -> memref<128x32xf32, #tpu.memory_space<vmem>>
    %dma_wait3A_86 = arith.constant 0 : i32
    %dma_wait3A_87 = tpu.memref_slice %arg7[%dma_wait3A_81, %dma_wait3A_86] : memref<80x128xi32, #tpu.memory_space<vmem>> -> memref<1x128xi32, #tpu.memory_space<vmem>>
    %dma_wait3A_88 = tpu.memref_squeeze %dma_wait3A_87 : memref<1x128xi32, #tpu.memory_space<vmem>> -> memref<128xi32, #tpu.memory_space<vmem>>
    %dma_wait3A_89 = arith.constant 0 : i32
    %dma_wait3A_90 = arith.constant 0 : i32
    %dma_wait3A_91 = tpu.memref_slice %arg9[%dma_wait3A_89, %dma_wait3A_90] : memref<10240x32xf32, #tpu.memory_space<vmem_shared>> -> memref<10240x32xf32, #tpu.memory_space<vmem_shared>>
    tpu.wait_indirect_dma semaphore(%arg21 : memref<!tpu.dma_semaphore, #tpu.memory_space<semaphore_mem>>) src(%dma_wait3A_85 : memref<128x32xf32, #tpu.memory_space<vmem>>) dst(%dma_wait3A_91 : memref<10240x32xf32, #tpu.memory_space<vmem_shared>>)
    %dma_wait3A_92 = arith.constant 3 : i32
    %dma_wait3A_93 = arith.constant 0 : i32
    %dma_wait3A_94 = arith.constant 0 : i32
    %dma_wait3A_95 = arith.constant 0 : i32
    %dma_wait3A_96 = tpu.memref_slice %arg8[%dma_wait3A_92, %dma_wait3A_94, %dma_wait3A_95] : memref<8x128x32xf32, #tpu.memory_space<vmem>> -> memref<1x128x32xf32, #tpu.memory_space<vmem>>
    %dma_wait3A_97 = tpu.memref_squeeze %dma_wait3A_96 : memref<1x128x32xf32, #tpu.memory_space<vmem>> -> memref<128x32xf32, #tpu.memory_space<vmem>>
    %dma_wait3A_98 = arith.constant 0 : i32
    %dma_wait3A_99 = tpu.memref_slice %arg7[%dma_wait3A_93, %dma_wait3A_98] : memref<80x128xi32, #tpu.memory_space<vmem>> -> memref<1x128xi32, #tpu.memory_space<vmem>>
    %dma_wait3A_100 = tpu.memref_squeeze %dma_wait3A_99 : memref<1x128xi32, #tpu.memory_space<vmem>> -> memref<128xi32, #tpu.memory_space<vmem>>
    %dma_wait3A_101 = arith.constant 0 : i32
    %dma_wait3A_102 = arith.constant 0 : i32
    %dma_wait3A_103 = tpu.memref_slice %arg9[%dma_wait3A_101, %dma_wait3A_102] : memref<10240x32xf32, #tpu.memory_space<vmem_shared>> -> memref<10240x32xf32, #tpu.memory_space<vmem_shared>>
    tpu.wait_indirect_dma semaphore(%arg22 : memref<!tpu.dma_semaphore, #tpu.memory_space<semaphore_mem>>) src(%dma_wait3A_97 : memref<128x32xf32, #tpu.memory_space<vmem>>) dst(%dma_wait3A_103 : memref<10240x32xf32, #tpu.memory_space<vmem_shared>>)
    %dma_wait3A_104 = arith.constant 4 : i32
    %dma_wait3A_105 = arith.constant 0 : i32
    %dma_wait3A_106 = arith.constant 0 : i32
    %dma_wait3A_107 = arith.constant 0 : i32
    %dma_wait3A_108 = tpu.memref_slice %arg8[%dma_wait3A_104, %dma_wait3A_106, %dma_wait3A_107] : memref<8x128x32xf32, #tpu.memory_space<vmem>> -> memref<1x128x32xf32, #tpu.memory_space<vmem>>
    %dma_wait3A_109 = tpu.memref_squeeze %dma_wait3A_108 : memref<1x128x32xf32, #tpu.memory_space<vmem>> -> memref<128x32xf32, #tpu.memory_space<vmem>>
    %dma_wait3A_110 = arith.constant 0 : i32
    %dma_wait3A_111 = tpu.memref_slice %arg7[%dma_wait3A_105, %dma_wait3A_110] : memref<80x128xi32, #tpu.memory_space<vmem>> -> memref<1x128xi32, #tpu.memory_space<vmem>>
    %dma_wait3A_112 = tpu.memref_squeeze %dma_wait3A_111 : memref<1x128xi32, #tpu.memory_space<vmem>> -> memref<128xi32, #tpu.memory_space<vmem>>
    %dma_wait3A_113 = arith.constant 0 : i32
    %dma_wait3A_114 = arith.constant 0 : i32
    %dma_wait3A_115 = tpu.memref_slice %arg9[%dma_wait3A_113, %dma_wait3A_114] : memref<10240x32xf32, #tpu.memory_space<vmem_shared>> -> memref<10240x32xf32, #tpu.memory_space<vmem_shared>>
    tpu.wait_indirect_dma semaphore(%arg23 : memref<!tpu.dma_semaphore, #tpu.memory_space<semaphore_mem>>) src(%dma_wait3A_109 : memref<128x32xf32, #tpu.memory_space<vmem>>) dst(%dma_wait3A_115 : memref<10240x32xf32, #tpu.memory_space<vmem_shared>>)
    %dma_wait3A_116 = arith.constant 5 : i32
    %dma_wait3A_117 = arith.constant 0 : i32
    %dma_wait3A_118 = arith.constant 0 : i32
    %dma_wait3A_119 = arith.constant 0 : i32
    %dma_wait3A_120 = tpu.memref_slice %arg8[%dma_wait3A_116, %dma_wait3A_118, %dma_wait3A_119] : memref<8x128x32xf32, #tpu.memory_space<vmem>> -> memref<1x128x32xf32, #tpu.memory_space<vmem>>
    %dma_wait3A_121 = tpu.memref_squeeze %dma_wait3A_120 : memref<1x128x32xf32, #tpu.memory_space<vmem>> -> memref<128x32xf32, #tpu.memory_space<vmem>>
    %dma_wait3A_122 = arith.constant 0 : i32
    %dma_wait3A_123 = tpu.memref_slice %arg7[%dma_wait3A_117, %dma_wait3A_122] : memref<80x128xi32, #tpu.memory_space<vmem>> -> memref<1x128xi32, #tpu.memory_space<vmem>>
    %dma_wait3A_124 = tpu.memref_squeeze %dma_wait3A_123 : memref<1x128xi32, #tpu.memory_space<vmem>> -> memref<128xi32, #tpu.memory_space<vmem>>
    %dma_wait3A_125 = arith.constant 0 : i32
    %dma_wait3A_126 = arith.constant 0 : i32
    %dma_wait3A_127 = tpu.memref_slice %arg9[%dma_wait3A_125, %dma_wait3A_126] : memref<10240x32xf32, #tpu.memory_space<vmem_shared>> -> memref<10240x32xf32, #tpu.memory_space<vmem_shared>>
    tpu.wait_indirect_dma semaphore(%arg24 : memref<!tpu.dma_semaphore, #tpu.memory_space<semaphore_mem>>) src(%dma_wait3A_121 : memref<128x32xf32, #tpu.memory_space<vmem>>) dst(%dma_wait3A_127 : memref<10240x32xf32, #tpu.memory_space<vmem_shared>>)
    %dma_wait3A_128 = arith.constant 6 : i32
    %dma_wait3A_129 = arith.constant 0 : i32
    %dma_wait3A_130 = arith.constant 0 : i32
    %dma_wait3A_131 = arith.constant 0 : i32
    %dma_wait3A_132 = tpu.memref_slice %arg8[%dma_wait3A_128, %dma_wait3A_130, %dma_wait3A_131] : memref<8x128x32xf32, #tpu.memory_space<vmem>> -> memref<1x128x32xf32, #tpu.memory_space<vmem>>
    %dma_wait3A_133 = tpu.memref_squeeze %dma_wait3A_132 : memref<1x128x32xf32, #tpu.memory_space<vmem>> -> memref<128x32xf32, #tpu.memory_space<vmem>>
    %dma_wait3A_134 = arith.constant 0 : i32
    %dma_wait3A_135 = tpu.memref_slice %arg7[%dma_wait3A_129, %dma_wait3A_134] : memref<80x128xi32, #tpu.memory_space<vmem>> -> memref<1x128xi32, #tpu.memory_space<vmem>>
    %dma_wait3A_136 = tpu.memref_squeeze %dma_wait3A_135 : memref<1x128xi32, #tpu.memory_space<vmem>> -> memref<128xi32, #tpu.memory_space<vmem>>
    %dma_wait3A_137 = arith.constant 0 : i32
    %dma_wait3A_138 = arith.constant 0 : i32
    %dma_wait3A_139 = tpu.memref_slice %arg9[%dma_wait3A_137, %dma_wait3A_138] : memref<10240x32xf32, #tpu.memory_space<vmem_shared>> -> memref<10240x32xf32, #tpu.memory_space<vmem_shared>>
    tpu.wait_indirect_dma semaphore(%arg25 : memref<!tpu.dma_semaphore, #tpu.memory_space<semaphore_mem>>) src(%dma_wait3A_133 : memref<128x32xf32, #tpu.memory_space<vmem>>) dst(%dma_wait3A_139 : memref<10240x32xf32, #tpu.memory_space<vmem_shared>>)
    %dma_wait3A_140 = arith.constant 7 : i32
    %dma_wait3A_141 = arith.constant 0 : i32
    %dma_wait3A_142 = arith.constant 0 : i32
    %dma_wait3A_143 = arith.constant 0 : i32
    %dma_wait3A_144 = tpu.memref_slice %arg8[%dma_wait3A_140, %dma_wait3A_142, %dma_wait3A_143] : memref<8x128x32xf32, #tpu.memory_space<vmem>> -> memref<1x128x32xf32, #tpu.memory_space<vmem>>
    %dma_wait3A_145 = tpu.memref_squeeze %dma_wait3A_144 : memref<1x128x32xf32, #tpu.memory_space<vmem>> -> memref<128x32xf32, #tpu.memory_space<vmem>>
    %dma_wait3A_146 = arith.constant 0 : i32
    %dma_wait3A_147 = tpu.memref_slice %arg7[%dma_wait3A_141, %dma_wait3A_146] : memref<80x128xi32, #tpu.memory_space<vmem>> -> memref<1x128xi32, #tpu.memory_space<vmem>>
    %dma_wait3A_148 = tpu.memref_squeeze %dma_wait3A_147 : memref<1x128xi32, #tpu.memory_space<vmem>> -> memref<128xi32, #tpu.memory_space<vmem>>
    %dma_wait3A_149 = arith.constant 0 : i32
    %dma_wait3A_150 = arith.constant 0 : i32
    %dma_wait3A_151 = tpu.memref_slice %arg9[%dma_wait3A_149, %dma_wait3A_150] : memref<10240x32xf32, #tpu.memory_space<vmem_shared>> -> memref<10240x32xf32, #tpu.memory_space<vmem_shared>>
    tpu.wait_indirect_dma semaphore(%arg26 : memref<!tpu.dma_semaphore, #tpu.memory_space<semaphore_mem>>) src(%dma_wait3A_145 : memref<128x32xf32, #tpu.memory_space<vmem>>) dst(%dma_wait3A_151 : memref<10240x32xf32, #tpu.memory_space<vmem_shared>>)
    %barrier3A_152 = arith.constant 0 : index
    tpu.barrier barrier_id(%barrier3A_152)
    "tpu.region"() ({
      %run_scoped3A_153 = tpu.sem_alloc : memref<!tpu.dma_semaphore, #tpu.memory_space<semaphore_mem>>
      %dma_start3A_154 = arith.constant 0 : i32
      %dma_start3A_155 = arith.constant 0 : i32
      %dma_start3A_156 = tpu.memref_slice %arg5[%arg0, %dma_start3A_154, %dma_start3A_155] : memref<2x10240x128xf32, #tpu.memory_space<hbm>> -> memref<1x10240x128xf32, #tpu.memory_space<hbm>>
      %dma_start3A_157 = tpu.memref_squeeze %dma_start3A_156 : memref<1x10240x128xf32, #tpu.memory_space<hbm>> -> memref<10240x128xf32, #tpu.memory_space<hbm>>
      %dma_start3A_158 = arith.constant 0 : i32
      %dma_start3A_159 = tpu.memref_slice %dma_start3A_157[%mul3A_2, %dma_start3A_158] : memref<10240x128xf32, #tpu.memory_space<hbm>> -> memref<640x32xf32, #tpu.memory_space<hbm>>
      %dma_start3A_160 = arith.constant 0 : i32
      %dma_start3A_161 = tpu.memref_slice %arg9[%mul3A_2, %dma_start3A_160] : memref<10240x32xf32, #tpu.memory_space<vmem_shared>> -> memref<640x32xf32, #tpu.memory_space<vmem_shared>>
      tpu.enqueue_dma source(%dma_start3A_161 : memref<640x32xf32, #tpu.memory_space<vmem_shared>>) target(%dma_start3A_159 : memref<640x32xf32, #tpu.memory_space<hbm>>) target_semaphore(%run_scoped3A_153 : memref<!tpu.dma_semaphore, #tpu.memory_space<semaphore_mem>>)
      %dma_wait3A_162 = arith.constant 0 : i32
      %dma_wait3A_163 = arith.constant 0 : i32
      %dma_wait3A_164 = tpu.memref_slice %arg5[%arg0, %dma_wait3A_162, %dma_wait3A_163] : memref<2x10240x128xf32, #tpu.memory_space<hbm>> -> memref<1x10240x128xf32, #tpu.memory_space<hbm>>
      %dma_wait3A_165 = tpu.memref_squeeze %dma_wait3A_164 : memref<1x10240x128xf32, #tpu.memory_space<hbm>> -> memref<10240x128xf32, #tpu.memory_space<hbm>>
      %dma_wait3A_166 = arith.constant 0 : i32
      %dma_wait3A_167 = tpu.memref_slice %dma_wait3A_165[%mul3A_2, %dma_wait3A_166] : memref<10240x128xf32, #tpu.memory_space<hbm>> -> memref<640x32xf32, #tpu.memory_space<hbm>>
      %dma_wait3A_168 = arith.constant 0 : i32
      %dma_wait3A_169 = tpu.memref_slice %arg9[%mul3A_2, %dma_wait3A_168] : memref<10240x32xf32, #tpu.memory_space<vmem_shared>> -> memref<640x32xf32, #tpu.memory_space<vmem_shared>>
      tpu.wait_dma2 semaphore(%run_scoped3A_153 : memref<!tpu.dma_semaphore, #tpu.memory_space<semaphore_mem>>) src(%dma_wait3A_169 : memref<640x32xf32, #tpu.memory_space<vmem_shared>>) dst(%dma_wait3A_167 : memref<640x32xf32, #tpu.memory_space<hbm>>)
      tpu.yield
    }) : () -> ()
    return
  }
}

module attributes {stable_mosaic.version = 14 : i64} {
  func.func @body(%arg0: i32, %arg1: memref<5120x128xf32, #tpu.memory_space<vmem>>, %arg2: memref<128x64xf32, #tpu.memory_space<vmem>>, %arg3: memref<5120x64xf32, #tpu.memory_space<vmem>>) attributes {dimension_semantics = [#tpu.dimension_semantics<arbitrary>], iteration_bounds = array<i64: 2>, scalar_prefetch = 0 : i64, scratch_operands = 0 : i64, tpu.core_type = #tpu.core_type<tc>, window_params = [{transform_indices = @transform_0, window_bounds = array<i64: 5120, 128>}, {pipeline_mode = #tpu.pipeline_mode<synchronous>, transform_indices = @transform_1, window_bounds = array<i64: 128, 64>}, {transform_indices = @transform_2, window_bounds = array<i64: 5120, 64>}]} {
    %get3A = arith.constant 0 : index
    %get3A_0 = arith.constant 0 : index
    %get3A_1 = vector.load %arg1[%get3A, %get3A_0] : memref<5120x128xf32, #tpu.memory_space<vmem>>, vector<5120x128xf32>
    %get3A_2 = arith.constant 0 : index
    %get3A_3 = arith.constant 0 : index
    %get3A_4 = vector.load %arg2[%get3A_2, %get3A_3] : memref<128x64xf32, #tpu.memory_space<vmem>>, vector<128x64xf32>
    %dot_general3A = arith.constant dense<0.000000e+00> : vector<5120x64xf32>
    %dot_general3A_5 = tpu.matmul %get3A_1, %get3A_4, %dot_general3A {dimension_numbers = #tpu.dot_dimension_numbers<[1], [0], [0], [1], [0, 0, 1, 1], [], []>, transpose_lhs_hint = false} : vector<5120x128xf32>, vector<128x64xf32>, vector<5120x64xf32> -> vector<5120x64xf32>
    %swap3A = arith.constant 0 : index
    %swap3A_6 = arith.constant 0 : index
    %swap3A_7 = vector.load %arg3[%swap3A, %swap3A_6] : memref<5120x64xf32, #tpu.memory_space<vmem>>, vector<5120x64xf32>
    tpu.vector_store %arg3[%swap3A, %swap3A_6], %dot_general3A_5 {strides = array<i32>} : memref<5120x64xf32, #tpu.memory_space<vmem>>, vector<5120x64xf32>,
    return
  }
  func.func @transform_0(%arg0: i32) -> (i32, i32) {
    %c0_i32 = arith.constant 0 : i32
    %c0_i32_0 = arith.constant 0 : i32
    return %arg0, %c0_i32 : i32, i32
  }
  func.func @transform_1(%arg0: i32) -> (i32, i32) {
    %c0_i32 = arith.constant 0 : i32
    %c0_i32_0 = arith.constant 0 : i32
    %c0_i32_1 = arith.constant 0 : i32
    return %c0_i32, %c0_i32_0 : i32, i32
  }
  func.func @transform_2(%arg0: i32) -> (i32, i32) {
    %c0_i32 = arith.constant 0 : i32
    %c0_i32_0 = arith.constant 0 : i32
    return %arg0, %c0_i32 : i32, i32
  }
}

module attributes {stable_mosaic.version = 14 : i64} {
  func.func @body(%arg0: i32, %arg1: memref<2x16x5120xf32, #tpu.memory_space<vmem>>, %arg2: memref<5120x64xf32, #tpu.memory_space<vmem>>, %arg3: memref<5120x1xf32, #tpu.memory_space<vmem>>, %arg4: memref<5120x1xf32, #tpu.memory_space<vmem>>, %arg5: memref<2x5120x128xf32, #tpu.memory_space<vmem>>) attributes {dimension_semantics = [#tpu.dimension_semantics<arbitrary>], iteration_bounds = array<i64: 2>, scalar_prefetch = 0 : i64, scratch_operands = 0 : i64, tpu.core_type = #tpu.core_type<tc>, window_params = [{transform_indices = @transform_0, window_bounds = array<i64: 2, 16, 5120>}, {transform_indices = @transform_1, window_bounds = array<i64: 5120, 64>}, {transform_indices = @transform_2, window_bounds = array<i64: 5120, 1>}, {transform_indices = @transform_3, window_bounds = array<i64: 5120, 1>}, {transform_indices = @transform_4, window_bounds = array<i64: 2, 5120, 128>}]} {
    %broadcast_in_dim3A = arith.constant 1.000000e+00 : f32
    %broadcast_in_dim3A_0 = vector.broadcast %broadcast_in_dim3A : f32 to vector<16x1xf32>
    %get3A = arith.constant 0 : index
    %get3A_1 = arith.constant 0 : index
    %get3A_2 = arith.constant 0 : index
    %get3A_3 = vector.load %arg1[%get3A, %get3A_1, %get3A_2] : memref<2x16x5120xf32, #tpu.memory_space<vmem>>, vector<1x16x5120xf32>
    %get3A_4 = vector.shape_cast %get3A_3 : vector<1x16x5120xf32> to vector<16x5120xf32>
    %dot_general3A = arith.constant dense<0.000000e+00> : vector<5120x1xf32>
    %dot_general3A_5 = tpu.matmul %get3A_4, %broadcast_in_dim3A_0, %dot_general3A {dimension_numbers = #tpu.dot_dimension_numbers<[0], [0], [1], [1], [0, 1, 1, 1], [], []>, transpose_lhs_hint = false} : vector<16x5120xf32>, vector<16x1xf32>, vector<5120x1xf32> -> vector<5120x1xf32>
    %get3A_6 = arith.constant 1 : index
    %get3A_7 = arith.constant 0 : index
    %get3A_8 = arith.constant 0 : index
    %get3A_9 = vector.load %arg1[%get3A_6, %get3A_7, %get3A_8] : memref<2x16x5120xf32, #tpu.memory_space<vmem>>, vector<1x16x5120xf32>
    %get3A_10 = vector.shape_cast %get3A_9 : vector<1x16x5120xf32> to vector<16x5120xf32>
    %dot_general3A_11 = arith.constant dense<0.000000e+00> : vector<5120x1xf32>
    %dot_general3A_12 = tpu.matmul %get3A_10, %broadcast_in_dim3A_0, %dot_general3A_11 {dimension_numbers = #tpu.dot_dimension_numbers<[0], [0], [1], [1], [0, 1, 1, 1], [], []>, transpose_lhs_hint = false} : vector<16x5120xf32>, vector<16x1xf32>, vector<5120x1xf32> -> vector<5120x1xf32>
    %max3A = arith.constant 1.000000e+00 : f32
    %max3A_13 = vector.broadcast %max3A : f32 to vector<5120x1xf32>
    %max3A_14 = arith.maximumf %dot_general3A_5, %max3A_13 : vector<5120x1xf32>
    %rsqrt3A = math.rsqrt %max3A_14 : vector<5120x1xf32>
    %max3A_15 = arith.constant 1.000000e+00 : f32
    %max3A_16 = vector.broadcast %max3A_15 : f32 to vector<5120x1xf32>
    %max3A_17 = arith.maximumf %dot_general3A_12, %max3A_16 : vector<5120x1xf32>
    %rsqrt3A_18 = math.rsqrt %max3A_17 : vector<5120x1xf32>
    %swap3A = arith.constant 0 : index
    %swap3A_19 = arith.constant 0 : index
    %swap3A_20 = vector.load %arg3[%swap3A, %swap3A_19] : memref<5120x1xf32, #tpu.memory_space<vmem>>, vector<5120x1xf32>
    tpu.vector_store %arg3[%swap3A, %swap3A_19], %rsqrt3A {strides = array<i32>} : memref<5120x1xf32, #tpu.memory_space<vmem>>, vector<5120x1xf32>,
    %swap3A_21 = arith.constant 0 : index
    %swap3A_22 = arith.constant 0 : index
    %swap3A_23 = vector.load %arg4[%swap3A_21, %swap3A_22] : memref<5120x1xf32, #tpu.memory_space<vmem>>, vector<5120x1xf32>
    tpu.vector_store %arg4[%swap3A_21, %swap3A_22], %rsqrt3A_18 {strides = array<i32>} : memref<5120x1xf32, #tpu.memory_space<vmem>>, vector<5120x1xf32>,
    %get3A_24 = arith.constant 0 : index
    %get3A_25 = arith.constant 0 : index
    %get3A_26 = vector.load %arg2[%get3A_24, %get3A_25] : memref<5120x64xf32, #tpu.memory_space<vmem>>, vector<5120x64xf32>
    %mul3A = vector.broadcast %rsqrt3A : vector<5120x1xf32> to vector<5120x64xf32>
    %mul3A_27 = arith.mulf %get3A_26, %mul3A : vector<5120x64xf32>
    %slice3A = vector.extract_strided_slice %mul3A_27 {offsets = [0, 0], sizes = [5120, 32], strides = [1, 1]} : vector<5120x64xf32> to vector<5120x32xf32>
    %swap3A_28 = arith.constant 0 : index
    %swap3A_29 = arith.constant 0 : index
    %swap3A_30 = arith.constant 0 : index
    %swap3A_31 = vector.load %arg5[%swap3A_28, %swap3A_29, %swap3A_30] : memref<2x5120x128xf32, #tpu.memory_space<vmem>>, vector<1x5120x32xf32>
    %swap3A_32 = vector.shape_cast %swap3A_31 : vector<1x5120x32xf32> to vector<5120x32xf32>
    %swap3A_33 = vector.shape_cast %slice3A : vector<5120x32xf32> to vector<1x5120x32xf32>
    tpu.vector_store %arg5[%swap3A_28, %swap3A_29, %swap3A_30], %swap3A_33 {strides = array<i32>} : memref<2x5120x128xf32, #tpu.memory_space<vmem>>, vector<1x5120x32xf32>,
    %slice3A_34 = vector.extract_strided_slice %mul3A_27 {offsets = [0, 32], sizes = [5120, 32], strides = [1, 1]} : vector<5120x64xf32> to vector<5120x32xf32>
    %swap3A_35 = arith.constant 1 : index
    %swap3A_36 = arith.constant 0 : index
    %swap3A_37 = arith.constant 0 : index
    %swap3A_38 = vector.load %arg5[%swap3A_35, %swap3A_36, %swap3A_37] : memref<2x5120x128xf32, #tpu.memory_space<vmem>>, vector<1x5120x32xf32>
    %swap3A_39 = vector.shape_cast %swap3A_38 : vector<1x5120x32xf32> to vector<5120x32xf32>
    %swap3A_40 = vector.shape_cast %slice3A_34 : vector<5120x32xf32> to vector<1x5120x32xf32>
    tpu.vector_store %arg5[%swap3A_35, %swap3A_36, %swap3A_37], %swap3A_40 {strides = array<i32>} : memref<2x5120x128xf32, #tpu.memory_space<vmem>>, vector<1x5120x32xf32>,
    return
  }
  func.func @transform_0(%arg0: i32) -> (i32, i32, i32) {
    %c0_i32 = arith.constant 0 : i32
    %c0_i32_0 = arith.constant 0 : i32
    %c0_i32_1 = arith.constant 0 : i32
    return %c0_i32, %c0_i32_0, %arg0 : i32, i32, i32
  }
  func.func @transform_1(%arg0: i32) -> (i32, i32) {
    %c0_i32 = arith.constant 0 : i32
    %c0_i32_0 = arith.constant 0 : i32
    return %arg0, %c0_i32 : i32, i32
  }
  func.func @transform_2(%arg0: i32) -> (i32, i32) {
    %c0_i32 = arith.constant 0 : i32
    %c0_i32_0 = arith.constant 0 : i32
    return %arg0, %c0_i32 : i32, i32
  }
  func.func @transform_3(%arg0: i32) -> (i32, i32) {
    %c0_i32 = arith.constant 0 : i32
    %c0_i32_0 = arith.constant 0 : i32
    return %arg0, %c0_i32 : i32, i32
  }
  func.func @transform_4(%arg0: i32) -> (i32, i32, i32) {
    %c0_i32 = arith.constant 0 : i32
    %c0_i32_0 = arith.constant 0 : i32
    %c0_i32_1 = arith.constant 0 : i32
    return %c0_i32, %arg0, %c0_i32_0 : i32, i32, i32
  }
}

module attributes {stable_mosaic.version = 14 : i64} {
  func.func @body(%arg0: i32, %arg1: memref<2x5120x128xf32, #tpu.memory_space<vmem>>, %arg2: memref<5120x1xf32, #tpu.memory_space<vmem>>, %arg3: memref<5120x1xf32, #tpu.memory_space<vmem>>, %arg4: memref<1x64xf32, #tpu.memory_space<vmem>>, %arg5: memref<64x32xf32, #tpu.memory_space<vmem>>, %arg6: memref<5120x128xf32, #tpu.memory_space<vmem>>) attributes {dimension_semantics = [#tpu.dimension_semantics<arbitrary>], iteration_bounds = array<i64: 2>, scalar_prefetch = 0 : i64, scratch_operands = 0 : i64, tpu.core_type = #tpu.core_type<tc>, window_params = [{transform_indices = @transform_0, window_bounds = array<i64: 2, 5120, 128>}, {transform_indices = @transform_1, window_bounds = array<i64: 5120, 1>}, {transform_indices = @transform_2, window_bounds = array<i64: 5120, 1>}, {pipeline_mode = #tpu.pipeline_mode<synchronous>, transform_indices = @transform_3, window_bounds = array<i64: 1, 64>}, {pipeline_mode = #tpu.pipeline_mode<synchronous>, transform_indices = @transform_4, window_bounds = array<i64: 64, 32>}, {transform_indices = @transform_5, window_bounds = array<i64: 5120, 128>}]} {
    %get3A = arith.constant 0 : index
    %get3A_0 = arith.constant 0 : index
    %get3A_1 = arith.constant 0 : index
    %get3A_2 = vector.load %arg1[%get3A, %get3A_0, %get3A_1] : memref<2x5120x128xf32, #tpu.memory_space<vmem>>, vector<1x5120x32xf32>
    %get3A_3 = vector.shape_cast %get3A_2 : vector<1x5120x32xf32> to vector<5120x32xf32>
    %get3A_4 = arith.constant 1 : index
    %get3A_5 = arith.constant 0 : index
    %get3A_6 = arith.constant 0 : index
    %get3A_7 = vector.load %arg1[%get3A_4, %get3A_5, %get3A_6] : memref<2x5120x128xf32, #tpu.memory_space<vmem>>, vector<1x5120x32xf32>
    %get3A_8 = vector.shape_cast %get3A_7 : vector<1x5120x32xf32> to vector<5120x32xf32>
    %concatenate3A = tpu.concatenate %get3A_3, %get3A_8 in 1 : vector<5120x32xf32>, vector<5120x32xf32> -> vector<5120x64xf32>
    %get3A_9 = arith.constant 0 : index
    %get3A_10 = arith.constant 0 : index
    %get3A_11 = vector.load %arg2[%get3A_9, %get3A_10] : memref<5120x1xf32, #tpu.memory_space<vmem>>, vector<5120x1xf32>
    %mul3A = vector.broadcast %get3A_11 : vector<5120x1xf32> to vector<5120x64xf32>
    %mul3A_12 = arith.mulf %concatenate3A, %mul3A : vector<5120x64xf32>
    %get3A_13 = arith.constant 0 : index
    %get3A_14 = arith.constant 0 : index
    %get3A_15 = vector.load %arg4[%get3A_13, %get3A_14] : memref<1x64xf32, #tpu.memory_space<vmem>>, vector<1x64xf32>
    %add3A = vector.broadcast %get3A_15 : vector<1x64xf32> to vector<5120x64xf32>
    %add3A_16 = arith.addf %mul3A_12, %add3A : vector<5120x64xf32>
    %max3A = arith.constant 0.000000e+00 : f32
    %max3A_17 = vector.broadcast %max3A : f32 to vector<5120x64xf32>
    %max3A_18 = arith.maximumf %add3A_16, %max3A_17 : vector<5120x64xf32>
    %get3A_19 = arith.constant 0 : index
    %get3A_20 = arith.constant 0 : index
    %get3A_21 = vector.load %arg3[%get3A_19, %get3A_20] : memref<5120x1xf32, #tpu.memory_space<vmem>>, vector<5120x1xf32>
    %mul3A_22 = vector.broadcast %get3A_21 : vector<5120x1xf32> to vector<5120x64xf32>
    %mul3A_23 = arith.mulf %max3A_18, %mul3A_22 : vector<5120x64xf32>
    %get3A_24 = arith.constant 0 : index
    %get3A_25 = arith.constant 0 : index
    %get3A_26 = vector.load %arg5[%get3A_24, %get3A_25] : memref<64x32xf32, #tpu.memory_space<vmem>>, vector<64x32xf32>
    %dot_general3A = arith.constant dense<0.000000e+00> : vector<5120x32xf32>
    %dot_general3A_27 = tpu.matmul %mul3A_23, %get3A_26, %dot_general3A {dimension_numbers = #tpu.dot_dimension_numbers<[1], [0], [0], [1], [0, 0, 1, 1], [], []>, transpose_lhs_hint = false} : vector<5120x64xf32>, vector<64x32xf32>, vector<5120x32xf32> -> vector<5120x32xf32>
    %swap3A = arith.constant 0 : index
    %swap3A_28 = arith.constant 0 : index
    %swap3A_29 = vector.load %arg6[%swap3A, %swap3A_28] : memref<5120x128xf32, #tpu.memory_space<vmem>>, vector<5120x32xf32>
    tpu.vector_store %arg6[%swap3A, %swap3A_28], %dot_general3A_27 {strides = array<i32>} : memref<5120x128xf32, #tpu.memory_space<vmem>>, vector<5120x32xf32>,
    return
  }
  func.func @transform_0(%arg0: i32) -> (i32, i32, i32) {
    %c0_i32 = arith.constant 0 : i32
    %c0_i32_0 = arith.constant 0 : i32
    %c0_i32_1 = arith.constant 0 : i32
    return %c0_i32, %arg0, %c0_i32_0 : i32, i32, i32
  }
  func.func @transform_1(%arg0: i32) -> (i32, i32) {
    %c0_i32 = arith.constant 0 : i32
    %c0_i32_0 = arith.constant 0 : i32
    return %arg0, %c0_i32 : i32, i32
  }
  func.func @transform_2(%arg0: i32) -> (i32, i32) {
    %c0_i32 = arith.constant 0 : i32
    %c0_i32_0 = arith.constant 0 : i32
    return %arg0, %c0_i32 : i32, i32
  }
  func.func @transform_3(%arg0: i32) -> (i32, i32) {
    %c0_i32 = arith.constant 0 : i32
    %c0_i32_0 = arith.constant 0 : i32
    %c0_i32_1 = arith.constant 0 : i32
    return %c0_i32, %c0_i32_0 : i32, i32
  }
  func.func @transform_4(%arg0: i32) -> (i32, i32) {
    %c0_i32 = arith.constant 0 : i32
    %c0_i32_0 = arith.constant 0 : i32
    %c0_i32_1 = arith.constant 0 : i32
    return %c0_i32, %c0_i32_0 : i32, i32
  }
  func.func @transform_5(%arg0: i32) -> (i32, i32) {
    %c0_i32 = arith.constant 0 : i32
    %c0_i32_0 = arith.constant 0 : i32
    return %arg0, %c0_i32 : i32, i32
  }
}

module attributes {stable_mosaic.version = 14 : i64} {
  func.func @body(%arg0: i32, %arg1: memref<2x5120x128xf32, #tpu.memory_space<vmem>>, %arg2: memref<5120x1xf32, #tpu.memory_space<vmem>>, %arg3: memref<5120x1xf32, #tpu.memory_space<vmem>>, %arg4: memref<1x32xf32, #tpu.memory_space<vmem>>, %arg5: memref<5120x32xf32, #tpu.memory_space<vmem>>, %arg6: memref<5120x128xf32, #tpu.memory_space<vmem>>) attributes {dimension_semantics = [#tpu.dimension_semantics<arbitrary>], iteration_bounds = array<i64: 2>, scalar_prefetch = 0 : i64, scratch_operands = 0 : i64, tpu.core_type = #tpu.core_type<tc>, window_params = [{transform_indices = @transform_0, window_bounds = array<i64: 2, 5120, 128>}, {transform_indices = @transform_1, window_bounds = array<i64: 5120, 1>}, {transform_indices = @transform_2, window_bounds = array<i64: 5120, 1>}, {pipeline_mode = #tpu.pipeline_mode<synchronous>, transform_indices = @transform_3, window_bounds = array<i64: 1, 32>}, {transform_indices = @transform_4, window_bounds = array<i64: 5120, 32>}, {transform_indices = @transform_5, window_bounds = array<i64: 5120, 128>}]} {
    %get3A = arith.constant 0 : index
    %get3A_0 = arith.constant 0 : index
    %get3A_1 = arith.constant 0 : index
    %get3A_2 = vector.load %arg1[%get3A, %get3A_0, %get3A_1] : memref<2x5120x128xf32, #tpu.memory_space<vmem>>, vector<1x5120x32xf32>
    %get3A_3 = vector.shape_cast %get3A_2 : vector<1x5120x32xf32> to vector<5120x32xf32>
    %get3A_4 = arith.constant 1 : index
    %get3A_5 = arith.constant 0 : index
    %get3A_6 = arith.constant 0 : index
    %get3A_7 = vector.load %arg1[%get3A_4, %get3A_5, %get3A_6] : memref<2x5120x128xf32, #tpu.memory_space<vmem>>, vector<1x5120x32xf32>
    %get3A_8 = vector.shape_cast %get3A_7 : vector<1x5120x32xf32> to vector<5120x32xf32>
    %add3A = arith.addf %get3A_3, %get3A_8 : vector<5120x32xf32>
    %get3A_9 = arith.constant 0 : index
    %get3A_10 = arith.constant 0 : index
    %get3A_11 = vector.load %arg2[%get3A_9, %get3A_10] : memref<5120x1xf32, #tpu.memory_space<vmem>>, vector<5120x1xf32>
    %mul3A = vector.broadcast %get3A_11 : vector<5120x1xf32> to vector<5120x32xf32>
    %mul3A_12 = arith.mulf %add3A, %mul3A : vector<5120x32xf32>
    %get3A_13 = arith.constant 0 : index
    %get3A_14 = arith.constant 0 : index
    %get3A_15 = vector.load %arg4[%get3A_13, %get3A_14] : memref<1x32xf32, #tpu.memory_space<vmem>>, vector<1x32xf32>
    %add3A_16 = vector.broadcast %get3A_15 : vector<1x32xf32> to vector<5120x32xf32>
    %add3A_17 = arith.addf %mul3A_12, %add3A_16 : vector<5120x32xf32>
    %swap3A = arith.constant 0 : index
    %swap3A_18 = arith.constant 0 : index
    %swap3A_19 = vector.load %arg5[%swap3A, %swap3A_18] : memref<5120x32xf32, #tpu.memory_space<vmem>>, vector<5120x32xf32>
    tpu.vector_store %arg5[%swap3A, %swap3A_18], %add3A_17 {strides = array<i32>} : memref<5120x32xf32, #tpu.memory_space<vmem>>, vector<5120x32xf32>,
    %get3A_20 = arith.constant 0 : index
    %get3A_21 = arith.constant 0 : index
    %get3A_22 = vector.load %arg3[%get3A_20, %get3A_21] : memref<5120x1xf32, #tpu.memory_space<vmem>>, vector<5120x1xf32>
    %mul3A_23 = vector.broadcast %get3A_22 : vector<5120x1xf32> to vector<5120x32xf32>
    %mul3A_24 = arith.mulf %add3A_17, %mul3A_23 : vector<5120x32xf32>
    %swap3A_25 = arith.constant 0 : index
    %swap3A_26 = arith.constant 0 : index
    %swap3A_27 = vector.load %arg6[%swap3A_25, %swap3A_26] : memref<5120x128xf32, #tpu.memory_space<vmem>>, vector<5120x32xf32>
    tpu.vector_store %arg6[%swap3A_25, %swap3A_26], %mul3A_24 {strides = array<i32>} : memref<5120x128xf32, #tpu.memory_space<vmem>>, vector<5120x32xf32>,
    return
  }
  func.func @transform_0(%arg0: i32) -> (i32, i32, i32) {
    %c0_i32 = arith.constant 0 : i32
    %c0_i32_0 = arith.constant 0 : i32
    %c0_i32_1 = arith.constant 0 : i32
    return %c0_i32, %arg0, %c0_i32_0 : i32, i32, i32
  }
  func.func @transform_1(%arg0: i32) -> (i32, i32) {
    %c0_i32 = arith.constant 0 : i32
    %c0_i32_0 = arith.constant 0 : i32
    return %arg0, %c0_i32 : i32, i32
  }
  func.func @transform_2(%arg0: i32) -> (i32, i32) {
    %c0_i32 = arith.constant 0 : i32
    %c0_i32_0 = arith.constant 0 : i32
    return %arg0, %c0_i32 : i32, i32
  }
  func.func @transform_3(%arg0: i32) -> (i32, i32) {
    %c0_i32 = arith.constant 0 : i32
    %c0_i32_0 = arith.constant 0 : i32
    %c0_i32_1 = arith.constant 0 : i32
    return %c0_i32, %c0_i32_0 : i32, i32
  }
  func.func @transform_4(%arg0: i32) -> (i32, i32) {
    %c0_i32 = arith.constant 0 : i32
    %c0_i32_0 = arith.constant 0 : i32
    return %arg0, %c0_i32 : i32, i32
  }
  func.func @transform_5(%arg0: i32) -> (i32, i32) {
    %c0_i32 = arith.constant 0 : i32
    %c0_i32_0 = arith.constant 0 : i32
    return %arg0, %c0_i32 : i32, i32
  }
}

module attributes {stable_mosaic.version = 14 : i64} {
  func.func @body(%arg0: i32, %arg1: memref<2x5120x128xf32, #tpu.memory_space<vmem>>, %arg2: memref<5120x1xf32, #tpu.memory_space<vmem>>, %arg3: memref<1x128xf32, #tpu.memory_space<vmem>>, %arg4: memref<32x128xf32, #tpu.memory_space<vmem>>, %arg5: memref<5120x128xf32, #tpu.memory_space<vmem>>) attributes {dimension_semantics = [#tpu.dimension_semantics<arbitrary>], iteration_bounds = array<i64: 2>, scalar_prefetch = 0 : i64, scratch_operands = 0 : i64, tpu.core_type = #tpu.core_type<tc>, window_params = [{transform_indices = @transform_0, window_bounds = array<i64: 2, 5120, 128>}, {transform_indices = @transform_1, window_bounds = array<i64: 5120, 1>}, {pipeline_mode = #tpu.pipeline_mode<synchronous>, transform_indices = @transform_2, window_bounds = array<i64: 1, 128>}, {pipeline_mode = #tpu.pipeline_mode<synchronous>, transform_indices = @transform_3, window_bounds = array<i64: 32, 128>}, {transform_indices = @transform_4, window_bounds = array<i64: 5120, 128>}]} {
    %get3A = arith.constant 0 : index
    %get3A_0 = arith.constant 0 : index
    %get3A_1 = arith.constant 0 : index
    %get3A_2 = vector.load %arg1[%get3A, %get3A_0, %get3A_1] : memref<2x5120x128xf32, #tpu.memory_space<vmem>>, vector<1x5120x32xf32>
    %get3A_3 = vector.shape_cast %get3A_2 : vector<1x5120x32xf32> to vector<5120x32xf32>
    %get3A_4 = arith.constant 1 : index
    %get3A_5 = arith.constant 0 : index
    %get3A_6 = arith.constant 0 : index
    %get3A_7 = vector.load %arg1[%get3A_4, %get3A_5, %get3A_6] : memref<2x5120x128xf32, #tpu.memory_space<vmem>>, vector<1x5120x32xf32>
    %get3A_8 = vector.shape_cast %get3A_7 : vector<1x5120x32xf32> to vector<5120x32xf32>
    %add3A = arith.addf %get3A_3, %get3A_8 : vector<5120x32xf32>
    %get3A_9 = arith.constant 0 : index
    %get3A_10 = arith.constant 0 : index
    %get3A_11 = vector.load %arg2[%get3A_9, %get3A_10] : memref<5120x1xf32, #tpu.memory_space<vmem>>, vector<5120x1xf32>
    %mul3A = vector.broadcast %get3A_11 : vector<5120x1xf32> to vector<5120x32xf32>
    %mul3A_12 = arith.mulf %add3A, %mul3A : vector<5120x32xf32>
    %get3A_13 = arith.constant 0 : index
    %get3A_14 = arith.constant 0 : index
    %get3A_15 = vector.load %arg4[%get3A_13, %get3A_14] : memref<32x128xf32, #tpu.memory_space<vmem>>, vector<32x128xf32>
    %dot_general3A = arith.constant dense<0.000000e+00> : vector<5120x128xf32>
    %dot_general3A_16 = tpu.matmul %mul3A_12, %get3A_15, %dot_general3A {dimension_numbers = #tpu.dot_dimension_numbers<[1], [0], [0], [1], [0, 0, 1, 1], [], []>, transpose_lhs_hint = false} : vector<5120x32xf32>, vector<32x128xf32>, vector<5120x128xf32> -> vector<5120x128xf32>
    %get3A_17 = arith.constant 0 : index
    %get3A_18 = arith.constant 0 : index
    %get3A_19 = vector.load %arg3[%get3A_17, %get3A_18] : memref<1x128xf32, #tpu.memory_space<vmem>>, vector<1x128xf32>
    %add3A_20 = vector.broadcast %get3A_19 : vector<1x128xf32> to vector<5120x128xf32>
    %add3A_21 = arith.addf %dot_general3A_16, %add3A_20 : vector<5120x128xf32>
    %swap3A = arith.constant 0 : index
    %swap3A_22 = arith.constant 0 : index
    %swap3A_23 = vector.load %arg5[%swap3A, %swap3A_22] : memref<5120x128xf32, #tpu.memory_space<vmem>>, vector<5120x128xf32>
    tpu.vector_store %arg5[%swap3A, %swap3A_22], %add3A_21 {strides = array<i32>} : memref<5120x128xf32, #tpu.memory_space<vmem>>, vector<5120x128xf32>,
    return
  }
  func.func @transform_0(%arg0: i32) -> (i32, i32, i32) {
    %c0_i32 = arith.constant 0 : i32
    %c0_i32_0 = arith.constant 0 : i32
    %c0_i32_1 = arith.constant 0 : i32
    return %c0_i32, %arg0, %c0_i32_0 : i32, i32, i32
  }
  func.func @transform_1(%arg0: i32) -> (i32, i32) {
    %c0_i32 = arith.constant 0 : i32
    %c0_i32_0 = arith.constant 0 : i32
    return %arg0, %c0_i32 : i32, i32
  }
  func.func @transform_2(%arg0: i32) -> (i32, i32) {
    %c0_i32 = arith.constant 0 : i32
    %c0_i32_0 = arith.constant 0 : i32
    %c0_i32_1 = arith.constant 0 : i32
    return %c0_i32, %c0_i32_0 : i32, i32
  }
  func.func @transform_3(%arg0: i32) -> (i32, i32) {
    %c0_i32 = arith.constant 0 : i32
    %c0_i32_0 = arith.constant 0 : i32
    %c0_i32_1 = arith.constant 0 : i32
    return %c0_i32, %c0_i32_0 : i32, i32
  }
  func.func @transform_4(%arg0: i32) -> (i32, i32) {
    %c0_i32 = arith.constant 0 : i32
    %c0_i32_0 = arith.constant 0 : i32
    return %arg0, %c0_i32 : i32, i32
  }
}

</mosaic_0001>

<sc_bundles>
// kernel: kernel.11.cloned.1.call-start
scs
__scs_entry_jumppad:
0x0: {  	(pc) =	sbr.rel $0x88, $3  }
0x1: {  	(tag) =	ssettag $0x0;
	lr =	simm.s32 $0x1  }
0x2: {  	[smem:$0x3F99] =	sst lr;
	_ =	strace $0xD0000000  }
0x3: {  	_ = 	snop  }
0x4: {  	_ = 	snop  }
0x5: {  	_ = 	snop  }
0x6: {  	_ = 	snop  }
0x7: {  	_ = 	snop  }
__scs_overlays_trampoline_lowered:
0x8: {  	[smem:$0x3FA8] =	sst s0  }
0x9: {  	[smem:$0x3FA9] =	sst s1  }
0xa: {  	[smem:$0x3FAA] =	sst s2  }
0xb: {  	[smem:$0x3FAB] =	sst s3  }
0xc: {  	[smem:$0x3FAC] =	sst s4  }
0xd: {  	[smem:$0x3FAD] =	sst s5  }
0xe: {  	[smem:$0x3FAE] =	sst s6  }
0xf: {  	[smem:$0x3FAF] =	sst s7  }
0x10: {  	[smem:$0x3FB0] =	sst s8  }
0x11: {  	[smem:$0x3FB1] =	sst s9;
	s0 =	simm.s32 @!p0 $0x0  }
0x12: {  	s1 =	sld [smem:$0x3F97];
	s0 =	simm.s32 @p0 $0x1  }
0x13: {  	[smem:$0x3FB2] =	sst s0;
	s0 =	simm.s32 @!p1 $0x0  }
0x14: {  	s2 =	sld [smem:$0x3F96];
	s0 =	simm.s32 @p1 $0x1  }
0x15: {  	[smem:$0x3FB3] =	sst s0;
	s0 =	simm.s32 @!p2 $0x0  }
0x16: {  	s3 =	sld [smem:$0x3FDB];
	s0 =	simm.s32 @p2 $0x1  }
0x17: {  	s4 =	simm.s32 $0x1BF5;
	[smem:$0x3FB5] =	sst s0  }
0x18: {  	s0 =	sld [smem:$0x3F98];
	_ =	swait.ge [sflag:s4], $0x0  }
0x19: {  	s7 =	sld [smem:$0x3F99]  }
0x1a: {  	s8 =	sadd.s32 $0xFFFFE003, lr  }
0x1b: {  	s9 =	sadd.s32 $0xFFFFFEF7, lr;
	s5 =	simm.s32 $0xFFFFFFFF;
	p2 =	slt.u32 s8, $0xFFFFF086  }
0x1c: {  	p1 =	slt.u32 s9, $0xF7A;
	s5 =	simm.s32 @!p2 $0x0  }
0x1d: {  	s5 =	simm.s32 @p1 $0x1;
	p0 =	seq.s32 s7, s2  }
0x1e: {  	s7 =	smul.u32 @!p0 $0xF7A, s2;
	p2 =	seq.s32 @!p0 s5, $0x0  }
0x1f: {  	s9 =	smul.u32 $0xF7A, s1;
	s8 =	simm.s32 @!p0 $0x1BF5;
	p2 =	por !p2, p0  }
0x20: {  	[sflag:s8] =	ssyncset.s32 @!p0 $0xFFFFF086;
	s6 =	sadd.s32 @!p0 s3, s7;
	s7 =	simm.s32 @!p0 $0x108  }
0x21: {  	s3 =	sadd.s32 s3, s9;
	s6 =	sadd.s32 @!p0 $0x88, s6;
	s7 =	simm.s32 @p2 $0x1082  }
0x22: {  	[simem:s7], [sflag:s8] =	dma.local @!p0 [hbm:s6], $0xF7A  }
0x23: {  	s9 =	sor.u32 $0xD0000000, s2;
	s6 =	simm.s32 $0x108;
	_ =	swait.ge @!p0 [sflag:s8], $0x0  }
0x24: {  	s3 =	sadd.s32 $0x88, s3;
	s6 =	simm.s32 @!p1 $0x1082;
	[sflag:s4] =	ssyncset.s32 $0xFFFFF086  }
0x25: {  	[simem:s6], [sflag:s4] =	dma.local [hbm:s3], $0xF7A  }
0x26: {  	[smem:$0x3F99] =	sst s1;
	(tag) =	ssettag s2;
	_ =	strace s9  }
0x27: {  	s1 =	sld [smem:$0x3FA9]  }
0x28: {  	s2 =	sld [smem:$0x3FAA]  }
0x29: {  	s4 =	sld [smem:$0x3FAC]  }
0x2a: {  	p0 =	seq.s32 s5, $0x0;
	s5 =	sld [smem:$0x3FAD]  }
0x2b: {  	s6 =	sld [smem:$0x3FAE]  }
0x2c: {  	s7 =	sld [smem:$0x3FAF]  }
0x2d: {  	s3 =	simm.s32 $0x108;
	s8 =	sld [smem:$0x3FB0]  }
0x2e: {  	s3 =	simm.s32 @!p0 $0x1082;
	s9 =	sld [smem:$0x3FB1]  }
0x2f: {  	lr =	sadd.s32 s0, s3;
	s0 =	sld [smem:$0x3FA8]  }
0x30: {  	s3 =	sld [smem:$0x3FAB]  }
0x31: {  	[smem:$0x3FB4] =	sst s10  }
0x32: {  	s10 =	sld [smem:$0x3FB2];
	_ =	sdelay $0x3  }
0x33: {  	p0 =	seq.s32 s10, $0x1;
	s10 =	sld [smem:$0x3FB4];
	_ =	sdelay $0x3  }
0x34: {  	[smem:$0x3FB4] =	sst s10  }
0x35: {  	s10 =	sld [smem:$0x3FB3];
	_ =	sdelay $0x3  }
0x36: {  	p1 =	seq.s32 s10, $0x1;
	s10 =	sld [smem:$0x3FB4];
	_ =	sdelay $0x3  }
0x37: {  	[smem:$0x3FB4] =	sst s10  }
0x38: {  	s10 =	sld [smem:$0x3FB5]  }
0x39: {  	_ = 	snop;
	(pc) =	sbr.ind lr, $3  }
0x3a: {  	_ = 	snop  }
0x3b: {  	_ = 	snop  }
0x3c: {  	p2 =	seq.s32 s10, $0x1;
	s10 =	sld [smem:$0x3FB4]  }
0x3d: {  	_ =	shalt  }
0x3e: {  	_ =	shalt  }
0x3f: {  	_ =	shalt  }
0x40: {  	_ =	shalt  }
0x41: {  	_ =	shalt  }
0x42: {  	_ =	shalt  }
0x43: {  	_ =	shalt  }
0x44: {  	_ =	shalt  }
0x45: {  	_ =	shalt  }
0x46: {  	_ =	shalt  }
0x47: {  	_ =	shalt  }
0x48: {  	_ =	shalt  }
0x49: {  	_ =	shalt  }
0x4a: {  	_ =	shalt  }
0x4b: {  	_ =	shalt  }
0x4c: {  	_ =	shalt  }
0x4d: {  	_ =	shalt  }
0x4e: {  	_ =	shalt  }
0x4f: {  	_ =	shalt  }
0x50: {  	_ =	shalt  }
0x51: {  	_ =	shalt  }
0x52: {  	_ =	shalt  }
0x53: {  	_ =	shalt  }
0x54: {  	_ =	shalt  }
0x55: {  	_ =	shalt  }
0x56: {  	_ =	shalt  }
0x57: {  	_ =	shalt  }
0x58: {  	_ =	shalt  }
0x59: {  	_ =	shalt  }
0x5a: {  	_ =	shalt  }
0x5b: {  	_ =	shalt  }
0x5c: {  	_ =	shalt  }
0x5d: {  	_ =	shalt  }
0x5e: {  	_ =	shalt  }
0x5f: {  	_ =	shalt  }
0x60: {  	_ =	shalt  }
0x61: {  	_ =	shalt  }
0x62: {  	_ =	shalt  }
0x63: {  	_ =	shalt  }
0x64: {  	_ =	shalt  }
0x65: {  	_ =	shalt  }
0x66: {  	_ =	shalt  }
0x67: {  	_ =	shalt  }
0x68: {  	_ =	shalt  }
0x69: {  	_ =	shalt  }
0x6a: {  	_ =	shalt  }
0x6b: {  	_ =	shalt  }
0x6c: {  	_ =	shalt  }
0x6d: {  	_ =	shalt  }
0x6e: {  	_ =	shalt  }
0x6f: {  	_ =	shalt  }
0x70: {  	_ =	shalt  }
0x71: {  	_ =	shalt  }
0x72: {  	_ =	shalt  }
0x73: {  	_ =	shalt  }
0x74: {  	_ =	shalt  }
0x75: {  	_ =	shalt  }
0x76: {  	_ =	shalt  }
0x77: {  	_ =	shalt  }
0x78: {  	_ =	shalt  }
0x79: {  	_ =	shalt  }
0x7a: {  	_ =	shalt  }
0x7b: {  	_ =	shalt  }
0x7c: {  	_ =	shalt  }
0x7d: {  	_ =	shalt  }
0x7e: {  	_ =	shalt  }
0x7f: {  	_ =	shalt  }
0x80: {  	_ =	shalt  }
0x81: {  	_ =	shalt  }
0x82: {  	_ =	shalt  }
0x83: {  	_ =	shalt  }
0x84: {  	_ =	shalt  }
0x85: {  	_ =	shalt  }
0x86: {  	_ =	shalt  }
0x87: {  	_ =	shalt  }
.Lfunc_end0:
.L_simem_size_0:
called_computation_lowered:
.L_overlay_start_0:
0x88: {  	s2 =	sld [smem:$0x3FD9]  }
0x89: {  	s3 =	sld [smem:$0x3FFE];
	_ =	sdelay $0x1  }
0x8a: {  	s1 =	srdreg.scid  }
0x8b: {  	s0 =	sand.u32 $0x1, s1  }
0x8c: {  	s14 =	sshll.u32 s0, $0xA;
	s2 =	sadd.s32 s3, s2  }
0x8d: {  	s2 =	sadd.s32 s2, s14  }
0x8e: {  	[smem:$0x3FC0] =	sst s2  }
0x8f: {  	_ = 	snop  }
0x90: {  	s2 =	sld [smem:$0x3FD0];
	_ =	sdelay $0x2  }
0x91: {  	s15 =	simm.s32 $0xA;
	s4 =	simm.s32 $0x10  }
0x92: {  	[smem:s4], [sflag:s15] =	dma.local [hbm:s2], $0x1  }
0x93: {  	_ =	swait.eq [sflag:s15], $0x1  }
0x94: {  	[sflag:s15] =	ssyncset.done $0x0  }
0x95: {  	s16 =	sld [smem:$0x10];
	[sflag:s15] =	ssyncadd.s32 $0xFFFFFFFF  }
0x96: {  	s17 =	sld [smem:$0x11];
	(tm) =	ssettm $0x1  }
0x97: {  	s18 =	sld [smem:$0x3FFB];
	_ =	sdelay $0x3  }
0x98: {  	_ =	strace s18  }
0x99: {  	s4 =	sld [smem:$0x3FFC];
	_ =	sdelay $0x3  }
0x9a: {  	_ =	strace s4  }
0x9b: {  	s4 =	sld [smem:$0x3FFD];
	_ =	sdelay $0x3  }
0x9c: {  	_ =	strace s4  }
0x9d: {  	_ =	strace $0x8FFFFFFF  }
0x9e: {  	s19 =	sld [smem:$0x3FDB];
	_ =	sdelay $0x1  }
0x9f: {  	s5 =	simm.s32 $_scs_section_size  }
0xa0: {  	s6 =	simm.s32 $_size__tile_overlayer_lowered;
	s7 =	simm.s32 $_tile_overlayer_lowered  }
0xa1: {  	s22 =	simm.s32 $0x1BFF;
	s21 =	sshll.u32 s7, $0x1;
	s4 =	sadd.s32 s5, s19  }
0xa2: {  	s8 =	simm.s32 $0x0;
	s20 =	sshll.u32 s6, $0x1;
	s6 =	sadd.s32 s21, s4  }
0xa3: {  	[timem:s8], [sflag:s22] =	dma.local [hbm:s6], s20  }
0xa4: {  	_ =	swait.ge [sflag:s22], s20  }
0xa5: {  	s5 =	ssub.s32 $0x0, s20;
	[sflag:s22] =	ssyncset.done $0x0  }
0xa6: {  	[sflag:s22] =	ssyncadd.s32 s5;
	_ =	sdelay $0x1  }
0xa7: {  	s23 =	simm.s32 $0x1B8B  }
0xa8: {  	_ =	swait.ge [sflag:s23], $0x1  }
0xa9: {  	[sflag:s23] =	ssyncset.done $0x0  }
0xaa: {  	s25 =	simm.s32 $0x1B8E;
	s24 =	sld [smem:$0x3FFE];
	[sflag:s23] =	ssyncadd.s32 $0xFFFFFFFF  }
0xab: {  	s26 =	simm.s32 $execute0_lowered;
	[smem:$0x3FD2] =	sst s25  }
0xac: {  	s6 =	sshll.u32 s26, $0x1;
	_ =	strace $0x80000046;
	[dreg:$0x1] =	wrdreg $0xFFFFFFFF  }
0xad: {  	s28 =	simm.s32 $_size_execute0_lowered;
	s4 =	sadd.s32 s4, s6;
	[dreg:$0x0] =	wrdreg $0x0  }
0xae: {  	s6 =	sshll.u32 s28, $0x1;
	[dreg:$0x2] =	wrdreg s4  }
0xaf: {  	[dreg:$0x3] =	wrdreg s6  }
0xb0: {  	[dreg:$0x4] =	wrdreg $0xC0  }
0xb1: {  	_ =	task [dreg:s8], $0x5FFFF  }
0xb2: {  	[dreg:$0x1] =	wrdreg $0xFFFFFFFF  }
0xb3: {  	[dreg:$0x0] =	wrdreg $0x60  }
0xb4: {  	[dreg:$0x2] =	wrdreg s17  }
0xb5: {  	[dreg:$0x3] =	wrdreg s16  }
0xb6: {  	[dreg:$0x4] =	wrdreg s24  }
0xb7: {  	[dreg:$0x5] =	wrdreg $0x9  }
0xb8: {  	_ =	task.clear_ibuf [dreg:s8], $0x6FFFF;
	_ =	strace $0x90000046  }
0xb9: {  	s29 =	simm.s32 $0x9;
	_ =	strace $0x80000048  }
0xba: {  	_ =	swait.ge [sflag:s29], $0x1  }
0xbb: {  	[sflag:s29] =	ssyncadd.s32 $0xFFFFFFFF  }
0xbc: {  	_ =	strace $0x90000048  }
0xbd: {  	_ =	sfence  }
0xbe: {  	s30 =	sld [smem:$0x0];
	_ =	sdelay $0x2  }
0xbf: {  	s31 =	sshll.u32 s1, $0xD;
	s1 =	sshrl.u32 s1, $0x2  }
0xc0: {  	s3 =	sand.u32 $0x4000, s31;
	s1 =	sadd.s32 s1, s30  }
0xc1: {  	s0 =	sor.u32 s3, s0;
	s1 =	sshll.u32 s1, $0x11  }
0xc2: {  	s0 =	sor.u32 s1, s0  }
0xc3: {  	s0 =	sadd.s32 $0x8F2B, s0  }
0xc4: {  	[sflag:s0] =	ssyncadd.remote.s32 $0x1  }
0xc5: {  	_ =	sfence.sel $0xFFFF  }
0xc6: {  	[dreg:$0x0] =	wrdreg $0xFFFFFFFF;
	(pc) =	sbr.abs _section_cstart, $3  }
0xc7: {  	[dreg:$0x1] =	wrdreg $0xFFFFFFFF  }
0xc8: {  	_ =	task.clear_ibuf [dreg:s8], $0x2FFFF;
	_ =	strace $0x9FFFFFFF  }
0xc9: {  	(tm) =	ssettm $0x7FFFFFFF  }
tec
execute0_lowered:
.L_overlay_start_1:
0x0: {  	(tag) =	ssettag $0x1  }
0x1: {  	s4 =	rddreg [dreg:$0x0];
	s0 =	srdreg.scid  }
0x2: {  	s2 =	rddreg [dreg:$0x1];
	s5 =	sand.u32 $0x1, s0  }
0x3: {  	s0 =	stileid.u32;
	s6 =	smul.u32 $0x28000, s5  }
0x4: {  	s7 =	rddreg [dreg:$0x2];
	s3 =	simm.s32 $0x0;
	s8 =	smul.u32 $0x2800, s0  }
0x5: {  	[smem:$0x7FF] =	sst s3;
	s30 =	ssub.s32 $0x2, s5;
	s5 =	smul.u32 $0xA000, s5  }
0x6: {  	s1 =	rddreg [dreg:$0x3];
	s9 =	smul.u32 $0xA00, s0;
	_ =	strace $0x80000047  }
0x7: {  	s31 =	sshrl.u32 s30, $0x1;
	s6 =	sadd.s32 s8, s6;
	s4 =	sadd.s32 s4, s5  }
0x8: {  	s8 =	simm.s32 $0x5000;
	s6 =	sshrl.u32 s6, $0x3;
	s4 =	sadd.s32 s9, s4  }
0x9: {  	s9 =	simm.s32 $0x0;
	s6 =	sadd.s32 s6, s7;
	s7 =	ssub.s32 s30, s31  }
0xa: {  	v0 =	vimm.f32 $1.000000000e+00;
	s5 =	sadd.s32 $0x2E00, s6;
	s6 =	smax.u32 s7, $0x1;
	s7 =	simm.s32 $0x1  }
.LBB2_1:
0xb: {  	[tilespmem:s3], [sflag:$0x1] =	stream.linear.gather [hbm4b:s4+s3], $0x5000, $0x38;
	[tilespmem:$0x7800] =	vst v63  }
0xc: {  	_ =	swait.ge [sflag:s7], $0x5000  }
0xd: {  	[sflag:s7] =	ssyncset.done $0x0  }
0xe: {  	[sflag:s7] =	ssyncadd.s32 $0xFFFFB000  }
0xf: {  	[tilespmem:s8], [sflag:$0x1] =	stream.linear.gather [hbm4b:s2+s3], $0x2800, $0x38;
	[tilespmem:$0x7800] =	vst v63  }
0x10: {  	_ =	swait.ge [sflag:s7], $0x2800  }
0x11: {  	[sflag:s7] =	ssyncset.done $0x0  }
0x12: {  	s10 =	simm.s32 $0x0;
	[sflag:s7] =	ssyncadd.s32 $0xFFFFD800  }
.LBB2_2:
0x13: {  	s11 =	sshra.s32 s10, $0x2  }
0x14: {  	v1 =	vld [tilespmem:s11+$0x0];
	_ =	sdelay $0x7  }
0x15: {  	[tilespmem:v1+s8+$0x0] =	vst.idx.add.f32.msk $0xffff, v0  }
0x16: {  	v1 =	vld [tilespmem:s11+$0x10];
	_ =	sdelay $0x7  }
0x17: {  	[tilespmem:v1+s8+$0x0] =	vst.idx.add.f32.msk $0xffff, v0  }
0x18: {  	v1 =	vld [tilespmem:s11+$0x20];
	_ =	sdelay $0x7  }
0x19: {  	[tilespmem:v1+s8+$0x0] =	vst.idx.add.f32.msk $0xffff, v0  }
0x1a: {  	v1 =	vld [tilespmem:s11+$0x30];
	_ =	sdelay $0x7  }
0x1b: {  	[tilespmem:v1+s8+$0x0] =	vst.idx.add.f32.msk $0xffff, v0  }
0x1c: {  	v1 =	vld [tilespmem:s11+$0x40];
	_ =	sdelay $0x7  }
0x1d: {  	[tilespmem:v1+s8+$0x0] =	vst.idx.add.f32.msk $0xffff, v0  }
0x1e: {  	v1 =	vld [tilespmem:s11+$0x50];
	_ =	sdelay $0x7  }
0x1f: {  	[tilespmem:v1+s8+$0x0] =	vst.idx.add.f32.msk $0xffff, v0  }
0x20: {  	v1 =	vld [tilespmem:s11+$0x60];
	_ =	sdelay $0x7  }
0x21: {  	[tilespmem:v1+s8+$0x0] =	vst.idx.add.f32.msk $0xffff, v0  }
0x22: {  	v1 =	vld [tilespmem:s11+$0x70];
	_ =	sdelay $0x2  }
0x23: {  	p0 =	sne.s32 s10, $0x13E00  }
.Ltmp0:
0x24: {  	_ = 	snop;
	(pc) =	sbr.rel @p0 .LBB2_2-.Ltmp0, $2  }
0x25: {  	_ =	sdelay $0x2  }
0x26: {  	s10 =	sadd.s32 $0x200, s10;
	[tilespmem:v1+s8+$0x0] =	vst.idx.add.f32.msk $0xffff, v0  }
0x27: {  	s9 =	sadd.s32 $0x1, s9  }
0x28: {  	p0 =	sne.s32 s9, s6  }
.Ltmp1:
0x29: {  	_ = 	snop;
	(pc) =	sbr.rel @p0 .LBB2_1-.Ltmp1, $4  }
0x2a: {  	[hbm4b:s5+s3] =	stream.linear.scatter [tilespmem:s8], [sflag:$0x1], $0x2800, $0x38;
	[tilespmem:$0x7800] =	vst v63  }
0x2b: {  	_ =	swait.ge [sflag:s7], $0x2800  }
0x2c: {  	[sflag:s7] =	ssyncset.done $0x0  }
0x2d: {  	[sflag:s7] =	ssyncadd.s32 $0xFFFFD800  }
0x2e: {  	_ =	sfence.sel $0x180000  }
0x2f: {  	[bflag:$0x0] =	sbarrier.arrive $0xFFFF  }
0x30: {  	p0 =	sne.s32 s0, $0x0;
	_ =	strace $0x90000047  }
0x31: {  	s0 =	sadd.s32 @!p0 $0x100000, s1;
	[bflag:$0x2] =	sbarrier.arrive $0xFFFF  }
0x32: {  	[sflag:s0] =	ssyncadd.tile.s32 @!p0 $0x1;
	_ =	shalt  }
.Lfunc_end2:
_tile_overlayer_lowered:
.L_overlay_start_2:
0x33: {  	(tag) =	ssettag $0x2  }
0x34: {  	s0 =	rddreg [dreg:$0x0];
	s2 =	stileid.u32  }
0x35: {  	s1 =	rddreg [dreg:$0x1];
	p0 =	sne.s32 s2, $0x0  }
0x36: {  	s3 =	rddreg [dreg:$0x2];
	[bflag:$0x3] =	sbarrier.arrive $0xFFFF;
	s2 =	simm.s32 @!p0 $0x1C01  }
0x37: {  	[timem:s3], [sflag:s2] =	dma.local @!p0 [hbm:s0], s1  }
0x38: {  	s0 =	simm.s32 @!p0 $0x1  }
0x39: {  	_ =	swait.ge @!p0 [sflag:s0], s1  }
0x3a: {  	s1 =	ssub.s32 @!p0 $0x0, s1;
	[sflag:s0] =	ssyncset.done @!p0 $0x0  }
0x3b: {  	[sflag:s0] =	ssyncadd.s32 @!p0 s1  }
0x3c: {  	[bflag:$0x3] =	sbarrier.arrive $0xFFFF  }
0x3d: {  	_ =	shalt  }

// kernel: kernel.14.cloned.1.call-start
scs
__scs_entry_jumppad:
0x0: {  	(pc) =	sbr.rel $0x88, $3  }
0x1: {  	(tag) =	ssettag $0x0;
	lr =	simm.s32 $0x1  }
0x2: {  	[smem:$0x3F99] =	sst lr;
	_ =	strace $0xD0000000  }
0x3: {  	_ = 	snop  }
0x4: {  	_ = 	snop  }
0x5: {  	_ = 	snop  }
0x6: {  	_ = 	snop  }
0x7: {  	_ = 	snop  }
__scs_overlays_trampoline_lowered:
0x8: {  	[smem:$0x3FA8] =	sst s0  }
0x9: {  	[smem:$0x3FA9] =	sst s1  }
0xa: {  	[smem:$0x3FAA] =	sst s2  }
0xb: {  	[smem:$0x3FAB] =	sst s3  }
0xc: {  	[smem:$0x3FAC] =	sst s4  }
0xd: {  	[smem:$0x3FAD] =	sst s5  }
0xe: {  	[smem:$0x3FAE] =	sst s6  }
0xf: {  	[smem:$0x3FAF] =	sst s7  }
0x10: {  	[smem:$0x3FB0] =	sst s8  }
0x11: {  	[smem:$0x3FB1] =	sst s9;
	s0 =	simm.s32 @!p0 $0x0  }
0x12: {  	s1 =	sld [smem:$0x3F97];
	s0 =	simm.s32 @p0 $0x1  }
0x13: {  	[smem:$0x3FB2] =	sst s0;
	s0 =	simm.s32 @!p1 $0x0  }
0x14: {  	s2 =	sld [smem:$0x3F96];
	s0 =	simm.s32 @p1 $0x1  }
0x15: {  	[smem:$0x3FB3] =	sst s0;
	s0 =	simm.s32 @!p2 $0x0  }
0x16: {  	s3 =	sld [smem:$0x3FDB];
	s0 =	simm.s32 @p2 $0x1  }
0x17: {  	s4 =	simm.s32 $0x1BF5;
	[smem:$0x3FB5] =	sst s0  }
0x18: {  	s0 =	sld [smem:$0x3F98];
	_ =	swait.ge [sflag:s4], $0x0  }
0x19: {  	s7 =	sld [smem:$0x3F99]  }
0x1a: {  	s8 =	sadd.s32 $0xFFFFE003, lr  }
0x1b: {  	s9 =	sadd.s32 $0xFFFFFEF7, lr;
	s5 =	simm.s32 $0xFFFFFFFF;
	p2 =	slt.u32 s8, $0xFFFFF086  }
0x1c: {  	p1 =	slt.u32 s9, $0xF7A;
	s5 =	simm.s32 @!p2 $0x0  }
0x1d: {  	s5 =	simm.s32 @p1 $0x1;
	p0 =	seq.s32 s7, s2  }
0x1e: {  	s7 =	smul.u32 @!p0 $0xF7A, s2;
	p2 =	seq.s32 @!p0 s5, $0x0  }
0x1f: {  	s9 =	smul.u32 $0xF7A, s1;
	s8 =	simm.s32 @!p0 $0x1BF5;
	p2 =	por !p2, p0  }
0x20: {  	[sflag:s8] =	ssyncset.s32 @!p0 $0xFFFFF086;
	s6 =	sadd.s32 @!p0 s3, s7;
	s7 =	simm.s32 @!p0 $0x108  }
0x21: {  	s3 =	sadd.s32 s3, s9;
	s6 =	sadd.s32 @!p0 $0x88, s6;
	s7 =	simm.s32 @p2 $0x1082  }
0x22: {  	[simem:s7], [sflag:s8] =	dma.local @!p0 [hbm:s6], $0xF7A  }
0x23: {  	s9 =	sor.u32 $0xD0000000, s2;
	s6 =	simm.s32 $0x108;
	_ =	swait.ge @!p0 [sflag:s8], $0x0  }
0x24: {  	s3 =	sadd.s32 $0x88, s3;
	s6 =	simm.s32 @!p1 $0x1082;
	[sflag:s4] =	ssyncset.s32 $0xFFFFF086  }
0x25: {  	[simem:s6], [sflag:s4] =	dma.local [hbm:s3], $0xF7A  }
0x26: {  	[smem:$0x3F99] =	sst s1;
	(tag) =	ssettag s2;
	_ =	strace s9  }
0x27: {  	s1 =	sld [smem:$0x3FA9]  }
0x28: {  	s2 =	sld [smem:$0x3FAA]  }
0x29: {  	s4 =	sld [smem:$0x3FAC]  }
0x2a: {  	p0 =	seq.s32 s5, $0x0;
	s5 =	sld [smem:$0x3FAD]  }
0x2b: {  	s6 =	sld [smem:$0x3FAE]  }
0x2c: {  	s7 =	sld [smem:$0x3FAF]  }
0x2d: {  	s3 =	simm.s32 $0x108;
	s8 =	sld [smem:$0x3FB0]  }
0x2e: {  	s3 =	simm.s32 @!p0 $0x1082;
	s9 =	sld [smem:$0x3FB1]  }
0x2f: {  	lr =	sadd.s32 s0, s3;
	s0 =	sld [smem:$0x3FA8]  }
0x30: {  	s3 =	sld [smem:$0x3FAB]  }
0x31: {  	[smem:$0x3FB4] =	sst s10  }
0x32: {  	s10 =	sld [smem:$0x3FB2];
	_ =	sdelay $0x3  }
0x33: {  	p0 =	seq.s32 s10, $0x1;
	s10 =	sld [smem:$0x3FB4];
	_ =	sdelay $0x3  }
0x34: {  	[smem:$0x3FB4] =	sst s10  }
0x35: {  	s10 =	sld [smem:$0x3FB3];
	_ =	sdelay $0x3  }
0x36: {  	p1 =	seq.s32 s10, $0x1;
	s10 =	sld [smem:$0x3FB4];
	_ =	sdelay $0x3  }
0x37: {  	[smem:$0x3FB4] =	sst s10  }
0x38: {  	s10 =	sld [smem:$0x3FB5]  }
0x39: {  	_ = 	snop;
	(pc) =	sbr.ind lr, $3  }
0x3a: {  	_ = 	snop  }
0x3b: {  	_ = 	snop  }
0x3c: {  	p2 =	seq.s32 s10, $0x1;
	s10 =	sld [smem:$0x3FB4]  }
0x3d: {  	_ =	shalt  }
0x3e: {  	_ =	shalt  }
0x3f: {  	_ =	shalt  }
0x40: {  	_ =	shalt  }
0x41: {  	_ =	shalt  }
0x42: {  	_ =	shalt  }
0x43: {  	_ =	shalt  }
0x44: {  	_ =	shalt  }
0x45: {  	_ =	shalt  }
0x46: {  	_ =	shalt  }
0x47: {  	_ =	shalt  }
0x48: {  	_ =	shalt  }
0x49: {  	_ =	shalt  }
0x4a: {  	_ =	shalt  }
0x4b: {  	_ =	shalt  }
0x4c: {  	_ =	shalt  }
0x4d: {  	_ =	shalt  }
0x4e: {  	_ =	shalt  }
0x4f: {  	_ =	shalt  }
0x50: {  	_ =	shalt  }
0x51: {  	_ =	shalt  }
0x52: {  	_ =	shalt  }
0x53: {  	_ =	shalt  }
0x54: {  	_ =	shalt  }
0x55: {  	_ =	shalt  }
0x56: {  	_ =	shalt  }
0x57: {  	_ =	shalt  }
0x58: {  	_ =	shalt  }
0x59: {  	_ =	shalt  }
0x5a: {  	_ =	shalt  }
0x5b: {  	_ =	shalt  }
0x5c: {  	_ =	shalt  }
0x5d: {  	_ =	shalt  }
0x5e: {  	_ =	shalt  }
0x5f: {  	_ =	shalt  }
0x60: {  	_ =	shalt  }
0x61: {  	_ =	shalt  }
0x62: {  	_ =	shalt  }
0x63: {  	_ =	shalt  }
0x64: {  	_ =	shalt  }
0x65: {  	_ =	shalt  }
0x66: {  	_ =	shalt  }
0x67: {  	_ =	shalt  }
0x68: {  	_ =	shalt  }
0x69: {  	_ =	shalt  }
0x6a: {  	_ =	shalt  }
0x6b: {  	_ =	shalt  }
0x6c: {  	_ =	shalt  }
0x6d: {  	_ =	shalt  }
0x6e: {  	_ =	shalt  }
0x6f: {  	_ =	shalt  }
0x70: {  	_ =	shalt  }
0x71: {  	_ =	shalt  }
0x72: {  	_ =	shalt  }
0x73: {  	_ =	shalt  }
0x74: {  	_ =	shalt  }
0x75: {  	_ =	shalt  }
0x76: {  	_ =	shalt  }
0x77: {  	_ =	shalt  }
0x78: {  	_ =	shalt  }
0x79: {  	_ =	shalt  }
0x7a: {  	_ =	shalt  }
0x7b: {  	_ =	shalt  }
0x7c: {  	_ =	shalt  }
0x7d: {  	_ =	shalt  }
0x7e: {  	_ =	shalt  }
0x7f: {  	_ =	shalt  }
0x80: {  	_ =	shalt  }
0x81: {  	_ =	shalt  }
0x82: {  	_ =	shalt  }
0x83: {  	_ =	shalt  }
0x84: {  	_ =	shalt  }
0x85: {  	_ =	shalt  }
0x86: {  	_ =	shalt  }
0x87: {  	_ =	shalt  }
.Lfunc_end0:
.L_simem_size_0:
called_computation.1_lowered:
.L_overlay_start_0:
0x88: {  	s2 =	sld [smem:$0x3FD9]  }
0x89: {  	s3 =	sld [smem:$0x3FFE];
	_ =	sdelay $0x1  }
0x8a: {  	s1 =	srdreg.scid  }
0x8b: {  	s0 =	sand.u32 $0x1, s1  }
0x8c: {  	s14 =	sshll.u32 s0, $0xA;
	s2 =	sadd.s32 s3, s2  }
0x8d: {  	s2 =	sadd.s32 s2, s14  }
0x8e: {  	[smem:$0x3FC0] =	sst s2  }
0x8f: {  	_ = 	snop  }
0x90: {  	s2 =	sld [smem:$0x3FD0];
	_ =	sdelay $0x2  }
0x91: {  	s15 =	simm.s32 $0xA;
	s4 =	simm.s32 $0x10  }
0x92: {  	[smem:s4], [sflag:s15] =	dma.local [hbm:s2], $0x1  }
0x93: {  	_ =	swait.eq [sflag:s15], $0x1  }
0x94: {  	[sflag:s15] =	ssyncset.done $0x0  }
0x95: {  	[sflag:s15] =	ssyncadd.s32 $0xFFFFFFFF  }
0x96: {  	s16 =	sld [smem:$0x11];
	(tm) =	ssettm $0x1  }
0x97: {  	s17 =	sld [smem:$0x3FFB];
	_ =	sdelay $0x3  }
0x98: {  	_ =	strace s17  }
0x99: {  	s3 =	sld [smem:$0x3FFC];
	_ =	sdelay $0x3  }
0x9a: {  	_ =	strace s3  }
0x9b: {  	s3 =	sld [smem:$0x3FFD];
	_ =	sdelay $0x3  }
0x9c: {  	_ =	strace s3  }
0x9d: {  	_ =	strace $0x8FFFFFFF  }
0x9e: {  	s18 =	sld [smem:$0x3FDB];
	_ =	sdelay $0x1  }
0x9f: {  	s19 =	simm.s32 $_scs_section_size  }
0xa0: {  	s5 =	simm.s32 $_size__tile_overlayer_lowered;
	s6 =	simm.s32 $_tile_overlayer_lowered  }
0xa1: {  	s22 =	simm.s32 $0x1BFF;
	s21 =	sshll.u32 s6, $0x1;
	s3 =	sadd.s32 s19, s18  }
0xa2: {  	s7 =	simm.s32 $0x0;
	s20 =	sshll.u32 s5, $0x1;
	s5 =	sadd.s32 s21, s3  }
0xa3: {  	[timem:s7], [sflag:s22] =	dma.local [hbm:s5], s20  }
0xa4: {  	_ =	swait.ge [sflag:s22], s20  }
0xa5: {  	s4 =	ssub.s32 $0x0, s20;
	[sflag:s22] =	ssyncset.done $0x0  }
0xa6: {  	[sflag:s22] =	ssyncadd.s32 s4;
	_ =	sdelay $0x1  }
0xa7: {  	s23 =	simm.s32 $0x1B8B  }
0xa8: {  	_ =	swait.ge [sflag:s23], $0x1  }
0xa9: {  	[sflag:s23] =	ssyncset.done $0x0  }
0xaa: {  	s25 =	simm.s32 $0x1B8E;
	s24 =	sld [smem:$0x3FFE];
	[sflag:s23] =	ssyncadd.s32 $0xFFFFFFFF  }
0xab: {  	s26 =	simm.s32 $execute0_lowered;
	[smem:$0x3FD2] =	sst s25  }
0xac: {  	s5 =	sshll.u32 s26, $0x1;
	_ =	strace $0x80000049;
	[dreg:$0x1] =	wrdreg $0xFFFFFFFF  }
0xad: {  	s28 =	simm.s32 $_size_execute0_lowered;
	s3 =	sadd.s32 s3, s5;
	[dreg:$0x0] =	wrdreg $0x0  }
0xae: {  	s5 =	sshll.u32 s28, $0x1;
	[dreg:$0x2] =	wrdreg s3  }
0xaf: {  	[dreg:$0x3] =	wrdreg s5  }
0xb0: {  	[dreg:$0x4] =	wrdreg $0xC0  }
0xb1: {  	_ =	task [dreg:s7], $0x5FFFF  }
0xb2: {  	[dreg:$0x1] =	wrdreg $0xFFFFFFFF  }
0xb3: {  	[dreg:$0x0] =	wrdreg $0x60  }
0xb4: {  	[dreg:$0x2] =	wrdreg s24  }
0xb5: {  	[dreg:$0x3] =	wrdreg s16  }
0xb6: {  	[dreg:$0x4] =	wrdreg $0x120000  }
0xb7: {  	[dreg:$0x5] =	wrdreg $0x170000  }
0xb8: {  	[dreg:$0x6] =	wrdreg $0x9  }
0xb9: {  	_ =	task.clear_ibuf [dreg:s7], $0x7FFFF;
	_ =	strace $0x90000049  }
0xba: {  	s29 =	simm.s32 $0x9;
	_ =	strace $0x8000004B  }
0xbb: {  	_ =	swait.ge [sflag:s29], $0x1  }
0xbc: {  	[sflag:s29] =	ssyncadd.s32 $0xFFFFFFFF  }
0xbd: {  	_ =	strace $0x9000004B  }
0xbe: {  	_ =	sfence  }
0xbf: {  	s30 =	sld [smem:$0x0];
	_ =	sdelay $0x2  }
0xc0: {  	s31 =	sshll.u32 s1, $0xD;
	s1 =	sshrl.u32 s1, $0x2  }
0xc1: {  	s3 =	sand.u32 $0x4000, s31;
	s1 =	sadd.s32 s1, s30  }
0xc2: {  	s0 =	sor.u32 s3, s0;
	s1 =	sshll.u32 s1, $0x11  }
0xc3: {  	s0 =	sor.u32 s1, s0  }
0xc4: {  	s0 =	sadd.s32 $0x8F2B, s0  }
0xc5: {  	[sflag:s0] =	ssyncadd.remote.s32 $0x1  }
0xc6: {  	_ =	sfence.sel $0xFFFF  }
0xc7: {  	[dreg:$0x0] =	wrdreg $0xFFFFFFFF;
	(pc) =	sbr.abs _section_cstart, $3  }
0xc8: {  	[dreg:$0x1] =	wrdreg $0xFFFFFFFF  }
0xc9: {  	_ =	task.clear_ibuf [dreg:s7], $0x2FFFF;
	_ =	strace $0x9FFFFFFF  }
0xca: {  	(tm) =	ssettm $0x7FFFFFFF  }
0xcb: {  	_ =	shalt  }
tec
execute0_lowered:
.L_overlay_start_1:
0x0: {  	(tag) =	ssettag $0x1  }
0x1: {  	s0 =	rddreg [dreg:$0x0]  }
0x2: {  	s1 =	rddreg [dreg:$0x1]  }
0x3: {  	s2 =	rddreg [dreg:$0x2]  }
0x4: {  	s3 =	rddreg [dreg:$0x3]  }
0x5: {  	s11 =	stileid.u32;
	s4 =	srdreg.scid;
	s6 =	simm.s32 $0x0  }
0x6: {  	s15 =	simm.s32 $0x1;
	s16 =	simm.s32 $0x4;
	s25 =	simm.s32 $0xE000  }
0x7: {  	s26 =	simm.s32 $0x10000;
	s28 =	simm.s32 $0x2;
	s5 =	smul.u32 $0x5000, s11  }
0x8: {  	s29 =	simm.s32 $0x3;
	s30 =	simm.s32 $0x11000;
	s9 =	smul.u32 $0xA00, s11  }
0x9: {  	s31 =	simm.s32 $0x6;
	s4 =	sand.u32 $0x1, s4;
	s10 =	smul.u32 $0x2800, s11  }
0xa: {  	[smem:$0x7FF] =	sst s6;
	s22 =	sshll.u32 s11, $0x6;
	s18 =	smul.u32 $0x28000, s4  }
0xb: {  	s4 =	ssub.s32 $0x2, s4;
	_ =	strace $0x8000004A;
	[dreg:$0x5] =	wrdreg s25  }
0xc: {  	s11 =	sor.u32 $0x1C11, s22;
	s22 =	simm.s32 $0xC000;
	[dreg:$0x6] =	wrdreg s26  }
0xd: {  	s25 =	simm.s32 $0xD000;
	s26 =	simm.s32 $0xF000;
	s7 =	sshrl.u32 s5, $0x3  }
0xe: {  	s8 =	sshrl.u32 s4, $0x1;
	s19 =	sadd.s32 s1, s9;
	s1 =	sadd.s32 $0xA000, s1  }
0xf: {  	s20 =	sadd.s32 s5, s2;
	s5 =	sadd.s32 s5, s3;
	[dreg:$0xb] =	wrdreg s11  }
0x10: {  	s7 =	sadd.s32 s7, s0;
	s0 =	sadd.s32 s18, s0;
	s4 =	ssub.s32 s4, s8  }
0x11: {  	[dreg:$0x7] =	wrdreg s19;
	s8 =	simm.s32 $0x11;
	s1 =	sadd.s32 s9, s1  }
0x12: {  	s6 =	sshrl.u32 s20, $0x3;
	s24 =	sshrl.u32 s5, $0x3;
	[dreg:$0xa] =	wrdreg s1  }
0x13: {  	s18 =	simm.s32 $0x80;
	s19 =	simm.s32 $0xA000;
	[dreg:$0xe] =	wrdreg s24  }
0x14: {  	s20 =	simm.s32 $0xB000;
	s7 =	sadd.s32 $0x52E00, s7;
	[dreg:$0xc] =	wrdreg s6  }
0x15: {  	s21 =	sadd.s32 $0x2E00, s0;
	s4 =	smax.u32 s4, $0x1;
	[dreg:$0x8] =	wrdreg s7  }
0x16: {  	s0 =	sadd.s32 $0x5CE00, s0;
	[dreg:$0x9] =	wrdreg s4;
	s23 =	sadd.s32 s10, s21  }
0x17: {  	s9 =	simm.s32 $0x0;
	s0 =	sadd.s32 s10, s0;
	[dreg:$0xd] =	wrdreg s23  }
0x18: {  	s7 =	simm.s32 $0x10;
	[dreg:$0xf] =	wrdreg s0;
	s0 =	simm.s32 $0x8  }
.LBB2_1:
0x19: {  	s1 =	simm.s32 $0x0;
	s4 =	rddreg [dreg:$0x7]  }
0x1a: {  	[tilespmem:s1], [sflag:$0x11] =	stream.linear.gather [hbm4b:s4+s1], $0x5000, $0x38;
	[tilespmem:$0x1C000] =	vst v63  }
0x1b: {  	_ =	swait.ge [sflag:s8], $0x5000  }
0x1c: {  	[sflag:s8] =	ssyncset.done $0x0  }
0x1d: {  	s5 =	simm.s32 $0x5000;
	s17 =	rddreg [dreg:$0xa];
	[sflag:s8] =	ssyncadd.s32 $0xFFFFB000  }
0x1e: {  	[tilespmem:s5], [sflag:$0x11] =	stream.linear.gather [hbm4b:s17+s1], $0x5000, $0x38;
	[tilespmem:$0x1C000] =	vst v63  }
0x1f: {  	_ =	swait.ge [sflag:s8], $0x5000  }
0x20: {  	[sflag:s8] =	ssyncset.done $0x0  }
0x21: {  	s21 =	rddreg [dreg:$0x8];
	[sflag:s8] =	ssyncadd.s32 $0xFFFFB000  }
0x22: {  	[spmem:s6], [sflag:s11] =	dma.local [hbm:s21], $0xA00  }
0x23: {  	_ =	swait.ge [sflag:s8], $0xA00  }
0x24: {  	[sflag:s8] =	ssyncset.done $0x0;
	s23 =	rddreg [dreg:$0xd]  }
0x25: {  	s24 =	rddreg [dreg:$0xe];
	[sflag:s8] =	ssyncadd.s32 $0xFFFFF600  }
0x26: {  	[spmem:s24@s16], [sflag:s11] =	dma.strided [hbm:s23@s7], $0xA00, s15, $0x4   }
0x27: {  	_ =	swait.ge [sflag:s8], $0xA00  }
0x28: {  	[sflag:s8] =	ssyncset.done $0x0  }
0x29: {  	[sflag:s8] =	ssyncadd.s32 $0xFFFFF600  }
0x2a: {  	[bflag:$0x0] =	sbarrier.arrive $0xFFFF  }
0x2b: {  	[tilespmem:s19], [sflag:$0x1] =	stream.indirect.gather [spmem:s3], $0x20, s1, s18, $0xb8;
	[tilespmem:$0x1C000] =	vst v63  }
0x2c: {  	_ = 	snop  }
0x2d: {  	[tilespmem:s20], [sflag:$0x2] =	stream.indirect.gather [spmem:s3], $0x20, s18, s18, $0xb8;
	[tilespmem:$0x1C000] =	vst v63  }
0x2e: {  	p0 =	por $0x1, $0x1;
	s5 =	simm.s32 $0x100  }
0x2f: {  	[tilespmem:s22], [sflag:$0x3] =	stream.indirect.gather [spmem:s3], $0x20, s5, s18, $0xb8;
	[tilespmem:$0x1C000] =	vst v63  }
0x30: {  	s6 =	simm.s32 $0x180;
	s1 =	simm.s32 @!p0 $0xD  }
0x31: {  	[tilespmem:s25], [sflag:$0x4] =	stream.indirect.gather [spmem:s3], $0x20, s6, s18, $0xb8;
	[tilespmem:$0x1C000] =	vst v63  }
0x32: {  	_ =	swait.ge @!p0 [sflag:s1], $0x1000  }
0x33: {  	[sflag:s1] =	ssyncset.done @!p0 $0x0  }
0x34: {  	s8 =	simm.s32 $0x200;
	s7 =	rddreg [dreg:$0x5];
	[sflag:s1] =	ssyncadd.s32 @!p0 $0xFFFFF000  }
0x35: {  	[tilespmem:s7], [sflag:$0x5] =	stream.indirect.gather [spmem:s3], $0x20, s8, s18, $0xb8;
	[tilespmem:$0x1C000] =	vst v63  }
0x36: {  	_ =	swait.ge [sflag:s15], $0x1000  }
0x37: {  	[sflag:s15] =	ssyncset.done $0x0  }
0x38: {  	s10 =	simm.s32 $0x5000;
	s4 =	simm.s32 @!p0 $0xE;
	[sflag:s15] =	ssyncadd.s32 $0xFFFFF000  }
0x39: {  	[spmem:s2] =	stream.indirect.scatter.add.f32 [tilespmem:s19], [sflag:$0x9], $0x20, s10, s18, $0xb8;
	[tilespmem:$0x1C000] =	vst v63  }
0x3a: {  	_ =	swait.ge @!p0 [sflag:s4], $0x1000  }
0x3b: {  	[sflag:s4] =	ssyncset.done @!p0 $0x0  }
0x3c: {  	s11 =	simm.s32 $0x280;
	[sflag:s4] =	ssyncadd.s32 @!p0 $0xFFFFF000  }
0x3d: {  	[tilespmem:s26], [sflag:$0x6] =	stream.indirect.gather [spmem:s3], $0x20, s11, s18, $0xb8;
	[tilespmem:$0x1C000] =	vst v63  }
0x3e: {  	_ =	swait.ge [sflag:s28], $0x1000  }
0x3f: {  	[sflag:s28] =	ssyncset.done $0x0  }
0x40: {  	s12 =	simm.s32 $0x5080;
	s4 =	simm.s32 @!p0 $0xF;
	[sflag:s28] =	ssyncadd.s32 $0xFFFFF000  }
0x41: {  	[spmem:s2] =	stream.indirect.scatter.add.f32 [tilespmem:s20], [sflag:$0xA], $0x20, s12, s18, $0xb8;
	[tilespmem:$0x1C000] =	vst v63  }
0x42: {  	_ =	swait.ge @!p0 [sflag:s4], $0x1000  }
0x43: {  	[sflag:s4] =	ssyncset.done @!p0 $0x0  }
0x44: {  	s14 =	simm.s32 $0x300;
	s13 =	rddreg [dreg:$0x6];
	[sflag:s4] =	ssyncadd.s32 @!p0 $0xFFFFF000  }
0x45: {  	[tilespmem:s13], [sflag:$0x7] =	stream.indirect.gather [spmem:s3], $0x20, s14, s18, $0xb8;
	[tilespmem:$0x1C000] =	vst v63  }
0x46: {  	_ =	swait.ge [sflag:s29], $0x1000  }
0x47: {  	[sflag:s29] =	ssyncset.done $0x0  }
0x48: {  	s17 =	simm.s32 $0x5100;
	s4 =	simm.s32 @!p0 $0x10;
	[sflag:s29] =	ssyncadd.s32 $0xFFFFF000  }
0x49: {  	[spmem:s2] =	stream.indirect.scatter.add.f32 [tilespmem:s22], [sflag:$0xB], $0x20, s17, s18, $0xb8;
	[tilespmem:$0x1C000] =	vst v63  }
0x4a: {  	_ =	swait.ge @!p0 [sflag:s4], $0x1000  }
0x4b: {  	[sflag:s4] =	ssyncset.done @!p0 $0x0  }
0x4c: {  	s21 =	simm.s32 $0x380;
	[sflag:s4] =	ssyncadd.s32 @!p0 $0xFFFFF000  }
0x4d: {  	[tilespmem:s30], [sflag:$0x8] =	stream.indirect.gather [spmem:s3], $0x20, s21, s18, $0xb8;
	[tilespmem:$0x1C000] =	vst v63  }
0x4e: {  	_ =	swait.ge [sflag:s16], $0x1000  }
0x4f: {  	p0 =	por $0x0, $0x0;
	[sflag:s16] =	ssyncset.done $0x0  }
0x50: {  	s23 =	simm.s32 $0x5180;
	s4 =	simm.s32 @p0 $0x5;
	[sflag:s16] =	ssyncadd.s32 $0xFFFFF000  }
0x51: {  	[spmem:s2] =	stream.indirect.scatter.add.f32 [tilespmem:s25], [sflag:$0xC], $0x20, s23, s18, $0xb8;
	[tilespmem:$0x1C000] =	vst v63  }
0x52: {  	_ =	swait.ge @p0 [sflag:s4], $0x1000  }
0x53: {  	s1 =	simm.s32 @p0 $0x5200;
	s10 =	simm.s32 @p0 $0x80;
	[sflag:s4] =	ssyncset.done @p0 $0x0  }
0x54: {  	s13 =	simm.s32 @p0 $0xE000;
	[sflag:s4] =	ssyncadd.s32 @p0 $0xFFFFF000;
	s4 =	simm.s32 @!p0 $0x9  }
0x55: {  	[spmem:s2] =	stream.indirect.scatter.add.f32 @p0 [tilespmem:s13], [sflag:$0xD], $0x20, s1, s10, $0xb8;
	[tilespmem:$0x1C000] =	vst v63  }
0x56: {  	_ =	swait.ge @!p0 [sflag:s4], $0x1000  }
0x57: {  	s1 =	simm.s32 @!p0 $0x400;
	[sflag:s4] =	ssyncset.done @!p0 $0x0  }
0x58: {  	s13 =	simm.s32 @!p0 $0x80;
	[sflag:s4] =	ssyncadd.s32 @!p0 $0xFFFFF000;
	s4 =	simm.s32 @!p0 $0xA000  }
0x59: {  	[tilespmem:s4], [sflag:$0x1] =	stream.indirect.gather @!p0 [spmem:s3], $0x20, s1, s13, $0xb8;
	[tilespmem:$0x1C000] =	vst v63  }
0x5a: {  	s1 =	simm.s32 @!p0 $0x5  }
0x5b: {  	_ =	swait.ge @!p0 [sflag:s1], $0x1000  }
0x5c: {  	[sflag:s1] =	ssyncset.done @!p0 $0x0  }
0x5d: {  	s4 =	simm.s32 @!p0 $0x5200;
	[sflag:s1] =	ssyncadd.s32 @!p0 $0xFFFFF000;
	s1 =	simm.s32 @!p0 $0xE000  }
0x5e: {  	[spmem:s2] =	stream.indirect.scatter.add.f32 @!p0 [tilespmem:s1], [sflag:$0xD], $0x20, s4, s13, $0xb8;
	[tilespmem:$0x1C000] =	vst v63  }
0x5f: {  	s1 =	simm.s32 @!p0 $0xA  }
0x60: {  	_ =	swait.ge @!p0 [sflag:s1], $0x1000  }
0x61: {  	[sflag:s1] =	ssyncset.done @!p0 $0x0  }
0x62: {  	s4 =	simm.s32 @!p0 $0x480;
	[sflag:s1] =	ssyncadd.s32 @!p0 $0xFFFFF000;
	s1 =	simm.s32 @!p0 $0xB000  }
0x63: {  	[tilespmem:s1], [sflag:$0x2] =	stream.indirect.gather @!p0 [spmem:s3], $0x20, s4, s13, $0xb8;
	[tilespmem:$0x1C000] =	vst v63  }
0x64: {  	_ =	swait.ge [sflag:s31], $0x1000  }
0x65: {  	[sflag:s31] =	ssyncset.done $0x0  }
0x66: {  	s24 =	simm.s32 $0x5280;
	s4 =	simm.s32 @p0 $0x7;
	[sflag:s31] =	ssyncadd.s32 $0xFFFFF000  }
0x67: {  	[spmem:s2] =	stream.indirect.scatter.add.f32 [tilespmem:s26], [sflag:$0xE], $0x20, s24, s18, $0xb8;
	[tilespmem:$0x1C000] =	vst v63  }
0x68: {  	_ =	swait.ge @p0 [sflag:s4], $0x1000  }
0x69: {  	[sflag:s4] =	ssyncset.done @p0 $0x0  }
0x6a: {  	s1 =	simm.s32 @p0 $0x5300;
	[sflag:s4] =	ssyncadd.s32 @p0 $0xFFFFF000;
	s4 =	simm.s32 @p0 $0x10000  }
0x6b: {  	[spmem:s2] =	stream.indirect.scatter.add.f32 @p0 [tilespmem:s4], [sflag:$0xF], $0x20, s1, s10, $0xb8;
	[tilespmem:$0x1C000] =	vst v63  }
0x6c: {  	s1 =	simm.s32 @!p0 $0xB  }
0x6d: {  	_ =	swait.ge @!p0 [sflag:s1], $0x1000  }
0x6e: {  	[sflag:s1] =	ssyncset.done @!p0 $0x0  }
0x6f: {  	s4 =	simm.s32 @!p0 $0x500;
	[sflag:s1] =	ssyncadd.s32 @!p0 $0xFFFFF000;
	s1 =	simm.s32 @!p0 $0xC000  }
0x70: {  	[tilespmem:s1], [sflag:$0x3] =	stream.indirect.gather @!p0 [spmem:s3], $0x20, s4, s13, $0xb8;
	[tilespmem:$0x1C000] =	vst v63  }
0x71: {  	s1 =	simm.s32 @!p0 $0x7  }
0x72: {  	_ =	swait.ge @!p0 [sflag:s1], $0x1000  }
0x73: {  	[sflag:s1] =	ssyncset.done @!p0 $0x0  }
0x74: {  	s4 =	simm.s32 @!p0 $0x5300;
	[sflag:s1] =	ssyncadd.s32 @!p0 $0xFFFFF000;
	s1 =	simm.s32 @!p0 $0x10000  }
0x75: {  	[spmem:s2] =	stream.indirect.scatter.add.f32 @!p0 [tilespmem:s1], [sflag:$0xF], $0x20, s4, s13, $0xb8;
	[tilespmem:$0x1C000] =	vst v63  }
0x76: {  	s1 =	simm.s32 @!p0 $0xC  }
0x77: {  	_ =	swait.ge @!p0 [sflag:s1], $0x1000  }
0x78: {  	p1 =	por $0x0, $0x0;
	s14 =	simm.s32 $0x2000;
	[sflag:s1] =	ssyncset.done @!p0 $0x0  }
0x79: {  	s4 =	simm.s32 @!p0 $0x580;
	[sflag:s1] =	ssyncadd.s32 @!p0 $0xFFFFF000;
	s1 =	simm.s32 @!p0 $0xD000  }
0x7a: {  	[tilespmem:s1], [sflag:$0x4] =	stream.indirect.gather @!p0 [spmem:s3], $0x20, s4, s13, $0xb8;
	[tilespmem:$0x1C000] =	vst v63  }
0x7b: {  	s24 =	simm.s32 $0x5380;
	s13 =	simm.s32 $0x1000;
	_ =	swait.ge [sflag:s0], $0x1000  }
.LBB2_2:
0x7c: {  	[sflag:s0] =	ssyncset.done $0x0  }
0x7d: {  	s10 =	simm.s32 @!p1 $0xD;
	[sflag:s0] =	ssyncadd.s32 $0xFFFFF000  }
0x7e: {  	[spmem:s2] =	stream.indirect.scatter.add.f32 [tilespmem:s30], [sflag:$0x10], $0x20, s24, s18, $0xb8;
	[tilespmem:$0x1C000] =	vst v63  }
0x7f: {  	_ =	swait.ge @!p1 [sflag:s10], $0x1000  }
0x80: {  	s4 =	sshra.s32 s13, $0x2;
	[sflag:s10] =	ssyncset.done @!p1 $0x0  }
0x81: {  	s11 =	sadd.s32 $0x200, s4;
	s21 =	rddreg [dreg:$0x5];
	[sflag:s10] =	ssyncadd.s32 @!p1 $0xFFFFF000  }
0x82: {  	[tilespmem:s21], [sflag:$0x5] =	stream.indirect.gather [spmem:s3], $0x20, s11, s18, $0xb8;
	[tilespmem:$0x1C000] =	vst v63  }
0x83: {  	_ =	swait.ge [sflag:s15], $0x1000  }
0x84: {  	[sflag:s15] =	ssyncset.done $0x0  }
0x85: {  	s12 =	sadd.s32 $0x5000, s4;
	s21 =	simm.s32 @!p1 $0xE;
	[sflag:s15] =	ssyncadd.s32 $0xFFFFF000  }
0x86: {  	[spmem:s2] =	stream.indirect.scatter.add.f32 [tilespmem:s19], [sflag:$0x9], $0x20, s12, s18, $0xb8;
	[tilespmem:$0x1C000] =	vst v63  }
0x87: {  	_ =	swait.ge @!p1 [sflag:s21], $0x1000  }
0x88: {  	[sflag:s21] =	ssyncset.done @!p1 $0x0  }
0x89: {  	s17 =	sadd.s32 $0x280, s4;
	[sflag:s21] =	ssyncadd.s32 @!p1 $0xFFFFF000  }
0x8a: {  	[tilespmem:s26], [sflag:$0x6] =	stream.indirect.gather [spmem:s3], $0x20, s17, s18, $0xb8;
	[tilespmem:$0x1C000] =	vst v63  }
0x8b: {  	_ =	swait.ge [sflag:s28], $0x1000  }
0x8c: {  	[sflag:s28] =	ssyncset.done $0x0  }
0x8d: {  	s23 =	sadd.s32 $0x5080, s4;
	s21 =	simm.s32 @!p1 $0xF;
	[sflag:s28] =	ssyncadd.s32 $0xFFFFF000  }
0x8e: {  	[spmem:s2] =	stream.indirect.scatter.add.f32 [tilespmem:s20], [sflag:$0xA], $0x20, s23, s18, $0xb8;
	[tilespmem:$0x1C000] =	vst v63  }
0x8f: {  	_ =	swait.ge @!p1 [sflag:s21], $0x1000  }
0x90: {  	[sflag:s21] =	ssyncset.done @!p1 $0x0  }
0x91: {  	s6 =	sadd.s32 $0x300, s4;
	s5 =	rddreg [dreg:$0x6];
	[sflag:s21] =	ssyncadd.s32 @!p1 $0xFFFFF000  }
0x92: {  	[tilespmem:s5], [sflag:$0x7] =	stream.indirect.gather [spmem:s3], $0x20, s6, s18, $0xb8;
	[tilespmem:$0x1C000] =	vst v63  }
0x93: {  	_ =	swait.ge [sflag:s29], $0x1000  }
0x94: {  	[sflag:s29] =	ssyncset.done $0x0  }
0x95: {  	s7 =	sadd.s32 $0x5100, s4;
	s21 =	simm.s32 @!p1 $0x10;
	[sflag:s29] =	ssyncadd.s32 $0xFFFFF000  }
0x96: {  	[spmem:s2] =	stream.indirect.scatter.add.f32 [tilespmem:s22], [sflag:$0xB], $0x20, s7, s18, $0xb8;
	[tilespmem:$0x1C000] =	vst v63  }
0x97: {  	_ =	swait.ge @!p1 [sflag:s21], $0x1000  }
0x98: {  	[sflag:s21] =	ssyncset.done @!p1 $0x0  }
0x99: {  	s8 =	sadd.s32 $0x380, s4;
	[sflag:s21] =	ssyncadd.s32 @!p1 $0xFFFFF000  }
0x9a: {  	[tilespmem:s30], [sflag:$0x8] =	stream.indirect.gather [spmem:s3], $0x20, s8, s18, $0xb8;
	[tilespmem:$0x1C000] =	vst v63  }
0x9b: {  	_ =	swait.ge [sflag:s16], $0x1000  }
0x9c: {  	p1 =	seq.s32 s13, $0x13000;
	[sflag:s16] =	ssyncset.done $0x0  }
0x9d: {  	s11 =	sadd.s32 $0x5180, s4;
	s23 =	simm.s32 @p1 $0x5;
	[sflag:s16] =	ssyncadd.s32 $0xFFFFF000  }
0x9e: {  	[spmem:s2] =	stream.indirect.scatter.add.f32 [tilespmem:s25], [sflag:$0xC], $0x20, s11, s18, $0xb8;
	[tilespmem:$0x1C000] =	vst v63  }
0x9f: {  	s5 =	sshra.s32 @p1 s13, $0x2;
	_ =	swait.ge @p1 [sflag:s23], $0x1000  }
0xa0: {  	s21 =	simm.s32 @p1 $0x80;
	s6 =	simm.s32 @p1 $0xE000;
	[sflag:s23] =	ssyncset.done @p1 $0x0  }
0xa1: {  	s10 =	sadd.s32 @p1 $0x5200, s5;
	[sflag:s23] =	ssyncadd.s32 @p1 $0xFFFFF000;
	s23 =	simm.s32 @!p1 $0x9  }
0xa2: {  	[spmem:s2] =	stream.indirect.scatter.add.f32 @p1 [tilespmem:s6], [sflag:$0xD], $0x20, s10, s21, $0xb8;
	[tilespmem:$0x1C000] =	vst v63  }
0xa3: {  	s13 =	sshra.s32 @!p1 s13, $0x2;
	_ =	swait.ge @!p1 [sflag:s23], $0x1000  }
0xa4: {  	s17 =	simm.s32 @!p1 $0xA000;
	s7 =	sadd.s32 @!p1 $0x400, s13;
	[sflag:s23] =	ssyncset.done @!p1 $0x0  }
0xa5: {  	s11 =	simm.s32 @!p1 $0x5;
	s10 =	simm.s32 @!p1 $0x80;
	[sflag:s23] =	ssyncadd.s32 @!p1 $0xFFFFF000  }
0xa6: {  	[tilespmem:s17], [sflag:$0x1] =	stream.indirect.gather @!p1 [spmem:s3], $0x20, s7, s10, $0xb8;
	[tilespmem:$0x1C000] =	vst v63  }
0xa7: {  	_ =	swait.ge @!p1 [sflag:s11], $0x1000  }
0xa8: {  	s1 =	smov.u32 s14;
	s8 =	simm.s32 @!p1 $0xE000;
	[sflag:s11] =	ssyncset.done @!p1 $0x0  }
0xa9: {  	s6 =	sadd.s32 @!p1 $0x5200, s13;
	[sflag:s11] =	ssyncadd.s32 @!p1 $0xFFFFF000;
	s11 =	simm.s32 @!p1 $0xA  }
0xaa: {  	[spmem:s2] =	stream.indirect.scatter.add.f32 @!p1 [tilespmem:s8], [sflag:$0xD], $0x20, s6, s10, $0xb8;
	[tilespmem:$0x1C000] =	vst v63  }
0xab: {  	s12 =	sadd.s32 @!p1 $0x480, s13;
	s23 =	sadd.s32 @!p1 $0x580, s13;
	_ =	swait.ge @!p1 [sflag:s11], $0x1000  }
0xac: {  	s7 =	sadd.s32 @!p1 $0x500, s13;
	s17 =	sadd.s32 @!p1 $0x5300, s13;
	[sflag:s11] =	ssyncset.done @!p1 $0x0  }
0xad: {  	s13 =	smov.u32 s1;
	s1 =	simm.s32 @!p1 $0xB000;
	[sflag:s11] =	ssyncadd.s32 @!p1 $0xFFFFF000  }
0xae: {  	[tilespmem:s1], [sflag:$0x2] =	stream.indirect.gather @!p1 [spmem:s3], $0x20, s12, s10, $0xb8;
	[tilespmem:$0x1C000] =	vst v63  }
0xaf: {  	_ =	swait.ge [sflag:s31], $0x1000  }
0xb0: {  	s24 =	sadd.s32 $0x5380, s4;
	[sflag:s31] =	ssyncset.done $0x0  }
0xb1: {  	s12 =	sadd.s32 $0x5280, s4;
	s4 =	simm.s32 @p1 $0x7;
	[sflag:s31] =	ssyncadd.s32 $0xFFFFF000  }
0xb2: {  	[spmem:s2] =	stream.indirect.scatter.add.f32 [tilespmem:s26], [sflag:$0xE], $0x20, s12, s18, $0xb8;
	[tilespmem:$0x1C000] =	vst v63  }
0xb3: {  	_ =	swait.ge @p1 [sflag:s4], $0x1000  }
0xb4: {  	s5 =	sadd.s32 @p1 $0x5300, s5;
	[sflag:s4] =	ssyncset.done @p1 $0x0  }
0xb5: {  	s1 =	simm.s32 @p1 $0x10000;
	[sflag:s4] =	ssyncadd.s32 @p1 $0xFFFFF000;
	s4 =	simm.s32 @!p1 $0xB  }
0xb6: {  	[spmem:s2] =	stream.indirect.scatter.add.f32 @p1 [tilespmem:s1], [sflag:$0xF], $0x20, s5, s21, $0xb8;
	[tilespmem:$0x1C000] =	vst v63  }
0xb7: {  	_ =	swait.ge @!p1 [sflag:s4], $0x1000  }
0xb8: {  	[sflag:s4] =	ssyncset.done @!p1 $0x0  }
0xb9: {  	s1 =	simm.s32 @!p1 $0xC000;
	[sflag:s4] =	ssyncadd.s32 @!p1 $0xFFFFF000;
	s4 =	simm.s32 @!p1 $0x7  }
0xba: {  	[tilespmem:s1], [sflag:$0x3] =	stream.indirect.gather @!p1 [spmem:s3], $0x20, s7, s10, $0xb8;
	[tilespmem:$0x1C000] =	vst v63  }
0xbb: {  	s14 =	sadd.s32 $0x1000, s14;
	_ =	swait.ge @!p1 [sflag:s4], $0x1000  }
0xbc: {  	p0 =	sne.s32 s14, $0x14000;
	[sflag:s4] =	ssyncset.done @!p1 $0x0  }
0xbd: {  	s1 =	simm.s32 @!p1 $0x10000;
	[sflag:s4] =	ssyncadd.s32 @!p1 $0xFFFFF000;
	s4 =	simm.s32 @!p1 $0xC  }
0xbe: {  	[spmem:s2] =	stream.indirect.scatter.add.f32 @!p1 [tilespmem:s1], [sflag:$0xF], $0x20, s17, s10, $0xb8;
	[tilespmem:$0x1C000] =	vst v63  }
.Ltmp0:
0xbf: {  	_ =	swait.ge @!p1 [sflag:s4], $0x1000;
	(pc) =	sbr.rel @p0 .LBB2_2-.Ltmp0, $4  }
0xc0: {  	[sflag:s4] =	ssyncset.done @!p1 $0x0  }
0xc1: {  	s1 =	simm.s32 @!p1 $0xD000;
	[sflag:s4] =	ssyncadd.s32 @!p1 $0xFFFFF000  }
0xc2: {  	[tilespmem:s1], [sflag:$0x4] =	stream.indirect.gather @!p1 [spmem:s3], $0x20, s23, s10, $0xb8;
	[tilespmem:$0x1C000] =	vst v63  }
0xc3: {  	p1 =	seq.s32 s13, $0x0;
	_ =	swait.ge [sflag:s0], $0x1000  }
0xc4: {  	[sflag:s0] =	ssyncset.done $0x0  }
0xc5: {  	s4 =	simm.s32 @!p1 $0xD;
	[sflag:s0] =	ssyncadd.s32 $0xFFFFF000  }
0xc6: {  	[spmem:s2] =	stream.indirect.scatter.add.f32 [tilespmem:s30], [sflag:$0x10], $0x20, s24, s18, $0xb8;
	[tilespmem:$0x1C000] =	vst v63  }
0xc7: {  	_ =	swait.ge @!p1 [sflag:s4], $0x1000  }
0xc8: {  	s1 =	sshra.s32 s13, $0x2;
	[sflag:s4] =	ssyncset.done @!p1 $0x0  }
0xc9: {  	s11 =	sadd.s32 $0x200, s1;
	s5 =	rddreg [dreg:$0x5];
	[sflag:s4] =	ssyncadd.s32 @!p1 $0xFFFFF000  }
0xca: {  	[tilespmem:s5], [sflag:$0x5] =	stream.indirect.gather [spmem:s3], $0x20, s11, s18, $0xb8;
	[tilespmem:$0x1C000] =	vst v63  }
0xcb: {  	_ =	swait.ge [sflag:s15], $0x1000  }
0xcc: {  	[sflag:s15] =	ssyncset.done $0x0  }
0xcd: {  	s12 =	sadd.s32 $0x5000, s1;
	s5 =	simm.s32 @!p1 $0xE;
	[sflag:s15] =	ssyncadd.s32 $0xFFFFF000  }
0xce: {  	[spmem:s2] =	stream.indirect.scatter.add.f32 [tilespmem:s19], [sflag:$0x9], $0x20, s12, s18, $0xb8;
	[tilespmem:$0x1C000] =	vst v63  }
0xcf: {  	_ =	swait.ge @!p1 [sflag:s5], $0x1000  }
0xd0: {  	[sflag:s5] =	ssyncset.done @!p1 $0x0  }
0xd1: {  	s14 =	sadd.s32 $0x280, s1;
	[sflag:s5] =	ssyncadd.s32 @!p1 $0xFFFFF000  }
0xd2: {  	[tilespmem:s26], [sflag:$0x6] =	stream.indirect.gather [spmem:s3], $0x20, s14, s18, $0xb8;
	[tilespmem:$0x1C000] =	vst v63  }
0xd3: {  	_ =	swait.ge [sflag:s28], $0x1000  }
0xd4: {  	[sflag:s28] =	ssyncset.done $0x0  }
0xd5: {  	s17 =	sadd.s32 $0x5080, s1;
	s5 =	simm.s32 @!p1 $0xF;
	[sflag:s28] =	ssyncadd.s32 $0xFFFFF000  }
0xd6: {  	[spmem:s2] =	stream.indirect.scatter.add.f32 [tilespmem:s20], [sflag:$0xA], $0x20, s17, s18, $0xb8;
	[tilespmem:$0x1C000] =	vst v63  }
0xd7: {  	_ =	swait.ge @!p1 [sflag:s5], $0x1000  }
0xd8: {  	[sflag:s5] =	ssyncset.done @!p1 $0x0  }
0xd9: {  	s23 =	sadd.s32 $0x300, s1;
	s21 =	rddreg [dreg:$0x6];
	[sflag:s5] =	ssyncadd.s32 @!p1 $0xFFFFF000  }
0xda: {  	[tilespmem:s21], [sflag:$0x7] =	stream.indirect.gather [spmem:s3], $0x20, s23, s18, $0xb8;
	[tilespmem:$0x1C000] =	vst v63  }
0xdb: {  	_ =	swait.ge [sflag:s29], $0x1000  }
0xdc: {  	[sflag:s29] =	ssyncset.done $0x0  }
0xdd: {  	s24 =	sadd.s32 $0x5100, s1;
	s5 =	simm.s32 @!p1 $0x10;
	[sflag:s29] =	ssyncadd.s32 $0xFFFFF000  }
0xde: {  	[spmem:s2] =	stream.indirect.scatter.add.f32 [tilespmem:s22], [sflag:$0xB], $0x20, s24, s18, $0xb8;
	[tilespmem:$0x1C000] =	vst v63  }
0xdf: {  	_ =	swait.ge @!p1 [sflag:s5], $0x1000  }
0xe0: {  	[sflag:s5] =	ssyncset.done @!p1 $0x0  }
0xe1: {  	s6 =	sadd.s32 $0x380, s1;
	[sflag:s5] =	ssyncadd.s32 @!p1 $0xFFFFF000  }
0xe2: {  	[tilespmem:s30], [sflag:$0x8] =	stream.indirect.gather [spmem:s3], $0x20, s6, s18, $0xb8;
	[tilespmem:$0x1C000] =	vst v63  }
0xe3: {  	_ =	swait.ge [sflag:s16], $0x1000  }
0xe4: {  	p0 =	seq.s32 s13, $0x13000;
	[sflag:s16] =	ssyncset.done $0x0  }
0xe5: {  	s7 =	sadd.s32 $0x5180, s1;
	s5 =	simm.s32 @p0 $0x5;
	[sflag:s16] =	ssyncadd.s32 $0xFFFFF000  }
0xe6: {  	[spmem:s2] =	stream.indirect.scatter.add.f32 [tilespmem:s25], [sflag:$0xC], $0x20, s7, s18, $0xb8;
	[tilespmem:$0x1C000] =	vst v63  }
0xe7: {  	s4 =	sshra.s32 @p0 s13, $0x2;
	_ =	swait.ge @p0 [sflag:s5], $0x1000  }
0xe8: {  	s8 =	simm.s32 @p0 $0xE000;
	s6 =	sadd.s32 @p0 $0x5200, s4;
	[sflag:s5] =	ssyncset.done @p0 $0x0  }
0xe9: {  	s7 =	simm.s32 @p0 $0x80;
	[sflag:s5] =	ssyncadd.s32 @p0 $0xFFFFF000;
	s5 =	simm.s32 @!p0 $0x9  }
0xea: {  	[spmem:s2] =	stream.indirect.scatter.add.f32 @p0 [tilespmem:s8], [sflag:$0xD], $0x20, s6, s7, $0xb8;
	[tilespmem:$0x1C000] =	vst v63  }
0xeb: {  	_ =	swait.ge @!p0 [sflag:s5], $0x1000  }
0xec: {  	s10 =	simm.s32 @!p0 $0x80;
	s6 =	sshra.s32 @!p0 s13, $0x2;
	[sflag:s5] =	ssyncset.done @!p0 $0x0  }
0xed: {  	s8 =	sadd.s32 @!p0 $0x400, s6;
	[sflag:s5] =	ssyncadd.s32 @!p0 $0xFFFFF000;
	s5 =	simm.s32 @!p0 $0xA000  }
0xee: {  	[tilespmem:s5], [sflag:$0x1] =	stream.indirect.gather @!p0 [spmem:s3], $0x20, s8, s10, $0xb8;
	[tilespmem:$0x1C000] =	vst v63  }
0xef: {  	s5 =	simm.s32 @!p0 $0x5  }
0xf0: {  	_ =	swait.ge @!p0 [sflag:s5], $0x1000  }
0xf1: {  	[sflag:s5] =	ssyncset.done @!p0 $0x0  }
0xf2: {  	s8 =	sadd.s32 @!p0 $0x5200, s6;
	[sflag:s5] =	ssyncadd.s32 @!p0 $0xFFFFF000;
	s5 =	simm.s32 @!p0 $0xE000  }
0xf3: {  	[spmem:s2] =	stream.indirect.scatter.add.f32 @!p0 [tilespmem:s5], [sflag:$0xD], $0x20, s8, s10, $0xb8;
	[tilespmem:$0x1C000] =	vst v63  }
0xf4: {  	s5 =	simm.s32 @!p0 $0xA  }
0xf5: {  	_ =	swait.ge @!p0 [sflag:s5], $0x1000  }
0xf6: {  	[sflag:s5] =	ssyncset.done @!p0 $0x0  }
0xf7: {  	s8 =	sadd.s32 @!p0 $0x480, s6;
	[sflag:s5] =	ssyncadd.s32 @!p0 $0xFFFFF000;
	s5 =	simm.s32 @!p0 $0xB000  }
0xf8: {  	[tilespmem:s5], [sflag:$0x2] =	stream.indirect.gather @!p0 [spmem:s3], $0x20, s8, s10, $0xb8;
	[tilespmem:$0x1C000] =	vst v63  }
0xf9: {  	_ =	swait.ge [sflag:s31], $0x1000  }
0xfa: {  	[sflag:s31] =	ssyncset.done $0x0  }
0xfb: {  	s8 =	sadd.s32 $0x5280, s1;
	s5 =	simm.s32 @p0 $0x7;
	[sflag:s31] =	ssyncadd.s32 $0xFFFFF000  }
0xfc: {  	[spmem:s2] =	stream.indirect.scatter.add.f32 [tilespmem:s26], [sflag:$0xE], $0x20, s8, s18, $0xb8;
	[tilespmem:$0x1C000] =	vst v63  }
0xfd: {  	_ =	swait.ge @p0 [sflag:s5], $0x1000  }
0xfe: {  	[sflag:s5] =	ssyncset.done @p0 $0x0  }
0xff: {  	s4 =	sadd.s32 @p0 $0x5300, s4;
	[sflag:s5] =	ssyncadd.s32 @p0 $0xFFFFF000;
	s5 =	simm.s32 @p0 $0x10000  }
0x100: {  	[spmem:s2] =	stream.indirect.scatter.add.f32 @p0 [tilespmem:s5], [sflag:$0xF], $0x20, s4, s7, $0xb8;
	[tilespmem:$0x1C000] =	vst v63  }
0x101: {  	s4 =	simm.s32 @!p0 $0xB  }
0x102: {  	_ =	swait.ge @!p0 [sflag:s4], $0x1000  }
0x103: {  	[sflag:s4] =	ssyncset.done @!p0 $0x0  }
0x104: {  	s5 =	sadd.s32 @!p0 $0x500, s6;
	[sflag:s4] =	ssyncadd.s32 @!p0 $0xFFFFF000;
	s4 =	simm.s32 @!p0 $0xC000  }
0x105: {  	[tilespmem:s4], [sflag:$0x3] =	stream.indirect.gather @!p0 [spmem:s3], $0x20, s5, s10, $0xb8;
	[tilespmem:$0x1C000] =	vst v63  }
0x106: {  	s4 =	simm.s32 @!p0 $0x7  }
0x107: {  	_ =	swait.ge @!p0 [sflag:s4], $0x1000  }
0x108: {  	[sflag:s4] =	ssyncset.done @!p0 $0x0  }
0x109: {  	s5 =	sadd.s32 @!p0 $0x5300, s6;
	[sflag:s4] =	ssyncadd.s32 @!p0 $0xFFFFF000;
	s4 =	simm.s32 @!p0 $0x10000  }
0x10a: {  	[spmem:s2] =	stream.indirect.scatter.add.f32 @!p0 [tilespmem:s4], [sflag:$0xF], $0x20, s5, s10, $0xb8;
	[tilespmem:$0x1C000] =	vst v63  }
0x10b: {  	s4 =	simm.s32 @!p0 $0xC  }
0x10c: {  	_ =	swait.ge @!p0 [sflag:s4], $0x1000  }
0x10d: {  	[sflag:s4] =	ssyncset.done @!p0 $0x0  }
0x10e: {  	s5 =	sadd.s32 @!p0 $0x580, s6;
	[sflag:s4] =	ssyncadd.s32 @!p0 $0xFFFFF000;
	s4 =	simm.s32 @!p0 $0xD000  }
0x10f: {  	[tilespmem:s4], [sflag:$0x4] =	stream.indirect.gather @!p0 [spmem:s3], $0x20, s5, s10, $0xb8;
	[tilespmem:$0x1C000] =	vst v63  }
0x110: {  	_ =	swait.ge [sflag:s0], $0x1000  }
0x111: {  	[sflag:s0] =	ssyncset.done $0x0  }
0x112: {  	s1 =	sadd.s32 $0x5380, s1;
	s10 =	simm.s32 $0x9;
	[sflag:s0] =	ssyncadd.s32 $0xFFFFF000  }
0x113: {  	[spmem:s2] =	stream.indirect.scatter.add.f32 [tilespmem:s30], [sflag:$0x10], $0x20, s1, s18, $0xb8;
	[tilespmem:$0x1C000] =	vst v63  }
0x114: {  	_ =	swait.ge [sflag:s10], $0x1000  }
0x115: {  	[sflag:s10] =	ssyncset.done $0x0  }
0x116: {  	s11 =	simm.s32 $0xA;
	[sflag:s10] =	ssyncadd.s32 $0xFFFFF000  }
0x117: {  	_ =	swait.ge [sflag:s11], $0x1000  }
0x118: {  	[sflag:s11] =	ssyncset.done $0x0  }
0x119: {  	s12 =	simm.s32 $0xB;
	[sflag:s11] =	ssyncadd.s32 $0xFFFFF000  }
0x11a: {  	_ =	swait.ge [sflag:s12], $0x1000  }
0x11b: {  	[sflag:s12] =	ssyncset.done $0x0  }
0x11c: {  	s13 =	simm.s32 $0xC;
	[sflag:s12] =	ssyncadd.s32 $0xFFFFF000  }
0x11d: {  	_ =	swait.ge [sflag:s13], $0x1000  }
0x11e: {  	[sflag:s13] =	ssyncset.done $0x0  }
0x11f: {  	s14 =	simm.s32 $0xD;
	[sflag:s13] =	ssyncadd.s32 $0xFFFFF000  }
0x120: {  	_ =	swait.ge [sflag:s14], $0x1000  }
0x121: {  	[sflag:s14] =	ssyncset.done $0x0  }
0x122: {  	s17 =	simm.s32 $0xE;
	[sflag:s14] =	ssyncadd.s32 $0xFFFFF000  }
0x123: {  	_ =	swait.ge [sflag:s17], $0x1000  }
0x124: {  	[sflag:s17] =	ssyncset.done $0x0  }
0x125: {  	s21 =	simm.s32 $0xF;
	[sflag:s17] =	ssyncadd.s32 $0xFFFFF000  }
0x126: {  	_ =	swait.ge [sflag:s21], $0x1000  }
0x127: {  	[sflag:s21] =	ssyncset.done $0x0  }
0x128: {  	s7 =	simm.s32 $0x10;
	[sflag:s21] =	ssyncadd.s32 $0xFFFFF000  }
0x129: {  	_ =	swait.ge [sflag:s7], $0x1000  }
0x12a: {  	[sflag:s7] =	ssyncset.done $0x0  }
0x12b: {  	[sflag:s7] =	ssyncadd.s32 $0xFFFFF000  }
0x12c: {  	[bflag:$0x0] =	sbarrier.arrive $0xFFFF  }
0x12d: {  	s11 =	rddreg [dreg:$0xb]  }
0x12e: {  	s6 =	rddreg [dreg:$0xc]  }
0x12f: {  	s8 =	simm.s32 $0x11;
	s23 =	rddreg [dreg:$0xf]  }
0x130: {  	[hbm:s23@s7], [sflag:s11] =	dma.strided [spmem:s6@s16], $0xA00, s15, $0x4   }
0x131: {  	_ =	swait.ge [sflag:s8], $0xA00  }
0x132: {  	s9 =	sadd.s32 $0x1, s9;
	s24 =	rddreg [dreg:$0x9]  }
0x133: {  	p0 =	sne.s32 s9, s24  }
.Ltmp1:
0x134: {  	_ = 	snop;
	(pc) =	sbr.rel @p0 .LBB2_1-.Ltmp1, $3  }
0x135: {  	_ =	sdelay $0x1  }
0x136: {  	[sflag:s8] =	ssyncset.done $0x0  }
0x137: {  	[sflag:s8] =	ssyncadd.s32 $0xFFFFF600  }
0x138: {  	_ =	sfence.sel $0x180000  }
0x139: {  	[bflag:$0x0] =	sbarrier.arrive $0xFFFF  }
0x13a: {  	_ =	strace $0x9000004A  }
0x13b: {  	s0 =	stileid.u32;
	[bflag:$0x2] =	sbarrier.arrive $0xFFFF  }
0x13c: {  	p0 =	sne.s32 s0, $0x0;
	s0 =	rddreg [dreg:$0x4]  }
0x13d: {  	s0 =	sadd.s32 @!p0 $0x100000, s0  }
0x13e: {  	[sflag:s0] =	ssyncadd.tile.s32 @!p0 $0x1;
	_ =	shalt  }
.Lfunc_end2:
_tile_overlayer_lowered:
.L_overlay_start_2:
0x13f: {  	(tag) =	ssettag $0x2  }
0x140: {  	s0 =	rddreg [dreg:$0x0];
	s2 =	stileid.u32  }
0x141: {  	s1 =	rddreg [dreg:$0x1];
	p0 =	sne.s32 s2, $0x0  }
0x142: {  	s3 =	rddreg [dreg:$0x2];
	[bflag:$0x3] =	sbarrier.arrive $0xFFFF;
	s2 =	simm.s32 @!p0 $0x1C11  }
0x143: {  	[timem:s3], [sflag:s2] =	dma.local @!p0 [hbm:s0], s1  }
0x144: {  	s0 =	simm.s32 @!p0 $0x11  }
0x145: {  	_ =	swait.ge @!p0 [sflag:s0], s1  }
0x146: {  	s1 =	ssub.s32 @!p0 $0x0, s1;
	[sflag:s0] =	ssyncset.done @!p0 $0x0  }
0x147: {  	[sflag:s0] =	ssyncadd.s32 @!p0 s1  }
0x148: {  	[bflag:$0x3] =	sbarrier.arrive $0xFFFF  }
0x149: {  	_ =	shalt  }

// kernel: kernel.17.cloned.1.call-start
scs
__scs_entry_jumppad:
0x0: {  	(pc) =	sbr.rel $0x88, $3  }
0x1: {  	(tag) =	ssettag $0x0;
	lr =	simm.s32 $0x1  }
0x2: {  	[smem:$0x3F99] =	sst lr;
	_ =	strace $0xD0000000  }
0x3: {  	_ = 	snop  }
0x4: {  	_ = 	snop  }
0x5: {  	_ = 	snop  }
0x6: {  	_ = 	snop  }
0x7: {  	_ = 	snop  }
__scs_overlays_trampoline_lowered:
0x8: {  	[smem:$0x3FA8] =	sst s0  }
0x9: {  	[smem:$0x3FA9] =	sst s1  }
0xa: {  	[smem:$0x3FAA] =	sst s2  }
0xb: {  	[smem:$0x3FAB] =	sst s3  }
0xc: {  	[smem:$0x3FAC] =	sst s4  }
0xd: {  	[smem:$0x3FAD] =	sst s5  }
0xe: {  	[smem:$0x3FAE] =	sst s6  }
0xf: {  	[smem:$0x3FAF] =	sst s7  }
0x10: {  	[smem:$0x3FB0] =	sst s8  }
0x11: {  	[smem:$0x3FB1] =	sst s9;
	s0 =	simm.s32 @!p0 $0x0  }
0x12: {  	s1 =	sld [smem:$0x3F97];
	s0 =	simm.s32 @p0 $0x1  }
0x13: {  	[smem:$0x3FB2] =	sst s0;
	s0 =	simm.s32 @!p1 $0x0  }
0x14: {  	s2 =	sld [smem:$0x3F96];
	s0 =	simm.s32 @p1 $0x1  }
0x15: {  	[smem:$0x3FB3] =	sst s0;
	s0 =	simm.s32 @!p2 $0x0  }
0x16: {  	s3 =	sld [smem:$0x3FDB];
	s0 =	simm.s32 @p2 $0x1  }
0x17: {  	s4 =	simm.s32 $0x1BF5;
	[smem:$0x3FB5] =	sst s0  }
0x18: {  	s0 =	sld [smem:$0x3F98];
	_ =	swait.ge [sflag:s4], $0x0  }
0x19: {  	s7 =	sld [smem:$0x3F99]  }
0x1a: {  	s8 =	sadd.s32 $0xFFFFE003, lr  }
0x1b: {  	s9 =	sadd.s32 $0xFFFFFEF7, lr;
	s5 =	simm.s32 $0xFFFFFFFF;
	p2 =	slt.u32 s8, $0xFFFFF086  }
0x1c: {  	p1 =	slt.u32 s9, $0xF7A;
	s5 =	simm.s32 @!p2 $0x0  }
0x1d: {  	s5 =	simm.s32 @p1 $0x1;
	p0 =	seq.s32 s7, s2  }
0x1e: {  	s7 =	smul.u32 @!p0 $0xF7A, s2;
	p2 =	seq.s32 @!p0 s5, $0x0  }
0x1f: {  	s9 =	smul.u32 $0xF7A, s1;
	s8 =	simm.s32 @!p0 $0x1BF5;
	p2 =	por !p2, p0  }
0x20: {  	[sflag:s8] =	ssyncset.s32 @!p0 $0xFFFFF086;
	s6 =	sadd.s32 @!p0 s3, s7;
	s7 =	simm.s32 @!p0 $0x108  }
0x21: {  	s3 =	sadd.s32 s3, s9;
	s6 =	sadd.s32 @!p0 $0x88, s6;
	s7 =	simm.s32 @p2 $0x1082  }
0x22: {  	[simem:s7], [sflag:s8] =	dma.local @!p0 [hbm:s6], $0xF7A  }
0x23: {  	s9 =	sor.u32 $0xD0000000, s2;
	s6 =	simm.s32 $0x108;
	_ =	swait.ge @!p0 [sflag:s8], $0x0  }
0x24: {  	s3 =	sadd.s32 $0x88, s3;
	s6 =	simm.s32 @!p1 $0x1082;
	[sflag:s4] =	ssyncset.s32 $0xFFFFF086  }
0x25: {  	[simem:s6], [sflag:s4] =	dma.local [hbm:s3], $0xF7A  }
0x26: {  	[smem:$0x3F99] =	sst s1;
	(tag) =	ssettag s2;
	_ =	strace s9  }
0x27: {  	s1 =	sld [smem:$0x3FA9]  }
0x28: {  	s2 =	sld [smem:$0x3FAA]  }
0x29: {  	s4 =	sld [smem:$0x3FAC]  }
0x2a: {  	p0 =	seq.s32 s5, $0x0;
	s5 =	sld [smem:$0x3FAD]  }
0x2b: {  	s6 =	sld [smem:$0x3FAE]  }
0x2c: {  	s7 =	sld [smem:$0x3FAF]  }
0x2d: {  	s3 =	simm.s32 $0x108;
	s8 =	sld [smem:$0x3FB0]  }
0x2e: {  	s3 =	simm.s32 @!p0 $0x1082;
	s9 =	sld [smem:$0x3FB1]  }
0x2f: {  	lr =	sadd.s32 s0, s3;
	s0 =	sld [smem:$0x3FA8]  }
0x30: {  	s3 =	sld [smem:$0x3FAB]  }
0x31: {  	[smem:$0x3FB4] =	sst s10  }
0x32: {  	s10 =	sld [smem:$0x3FB2];
	_ =	sdelay $0x3  }
0x33: {  	p0 =	seq.s32 s10, $0x1;
	s10 =	sld [smem:$0x3FB4];
	_ =	sdelay $0x3  }
0x34: {  	[smem:$0x3FB4] =	sst s10  }
0x35: {  	s10 =	sld [smem:$0x3FB3];
	_ =	sdelay $0x3  }
0x36: {  	p1 =	seq.s32 s10, $0x1;
	s10 =	sld [smem:$0x3FB4];
	_ =	sdelay $0x3  }
0x37: {  	[smem:$0x3FB4] =	sst s10  }
0x38: {  	s10 =	sld [smem:$0x3FB5]  }
0x39: {  	_ = 	snop;
	(pc) =	sbr.ind lr, $3  }
0x3a: {  	_ = 	snop  }
0x3b: {  	_ = 	snop  }
0x3c: {  	p2 =	seq.s32 s10, $0x1;
	s10 =	sld [smem:$0x3FB4]  }
0x3d: {  	_ =	shalt  }
0x3e: {  	_ =	shalt  }
0x3f: {  	_ =	shalt  }
0x40: {  	_ =	shalt  }
0x41: {  	_ =	shalt  }
0x42: {  	_ =	shalt  }
0x43: {  	_ =	shalt  }
0x44: {  	_ =	shalt  }
0x45: {  	_ =	shalt  }
0x46: {  	_ =	shalt  }
0x47: {  	_ =	shalt  }
0x48: {  	_ =	shalt  }
0x49: {  	_ =	shalt  }
0x4a: {  	_ =	shalt  }
0x4b: {  	_ =	shalt  }
0x4c: {  	_ =	shalt  }
0x4d: {  	_ =	shalt  }
0x4e: {  	_ =	shalt  }
0x4f: {  	_ =	shalt  }
0x50: {  	_ =	shalt  }
0x51: {  	_ =	shalt  }
0x52: {  	_ =	shalt  }
0x53: {  	_ =	shalt  }
0x54: {  	_ =	shalt  }
0x55: {  	_ =	shalt  }
0x56: {  	_ =	shalt  }
0x57: {  	_ =	shalt  }
0x58: {  	_ =	shalt  }
0x59: {  	_ =	shalt  }
0x5a: {  	_ =	shalt  }
0x5b: {  	_ =	shalt  }
0x5c: {  	_ =	shalt  }
0x5d: {  	_ =	shalt  }
0x5e: {  	_ =	shalt  }
0x5f: {  	_ =	shalt  }
0x60: {  	_ =	shalt  }
0x61: {  	_ =	shalt  }
0x62: {  	_ =	shalt  }
0x63: {  	_ =	shalt  }
0x64: {  	_ =	shalt  }
0x65: {  	_ =	shalt  }
0x66: {  	_ =	shalt  }
0x67: {  	_ =	shalt  }
0x68: {  	_ =	shalt  }
0x69: {  	_ =	shalt  }
0x6a: {  	_ =	shalt  }
0x6b: {  	_ =	shalt  }
0x6c: {  	_ =	shalt  }
0x6d: {  	_ =	shalt  }
0x6e: {  	_ =	shalt  }
0x6f: {  	_ =	shalt  }
0x70: {  	_ =	shalt  }
0x71: {  	_ =	shalt  }
0x72: {  	_ =	shalt  }
0x73: {  	_ =	shalt  }
0x74: {  	_ =	shalt  }
0x75: {  	_ =	shalt  }
0x76: {  	_ =	shalt  }
0x77: {  	_ =	shalt  }
0x78: {  	_ =	shalt  }
0x79: {  	_ =	shalt  }
0x7a: {  	_ =	shalt  }
0x7b: {  	_ =	shalt  }
0x7c: {  	_ =	shalt  }
0x7d: {  	_ =	shalt  }
0x7e: {  	_ =	shalt  }
0x7f: {  	_ =	shalt  }
0x80: {  	_ =	shalt  }
0x81: {  	_ =	shalt  }
0x82: {  	_ =	shalt  }
0x83: {  	_ =	shalt  }
0x84: {  	_ =	shalt  }
0x85: {  	_ =	shalt  }
0x86: {  	_ =	shalt  }
0x87: {  	_ =	shalt  }
.Lfunc_end0:
.L_simem_size_0:
called_computation.2_lowered:
.L_overlay_start_0:
0x88: {  	s2 =	sld [smem:$0x3FD9]  }
0x89: {  	s3 =	sld [smem:$0x3FFE];
	_ =	sdelay $0x1  }
0x8a: {  	s1 =	srdreg.scid  }
0x8b: {  	s0 =	sand.u32 $0x1, s1  }
0x8c: {  	s14 =	sshll.u32 s0, $0xA;
	s2 =	sadd.s32 s3, s2  }
0x8d: {  	s2 =	sadd.s32 s2, s14  }
0x8e: {  	[smem:$0x3FC0] =	sst s2  }
0x8f: {  	_ = 	snop  }
0x90: {  	s2 =	sld [smem:$0x3FD0];
	_ =	sdelay $0x2  }
0x91: {  	s15 =	simm.s32 $0xA;
	s4 =	simm.s32 $0x10  }
0x92: {  	[smem:s4], [sflag:s15] =	dma.local [hbm:s2], $0x1  }
0x93: {  	_ =	swait.eq [sflag:s15], $0x1  }
0x94: {  	[sflag:s15] =	ssyncset.done $0x0  }
0x95: {  	[sflag:s15] =	ssyncadd.s32 $0xFFFFFFFF  }
0x96: {  	s16 =	sld [smem:$0x11];
	(tm) =	ssettm $0x1  }
0x97: {  	s17 =	sld [smem:$0x3FFB];
	_ =	sdelay $0x3  }
0x98: {  	_ =	strace s17  }
0x99: {  	s3 =	sld [smem:$0x3FFC];
	_ =	sdelay $0x3  }
0x9a: {  	_ =	strace s3  }
0x9b: {  	s3 =	sld [smem:$0x3FFD];
	_ =	sdelay $0x3  }
0x9c: {  	_ =	strace s3  }
0x9d: {  	_ =	strace $0x8FFFFFFF  }
0x9e: {  	s18 =	sld [smem:$0x3FDB];
	_ =	sdelay $0x1  }
0x9f: {  	s19 =	simm.s32 $_scs_section_size  }
0xa0: {  	s5 =	simm.s32 $_size__tile_overlayer_lowered;
	s6 =	simm.s32 $_tile_overlayer_lowered  }
0xa1: {  	s22 =	simm.s32 $0x1BFF;
	s21 =	sshll.u32 s6, $0x1;
	s3 =	sadd.s32 s19, s18  }
0xa2: {  	s7 =	simm.s32 $0x0;
	s20 =	sshll.u32 s5, $0x1;
	s5 =	sadd.s32 s21, s3  }
0xa3: {  	[timem:s7], [sflag:s22] =	dma.local [hbm:s5], s20  }
0xa4: {  	_ =	swait.ge [sflag:s22], s20  }
0xa5: {  	s4 =	ssub.s32 $0x0, s20;
	[sflag:s22] =	ssyncset.done $0x0  }
0xa6: {  	[sflag:s22] =	ssyncadd.s32 s4;
	_ =	sdelay $0x1  }
0xa7: {  	s23 =	simm.s32 $0x1B8B  }
0xa8: {  	_ =	swait.ge [sflag:s23], $0x1  }
0xa9: {  	[sflag:s23] =	ssyncset.done $0x0  }
0xaa: {  	s25 =	simm.s32 $0x1B8E;
	s24 =	sld [smem:$0x3FFE];
	[sflag:s23] =	ssyncadd.s32 $0xFFFFFFFF  }
0xab: {  	s26 =	simm.s32 $execute0_lowered;
	[smem:$0x3FD2] =	sst s25  }
0xac: {  	s5 =	sshll.u32 s26, $0x1;
	_ =	strace $0x8000004C;
	[dreg:$0x1] =	wrdreg $0xFFFFFFFF  }
0xad: {  	s28 =	simm.s32 $_size_execute0_lowered;
	s3 =	sadd.s32 s3, s5;
	[dreg:$0x0] =	wrdreg $0x0  }
0xae: {  	s5 =	sshll.u32 s28, $0x1;
	[dreg:$0x2] =	wrdreg s3  }
0xaf: {  	[dreg:$0x3] =	wrdreg s5  }
0xb0: {  	[dreg:$0x4] =	wrdreg $0xC0  }
0xb1: {  	_ =	task [dreg:s7], $0x5FFFF  }
0xb2: {  	[dreg:$0x1] =	wrdreg $0xFFFFFFFF  }
0xb3: {  	[dreg:$0x0] =	wrdreg $0x60  }
0xb4: {  	[dreg:$0x2] =	wrdreg s24  }
0xb5: {  	[dreg:$0x3] =	wrdreg s16  }
0xb6: {  	[dreg:$0x4] =	wrdreg $0xD0000  }
0xb7: {  	[dreg:$0x5] =	wrdreg $0x120000  }
0xb8: {  	[dreg:$0x6] =	wrdreg $0x9  }
0xb9: {  	_ =	task.clear_ibuf [dreg:s7], $0x7FFFF;
	_ =	strace $0x9000004C  }
0xba: {  	s29 =	simm.s32 $0x9;
	_ =	strace $0x8000004E  }
0xbb: {  	_ =	swait.ge [sflag:s29], $0x1  }
0xbc: {  	[sflag:s29] =	ssyncadd.s32 $0xFFFFFFFF  }
0xbd: {  	_ =	strace $0x9000004E  }
0xbe: {  	_ =	sfence  }
0xbf: {  	s30 =	sld [smem:$0x0];
	_ =	sdelay $0x2  }
0xc0: {  	s31 =	sshll.u32 s1, $0xD;
	s1 =	sshrl.u32 s1, $0x2  }
0xc1: {  	s3 =	sand.u32 $0x4000, s31;
	s1 =	sadd.s32 s1, s30  }
0xc2: {  	s0 =	sor.u32 s3, s0;
	s1 =	sshll.u32 s1, $0x11  }
0xc3: {  	s0 =	sor.u32 s1, s0  }
0xc4: {  	s0 =	sadd.s32 $0x8F2B, s0  }
0xc5: {  	[sflag:s0] =	ssyncadd.remote.s32 $0x1  }
0xc6: {  	_ =	sfence.sel $0xFFFF  }
0xc7: {  	[dreg:$0x0] =	wrdreg $0xFFFFFFFF;
	(pc) =	sbr.abs _section_cstart, $3  }
0xc8: {  	[dreg:$0x1] =	wrdreg $0xFFFFFFFF  }
0xc9: {  	_ =	task.clear_ibuf [dreg:s7], $0x2FFFF;
	_ =	strace $0x9FFFFFFF  }
0xca: {  	(tm) =	ssettm $0x7FFFFFFF  }
0xcb: {  	_ =	shalt  }
tec
execute0_lowered:
.L_overlay_start_1:
0x0: {  	(tag) =	ssettag $0x1  }
0x1: {  	s0 =	rddreg [dreg:$0x0]  }
0x2: {  	s2 =	rddreg [dreg:$0x1]  }
0x3: {  	s1 =	rddreg [dreg:$0x2]  }
0x4: {  	s3 =	rddreg [dreg:$0x3];
	s4 =	simm.s32 $0x0;
	s12 =	stileid.u32  }
0x5: {  	s5 =	srdreg.scid;
	s15 =	simm.s32 $0x1;
	s16 =	simm.s32 $0x4  }
0x6: {  	s18 =	simm.s32 $0x80;
	s19 =	simm.s32 $0x5000;
	s25 =	simm.s32 $0x9000  }
0x7: {  	s26 =	simm.s32 $0xB000;
	s28 =	simm.s32 $0x2;
	s29 =	simm.s32 $0x3  }
0x8: {  	s30 =	simm.s32 $0xC000;
	s31 =	simm.s32 $0x6;
	s17 =	smul.u32 $0x2800, s12  }
0x9: {  	[smem:$0x7FF] =	sst s4;
	s6 =	smul.u32 $0x5000, s12;
	s5 =	sand.u32 $0x1, s5  }
0xa: {  	s7 =	sshll.u32 s12, $0x1;
	s23 =	sshll.u32 s12, $0x6;
	s4 =	simm.s32 $0x0  }
0xb: {  	_ =	strace $0x8000004D;
	s9 =	smul.u32 $0x28000, s5;
	[dreg:$0x5] =	wrdreg s25  }
0xc: {  	s7 =	sor.u32 s5, s7;
	s5 =	ssub.s32 $0x2, s5;
	[dreg:$0x6] =	wrdreg s26  }
0xd: {  	s25 =	simm.s32 $0x8000;
	s26 =	simm.s32 $0xA000;
	s8 =	sadd.s32 s17, s0  }
0xe: {  	s10 =	sshrl.u32 s6, $0x3;
	s7 =	smul.u32 $0x500, s7;
	s20 =	sshrl.u32 s5, $0x1  }
0xf: {  	s11 =	sadd.s32 s6, s1;
	s6 =	sadd.s32 s6, s3;
	s8 =	sadd.s32 $0x2E00, s8  }
0x10: {  	s10 =	sadd.s32 s10, s0;
	s24 =	sshrl.u32 s6, $0x3;
	[dreg:$0x9] =	wrdreg s8  }
0x11: {  	s0 =	sadd.s32 s9, s0;
	s21 =	sadd.s32 s2, s7;
	[dreg:$0xe] =	wrdreg s24  }
0x12: {  	s5 =	ssub.s32 s5, s20;
	s22 =	sadd.s32 $0x52E00, s10;
	[dreg:$0x7] =	wrdreg s21  }
0x13: {  	s9 =	simm.s32 $0x11;
	s5 =	smax.u32 s5, $0x1;
	[dreg:$0x8] =	wrdreg s22  }
0x14: {  	s2 =	sadd.s32 $0xA000, s2;
	s8 =	sshrl.u32 s11, $0x3;
	[dreg:$0xa] =	wrdreg s5  }
0x15: {  	s0 =	sadd.s32 $0x5CE00, s0;
	s2 =	sadd.s32 s7, s2;
	[dreg:$0xd] =	wrdreg s8  }
0x16: {  	s6 =	simm.s32 $0x10;
	s0 =	sadd.s32 s17, s0;
	[dreg:$0xb] =	wrdreg s2  }
0x17: {  	s20 =	simm.s32 $0x6000;
	s7 =	sor.u32 $0x1C11, s23;
	[dreg:$0xf] =	wrdreg s0  }
0x18: {  	s22 =	simm.s32 $0x7000;
	s0 =	simm.s32 $0x8;
	[dreg:$0xc] =	wrdreg s7  }
.LBB2_1:
0x19: {  	[dreg:$0x10] =	wrdreg s4  }
0x1a: {  	s2 =	simm.s32 $0x0;
	s14 =	rddreg [dreg:$0x7]  }
0x1b: {  	[tilespmem:s2], [sflag:$0x11] =	stream.linear.gather [hbm4b:s14+s2], $0x2800, $0x38;
	[tilespmem:$0x17000] =	vst v63  }
0x1c: {  	_ =	swait.ge [sflag:s9], $0x2800  }
0x1d: {  	[sflag:s9] =	ssyncset.done $0x0  }
0x1e: {  	s5 =	simm.s32 $0x2800;
	s17 =	rddreg [dreg:$0xb];
	[sflag:s9] =	ssyncadd.s32 $0xFFFFD800  }
0x1f: {  	[tilespmem:s5], [sflag:$0x11] =	stream.linear.gather [hbm4b:s17+s2], $0x2800, $0x38;
	[tilespmem:$0x17000] =	vst v63  }
0x20: {  	_ =	swait.ge [sflag:s9], $0x2800  }
0x21: {  	[sflag:s9] =	ssyncset.done $0x0  }
0x22: {  	s21 =	rddreg [dreg:$0x8];
	[sflag:s9] =	ssyncadd.s32 $0xFFFFD800  }
0x23: {  	[spmem:s8], [sflag:s7] =	dma.local [hbm:s21], $0xA00  }
0x24: {  	_ =	swait.ge [sflag:s9], $0xA00  }
0x25: {  	[sflag:s9] =	ssyncset.done $0x0;
	s23 =	rddreg [dreg:$0x9]  }
0x26: {  	s24 =	rddreg [dreg:$0xe];
	[sflag:s9] =	ssyncadd.s32 $0xFFFFF600  }
0x27: {  	[spmem:s24@s16], [sflag:s7] =	dma.strided [hbm:s23@s6], $0xA00, s15, $0x4   }
0x28: {  	_ =	swait.ge [sflag:s9], $0xA00  }
0x29: {  	[sflag:s9] =	ssyncset.done $0x0  }
0x2a: {  	[sflag:s9] =	ssyncadd.s32 $0xFFFFF600  }
0x2b: {  	[bflag:$0x0] =	sbarrier.arrive $0xFFFF  }
0x2c: {  	[tilespmem:s19], [sflag:$0x1] =	stream.indirect.gather [spmem:s3], $0x20, s2, s18, $0xb8;
	[tilespmem:$0x17000] =	vst v63  }
0x2d: {  	_ = 	snop  }
0x2e: {  	[tilespmem:s20], [sflag:$0x2] =	stream.indirect.gather [spmem:s3], $0x20, s18, s18, $0xb8;
	[tilespmem:$0x17000] =	vst v63  }
0x2f: {  	p0 =	por $0x1, $0x1;
	s5 =	simm.s32 $0x100  }
0x30: {  	[tilespmem:s22], [sflag:$0x3] =	stream.indirect.gather [spmem:s3], $0x20, s5, s18, $0xb8;
	[tilespmem:$0x17000] =	vst v63  }
0x31: {  	s6 =	simm.s32 $0x180;
	s2 =	simm.s32 @!p0 $0xD  }
0x32: {  	[tilespmem:s25], [sflag:$0x4] =	stream.indirect.gather [spmem:s3], $0x20, s6, s18, $0xb8;
	[tilespmem:$0x17000] =	vst v63  }
0x33: {  	_ =	swait.ge @!p0 [sflag:s2], $0x1000  }
0x34: {  	[sflag:s2] =	ssyncset.done @!p0 $0x0  }
0x35: {  	s8 =	simm.s32 $0x200;
	s7 =	rddreg [dreg:$0x5];
	[sflag:s2] =	ssyncadd.s32 @!p0 $0xFFFFF000  }
0x36: {  	[tilespmem:s7], [sflag:$0x5] =	stream.indirect.gather [spmem:s3], $0x20, s8, s18, $0xb8;
	[tilespmem:$0x17000] =	vst v63  }
0x37: {  	_ =	swait.ge [sflag:s15], $0x1000  }
0x38: {  	[sflag:s15] =	ssyncset.done $0x0  }
0x39: {  	s10 =	simm.s32 $0x2800;
	s4 =	simm.s32 @!p0 $0xE;
	[sflag:s15] =	ssyncadd.s32 $0xFFFFF000  }
0x3a: {  	[spmem:s1] =	stream.indirect.scatter.add.f32 [tilespmem:s19], [sflag:$0x9], $0x20, s10, s18, $0xb8;
	[tilespmem:$0x17000] =	vst v63  }
0x3b: {  	_ =	swait.ge @!p0 [sflag:s4], $0x1000  }
0x3c: {  	[sflag:s4] =	ssyncset.done @!p0 $0x0  }
0x3d: {  	s11 =	simm.s32 $0x280;
	[sflag:s4] =	ssyncadd.s32 @!p0 $0xFFFFF000  }
0x3e: {  	[tilespmem:s26], [sflag:$0x6] =	stream.indirect.gather [spmem:s3], $0x20, s11, s18, $0xb8;
	[tilespmem:$0x17000] =	vst v63  }
0x3f: {  	_ =	swait.ge [sflag:s28], $0x1000  }
0x40: {  	[sflag:s28] =	ssyncset.done $0x0  }
0x41: {  	s12 =	simm.s32 $0x2880;
	s4 =	simm.s32 @!p0 $0xF;
	[sflag:s28] =	ssyncadd.s32 $0xFFFFF000  }
0x42: {  	[spmem:s1] =	stream.indirect.scatter.add.f32 [tilespmem:s20], [sflag:$0xA], $0x20, s12, s18, $0xb8;
	[tilespmem:$0x17000] =	vst v63  }
0x43: {  	_ =	swait.ge @!p0 [sflag:s4], $0x1000  }
0x44: {  	[sflag:s4] =	ssyncset.done @!p0 $0x0  }
0x45: {  	s14 =	simm.s32 $0x300;
	s13 =	rddreg [dreg:$0x6];
	[sflag:s4] =	ssyncadd.s32 @!p0 $0xFFFFF000  }
0x46: {  	[tilespmem:s13], [sflag:$0x7] =	stream.indirect.gather [spmem:s3], $0x20, s14, s18, $0xb8;
	[tilespmem:$0x17000] =	vst v63  }
0x47: {  	_ =	swait.ge [sflag:s29], $0x1000  }
0x48: {  	[sflag:s29] =	ssyncset.done $0x0  }
0x49: {  	s17 =	simm.s32 $0x2900;
	s4 =	simm.s32 @!p0 $0x10;
	[sflag:s29] =	ssyncadd.s32 $0xFFFFF000  }
0x4a: {  	[spmem:s1] =	stream.indirect.scatter.add.f32 [tilespmem:s22], [sflag:$0xB], $0x20, s17, s18, $0xb8;
	[tilespmem:$0x17000] =	vst v63  }
0x4b: {  	_ =	swait.ge @!p0 [sflag:s4], $0x1000  }
0x4c: {  	[sflag:s4] =	ssyncset.done @!p0 $0x0  }
0x4d: {  	s21 =	simm.s32 $0x380;
	[sflag:s4] =	ssyncadd.s32 @!p0 $0xFFFFF000  }
0x4e: {  	[tilespmem:s30], [sflag:$0x8] =	stream.indirect.gather [spmem:s3], $0x20, s21, s18, $0xb8;
	[tilespmem:$0x17000] =	vst v63  }
0x4f: {  	_ =	swait.ge [sflag:s16], $0x1000  }
0x50: {  	p0 =	por $0x0, $0x0;
	[sflag:s16] =	ssyncset.done $0x0  }
0x51: {  	s23 =	simm.s32 $0x2980;
	s4 =	simm.s32 @p0 $0x5;
	[sflag:s16] =	ssyncadd.s32 $0xFFFFF000  }
0x52: {  	[spmem:s1] =	stream.indirect.scatter.add.f32 [tilespmem:s25], [sflag:$0xC], $0x20, s23, s18, $0xb8;
	[tilespmem:$0x17000] =	vst v63  }
0x53: {  	_ =	swait.ge @p0 [sflag:s4], $0x1000  }
0x54: {  	s2 =	simm.s32 @p0 $0x2A00;
	s10 =	simm.s32 @p0 $0x80;
	[sflag:s4] =	ssyncset.done @p0 $0x0  }
0x55: {  	s11 =	simm.s32 @p0 $0x9000;
	[sflag:s4] =	ssyncadd.s32 @p0 $0xFFFFF000;
	s4 =	simm.s32 @!p0 $0x9  }
0x56: {  	[spmem:s1] =	stream.indirect.scatter.add.f32 @p0 [tilespmem:s11], [sflag:$0xD], $0x20, s2, s10, $0xb8;
	[tilespmem:$0x17000] =	vst v63  }
0x57: {  	_ =	swait.ge @!p0 [sflag:s4], $0x1000  }
0x58: {  	s2 =	simm.s32 @!p0 $0x400;
	[sflag:s4] =	ssyncset.done @!p0 $0x0  }
0x59: {  	s11 =	simm.s32 @!p0 $0x80;
	[sflag:s4] =	ssyncadd.s32 @!p0 $0xFFFFF000;
	s4 =	simm.s32 @!p0 $0x5000  }
0x5a: {  	[tilespmem:s4], [sflag:$0x1] =	stream.indirect.gather @!p0 [spmem:s3], $0x20, s2, s11, $0xb8;
	[tilespmem:$0x17000] =	vst v63  }
0x5b: {  	s2 =	simm.s32 @!p0 $0x5  }
0x5c: {  	_ =	swait.ge @!p0 [sflag:s2], $0x1000  }
0x5d: {  	[sflag:s2] =	ssyncset.done @!p0 $0x0  }
0x5e: {  	s4 =	simm.s32 @!p0 $0x2A00;
	[sflag:s2] =	ssyncadd.s32 @!p0 $0xFFFFF000;
	s2 =	simm.s32 @!p0 $0x9000  }
0x5f: {  	[spmem:s1] =	stream.indirect.scatter.add.f32 @!p0 [tilespmem:s2], [sflag:$0xD], $0x20, s4, s11, $0xb8;
	[tilespmem:$0x17000] =	vst v63  }
0x60: {  	s2 =	simm.s32 @!p0 $0xA  }
0x61: {  	_ =	swait.ge @!p0 [sflag:s2], $0x1000  }
0x62: {  	[sflag:s2] =	ssyncset.done @!p0 $0x0  }
0x63: {  	s4 =	simm.s32 @!p0 $0x480;
	[sflag:s2] =	ssyncadd.s32 @!p0 $0xFFFFF000;
	s2 =	simm.s32 @!p0 $0x6000  }
0x64: {  	[tilespmem:s2], [sflag:$0x2] =	stream.indirect.gather @!p0 [spmem:s3], $0x20, s4, s11, $0xb8;
	[tilespmem:$0x17000] =	vst v63  }
0x65: {  	_ =	swait.ge [sflag:s31], $0x1000  }
0x66: {  	[sflag:s31] =	ssyncset.done $0x0  }
0x67: {  	s24 =	simm.s32 $0x2A80;
	s4 =	simm.s32 @p0 $0x7;
	[sflag:s31] =	ssyncadd.s32 $0xFFFFF000  }
0x68: {  	[spmem:s1] =	stream.indirect.scatter.add.f32 [tilespmem:s26], [sflag:$0xE], $0x20, s24, s18, $0xb8;
	[tilespmem:$0x17000] =	vst v63  }
0x69: {  	_ =	swait.ge @p0 [sflag:s4], $0x1000  }
0x6a: {  	[sflag:s4] =	ssyncset.done @p0 $0x0  }
0x6b: {  	s2 =	simm.s32 @p0 $0x2B00;
	[sflag:s4] =	ssyncadd.s32 @p0 $0xFFFFF000;
	s4 =	simm.s32 @p0 $0xB000  }
0x6c: {  	[spmem:s1] =	stream.indirect.scatter.add.f32 @p0 [tilespmem:s4], [sflag:$0xF], $0x20, s2, s10, $0xb8;
	[tilespmem:$0x17000] =	vst v63  }
0x6d: {  	s2 =	simm.s32 @!p0 $0xB  }
0x6e: {  	_ =	swait.ge @!p0 [sflag:s2], $0x1000  }
0x6f: {  	[sflag:s2] =	ssyncset.done @!p0 $0x0  }
0x70: {  	s4 =	simm.s32 @!p0 $0x500;
	[sflag:s2] =	ssyncadd.s32 @!p0 $0xFFFFF000;
	s2 =	simm.s32 @!p0 $0x7000  }
0x71: {  	[tilespmem:s2], [sflag:$0x3] =	stream.indirect.gather @!p0 [spmem:s3], $0x20, s4, s11, $0xb8;
	[tilespmem:$0x17000] =	vst v63  }
0x72: {  	s2 =	simm.s32 @!p0 $0x7  }
0x73: {  	_ =	swait.ge @!p0 [sflag:s2], $0x1000  }
0x74: {  	[sflag:s2] =	ssyncset.done @!p0 $0x0  }
0x75: {  	s4 =	simm.s32 @!p0 $0x2B00;
	[sflag:s2] =	ssyncadd.s32 @!p0 $0xFFFFF000;
	s2 =	simm.s32 @!p0 $0xB000  }
0x76: {  	[spmem:s1] =	stream.indirect.scatter.add.f32 @!p0 [tilespmem:s2], [sflag:$0xF], $0x20, s4, s11, $0xb8;
	[tilespmem:$0x17000] =	vst v63  }
0x77: {  	s2 =	simm.s32 @!p0 $0xC  }
0x78: {  	_ =	swait.ge @!p0 [sflag:s2], $0x1000  }
0x79: {  	p1 =	por $0x0, $0x0;
	s14 =	simm.s32 $0x2000;
	[sflag:s2] =	ssyncset.done @!p0 $0x0  }
0x7a: {  	s4 =	simm.s32 @!p0 $0x580;
	[sflag:s2] =	ssyncadd.s32 @!p0 $0xFFFFF000;
	s2 =	simm.s32 @!p0 $0x8000  }
0x7b: {  	[tilespmem:s2], [sflag:$0x4] =	stream.indirect.gather @!p0 [spmem:s3], $0x20, s4, s11, $0xb8;
	[tilespmem:$0x17000] =	vst v63  }
0x7c: {  	s24 =	simm.s32 $0x2B80;
	s10 =	simm.s32 $0x1000;
	_ =	swait.ge [sflag:s0], $0x1000  }
.LBB2_2:
0x7d: {  	[sflag:s0] =	ssyncset.done $0x0  }
0x7e: {  	s11 =	simm.s32 @!p1 $0xD;
	[sflag:s0] =	ssyncadd.s32 $0xFFFFF000  }
0x7f: {  	[spmem:s1] =	stream.indirect.scatter.add.f32 [tilespmem:s30], [sflag:$0x10], $0x20, s24, s18, $0xb8;
	[tilespmem:$0x17000] =	vst v63  }
0x80: {  	_ =	swait.ge @!p1 [sflag:s11], $0x1000  }
0x81: {  	s4 =	sshra.s32 s10, $0x2;
	[sflag:s11] =	ssyncset.done @!p1 $0x0  }
0x82: {  	s12 =	sadd.s32 $0x200, s4;
	s21 =	rddreg [dreg:$0x5];
	[sflag:s11] =	ssyncadd.s32 @!p1 $0xFFFFF000  }
0x83: {  	[tilespmem:s21], [sflag:$0x5] =	stream.indirect.gather [spmem:s3], $0x20, s12, s18, $0xb8;
	[tilespmem:$0x17000] =	vst v63  }
0x84: {  	_ =	swait.ge [sflag:s15], $0x1000  }
0x85: {  	[sflag:s15] =	ssyncset.done $0x0  }
0x86: {  	s13 =	sadd.s32 $0x2800, s4;
	s21 =	simm.s32 @!p1 $0xE;
	[sflag:s15] =	ssyncadd.s32 $0xFFFFF000  }
0x87: {  	[spmem:s1] =	stream.indirect.scatter.add.f32 [tilespmem:s19], [sflag:$0x9], $0x20, s13, s18, $0xb8;
	[tilespmem:$0x17000] =	vst v63  }
0x88: {  	_ =	swait.ge @!p1 [sflag:s21], $0x1000  }
0x89: {  	[sflag:s21] =	ssyncset.done @!p1 $0x0  }
0x8a: {  	s17 =	sadd.s32 $0x280, s4;
	[sflag:s21] =	ssyncadd.s32 @!p1 $0xFFFFF000  }
0x8b: {  	[tilespmem:s26], [sflag:$0x6] =	stream.indirect.gather [spmem:s3], $0x20, s17, s18, $0xb8;
	[tilespmem:$0x17000] =	vst v63  }
0x8c: {  	_ =	swait.ge [sflag:s28], $0x1000  }
0x8d: {  	[sflag:s28] =	ssyncset.done $0x0  }
0x8e: {  	s23 =	sadd.s32 $0x2880, s4;
	s21 =	simm.s32 @!p1 $0xF;
	[sflag:s28] =	ssyncadd.s32 $0xFFFFF000  }
0x8f: {  	[spmem:s1] =	stream.indirect.scatter.add.f32 [tilespmem:s20], [sflag:$0xA], $0x20, s23, s18, $0xb8;
	[tilespmem:$0x17000] =	vst v63  }
0x90: {  	_ =	swait.ge @!p1 [sflag:s21], $0x1000  }
0x91: {  	[sflag:s21] =	ssyncset.done @!p1 $0x0  }
0x92: {  	s6 =	sadd.s32 $0x300, s4;
	s5 =	rddreg [dreg:$0x6];
	[sflag:s21] =	ssyncadd.s32 @!p1 $0xFFFFF000  }
0x93: {  	[tilespmem:s5], [sflag:$0x7] =	stream.indirect.gather [spmem:s3], $0x20, s6, s18, $0xb8;
	[tilespmem:$0x17000] =	vst v63  }
0x94: {  	_ =	swait.ge [sflag:s29], $0x1000  }
0x95: {  	[sflag:s29] =	ssyncset.done $0x0  }
0x96: {  	s7 =	sadd.s32 $0x2900, s4;
	s21 =	simm.s32 @!p1 $0x10;
	[sflag:s29] =	ssyncadd.s32 $0xFFFFF000  }
0x97: {  	[spmem:s1] =	stream.indirect.scatter.add.f32 [tilespmem:s22], [sflag:$0xB], $0x20, s7, s18, $0xb8;
	[tilespmem:$0x17000] =	vst v63  }
0x98: {  	_ =	swait.ge @!p1 [sflag:s21], $0x1000  }
0x99: {  	[sflag:s21] =	ssyncset.done @!p1 $0x0  }
0x9a: {  	s8 =	sadd.s32 $0x380, s4;
	[sflag:s21] =	ssyncadd.s32 @!p1 $0xFFFFF000  }
0x9b: {  	[tilespmem:s30], [sflag:$0x8] =	stream.indirect.gather [spmem:s3], $0x20, s8, s18, $0xb8;
	[tilespmem:$0x17000] =	vst v63  }
0x9c: {  	_ =	swait.ge [sflag:s16], $0x1000  }
0x9d: {  	p1 =	seq.s32 s10, $0x9000;
	[sflag:s16] =	ssyncset.done $0x0  }
0x9e: {  	s12 =	sadd.s32 $0x2980, s4;
	s23 =	simm.s32 @p1 $0x5;
	[sflag:s16] =	ssyncadd.s32 $0xFFFFF000  }
0x9f: {  	[spmem:s1] =	stream.indirect.scatter.add.f32 [tilespmem:s25], [sflag:$0xC], $0x20, s12, s18, $0xb8;
	[tilespmem:$0x17000] =	vst v63  }
0xa0: {  	s5 =	sshra.s32 @p1 s10, $0x2;
	_ =	swait.ge @p1 [sflag:s23], $0x1000  }
0xa1: {  	s21 =	simm.s32 @p1 $0x80;
	s6 =	simm.s32 @p1 $0x9000;
	[sflag:s23] =	ssyncset.done @p1 $0x0  }
0xa2: {  	s11 =	sadd.s32 @p1 $0x2A00, s5;
	[sflag:s23] =	ssyncadd.s32 @p1 $0xFFFFF000;
	s23 =	simm.s32 @!p1 $0x9  }
0xa3: {  	[spmem:s1] =	stream.indirect.scatter.add.f32 @p1 [tilespmem:s6], [sflag:$0xD], $0x20, s11, s21, $0xb8;
	[tilespmem:$0x17000] =	vst v63  }
0xa4: {  	s10 =	sshra.s32 @!p1 s10, $0x2;
	_ =	swait.ge @!p1 [sflag:s23], $0x1000  }
0xa5: {  	s17 =	simm.s32 @!p1 $0x5000;
	s7 =	sadd.s32 @!p1 $0x400, s10;
	[sflag:s23] =	ssyncset.done @!p1 $0x0  }
0xa6: {  	s12 =	simm.s32 @!p1 $0x5;
	s11 =	simm.s32 @!p1 $0x80;
	[sflag:s23] =	ssyncadd.s32 @!p1 $0xFFFFF000  }
0xa7: {  	[tilespmem:s17], [sflag:$0x1] =	stream.indirect.gather @!p1 [spmem:s3], $0x20, s7, s11, $0xb8;
	[tilespmem:$0x17000] =	vst v63  }
0xa8: {  	_ =	swait.ge @!p1 [sflag:s12], $0x1000  }
0xa9: {  	s2 =	smov.u32 s14;
	s8 =	simm.s32 @!p1 $0x9000;
	[sflag:s12] =	ssyncset.done @!p1 $0x0  }
0xaa: {  	s6 =	sadd.s32 @!p1 $0x2A00, s10;
	[sflag:s12] =	ssyncadd.s32 @!p1 $0xFFFFF000;
	s12 =	simm.s32 @!p1 $0xA  }
0xab: {  	[spmem:s1] =	stream.indirect.scatter.add.f32 @!p1 [tilespmem:s8], [sflag:$0xD], $0x20, s6, s11, $0xb8;
	[tilespmem:$0x17000] =	vst v63  }
0xac: {  	s13 =	sadd.s32 @!p1 $0x480, s10;
	s23 =	sadd.s32 @!p1 $0x580, s10;
	_ =	swait.ge @!p1 [sflag:s12], $0x1000  }
0xad: {  	s7 =	sadd.s32 @!p1 $0x500, s10;
	s17 =	sadd.s32 @!p1 $0x2B00, s10;
	[sflag:s12] =	ssyncset.done @!p1 $0x0  }
0xae: {  	s10 =	smov.u32 s2;
	s2 =	simm.s32 @!p1 $0x6000;
	[sflag:s12] =	ssyncadd.s32 @!p1 $0xFFFFF000  }
0xaf: {  	[tilespmem:s2], [sflag:$0x2] =	stream.indirect.gather @!p1 [spmem:s3], $0x20, s13, s11, $0xb8;
	[tilespmem:$0x17000] =	vst v63  }
0xb0: {  	_ =	swait.ge [sflag:s31], $0x1000  }
0xb1: {  	s24 =	sadd.s32 $0x2B80, s4;
	[sflag:s31] =	ssyncset.done $0x0  }
0xb2: {  	s13 =	sadd.s32 $0x2A80, s4;
	s4 =	simm.s32 @p1 $0x7;
	[sflag:s31] =	ssyncadd.s32 $0xFFFFF000  }
0xb3: {  	[spmem:s1] =	stream.indirect.scatter.add.f32 [tilespmem:s26], [sflag:$0xE], $0x20, s13, s18, $0xb8;
	[tilespmem:$0x17000] =	vst v63  }
0xb4: {  	_ =	swait.ge @p1 [sflag:s4], $0x1000  }
0xb5: {  	s5 =	sadd.s32 @p1 $0x2B00, s5;
	[sflag:s4] =	ssyncset.done @p1 $0x0  }
0xb6: {  	s2 =	simm.s32 @p1 $0xB000;
	[sflag:s4] =	ssyncadd.s32 @p1 $0xFFFFF000;
	s4 =	simm.s32 @!p1 $0xB  }
0xb7: {  	[spmem:s1] =	stream.indirect.scatter.add.f32 @p1 [tilespmem:s2], [sflag:$0xF], $0x20, s5, s21, $0xb8;
	[tilespmem:$0x17000] =	vst v63  }
0xb8: {  	_ =	swait.ge @!p1 [sflag:s4], $0x1000  }
0xb9: {  	[sflag:s4] =	ssyncset.done @!p1 $0x0  }
0xba: {  	s2 =	simm.s32 @!p1 $0x7000;
	[sflag:s4] =	ssyncadd.s32 @!p1 $0xFFFFF000;
	s4 =	simm.s32 @!p1 $0x7  }
0xbb: {  	[tilespmem:s2], [sflag:$0x3] =	stream.indirect.gather @!p1 [spmem:s3], $0x20, s7, s11, $0xb8;
	[tilespmem:$0x17000] =	vst v63  }
0xbc: {  	s14 =	sadd.s32 $0x1000, s14;
	_ =	swait.ge @!p1 [sflag:s4], $0x1000  }
0xbd: {  	p0 =	sne.s32 s14, $0xA000;
	[sflag:s4] =	ssyncset.done @!p1 $0x0  }
0xbe: {  	s2 =	simm.s32 @!p1 $0xB000;
	[sflag:s4] =	ssyncadd.s32 @!p1 $0xFFFFF000;
	s4 =	simm.s32 @!p1 $0xC  }
0xbf: {  	[spmem:s1] =	stream.indirect.scatter.add.f32 @!p1 [tilespmem:s2], [sflag:$0xF], $0x20, s17, s11, $0xb8;
	[tilespmem:$0x17000] =	vst v63  }
.Ltmp0:
0xc0: {  	_ =	swait.ge @!p1 [sflag:s4], $0x1000;
	(pc) =	sbr.rel @p0 .LBB2_2-.Ltmp0, $4  }
0xc1: {  	[sflag:s4] =	ssyncset.done @!p1 $0x0  }
0xc2: {  	s2 =	simm.s32 @!p1 $0x8000;
	[sflag:s4] =	ssyncadd.s32 @!p1 $0xFFFFF000  }
0xc3: {  	[tilespmem:s2], [sflag:$0x4] =	stream.indirect.gather @!p1 [spmem:s3], $0x20, s23, s11, $0xb8;
	[tilespmem:$0x17000] =	vst v63  }
0xc4: {  	p1 =	seq.s32 s10, $0x0;
	_ =	swait.ge [sflag:s0], $0x1000  }
0xc5: {  	[sflag:s0] =	ssyncset.done $0x0  }
0xc6: {  	s4 =	simm.s32 @!p1 $0xD;
	[sflag:s0] =	ssyncadd.s32 $0xFFFFF000  }
0xc7: {  	[spmem:s1] =	stream.indirect.scatter.add.f32 [tilespmem:s30], [sflag:$0x10], $0x20, s24, s18, $0xb8;
	[tilespmem:$0x17000] =	vst v63  }
0xc8: {  	_ =	swait.ge @!p1 [sflag:s4], $0x1000  }
0xc9: {  	s2 =	sshra.s32 s10, $0x2;
	[sflag:s4] =	ssyncset.done @!p1 $0x0  }
0xca: {  	s7 =	sadd.s32 $0x200, s2;
	s5 =	rddreg [dreg:$0x5];
	[sflag:s4] =	ssyncadd.s32 @!p1 $0xFFFFF000  }
0xcb: {  	[tilespmem:s5], [sflag:$0x5] =	stream.indirect.gather [spmem:s3], $0x20, s7, s18, $0xb8;
	[tilespmem:$0x17000] =	vst v63  }
0xcc: {  	_ =	swait.ge [sflag:s15], $0x1000  }
0xcd: {  	[sflag:s15] =	ssyncset.done $0x0  }
0xce: {  	s8 =	sadd.s32 $0x2800, s2;
	s5 =	simm.s32 @!p1 $0xE;
	[sflag:s15] =	ssyncadd.s32 $0xFFFFF000  }
0xcf: {  	[spmem:s1] =	stream.indirect.scatter.add.f32 [tilespmem:s19], [sflag:$0x9], $0x20, s8, s18, $0xb8;
	[tilespmem:$0x17000] =	vst v63  }
0xd0: {  	_ =	swait.ge @!p1 [sflag:s5], $0x1000  }
0xd1: {  	[sflag:s5] =	ssyncset.done @!p1 $0x0  }
0xd2: {  	s11 =	sadd.s32 $0x280, s2;
	[sflag:s5] =	ssyncadd.s32 @!p1 $0xFFFFF000  }
0xd3: {  	[tilespmem:s26], [sflag:$0x6] =	stream.indirect.gather [spmem:s3], $0x20, s11, s18, $0xb8;
	[tilespmem:$0x17000] =	vst v63  }
0xd4: {  	_ =	swait.ge [sflag:s28], $0x1000  }
0xd5: {  	[sflag:s28] =	ssyncset.done $0x0  }
0xd6: {  	s12 =	sadd.s32 $0x2880, s2;
	s5 =	simm.s32 @!p1 $0xF;
	[sflag:s28] =	ssyncadd.s32 $0xFFFFF000  }
0xd7: {  	[spmem:s1] =	stream.indirect.scatter.add.f32 [tilespmem:s20], [sflag:$0xA], $0x20, s12, s18, $0xb8;
	[tilespmem:$0x17000] =	vst v63  }
0xd8: {  	_ =	swait.ge @!p1 [sflag:s5], $0x1000  }
0xd9: {  	[sflag:s5] =	ssyncset.done @!p1 $0x0  }
0xda: {  	s14 =	sadd.s32 $0x300, s2;
	s13 =	rddreg [dreg:$0x6];
	[sflag:s5] =	ssyncadd.s32 @!p1 $0xFFFFF000  }
0xdb: {  	[tilespmem:s13], [sflag:$0x7] =	stream.indirect.gather [spmem:s3], $0x20, s14, s18, $0xb8;
	[tilespmem:$0x17000] =	vst v63  }
0xdc: {  	_ =	swait.ge [sflag:s29], $0x1000  }
0xdd: {  	[sflag:s29] =	ssyncset.done $0x0  }
0xde: {  	s17 =	sadd.s32 $0x2900, s2;
	s5 =	simm.s32 @!p1 $0x10;
	[sflag:s29] =	ssyncadd.s32 $0xFFFFF000  }
0xdf: {  	[spmem:s1] =	stream.indirect.scatter.add.f32 [tilespmem:s22], [sflag:$0xB], $0x20, s17, s18, $0xb8;
	[tilespmem:$0x17000] =	vst v63  }
0xe0: {  	_ =	swait.ge @!p1 [sflag:s5], $0x1000  }
0xe1: {  	[sflag:s5] =	ssyncset.done @!p1 $0x0  }
0xe2: {  	s21 =	sadd.s32 $0x380, s2;
	[sflag:s5] =	ssyncadd.s32 @!p1 $0xFFFFF000  }
0xe3: {  	[tilespmem:s30], [sflag:$0x8] =	stream.indirect.gather [spmem:s3], $0x20, s21, s18, $0xb8;
	[tilespmem:$0x17000] =	vst v63  }
0xe4: {  	_ =	swait.ge [sflag:s16], $0x1000  }
0xe5: {  	p0 =	seq.s32 s10, $0x9000;
	[sflag:s16] =	ssyncset.done $0x0  }
0xe6: {  	s23 =	sadd.s32 $0x2980, s2;
	s5 =	simm.s32 @p0 $0x5;
	[sflag:s16] =	ssyncadd.s32 $0xFFFFF000  }
0xe7: {  	[spmem:s1] =	stream.indirect.scatter.add.f32 [tilespmem:s25], [sflag:$0xC], $0x20, s23, s18, $0xb8;
	[tilespmem:$0x17000] =	vst v63  }
0xe8: {  	s4 =	sshra.s32 @p0 s10, $0x2;
	_ =	swait.ge @p0 [sflag:s5], $0x1000  }
0xe9: {  	s6 =	sadd.s32 @p0 $0x2A00, s4;
	s7 =	simm.s32 @p0 $0x80;
	[sflag:s5] =	ssyncset.done @p0 $0x0  }
0xea: {  	s8 =	simm.s32 @p0 $0x9000;
	[sflag:s5] =	ssyncadd.s32 @p0 $0xFFFFF000;
	s5 =	simm.s32 @!p0 $0x9  }
0xeb: {  	[spmem:s1] =	stream.indirect.scatter.add.f32 @p0 [tilespmem:s8], [sflag:$0xD], $0x20, s6, s7, $0xb8;
	[tilespmem:$0x17000] =	vst v63  }
0xec: {  	_ =	swait.ge @!p0 [sflag:s5], $0x1000  }
0xed: {  	s6 =	sshra.s32 @!p0 s10, $0x2;
	s10 =	simm.s32 @!p0 $0x80;
	[sflag:s5] =	ssyncset.done @!p0 $0x0  }
0xee: {  	s8 =	sadd.s32 @!p0 $0x400, s6;
	[sflag:s5] =	ssyncadd.s32 @!p0 $0xFFFFF000;
	s5 =	simm.s32 @!p0 $0x5000  }
0xef: {  	[tilespmem:s5], [sflag:$0x1] =	stream.indirect.gather @!p0 [spmem:s3], $0x20, s8, s10, $0xb8;
	[tilespmem:$0x17000] =	vst v63  }
0xf0: {  	s5 =	simm.s32 @!p0 $0x5  }
0xf1: {  	_ =	swait.ge @!p0 [sflag:s5], $0x1000  }
0xf2: {  	[sflag:s5] =	ssyncset.done @!p0 $0x0  }
0xf3: {  	s8 =	sadd.s32 @!p0 $0x2A00, s6;
	[sflag:s5] =	ssyncadd.s32 @!p0 $0xFFFFF000;
	s5 =	simm.s32 @!p0 $0x9000  }
0xf4: {  	[spmem:s1] =	stream.indirect.scatter.add.f32 @!p0 [tilespmem:s5], [sflag:$0xD], $0x20, s8, s10, $0xb8;
	[tilespmem:$0x17000] =	vst v63  }
0xf5: {  	s5 =	simm.s32 @!p0 $0xA  }
0xf6: {  	_ =	swait.ge @!p0 [sflag:s5], $0x1000  }
0xf7: {  	[sflag:s5] =	ssyncset.done @!p0 $0x0  }
0xf8: {  	s8 =	sadd.s32 @!p0 $0x480, s6;
	[sflag:s5] =	ssyncadd.s32 @!p0 $0xFFFFF000;
	s5 =	simm.s32 @!p0 $0x6000  }
0xf9: {  	[tilespmem:s5], [sflag:$0x2] =	stream.indirect.gather @!p0 [spmem:s3], $0x20, s8, s10, $0xb8;
	[tilespmem:$0x17000] =	vst v63  }
0xfa: {  	_ =	swait.ge [sflag:s31], $0x1000  }
0xfb: {  	[sflag:s31] =	ssyncset.done $0x0  }
0xfc: {  	s24 =	sadd.s32 $0x2A80, s2;
	s5 =	simm.s32 @p0 $0x7;
	[sflag:s31] =	ssyncadd.s32 $0xFFFFF000  }
0xfd: {  	[spmem:s1] =	stream.indirect.scatter.add.f32 [tilespmem:s26], [sflag:$0xE], $0x20, s24, s18, $0xb8;
	[tilespmem:$0x17000] =	vst v63  }
0xfe: {  	_ =	swait.ge @p0 [sflag:s5], $0x1000  }
0xff: {  	[sflag:s5] =	ssyncset.done @p0 $0x0  }
0x100: {  	s4 =	sadd.s32 @p0 $0x2B00, s4;
	[sflag:s5] =	ssyncadd.s32 @p0 $0xFFFFF000;
	s5 =	simm.s32 @p0 $0xB000  }
0x101: {  	[spmem:s1] =	stream.indirect.scatter.add.f32 @p0 [tilespmem:s5], [sflag:$0xF], $0x20, s4, s7, $0xb8;
	[tilespmem:$0x17000] =	vst v63  }
0x102: {  	s4 =	simm.s32 @!p0 $0xB  }
0x103: {  	_ =	swait.ge @!p0 [sflag:s4], $0x1000  }
0x104: {  	[sflag:s4] =	ssyncset.done @!p0 $0x0  }
0x105: {  	s5 =	sadd.s32 @!p0 $0x500, s6;
	[sflag:s4] =	ssyncadd.s32 @!p0 $0xFFFFF000;
	s4 =	simm.s32 @!p0 $0x7000  }
0x106: {  	[tilespmem:s4], [sflag:$0x3] =	stream.indirect.gather @!p0 [spmem:s3], $0x20, s5, s10, $0xb8;
	[tilespmem:$0x17000] =	vst v63  }
0x107: {  	s4 =	simm.s32 @!p0 $0x7  }
0x108: {  	_ =	swait.ge @!p0 [sflag:s4], $0x1000  }
0x109: {  	[sflag:s4] =	ssyncset.done @!p0 $0x0  }
0x10a: {  	s5 =	sadd.s32 @!p0 $0x2B00, s6;
	[sflag:s4] =	ssyncadd.s32 @!p0 $0xFFFFF000;
	s4 =	simm.s32 @!p0 $0xB000  }
0x10b: {  	[spmem:s1] =	stream.indirect.scatter.add.f32 @!p0 [tilespmem:s4], [sflag:$0xF], $0x20, s5, s10, $0xb8;
	[tilespmem:$0x17000] =	vst v63  }
0x10c: {  	s4 =	simm.s32 @!p0 $0xC  }
0x10d: {  	_ =	swait.ge @!p0 [sflag:s4], $0x1000  }
0x10e: {  	[sflag:s4] =	ssyncset.done @!p0 $0x0  }
0x10f: {  	s5 =	sadd.s32 @!p0 $0x580, s6;
	[sflag:s4] =	ssyncadd.s32 @!p0 $0xFFFFF000;
	s4 =	simm.s32 @!p0 $0x8000  }
0x110: {  	[tilespmem:s4], [sflag:$0x4] =	stream.indirect.gather @!p0 [spmem:s3], $0x20, s5, s10, $0xb8;
	[tilespmem:$0x17000] =	vst v63  }
0x111: {  	_ =	swait.ge [sflag:s0], $0x1000  }
0x112: {  	[sflag:s0] =	ssyncset.done $0x0  }
0x113: {  	s2 =	sadd.s32 $0x2B80, s2;
	s8 =	simm.s32 $0x9;
	[sflag:s0] =	ssyncadd.s32 $0xFFFFF000  }
0x114: {  	[spmem:s1] =	stream.indirect.scatter.add.f32 [tilespmem:s30], [sflag:$0x10], $0x20, s2, s18, $0xb8;
	[tilespmem:$0x17000] =	vst v63  }
0x115: {  	_ =	swait.ge [sflag:s8], $0x1000  }
0x116: {  	[sflag:s8] =	ssyncset.done $0x0  }
0x117: {  	s10 =	simm.s32 $0xA;
	[sflag:s8] =	ssyncadd.s32 $0xFFFFF000  }
0x118: {  	_ =	swait.ge [sflag:s10], $0x1000  }
0x119: {  	[sflag:s10] =	ssyncset.done $0x0  }
0x11a: {  	s11 =	simm.s32 $0xB;
	[sflag:s10] =	ssyncadd.s32 $0xFFFFF000  }
0x11b: {  	_ =	swait.ge [sflag:s11], $0x1000  }
0x11c: {  	[sflag:s11] =	ssyncset.done $0x0  }
0x11d: {  	s12 =	simm.s32 $0xC;
	[sflag:s11] =	ssyncadd.s32 $0xFFFFF000  }
0x11e: {  	_ =	swait.ge [sflag:s12], $0x1000  }
0x11f: {  	[sflag:s12] =	ssyncset.done $0x0  }
0x120: {  	s13 =	simm.s32 $0xD;
	[sflag:s12] =	ssyncadd.s32 $0xFFFFF000  }
0x121: {  	_ =	swait.ge [sflag:s13], $0x1000  }
0x122: {  	[sflag:s13] =	ssyncset.done $0x0  }
0x123: {  	s14 =	simm.s32 $0xE;
	[sflag:s13] =	ssyncadd.s32 $0xFFFFF000  }
0x124: {  	_ =	swait.ge [sflag:s14], $0x1000  }
0x125: {  	[sflag:s14] =	ssyncset.done $0x0  }
0x126: {  	s17 =	simm.s32 $0xF;
	[sflag:s14] =	ssyncadd.s32 $0xFFFFF000  }
0x127: {  	_ =	swait.ge [sflag:s17], $0x1000  }
0x128: {  	[sflag:s17] =	ssyncset.done $0x0  }
0x129: {  	s6 =	simm.s32 $0x10;
	[sflag:s17] =	ssyncadd.s32 $0xFFFFF000  }
0x12a: {  	_ =	swait.ge [sflag:s6], $0x1000  }
0x12b: {  	[sflag:s6] =	ssyncset.done $0x0  }
0x12c: {  	[sflag:s6] =	ssyncadd.s32 $0xFFFFF000  }
0x12d: {  	[bflag:$0x0] =	sbarrier.arrive $0xFFFF  }
0x12e: {  	s7 =	rddreg [dreg:$0xc]  }
0x12f: {  	s8 =	rddreg [dreg:$0xd]  }
0x130: {  	s21 =	rddreg [dreg:$0xf]  }
0x131: {  	[hbm:s21@s6], [sflag:s7] =	dma.strided [spmem:s8@s16], $0xA00, s15, $0x4   }
0x132: {  	_ =	swait.ge [sflag:s9], $0xA00  }
0x133: {  	s23 =	rddreg [dreg:$0x10]  }
0x134: {  	s24 =	rddreg [dreg:$0xa];
	s4 =	sadd.s32 $0x1, s23  }
0x135: {  	p0 =	sne.s32 s4, s24  }
.Ltmp1:
0x136: {  	_ = 	snop;
	(pc) =	sbr.rel @p0 .LBB2_1-.Ltmp1, $3  }
0x137: {  	_ =	sdelay $0x1  }
0x138: {  	[sflag:s9] =	ssyncset.done $0x0  }
0x139: {  	[sflag:s9] =	ssyncadd.s32 $0xFFFFF600  }
0x13a: {  	_ =	sfence.sel $0x180000  }
0x13b: {  	[bflag:$0x0] =	sbarrier.arrive $0xFFFF  }
0x13c: {  	_ =	strace $0x9000004D  }
0x13d: {  	s0 =	stileid.u32;
	[bflag:$0x2] =	sbarrier.arrive $0xFFFF  }
0x13e: {  	p0 =	sne.s32 s0, $0x0;
	s0 =	rddreg [dreg:$0x4]  }
0x13f: {  	s0 =	sadd.s32 @!p0 $0x100000, s0  }
0x140: {  	[sflag:s0] =	ssyncadd.tile.s32 @!p0 $0x1;
	_ =	shalt  }
.Lfunc_end2:
_tile_overlayer_lowered:
.L_overlay_start_2:
0x141: {  	(tag) =	ssettag $0x2  }
0x142: {  	s0 =	rddreg [dreg:$0x0];
	s2 =	stileid.u32  }
0x143: {  	s1 =	rddreg [dreg:$0x1];
	p0 =	sne.s32 s2, $0x0  }
0x144: {  	s3 =	rddreg [dreg:$0x2];
	[bflag:$0x3] =	sbarrier.arrive $0xFFFF;
	s2 =	simm.s32 @!p0 $0x1C11  }
0x145: {  	[timem:s3], [sflag:s2] =	dma.local @!p0 [hbm:s0], s1  }
0x146: {  	s0 =	simm.s32 @!p0 $0x11  }
0x147: {  	_ =	swait.ge @!p0 [sflag:s0], s1  }
0x148: {  	s1 =	ssub.s32 @!p0 $0x0, s1;
	[sflag:s0] =	ssyncset.done @!p0 $0x0  }
0x149: {  	[sflag:s0] =	ssyncadd.s32 @!p0 s1  }
0x14a: {  	[bflag:$0x3] =	sbarrier.arrive $0xFFFF  }
0x14b: {  	_ =	shalt  }

// kernel: kernel.20.cloned.1.call-start
scs
__scs_entry_jumppad:
0x0: {  	(pc) =	sbr.rel $0x88, $3  }
0x1: {  	(tag) =	ssettag $0x0;
	lr =	simm.s32 $0x1  }
0x2: {  	[smem:$0x3F99] =	sst lr;
	_ =	strace $0xD0000000  }
0x3: {  	_ = 	snop  }
0x4: {  	_ = 	snop  }
0x5: {  	_ = 	snop  }
0x6: {  	_ = 	snop  }
0x7: {  	_ = 	snop  }
__scs_overlays_trampoline_lowered:
0x8: {  	[smem:$0x3FA8] =	sst s0  }
0x9: {  	[smem:$0x3FA9] =	sst s1  }
0xa: {  	[smem:$0x3FAA] =	sst s2  }
0xb: {  	[smem:$0x3FAB] =	sst s3  }
0xc: {  	[smem:$0x3FAC] =	sst s4  }
0xd: {  	[smem:$0x3FAD] =	sst s5  }
0xe: {  	[smem:$0x3FAE] =	sst s6  }
0xf: {  	[smem:$0x3FAF] =	sst s7  }
0x10: {  	[smem:$0x3FB0] =	sst s8  }
0x11: {  	[smem:$0x3FB1] =	sst s9;
	s0 =	simm.s32 @!p0 $0x0  }
0x12: {  	s1 =	sld [smem:$0x3F97];
	s0 =	simm.s32 @p0 $0x1  }
0x13: {  	[smem:$0x3FB2] =	sst s0;
	s0 =	simm.s32 @!p1 $0x0  }
0x14: {  	s2 =	sld [smem:$0x3F96];
	s0 =	simm.s32 @p1 $0x1  }
0x15: {  	[smem:$0x3FB3] =	sst s0;
	s0 =	simm.s32 @!p2 $0x0  }
0x16: {  	s3 =	sld [smem:$0x3FDB];
	s0 =	simm.s32 @p2 $0x1  }
0x17: {  	s4 =	simm.s32 $0x1BF5;
	[smem:$0x3FB5] =	sst s0  }
0x18: {  	s0 =	sld [smem:$0x3F98];
	_ =	swait.ge [sflag:s4], $0x0  }
0x19: {  	s7 =	sld [smem:$0x3F99]  }
0x1a: {  	s8 =	sadd.s32 $0xFFFFE003, lr  }
0x1b: {  	s9 =	sadd.s32 $0xFFFFFEF7, lr;
	s5 =	simm.s32 $0xFFFFFFFF;
	p2 =	slt.u32 s8, $0xFFFFF086  }
0x1c: {  	p1 =	slt.u32 s9, $0xF7A;
	s5 =	simm.s32 @!p2 $0x0  }
0x1d: {  	s5 =	simm.s32 @p1 $0x1;
	p0 =	seq.s32 s7, s2  }
0x1e: {  	s7 =	smul.u32 @!p0 $0xF7A, s2;
	p2 =	seq.s32 @!p0 s5, $0x0  }
0x1f: {  	s9 =	smul.u32 $0xF7A, s1;
	s8 =	simm.s32 @!p0 $0x1BF5;
	p2 =	por !p2, p0  }
0x20: {  	[sflag:s8] =	ssyncset.s32 @!p0 $0xFFFFF086;
	s6 =	sadd.s32 @!p0 s3, s7;
	s7 =	simm.s32 @!p0 $0x108  }
0x21: {  	s3 =	sadd.s32 s3, s9;
	s6 =	sadd.s32 @!p0 $0x88, s6;
	s7 =	simm.s32 @p2 $0x1082  }
0x22: {  	[simem:s7], [sflag:s8] =	dma.local @!p0 [hbm:s6], $0xF7A  }
0x23: {  	s9 =	sor.u32 $0xD0000000, s2;
	s6 =	simm.s32 $0x108;
	_ =	swait.ge @!p0 [sflag:s8], $0x0  }
0x24: {  	s3 =	sadd.s32 $0x88, s3;
	s6 =	simm.s32 @!p1 $0x1082;
	[sflag:s4] =	ssyncset.s32 $0xFFFFF086  }
0x25: {  	[simem:s6], [sflag:s4] =	dma.local [hbm:s3], $0xF7A  }
0x26: {  	[smem:$0x3F99] =	sst s1;
	(tag) =	ssettag s2;
	_ =	strace s9  }
0x27: {  	s1 =	sld [smem:$0x3FA9]  }
0x28: {  	s2 =	sld [smem:$0x3FAA]  }
0x29: {  	s4 =	sld [smem:$0x3FAC]  }
0x2a: {  	p0 =	seq.s32 s5, $0x0;
	s5 =	sld [smem:$0x3FAD]  }
0x2b: {  	s6 =	sld [smem:$0x3FAE]  }
0x2c: {  	s7 =	sld [smem:$0x3FAF]  }
0x2d: {  	s3 =	simm.s32 $0x108;
	s8 =	sld [smem:$0x3FB0]  }
0x2e: {  	s3 =	simm.s32 @!p0 $0x1082;
	s9 =	sld [smem:$0x3FB1]  }
0x2f: {  	lr =	sadd.s32 s0, s3;
	s0 =	sld [smem:$0x3FA8]  }
0x30: {  	s3 =	sld [smem:$0x3FAB]  }
0x31: {  	[smem:$0x3FB4] =	sst s10  }
0x32: {  	s10 =	sld [smem:$0x3FB2];
	_ =	sdelay $0x3  }
0x33: {  	p0 =	seq.s32 s10, $0x1;
	s10 =	sld [smem:$0x3FB4];
	_ =	sdelay $0x3  }
0x34: {  	[smem:$0x3FB4] =	sst s10  }
0x35: {  	s10 =	sld [smem:$0x3FB3];
	_ =	sdelay $0x3  }
0x36: {  	p1 =	seq.s32 s10, $0x1;
	s10 =	sld [smem:$0x3FB4];
	_ =	sdelay $0x3  }
0x37: {  	[smem:$0x3FB4] =	sst s10  }
0x38: {  	s10 =	sld [smem:$0x3FB5]  }
0x39: {  	_ = 	snop;
	(pc) =	sbr.ind lr, $3  }
0x3a: {  	_ = 	snop  }
0x3b: {  	_ = 	snop  }
0x3c: {  	p2 =	seq.s32 s10, $0x1;
	s10 =	sld [smem:$0x3FB4]  }
0x3d: {  	_ =	shalt  }
0x3e: {  	_ =	shalt  }
0x3f: {  	_ =	shalt  }
0x40: {  	_ =	shalt  }
0x41: {  	_ =	shalt  }
0x42: {  	_ =	shalt  }
0x43: {  	_ =	shalt  }
0x44: {  	_ =	shalt  }
0x45: {  	_ =	shalt  }
0x46: {  	_ =	shalt  }
0x47: {  	_ =	shalt  }
0x48: {  	_ =	shalt  }
0x49: {  	_ =	shalt  }
0x4a: {  	_ =	shalt  }
0x4b: {  	_ =	shalt  }
0x4c: {  	_ =	shalt  }
0x4d: {  	_ =	shalt  }
0x4e: {  	_ =	shalt  }
0x4f: {  	_ =	shalt  }
0x50: {  	_ =	shalt  }
0x51: {  	_ =	shalt  }
0x52: {  	_ =	shalt  }
0x53: {  	_ =	shalt  }
0x54: {  	_ =	shalt  }
0x55: {  	_ =	shalt  }
0x56: {  	_ =	shalt  }
0x57: {  	_ =	shalt  }
0x58: {  	_ =	shalt  }
0x59: {  	_ =	shalt  }
0x5a: {  	_ =	shalt  }
0x5b: {  	_ =	shalt  }
0x5c: {  	_ =	shalt  }
0x5d: {  	_ =	shalt  }
0x5e: {  	_ =	shalt  }
0x5f: {  	_ =	shalt  }
0x60: {  	_ =	shalt  }
0x61: {  	_ =	shalt  }
0x62: {  	_ =	shalt  }
0x63: {  	_ =	shalt  }
0x64: {  	_ =	shalt  }
0x65: {  	_ =	shalt  }
0x66: {  	_ =	shalt  }
0x67: {  	_ =	shalt  }
0x68: {  	_ =	shalt  }
0x69: {  	_ =	shalt  }
0x6a: {  	_ =	shalt  }
0x6b: {  	_ =	shalt  }
0x6c: {  	_ =	shalt  }
0x6d: {  	_ =	shalt  }
0x6e: {  	_ =	shalt  }
0x6f: {  	_ =	shalt  }
0x70: {  	_ =	shalt  }
0x71: {  	_ =	shalt  }
0x72: {  	_ =	shalt  }
0x73: {  	_ =	shalt  }
0x74: {  	_ =	shalt  }
0x75: {  	_ =	shalt  }
0x76: {  	_ =	shalt  }
0x77: {  	_ =	shalt  }
0x78: {  	_ =	shalt  }
0x79: {  	_ =	shalt  }
0x7a: {  	_ =	shalt  }
0x7b: {  	_ =	shalt  }
0x7c: {  	_ =	shalt  }
0x7d: {  	_ =	shalt  }
0x7e: {  	_ =	shalt  }
0x7f: {  	_ =	shalt  }
0x80: {  	_ =	shalt  }
0x81: {  	_ =	shalt  }
0x82: {  	_ =	shalt  }
0x83: {  	_ =	shalt  }
0x84: {  	_ =	shalt  }
0x85: {  	_ =	shalt  }
0x86: {  	_ =	shalt  }
0x87: {  	_ =	shalt  }
.Lfunc_end0:
.L_simem_size_0:
called_computation.3_lowered:
.L_overlay_start_0:
0x88: {  	s2 =	sld [smem:$0x3FD9]  }
0x89: {  	s3 =	sld [smem:$0x3FFE];
	_ =	sdelay $0x1  }
0x8a: {  	s1 =	srdreg.scid  }
0x8b: {  	s0 =	sand.u32 $0x1, s1  }
0x8c: {  	s14 =	sshll.u32 s0, $0xA;
	s2 =	sadd.s32 s3, s2  }
0x8d: {  	s2 =	sadd.s32 s2, s14  }
0x8e: {  	[smem:$0x3FC0] =	sst s2  }
0x8f: {  	_ = 	snop  }
0x90: {  	s2 =	sld [smem:$0x3FD0];
	_ =	sdelay $0x2  }
0x91: {  	s15 =	simm.s32 $0xA;
	s4 =	simm.s32 $0x10  }
0x92: {  	[smem:s4], [sflag:s15] =	dma.local [hbm:s2], $0x1  }
0x93: {  	_ =	swait.eq [sflag:s15], $0x1  }
0x94: {  	[sflag:s15] =	ssyncset.done $0x0  }
0x95: {  	[sflag:s15] =	ssyncadd.s32 $0xFFFFFFFF  }
0x96: {  	s16 =	sld [smem:$0x11];
	(tm) =	ssettm $0x1  }
0x97: {  	s17 =	sld [smem:$0x3FFB];
	_ =	sdelay $0x3  }
0x98: {  	_ =	strace s17  }
0x99: {  	s3 =	sld [smem:$0x3FFC];
	_ =	sdelay $0x3  }
0x9a: {  	_ =	strace s3  }
0x9b: {  	s3 =	sld [smem:$0x3FFD];
	_ =	sdelay $0x3  }
0x9c: {  	_ =	strace s3  }
0x9d: {  	_ =	strace $0x8FFFFFFF  }
0x9e: {  	s18 =	sld [smem:$0x3FDB];
	_ =	sdelay $0x1  }
0x9f: {  	s19 =	simm.s32 $_scs_section_size  }
0xa0: {  	s5 =	simm.s32 $_size__tile_overlayer_lowered;
	s6 =	simm.s32 $_tile_overlayer_lowered  }
0xa1: {  	s22 =	simm.s32 $0x1BFF;
	s21 =	sshll.u32 s6, $0x1;
	s3 =	sadd.s32 s19, s18  }
0xa2: {  	s7 =	simm.s32 $0x0;
	s20 =	sshll.u32 s5, $0x1;
	s5 =	sadd.s32 s21, s3  }
0xa3: {  	[timem:s7], [sflag:s22] =	dma.local [hbm:s5], s20  }
0xa4: {  	_ =	swait.ge [sflag:s22], s20  }
0xa5: {  	s4 =	ssub.s32 $0x0, s20;
	[sflag:s22] =	ssyncset.done $0x0  }
0xa6: {  	[sflag:s22] =	ssyncadd.s32 s4;
	_ =	sdelay $0x1  }
0xa7: {  	s23 =	simm.s32 $0x1B8B  }
0xa8: {  	_ =	swait.ge [sflag:s23], $0x1  }
0xa9: {  	[sflag:s23] =	ssyncset.done $0x0  }
0xaa: {  	s25 =	simm.s32 $0x1B8E;
	s24 =	sld [smem:$0x3FFE];
	[sflag:s23] =	ssyncadd.s32 $0xFFFFFFFF  }
0xab: {  	s26 =	simm.s32 $execute0_lowered;
	[smem:$0x3FD2] =	sst s25  }
0xac: {  	s5 =	sshll.u32 s26, $0x1;
	_ =	strace $0x8000004F;
	[dreg:$0x1] =	wrdreg $0xFFFFFFFF  }
0xad: {  	s28 =	simm.s32 $_size_execute0_lowered;
	s3 =	sadd.s32 s3, s5;
	[dreg:$0x0] =	wrdreg $0x0  }
0xae: {  	s5 =	sshll.u32 s28, $0x1;
	[dreg:$0x2] =	wrdreg s3  }
0xaf: {  	[dreg:$0x3] =	wrdreg s5  }
0xb0: {  	[dreg:$0x4] =	wrdreg $0xC0  }
0xb1: {  	_ =	task [dreg:s7], $0x5FFFF  }
0xb2: {  	[dreg:$0x1] =	wrdreg $0xFFFFFFFF  }
0xb3: {  	[dreg:$0x0] =	wrdreg $0x60  }
0xb4: {  	[dreg:$0x2] =	wrdreg s24  }
0xb5: {  	[dreg:$0x3] =	wrdreg s16  }
0xb6: {  	[dreg:$0x4] =	wrdreg $0xD0000  }
0xb7: {  	[dreg:$0x5] =	wrdreg $0x120000  }
0xb8: {  	[dreg:$0x6] =	wrdreg $0x9  }
0xb9: {  	_ =	task.clear_ibuf [dreg:s7], $0x7FFFF;
	_ =	strace $0x9000004F  }
0xba: {  	s29 =	simm.s32 $0x9;
	_ =	strace $0x80000051  }
0xbb: {  	_ =	swait.ge [sflag:s29], $0x1  }
0xbc: {  	[sflag:s29] =	ssyncadd.s32 $0xFFFFFFFF  }
0xbd: {  	_ =	strace $0x90000051  }
0xbe: {  	_ =	sfence  }
0xbf: {  	s30 =	sld [smem:$0x0];
	_ =	sdelay $0x2  }
0xc0: {  	s31 =	sshll.u32 s1, $0xD;
	s1 =	sshrl.u32 s1, $0x2  }
0xc1: {  	s3 =	sand.u32 $0x4000, s31;
	s1 =	sadd.s32 s1, s30  }
0xc2: {  	s0 =	sor.u32 s3, s0;
	s1 =	sshll.u32 s1, $0x11  }
0xc3: {  	s0 =	sor.u32 s1, s0  }
0xc4: {  	s0 =	sadd.s32 $0x8F2B, s0  }
0xc5: {  	[sflag:s0] =	ssyncadd.remote.s32 $0x1  }
0xc6: {  	_ =	sfence.sel $0xFFFF  }
0xc7: {  	[dreg:$0x0] =	wrdreg $0xFFFFFFFF;
	(pc) =	sbr.abs _section_cstart, $3  }
0xc8: {  	[dreg:$0x1] =	wrdreg $0xFFFFFFFF  }
0xc9: {  	_ =	task.clear_ibuf [dreg:s7], $0x2FFFF;
	_ =	strace $0x9FFFFFFF  }
0xca: {  	(tm) =	ssettm $0x7FFFFFFF  }
0xcb: {  	_ =	shalt  }
tec
execute0_lowered:
.L_overlay_start_1:
0x0: {  	(tag) =	ssettag $0x1  }
0x1: {  	s0 =	rddreg [dreg:$0x0]  }
0x2: {  	s2 =	rddreg [dreg:$0x1]  }
0x3: {  	s1 =	rddreg [dreg:$0x2]  }
0x4: {  	s3 =	rddreg [dreg:$0x3];
	s4 =	simm.s32 $0x0;
	s12 =	stileid.u32  }
0x5: {  	s5 =	srdreg.scid;
	s15 =	simm.s32 $0x1;
	s16 =	simm.s32 $0x4  }
0x6: {  	s18 =	simm.s32 $0x80;
	s19 =	simm.s32 $0x5000;
	s25 =	simm.s32 $0x9000  }
0x7: {  	s26 =	simm.s32 $0xB000;
	s28 =	simm.s32 $0x2;
	s29 =	simm.s32 $0x3  }
0x8: {  	s30 =	simm.s32 $0xC000;
	s31 =	simm.s32 $0x6;
	s17 =	smul.u32 $0x2800, s12  }
0x9: {  	[smem:$0x7FF] =	sst s4;
	s6 =	smul.u32 $0x5000, s12;
	s5 =	sand.u32 $0x1, s5  }
0xa: {  	s7 =	sshll.u32 s12, $0x1;
	s23 =	sshll.u32 s12, $0x6;
	s4 =	simm.s32 $0x0  }
0xb: {  	_ =	strace $0x80000050;
	s9 =	smul.u32 $0x28000, s5;
	[dreg:$0x5] =	wrdreg s25  }
0xc: {  	s7 =	sor.u32 s5, s7;
	s5 =	ssub.s32 $0x2, s5;
	[dreg:$0x6] =	wrdreg s26  }
0xd: {  	s25 =	simm.s32 $0x8000;
	s26 =	simm.s32 $0xA000;
	s8 =	sadd.s32 s17, s0  }
0xe: {  	s10 =	sshrl.u32 s6, $0x3;
	s7 =	smul.u32 $0x500, s7;
	s20 =	sshrl.u32 s5, $0x1  }
0xf: {  	s11 =	sadd.s32 s6, s1;
	s6 =	sadd.s32 s6, s3;
	s8 =	sadd.s32 $0x2E00, s8  }
0x10: {  	s10 =	sadd.s32 s10, s0;
	s24 =	sshrl.u32 s6, $0x3;
	[dreg:$0x9] =	wrdreg s8  }
0x11: {  	s0 =	sadd.s32 s9, s0;
	s21 =	sadd.s32 s2, s7;
	[dreg:$0xe] =	wrdreg s24  }
0x12: {  	s5 =	ssub.s32 s5, s20;
	s22 =	sadd.s32 $0x52E00, s10;
	[dreg:$0x7] =	wrdreg s21  }
0x13: {  	s9 =	simm.s32 $0x11;
	s5 =	smax.u32 s5, $0x1;
	[dreg:$0x8] =	wrdreg s22  }
0x14: {  	s2 =	sadd.s32 $0xA000, s2;
	s8 =	sshrl.u32 s11, $0x3;
	[dreg:$0xa] =	wrdreg s5  }
0x15: {  	s0 =	sadd.s32 $0x5CE00, s0;
	s2 =	sadd.s32 s7, s2;
	[dreg:$0xd] =	wrdreg s8  }
0x16: {  	s6 =	simm.s32 $0x10;
	s0 =	sadd.s32 s17, s0;
	[dreg:$0xb] =	wrdreg s2  }
0x17: {  	s20 =	simm.s32 $0x6000;
	s7 =	sor.u32 $0x1C11, s23;
	[dreg:$0xf] =	wrdreg s0  }
0x18: {  	s22 =	simm.s32 $0x7000;
	s0 =	simm.s32 $0x8;
	[dreg:$0xc] =	wrdreg s7  }
.LBB2_1:
0x19: {  	[dreg:$0x10] =	wrdreg s4  }
0x1a: {  	s2 =	simm.s32 $0x0;
	s14 =	rddreg [dreg:$0x7]  }
0x1b: {  	[tilespmem:s2], [sflag:$0x11] =	stream.linear.gather [hbm4b:s14+s2], $0x2800, $0x38;
	[tilespmem:$0x17000] =	vst v63  }
0x1c: {  	_ =	swait.ge [sflag:s9], $0x2800  }
0x1d: {  	[sflag:s9] =	ssyncset.done $0x0  }
0x1e: {  	s5 =	simm.s32 $0x2800;
	s17 =	rddreg [dreg:$0xb];
	[sflag:s9] =	ssyncadd.s32 $0xFFFFD800  }
0x1f: {  	[tilespmem:s5], [sflag:$0x11] =	stream.linear.gather [hbm4b:s17+s2], $0x2800, $0x38;
	[tilespmem:$0x17000] =	vst v63  }
0x20: {  	_ =	swait.ge [sflag:s9], $0x2800  }
0x21: {  	[sflag:s9] =	ssyncset.done $0x0  }
0x22: {  	s21 =	rddreg [dreg:$0x8];
	[sflag:s9] =	ssyncadd.s32 $0xFFFFD800  }
0x23: {  	[spmem:s8], [sflag:s7] =	dma.local [hbm:s21], $0xA00  }
0x24: {  	_ =	swait.ge [sflag:s9], $0xA00  }
0x25: {  	[sflag:s9] =	ssyncset.done $0x0;
	s23 =	rddreg [dreg:$0x9]  }
0x26: {  	s24 =	rddreg [dreg:$0xe];
	[sflag:s9] =	ssyncadd.s32 $0xFFFFF600  }
0x27: {  	[spmem:s24@s16], [sflag:s7] =	dma.strided [hbm:s23@s6], $0xA00, s15, $0x4   }
0x28: {  	_ =	swait.ge [sflag:s9], $0xA00  }
0x29: {  	[sflag:s9] =	ssyncset.done $0x0  }
0x2a: {  	[sflag:s9] =	ssyncadd.s32 $0xFFFFF600  }
0x2b: {  	[bflag:$0x0] =	sbarrier.arrive $0xFFFF  }
0x2c: {  	[tilespmem:s19], [sflag:$0x1] =	stream.indirect.gather [spmem:s3], $0x20, s2, s18, $0xb8;
	[tilespmem:$0x17000] =	vst v63  }
0x2d: {  	_ = 	snop  }
0x2e: {  	[tilespmem:s20], [sflag:$0x2] =	stream.indirect.gather [spmem:s3], $0x20, s18, s18, $0xb8;
	[tilespmem:$0x17000] =	vst v63  }
0x2f: {  	p0 =	por $0x1, $0x1;
	s5 =	simm.s32 $0x100  }
0x30: {  	[tilespmem:s22], [sflag:$0x3] =	stream.indirect.gather [spmem:s3], $0x20, s5, s18, $0xb8;
	[tilespmem:$0x17000] =	vst v63  }
0x31: {  	s6 =	simm.s32 $0x180;
	s2 =	simm.s32 @!p0 $0xD  }
0x32: {  	[tilespmem:s25], [sflag:$0x4] =	stream.indirect.gather [spmem:s3], $0x20, s6, s18, $0xb8;
	[tilespmem:$0x17000] =	vst v63  }
0x33: {  	_ =	swait.ge @!p0 [sflag:s2], $0x1000  }
0x34: {  	[sflag:s2] =	ssyncset.done @!p0 $0x0  }
0x35: {  	s8 =	simm.s32 $0x200;
	s7 =	rddreg [dreg:$0x5];
	[sflag:s2] =	ssyncadd.s32 @!p0 $0xFFFFF000  }
0x36: {  	[tilespmem:s7], [sflag:$0x5] =	stream.indirect.gather [spmem:s3], $0x20, s8, s18, $0xb8;
	[tilespmem:$0x17000] =	vst v63  }
0x37: {  	_ =	swait.ge [sflag:s15], $0x1000  }
0x38: {  	[sflag:s15] =	ssyncset.done $0x0  }
0x39: {  	s10 =	simm.s32 $0x2800;
	s4 =	simm.s32 @!p0 $0xE;
	[sflag:s15] =	ssyncadd.s32 $0xFFFFF000  }
0x3a: {  	[spmem:s1] =	stream.indirect.scatter.add.f32 [tilespmem:s19], [sflag:$0x9], $0x20, s10, s18, $0xb8;
	[tilespmem:$0x17000] =	vst v63  }
0x3b: {  	_ =	swait.ge @!p0 [sflag:s4], $0x1000  }
0x3c: {  	[sflag:s4] =	ssyncset.done @!p0 $0x0  }
0x3d: {  	s11 =	simm.s32 $0x280;
	[sflag:s4] =	ssyncadd.s32 @!p0 $0xFFFFF000  }
0x3e: {  	[tilespmem:s26], [sflag:$0x6] =	stream.indirect.gather [spmem:s3], $0x20, s11, s18, $0xb8;
	[tilespmem:$0x17000] =	vst v63  }
0x3f: {  	_ =	swait.ge [sflag:s28], $0x1000  }
0x40: {  	[sflag:s28] =	ssyncset.done $0x0  }
0x41: {  	s12 =	simm.s32 $0x2880;
	s4 =	simm.s32 @!p0 $0xF;
	[sflag:s28] =	ssyncadd.s32 $0xFFFFF000  }
0x42: {  	[spmem:s1] =	stream.indirect.scatter.add.f32 [tilespmem:s20], [sflag:$0xA], $0x20, s12, s18, $0xb8;
	[tilespmem:$0x17000] =	vst v63  }
0x43: {  	_ =	swait.ge @!p0 [sflag:s4], $0x1000  }
0x44: {  	[sflag:s4] =	ssyncset.done @!p0 $0x0  }
0x45: {  	s14 =	simm.s32 $0x300;
	s13 =	rddreg [dreg:$0x6];
	[sflag:s4] =	ssyncadd.s32 @!p0 $0xFFFFF000  }
0x46: {  	[tilespmem:s13], [sflag:$0x7] =	stream.indirect.gather [spmem:s3], $0x20, s14, s18, $0xb8;
	[tilespmem:$0x17000] =	vst v63  }
0x47: {  	_ =	swait.ge [sflag:s29], $0x1000  }
0x48: {  	[sflag:s29] =	ssyncset.done $0x0  }
0x49: {  	s17 =	simm.s32 $0x2900;
	s4 =	simm.s32 @!p0 $0x10;
	[sflag:s29] =	ssyncadd.s32 $0xFFFFF000  }
0x4a: {  	[spmem:s1] =	stream.indirect.scatter.add.f32 [tilespmem:s22], [sflag:$0xB], $0x20, s17, s18, $0xb8;
	[tilespmem:$0x17000] =	vst v63  }
0x4b: {  	_ =	swait.ge @!p0 [sflag:s4], $0x1000  }
0x4c: {  	[sflag:s4] =	ssyncset.done @!p0 $0x0  }
0x4d: {  	s21 =	simm.s32 $0x380;
	[sflag:s4] =	ssyncadd.s32 @!p0 $0xFFFFF000  }
0x4e: {  	[tilespmem:s30], [sflag:$0x8] =	stream.indirect.gather [spmem:s3], $0x20, s21, s18, $0xb8;
	[tilespmem:$0x17000] =	vst v63  }
0x4f: {  	_ =	swait.ge [sflag:s16], $0x1000  }
0x50: {  	p0 =	por $0x0, $0x0;
	[sflag:s16] =	ssyncset.done $0x0  }
0x51: {  	s23 =	simm.s32 $0x2980;
	s4 =	simm.s32 @p0 $0x5;
	[sflag:s16] =	ssyncadd.s32 $0xFFFFF000  }
0x52: {  	[spmem:s1] =	stream.indirect.scatter.add.f32 [tilespmem:s25], [sflag:$0xC], $0x20, s23, s18, $0xb8;
	[tilespmem:$0x17000] =	vst v63  }
0x53: {  	_ =	swait.ge @p0 [sflag:s4], $0x1000  }
0x54: {  	s2 =	simm.s32 @p0 $0x2A00;
	s10 =	simm.s32 @p0 $0x80;
	[sflag:s4] =	ssyncset.done @p0 $0x0  }
0x55: {  	s11 =	simm.s32 @p0 $0x9000;
	[sflag:s4] =	ssyncadd.s32 @p0 $0xFFFFF000;
	s4 =	simm.s32 @!p0 $0x9  }
0x56: {  	[spmem:s1] =	stream.indirect.scatter.add.f32 @p0 [tilespmem:s11], [sflag:$0xD], $0x20, s2, s10, $0xb8;
	[tilespmem:$0x17000] =	vst v63  }
0x57: {  	_ =	swait.ge @!p0 [sflag:s4], $0x1000  }
0x58: {  	s2 =	simm.s32 @!p0 $0x400;
	[sflag:s4] =	ssyncset.done @!p0 $0x0  }
0x59: {  	s11 =	simm.s32 @!p0 $0x80;
	[sflag:s4] =	ssyncadd.s32 @!p0 $0xFFFFF000;
	s4 =	simm.s32 @!p0 $0x5000  }
0x5a: {  	[tilespmem:s4], [sflag:$0x1] =	stream.indirect.gather @!p0 [spmem:s3], $0x20, s2, s11, $0xb8;
	[tilespmem:$0x17000] =	vst v63  }
0x5b: {  	s2 =	simm.s32 @!p0 $0x5  }
0x5c: {  	_ =	swait.ge @!p0 [sflag:s2], $0x1000  }
0x5d: {  	[sflag:s2] =	ssyncset.done @!p0 $0x0  }
0x5e: {  	s4 =	simm.s32 @!p0 $0x2A00;
	[sflag:s2] =	ssyncadd.s32 @!p0 $0xFFFFF000;
	s2 =	simm.s32 @!p0 $0x9000  }
0x5f: {  	[spmem:s1] =	stream.indirect.scatter.add.f32 @!p0 [tilespmem:s2], [sflag:$0xD], $0x20, s4, s11, $0xb8;
	[tilespmem:$0x17000] =	vst v63  }
0x60: {  	s2 =	simm.s32 @!p0 $0xA  }
0x61: {  	_ =	swait.ge @!p0 [sflag:s2], $0x1000  }
0x62: {  	[sflag:s2] =	ssyncset.done @!p0 $0x0  }
0x63: {  	s4 =	simm.s32 @!p0 $0x480;
	[sflag:s2] =	ssyncadd.s32 @!p0 $0xFFFFF000;
	s2 =	simm.s32 @!p0 $0x6000  }
0x64: {  	[tilespmem:s2], [sflag:$0x2] =	stream.indirect.gather @!p0 [spmem:s3], $0x20, s4, s11, $0xb8;
	[tilespmem:$0x17000] =	vst v63  }
0x65: {  	_ =	swait.ge [sflag:s31], $0x1000  }
0x66: {  	[sflag:s31] =	ssyncset.done $0x0  }
0x67: {  	s24 =	simm.s32 $0x2A80;
	s4 =	simm.s32 @p0 $0x7;
	[sflag:s31] =	ssyncadd.s32 $0xFFFFF000  }
0x68: {  	[spmem:s1] =	stream.indirect.scatter.add.f32 [tilespmem:s26], [sflag:$0xE], $0x20, s24, s18, $0xb8;
	[tilespmem:$0x17000] =	vst v63  }
0x69: {  	_ =	swait.ge @p0 [sflag:s4], $0x1000  }
0x6a: {  	[sflag:s4] =	ssyncset.done @p0 $0x0  }
0x6b: {  	s2 =	simm.s32 @p0 $0x2B00;
	[sflag:s4] =	ssyncadd.s32 @p0 $0xFFFFF000;
	s4 =	simm.s32 @p0 $0xB000  }
0x6c: {  	[spmem:s1] =	stream.indirect.scatter.add.f32 @p0 [tilespmem:s4], [sflag:$0xF], $0x20, s2, s10, $0xb8;
	[tilespmem:$0x17000] =	vst v63  }
0x6d: {  	s2 =	simm.s32 @!p0 $0xB  }
0x6e: {  	_ =	swait.ge @!p0 [sflag:s2], $0x1000  }
0x6f: {  	[sflag:s2] =	ssyncset.done @!p0 $0x0  }
0x70: {  	s4 =	simm.s32 @!p0 $0x500;
	[sflag:s2] =	ssyncadd.s32 @!p0 $0xFFFFF000;
	s2 =	simm.s32 @!p0 $0x7000  }
0x71: {  	[tilespmem:s2], [sflag:$0x3] =	stream.indirect.gather @!p0 [spmem:s3], $0x20, s4, s11, $0xb8;
	[tilespmem:$0x17000] =	vst v63  }
0x72: {  	s2 =	simm.s32 @!p0 $0x7  }
0x73: {  	_ =	swait.ge @!p0 [sflag:s2], $0x1000  }
0x74: {  	[sflag:s2] =	ssyncset.done @!p0 $0x0  }
0x75: {  	s4 =	simm.s32 @!p0 $0x2B00;
	[sflag:s2] =	ssyncadd.s32 @!p0 $0xFFFFF000;
	s2 =	simm.s32 @!p0 $0xB000  }
0x76: {  	[spmem:s1] =	stream.indirect.scatter.add.f32 @!p0 [tilespmem:s2], [sflag:$0xF], $0x20, s4, s11, $0xb8;
	[tilespmem:$0x17000] =	vst v63  }
0x77: {  	s2 =	simm.s32 @!p0 $0xC  }
0x78: {  	_ =	swait.ge @!p0 [sflag:s2], $0x1000  }
0x79: {  	p1 =	por $0x0, $0x0;
	s14 =	simm.s32 $0x2000;
	[sflag:s2] =	ssyncset.done @!p0 $0x0  }
0x7a: {  	s4 =	simm.s32 @!p0 $0x580;
	[sflag:s2] =	ssyncadd.s32 @!p0 $0xFFFFF000;
	s2 =	simm.s32 @!p0 $0x8000  }
0x7b: {  	[tilespmem:s2], [sflag:$0x4] =	stream.indirect.gather @!p0 [spmem:s3], $0x20, s4, s11, $0xb8;
	[tilespmem:$0x17000] =	vst v63  }
0x7c: {  	s24 =	simm.s32 $0x2B80;
	s10 =	simm.s32 $0x1000;
	_ =	swait.ge [sflag:s0], $0x1000  }
.LBB2_2:
0x7d: {  	[sflag:s0] =	ssyncset.done $0x0  }
0x7e: {  	s11 =	simm.s32 @!p1 $0xD;
	[sflag:s0] =	ssyncadd.s32 $0xFFFFF000  }
0x7f: {  	[spmem:s1] =	stream.indirect.scatter.add.f32 [tilespmem:s30], [sflag:$0x10], $0x20, s24, s18, $0xb8;
	[tilespmem:$0x17000] =	vst v63  }
0x80: {  	_ =	swait.ge @!p1 [sflag:s11], $0x1000  }
0x81: {  	s4 =	sshra.s32 s10, $0x2;
	[sflag:s11] =	ssyncset.done @!p1 $0x0  }
0x82: {  	s12 =	sadd.s32 $0x200, s4;
	s21 =	rddreg [dreg:$0x5];
	[sflag:s11] =	ssyncadd.s32 @!p1 $0xFFFFF000  }
0x83: {  	[tilespmem:s21], [sflag:$0x5] =	stream.indirect.gather [spmem:s3], $0x20, s12, s18, $0xb8;
	[tilespmem:$0x17000] =	vst v63  }
0x84: {  	_ =	swait.ge [sflag:s15], $0x1000  }
0x85: {  	[sflag:s15] =	ssyncset.done $0x0  }
0x86: {  	s13 =	sadd.s32 $0x2800, s4;
	s21 =	simm.s32 @!p1 $0xE;
	[sflag:s15] =	ssyncadd.s32 $0xFFFFF000  }
0x87: {  	[spmem:s1] =	stream.indirect.scatter.add.f32 [tilespmem:s19], [sflag:$0x9], $0x20, s13, s18, $0xb8;
	[tilespmem:$0x17000] =	vst v63  }
0x88: {  	_ =	swait.ge @!p1 [sflag:s21], $0x1000  }
0x89: {  	[sflag:s21] =	ssyncset.done @!p1 $0x0  }
0x8a: {  	s17 =	sadd.s32 $0x280, s4;
	[sflag:s21] =	ssyncadd.s32 @!p1 $0xFFFFF000  }
0x8b: {  	[tilespmem:s26], [sflag:$0x6] =	stream.indirect.gather [spmem:s3], $0x20, s17, s18, $0xb8;
	[tilespmem:$0x17000] =	vst v63  }
0x8c: {  	_ =	swait.ge [sflag:s28], $0x1000  }
0x8d: {  	[sflag:s28] =	ssyncset.done $0x0  }
0x8e: {  	s23 =	sadd.s32 $0x2880, s4;
	s21 =	simm.s32 @!p1 $0xF;
	[sflag:s28] =	ssyncadd.s32 $0xFFFFF000  }
0x8f: {  	[spmem:s1] =	stream.indirect.scatter.add.f32 [tilespmem:s20], [sflag:$0xA], $0x20, s23, s18, $0xb8;
	[tilespmem:$0x17000] =	vst v63  }
0x90: {  	_ =	swait.ge @!p1 [sflag:s21], $0x1000  }
0x91: {  	[sflag:s21] =	ssyncset.done @!p1 $0x0  }
0x92: {  	s6 =	sadd.s32 $0x300, s4;
	s5 =	rddreg [dreg:$0x6];
	[sflag:s21] =	ssyncadd.s32 @!p1 $0xFFFFF000  }
0x93: {  	[tilespmem:s5], [sflag:$0x7] =	stream.indirect.gather [spmem:s3], $0x20, s6, s18, $0xb8;
	[tilespmem:$0x17000] =	vst v63  }
0x94: {  	_ =	swait.ge [sflag:s29], $0x1000  }
0x95: {  	[sflag:s29] =	ssyncset.done $0x0  }
0x96: {  	s7 =	sadd.s32 $0x2900, s4;
	s21 =	simm.s32 @!p1 $0x10;
	[sflag:s29] =	ssyncadd.s32 $0xFFFFF000  }
0x97: {  	[spmem:s1] =	stream.indirect.scatter.add.f32 [tilespmem:s22], [sflag:$0xB], $0x20, s7, s18, $0xb8;
	[tilespmem:$0x17000] =	vst v63  }
0x98: {  	_ =	swait.ge @!p1 [sflag:s21], $0x1000  }
0x99: {  	[sflag:s21] =	ssyncset.done @!p1 $0x0  }
0x9a: {  	s8 =	sadd.s32 $0x380, s4;
	[sflag:s21] =	ssyncadd.s32 @!p1 $0xFFFFF000  }
0x9b: {  	[tilespmem:s30], [sflag:$0x8] =	stream.indirect.gather [spmem:s3], $0x20, s8, s18, $0xb8;
	[tilespmem:$0x17000] =	vst v63  }
0x9c: {  	_ =	swait.ge [sflag:s16], $0x1000  }
0x9d: {  	p1 =	seq.s32 s10, $0x9000;
	[sflag:s16] =	ssyncset.done $0x0  }
0x9e: {  	s12 =	sadd.s32 $0x2980, s4;
	s23 =	simm.s32 @p1 $0x5;
	[sflag:s16] =	ssyncadd.s32 $0xFFFFF000  }
0x9f: {  	[spmem:s1] =	stream.indirect.scatter.add.f32 [tilespmem:s25], [sflag:$0xC], $0x20, s12, s18, $0xb8;
	[tilespmem:$0x17000] =	vst v63  }
0xa0: {  	s5 =	sshra.s32 @p1 s10, $0x2;
	_ =	swait.ge @p1 [sflag:s23], $0x1000  }
0xa1: {  	s21 =	simm.s32 @p1 $0x80;
	s6 =	simm.s32 @p1 $0x9000;
	[sflag:s23] =	ssyncset.done @p1 $0x0  }
0xa2: {  	s11 =	sadd.s32 @p1 $0x2A00, s5;
	[sflag:s23] =	ssyncadd.s32 @p1 $0xFFFFF000;
	s23 =	simm.s32 @!p1 $0x9  }
0xa3: {  	[spmem:s1] =	stream.indirect.scatter.add.f32 @p1 [tilespmem:s6], [sflag:$0xD], $0x20, s11, s21, $0xb8;
	[tilespmem:$0x17000] =	vst v63  }
0xa4: {  	s10 =	sshra.s32 @!p1 s10, $0x2;
	_ =	swait.ge @!p1 [sflag:s23], $0x1000  }
0xa5: {  	s17 =	simm.s32 @!p1 $0x5000;
	s7 =	sadd.s32 @!p1 $0x400, s10;
	[sflag:s23] =	ssyncset.done @!p1 $0x0  }
0xa6: {  	s12 =	simm.s32 @!p1 $0x5;
	s11 =	simm.s32 @!p1 $0x80;
	[sflag:s23] =	ssyncadd.s32 @!p1 $0xFFFFF000  }
0xa7: {  	[tilespmem:s17], [sflag:$0x1] =	stream.indirect.gather @!p1 [spmem:s3], $0x20, s7, s11, $0xb8;
	[tilespmem:$0x17000] =	vst v63  }
0xa8: {  	_ =	swait.ge @!p1 [sflag:s12], $0x1000  }
0xa9: {  	s2 =	smov.u32 s14;
	s8 =	simm.s32 @!p1 $0x9000;
	[sflag:s12] =	ssyncset.done @!p1 $0x0  }
0xaa: {  	s6 =	sadd.s32 @!p1 $0x2A00, s10;
	[sflag:s12] =	ssyncadd.s32 @!p1 $0xFFFFF000;
	s12 =	simm.s32 @!p1 $0xA  }
0xab: {  	[spmem:s1] =	stream.indirect.scatter.add.f32 @!p1 [tilespmem:s8], [sflag:$0xD], $0x20, s6, s11, $0xb8;
	[tilespmem:$0x17000] =	vst v63  }
0xac: {  	s13 =	sadd.s32 @!p1 $0x480, s10;
	s23 =	sadd.s32 @!p1 $0x580, s10;
	_ =	swait.ge @!p1 [sflag:s12], $0x1000  }
0xad: {  	s7 =	sadd.s32 @!p1 $0x500, s10;
	s17 =	sadd.s32 @!p1 $0x2B00, s10;
	[sflag:s12] =	ssyncset.done @!p1 $0x0  }
0xae: {  	s10 =	smov.u32 s2;
	s2 =	simm.s32 @!p1 $0x6000;
	[sflag:s12] =	ssyncadd.s32 @!p1 $0xFFFFF000  }
0xaf: {  	[tilespmem:s2], [sflag:$0x2] =	stream.indirect.gather @!p1 [spmem:s3], $0x20, s13, s11, $0xb8;
	[tilespmem:$0x17000] =	vst v63  }
0xb0: {  	_ =	swait.ge [sflag:s31], $0x1000  }
0xb1: {  	s24 =	sadd.s32 $0x2B80, s4;
	[sflag:s31] =	ssyncset.done $0x0  }
0xb2: {  	s13 =	sadd.s32 $0x2A80, s4;
	s4 =	simm.s32 @p1 $0x7;
	[sflag:s31] =	ssyncadd.s32 $0xFFFFF000  }
0xb3: {  	[spmem:s1] =	stream.indirect.scatter.add.f32 [tilespmem:s26], [sflag:$0xE], $0x20, s13, s18, $0xb8;
	[tilespmem:$0x17000] =	vst v63  }
0xb4: {  	_ =	swait.ge @p1 [sflag:s4], $0x1000  }
0xb5: {  	s5 =	sadd.s32 @p1 $0x2B00, s5;
	[sflag:s4] =	ssyncset.done @p1 $0x0  }
0xb6: {  	s2 =	simm.s32 @p1 $0xB000;
	[sflag:s4] =	ssyncadd.s32 @p1 $0xFFFFF000;
	s4 =	simm.s32 @!p1 $0xB  }
0xb7: {  	[spmem:s1] =	stream.indirect.scatter.add.f32 @p1 [tilespmem:s2], [sflag:$0xF], $0x20, s5, s21, $0xb8;
	[tilespmem:$0x17000] =	vst v63  }
0xb8: {  	_ =	swait.ge @!p1 [sflag:s4], $0x1000  }
0xb9: {  	[sflag:s4] =	ssyncset.done @!p1 $0x0  }
0xba: {  	s2 =	simm.s32 @!p1 $0x7000;
	[sflag:s4] =	ssyncadd.s32 @!p1 $0xFFFFF000;
	s4 =	simm.s32 @!p1 $0x7  }
0xbb: {  	[tilespmem:s2], [sflag:$0x3] =	stream.indirect.gather @!p1 [spmem:s3], $0x20, s7, s11, $0xb8;
	[tilespmem:$0x17000] =	vst v63  }
0xbc: {  	s14 =	sadd.s32 $0x1000, s14;
	_ =	swait.ge @!p1 [sflag:s4], $0x1000  }
0xbd: {  	p0 =	sne.s32 s14, $0xA000;
	[sflag:s4] =	ssyncset.done @!p1 $0x0  }
0xbe: {  	s2 =	simm.s32 @!p1 $0xB000;
	[sflag:s4] =	ssyncadd.s32 @!p1 $0xFFFFF000;
	s4 =	simm.s32 @!p1 $0xC  }
0xbf: {  	[spmem:s1] =	stream.indirect.scatter.add.f32 @!p1 [tilespmem:s2], [sflag:$0xF], $0x20, s17, s11, $0xb8;
	[tilespmem:$0x17000] =	vst v63  }
.Ltmp0:
0xc0: {  	_ =	swait.ge @!p1 [sflag:s4], $0x1000;
	(pc) =	sbr.rel @p0 .LBB2_2-.Ltmp0, $4  }
0xc1: {  	[sflag:s4] =	ssyncset.done @!p1 $0x0  }
0xc2: {  	s2 =	simm.s32 @!p1 $0x8000;
	[sflag:s4] =	ssyncadd.s32 @!p1 $0xFFFFF000  }
0xc3: {  	[tilespmem:s2], [sflag:$0x4] =	stream.indirect.gather @!p1 [spmem:s3], $0x20, s23, s11, $0xb8;
	[tilespmem:$0x17000] =	vst v63  }
0xc4: {  	p1 =	seq.s32 s10, $0x0;
	_ =	swait.ge [sflag:s0], $0x1000  }
0xc5: {  	[sflag:s0] =	ssyncset.done $0x0  }
0xc6: {  	s4 =	simm.s32 @!p1 $0xD;
	[sflag:s0] =	ssyncadd.s32 $0xFFFFF000  }
0xc7: {  	[spmem:s1] =	stream.indirect.scatter.add.f32 [tilespmem:s30], [sflag:$0x10], $0x20, s24, s18, $0xb8;
	[tilespmem:$0x17000] =	vst v63  }
0xc8: {  	_ =	swait.ge @!p1 [sflag:s4], $0x1000  }
0xc9: {  	s2 =	sshra.s32 s10, $0x2;
	[sflag:s4] =	ssyncset.done @!p1 $0x0  }
0xca: {  	s7 =	sadd.s32 $0x200, s2;
	s5 =	rddreg [dreg:$0x5];
	[sflag:s4] =	ssyncadd.s32 @!p1 $0xFFFFF000  }
0xcb: {  	[tilespmem:s5], [sflag:$0x5] =	stream.indirect.gather [spmem:s3], $0x20, s7, s18, $0xb8;
	[tilespmem:$0x17000] =	vst v63  }
0xcc: {  	_ =	swait.ge [sflag:s15], $0x1000  }
0xcd: {  	[sflag:s15] =	ssyncset.done $0x0  }
0xce: {  	s8 =	sadd.s32 $0x2800, s2;
	s5 =	simm.s32 @!p1 $0xE;
	[sflag:s15] =	ssyncadd.s32 $0xFFFFF000  }
0xcf: {  	[spmem:s1] =	stream.indirect.scatter.add.f32 [tilespmem:s19], [sflag:$0x9], $0x20, s8, s18, $0xb8;
	[tilespmem:$0x17000] =	vst v63  }
0xd0: {  	_ =	swait.ge @!p1 [sflag:s5], $0x1000  }
0xd1: {  	[sflag:s5] =	ssyncset.done @!p1 $0x0  }
0xd2: {  	s11 =	sadd.s32 $0x280, s2;
	[sflag:s5] =	ssyncadd.s32 @!p1 $0xFFFFF000  }
0xd3: {  	[tilespmem:s26], [sflag:$0x6] =	stream.indirect.gather [spmem:s3], $0x20, s11, s18, $0xb8;
	[tilespmem:$0x17000] =	vst v63  }
0xd4: {  	_ =	swait.ge [sflag:s28], $0x1000  }
0xd5: {  	[sflag:s28] =	ssyncset.done $0x0  }
0xd6: {  	s12 =	sadd.s32 $0x2880, s2;
	s5 =	simm.s32 @!p1 $0xF;
	[sflag:s28] =	ssyncadd.s32 $0xFFFFF000  }
0xd7: {  	[spmem:s1] =	stream.indirect.scatter.add.f32 [tilespmem:s20], [sflag:$0xA], $0x20, s12, s18, $0xb8;
	[tilespmem:$0x17000] =	vst v63  }
0xd8: {  	_ =	swait.ge @!p1 [sflag:s5], $0x1000  }
0xd9: {  	[sflag:s5] =	ssyncset.done @!p1 $0x0  }
0xda: {  	s14 =	sadd.s32 $0x300, s2;
	s13 =	rddreg [dreg:$0x6];
	[sflag:s5] =	ssyncadd.s32 @!p1 $0xFFFFF000  }
0xdb: {  	[tilespmem:s13], [sflag:$0x7] =	stream.indirect.gather [spmem:s3], $0x20, s14, s18, $0xb8;
	[tilespmem:$0x17000] =	vst v63  }
0xdc: {  	_ =	swait.ge [sflag:s29], $0x1000  }
0xdd: {  	[sflag:s29] =	ssyncset.done $0x0  }
0xde: {  	s17 =	sadd.s32 $0x2900, s2;
	s5 =	simm.s32 @!p1 $0x10;
	[sflag:s29] =	ssyncadd.s32 $0xFFFFF000  }
0xdf: {  	[spmem:s1] =	stream.indirect.scatter.add.f32 [tilespmem:s22], [sflag:$0xB], $0x20, s17, s18, $0xb8;
	[tilespmem:$0x17000] =	vst v63  }
0xe0: {  	_ =	swait.ge @!p1 [sflag:s5], $0x1000  }
0xe1: {  	[sflag:s5] =	ssyncset.done @!p1 $0x0  }
0xe2: {  	s21 =	sadd.s32 $0x380, s2;
	[sflag:s5] =	ssyncadd.s32 @!p1 $0xFFFFF000  }
0xe3: {  	[tilespmem:s30], [sflag:$0x8] =	stream.indirect.gather [spmem:s3], $0x20, s21, s18, $0xb8;
	[tilespmem:$0x17000] =	vst v63  }
0xe4: {  	_ =	swait.ge [sflag:s16], $0x1000  }
0xe5: {  	p0 =	seq.s32 s10, $0x9000;
	[sflag:s16] =	ssyncset.done $0x0  }
0xe6: {  	s23 =	sadd.s32 $0x2980, s2;
	s5 =	simm.s32 @p0 $0x5;
	[sflag:s16] =	ssyncadd.s32 $0xFFFFF000  }
0xe7: {  	[spmem:s1] =	stream.indirect.scatter.add.f32 [tilespmem:s25], [sflag:$0xC], $0x20, s23, s18, $0xb8;
	[tilespmem:$0x17000] =	vst v63  }
0xe8: {  	s4 =	sshra.s32 @p0 s10, $0x2;
	_ =	swait.ge @p0 [sflag:s5], $0x1000  }
0xe9: {  	s6 =	sadd.s32 @p0 $0x2A00, s4;
	s7 =	simm.s32 @p0 $0x80;
	[sflag:s5] =	ssyncset.done @p0 $0x0  }
0xea: {  	s8 =	simm.s32 @p0 $0x9000;
	[sflag:s5] =	ssyncadd.s32 @p0 $0xFFFFF000;
	s5 =	simm.s32 @!p0 $0x9  }
0xeb: {  	[spmem:s1] =	stream.indirect.scatter.add.f32 @p0 [tilespmem:s8], [sflag:$0xD], $0x20, s6, s7, $0xb8;
	[tilespmem:$0x17000] =	vst v63  }
0xec: {  	_ =	swait.ge @!p0 [sflag:s5], $0x1000  }
0xed: {  	s6 =	sshra.s32 @!p0 s10, $0x2;
	s10 =	simm.s32 @!p0 $0x80;
	[sflag:s5] =	ssyncset.done @!p0 $0x0  }
0xee: {  	s8 =	sadd.s32 @!p0 $0x400, s6;
	[sflag:s5] =	ssyncadd.s32 @!p0 $0xFFFFF000;
	s5 =	simm.s32 @!p0 $0x5000  }
0xef: {  	[tilespmem:s5], [sflag:$0x1] =	stream.indirect.gather @!p0 [spmem:s3], $0x20, s8, s10, $0xb8;
	[tilespmem:$0x17000] =	vst v63  }
0xf0: {  	s5 =	simm.s32 @!p0 $0x5  }
0xf1: {  	_ =	swait.ge @!p0 [sflag:s5], $0x1000  }
0xf2: {  	[sflag:s5] =	ssyncset.done @!p0 $0x0  }
0xf3: {  	s8 =	sadd.s32 @!p0 $0x2A00, s6;
	[sflag:s5] =	ssyncadd.s32 @!p0 $0xFFFFF000;
	s5 =	simm.s32 @!p0 $0x9000  }
0xf4: {  	[spmem:s1] =	stream.indirect.scatter.add.f32 @!p0 [tilespmem:s5], [sflag:$0xD], $0x20, s8, s10, $0xb8;
	[tilespmem:$0x17000] =	vst v63  }
0xf5: {  	s5 =	simm.s32 @!p0 $0xA  }
0xf6: {  	_ =	swait.ge @!p0 [sflag:s5], $0x1000  }
0xf7: {  	[sflag:s5] =	ssyncset.done @!p0 $0x0  }
0xf8: {  	s8 =	sadd.s32 @!p0 $0x480, s6;
	[sflag:s5] =	ssyncadd.s32 @!p0 $0xFFFFF000;
	s5 =	simm.s32 @!p0 $0x6000  }
0xf9: {  	[tilespmem:s5], [sflag:$0x2] =	stream.indirect.gather @!p0 [spmem:s3], $0x20, s8, s10, $0xb8;
	[tilespmem:$0x17000] =	vst v63  }
0xfa: {  	_ =	swait.ge [sflag:s31], $0x1000  }
0xfb: {  	[sflag:s31] =	ssyncset.done $0x0  }
0xfc: {  	s24 =	sadd.s32 $0x2A80, s2;
	s5 =	simm.s32 @p0 $0x7;
	[sflag:s31] =	ssyncadd.s32 $0xFFFFF000  }
0xfd: {  	[spmem:s1] =	stream.indirect.scatter.add.f32 [tilespmem:s26], [sflag:$0xE], $0x20, s24, s18, $0xb8;
	[tilespmem:$0x17000] =	vst v63  }
0xfe: {  	_ =	swait.ge @p0 [sflag:s5], $0x1000  }
0xff: {  	[sflag:s5] =	ssyncset.done @p0 $0x0  }
0x100: {  	s4 =	sadd.s32 @p0 $0x2B00, s4;
	[sflag:s5] =	ssyncadd.s32 @p0 $0xFFFFF000;
	s5 =	simm.s32 @p0 $0xB000  }
0x101: {  	[spmem:s1] =	stream.indirect.scatter.add.f32 @p0 [tilespmem:s5], [sflag:$0xF], $0x20, s4, s7, $0xb8;
	[tilespmem:$0x17000] =	vst v63  }
0x102: {  	s4 =	simm.s32 @!p0 $0xB  }
0x103: {  	_ =	swait.ge @!p0 [sflag:s4], $0x1000  }
0x104: {  	[sflag:s4] =	ssyncset.done @!p0 $0x0  }
0x105: {  	s5 =	sadd.s32 @!p0 $0x500, s6;
	[sflag:s4] =	ssyncadd.s32 @!p0 $0xFFFFF000;
	s4 =	simm.s32 @!p0 $0x7000  }
0x106: {  	[tilespmem:s4], [sflag:$0x3] =	stream.indirect.gather @!p0 [spmem:s3], $0x20, s5, s10, $0xb8;
	[tilespmem:$0x17000] =	vst v63  }
0x107: {  	s4 =	simm.s32 @!p0 $0x7  }
0x108: {  	_ =	swait.ge @!p0 [sflag:s4], $0x1000  }
0x109: {  	[sflag:s4] =	ssyncset.done @!p0 $0x0  }
0x10a: {  	s5 =	sadd.s32 @!p0 $0x2B00, s6;
	[sflag:s4] =	ssyncadd.s32 @!p0 $0xFFFFF000;
	s4 =	simm.s32 @!p0 $0xB000  }
0x10b: {  	[spmem:s1] =	stream.indirect.scatter.add.f32 @!p0 [tilespmem:s4], [sflag:$0xF], $0x20, s5, s10, $0xb8;
	[tilespmem:$0x17000] =	vst v63  }
0x10c: {  	s4 =	simm.s32 @!p0 $0xC  }
0x10d: {  	_ =	swait.ge @!p0 [sflag:s4], $0x1000  }
0x10e: {  	[sflag:s4] =	ssyncset.done @!p0 $0x0  }
0x10f: {  	s5 =	sadd.s32 @!p0 $0x580, s6;
	[sflag:s4] =	ssyncadd.s32 @!p0 $0xFFFFF000;
	s4 =	simm.s32 @!p0 $0x8000  }
0x110: {  	[tilespmem:s4], [sflag:$0x4] =	stream.indirect.gather @!p0 [spmem:s3], $0x20, s5, s10, $0xb8;
	[tilespmem:$0x17000] =	vst v63  }
0x111: {  	_ =	swait.ge [sflag:s0], $0x1000  }
0x112: {  	[sflag:s0] =	ssyncset.done $0x0  }
0x113: {  	s2 =	sadd.s32 $0x2B80, s2;
	s8 =	simm.s32 $0x9;
	[sflag:s0] =	ssyncadd.s32 $0xFFFFF000  }
0x114: {  	[spmem:s1] =	stream.indirect.scatter.add.f32 [tilespmem:s30], [sflag:$0x10], $0x20, s2, s18, $0xb8;
	[tilespmem:$0x17000] =	vst v63  }
0x115: {  	_ =	swait.ge [sflag:s8], $0x1000  }
0x116: {  	[sflag:s8] =	ssyncset.done $0x0  }
0x117: {  	s10 =	simm.s32 $0xA;
	[sflag:s8] =	ssyncadd.s32 $0xFFFFF000  }
0x118: {  	_ =	swait.ge [sflag:s10], $0x1000  }
0x119: {  	[sflag:s10] =	ssyncset.done $0x0  }
0x11a: {  	s11 =	simm.s32 $0xB;
	[sflag:s10] =	ssyncadd.s32 $0xFFFFF000  }
0x11b: {  	_ =	swait.ge [sflag:s11], $0x1000  }
0x11c: {  	[sflag:s11] =	ssyncset.done $0x0  }
0x11d: {  	s12 =	simm.s32 $0xC;
	[sflag:s11] =	ssyncadd.s32 $0xFFFFF000  }
0x11e: {  	_ =	swait.ge [sflag:s12], $0x1000  }
0x11f: {  	[sflag:s12] =	ssyncset.done $0x0  }
0x120: {  	s13 =	simm.s32 $0xD;
	[sflag:s12] =	ssyncadd.s32 $0xFFFFF000  }
0x121: {  	_ =	swait.ge [sflag:s13], $0x1000  }
0x122: {  	[sflag:s13] =	ssyncset.done $0x0  }
0x123: {  	s14 =	simm.s32 $0xE;
	[sflag:s13] =	ssyncadd.s32 $0xFFFFF000  }
0x124: {  	_ =	swait.ge [sflag:s14], $0x1000  }
0x125: {  	[sflag:s14] =	ssyncset.done $0x0  }
0x126: {  	s17 =	simm.s32 $0xF;
	[sflag:s14] =	ssyncadd.s32 $0xFFFFF000  }
0x127: {  	_ =	swait.ge [sflag:s17], $0x1000  }
0x128: {  	[sflag:s17] =	ssyncset.done $0x0  }
0x129: {  	s6 =	simm.s32 $0x10;
	[sflag:s17] =	ssyncadd.s32 $0xFFFFF000  }
0x12a: {  	_ =	swait.ge [sflag:s6], $0x1000  }
0x12b: {  	[sflag:s6] =	ssyncset.done $0x0  }
0x12c: {  	[sflag:s6] =	ssyncadd.s32 $0xFFFFF000  }
0x12d: {  	[bflag:$0x0] =	sbarrier.arrive $0xFFFF  }
0x12e: {  	s7 =	rddreg [dreg:$0xc]  }
0x12f: {  	s8 =	rddreg [dreg:$0xd]  }
0x130: {  	s21 =	rddreg [dreg:$0xf]  }
0x131: {  	[hbm:s21@s6], [sflag:s7] =	dma.strided [spmem:s8@s16], $0xA00, s15, $0x4   }
0x132: {  	_ =	swait.ge [sflag:s9], $0xA00  }
0x133: {  	s23 =	rddreg [dreg:$0x10]  }
0x134: {  	s24 =	rddreg [dreg:$0xa];
	s4 =	sadd.s32 $0x1, s23  }
0x135: {  	p0 =	sne.s32 s4, s24  }
.Ltmp1:
0x136: {  	_ = 	snop;
	(pc) =	sbr.rel @p0 .LBB2_1-.Ltmp1, $3  }
0x137: {  	_ =	sdelay $0x1  }
0x138: {  	[sflag:s9] =	ssyncset.done $0x0  }
0x139: {  	[sflag:s9] =	ssyncadd.s32 $0xFFFFF600  }
0x13a: {  	_ =	sfence.sel $0x180000  }
0x13b: {  	[bflag:$0x0] =	sbarrier.arrive $0xFFFF  }
0x13c: {  	_ =	strace $0x90000050  }
0x13d: {  	s0 =	stileid.u32;
	[bflag:$0x2] =	sbarrier.arrive $0xFFFF  }
0x13e: {  	p0 =	sne.s32 s0, $0x0;
	s0 =	rddreg [dreg:$0x4]  }
0x13f: {  	s0 =	sadd.s32 @!p0 $0x100000, s0  }
0x140: {  	[sflag:s0] =	ssyncadd.tile.s32 @!p0 $0x1;
	_ =	shalt  }
.Lfunc_end2:
_tile_overlayer_lowered:
.L_overlay_start_2:
0x141: {  	(tag) =	ssettag $0x2  }
0x142: {  	s0 =	rddreg [dreg:$0x0];
	s2 =	stileid.u32  }
0x143: {  	s1 =	rddreg [dreg:$0x1];
	p0 =	sne.s32 s2, $0x0  }
0x144: {  	s3 =	rddreg [dreg:$0x2];
	[bflag:$0x3] =	sbarrier.arrive $0xFFFF;
	s2 =	simm.s32 @!p0 $0x1C11  }
0x145: {  	[timem:s3], [sflag:s2] =	dma.local @!p0 [hbm:s0], s1  }
0x146: {  	s0 =	simm.s32 @!p0 $0x11  }
0x147: {  	_ =	swait.ge @!p0 [sflag:s0], s1  }
0x148: {  	s1 =	ssub.s32 @!p0 $0x0, s1;
	[sflag:s0] =	ssyncset.done @!p0 $0x0  }
0x149: {  	[sflag:s0] =	ssyncadd.s32 @!p0 s1  }
0x14a: {  	[bflag:$0x3] =	sbarrier.arrive $0xFFFF  }
0x14b: {  	_ =	shalt  }

</sc_bundles>
